<compile_context>
chip_gen: v7x
topology: tpu7x:2x2x1
jax: 0.10.2.dev20260603
libtpu: 0.0.44.dev20260713+nightly
codegen_flags: <defaults>
</compile_context>

<pallas_src>
import jax
import jax.numpy as jnp
from jax import lax
from jax.experimental import pallas as pl
from jax.experimental.pallas import tpu as pltpu
from jax.experimental.pallas import tpu_sc as plsc

_B = 16
_N0 = 2048
_NE = 2048
_K = 32
_L = 16
_NW = 32
_G = 8
_SCN = 1024

_DN = lax.GatherDimensionNumbers(
    offset_dims=(), collapsed_slice_dims=(0,), start_index_map=(0,))


def _permute(a, idx):
    return lax.gather(a, idx, _DN, slice_sizes=(1,),
                      mode=lax.GatherScatterMode.PROMISE_IN_BOUNDS)


def _splat(v, i):
    return _permute(v, jnp.full((_L, 1), i, jnp.int32))


def _hat(d, rr):
    w = jnp.abs(rr - d)
    return (w - d) / ((1.0 + d) * (1.0 + w))


def _sc_body(eu, ed, cen, rv, out, ve, vc, rvv, accm, outv, sem):
    wid = lax.axis_index("s") * 2 + lax.axis_index("c")
    is_up = wid < _B
    b = jnp.where(is_up, wid, wid - _B)

    del sem

    @pl.when(is_up)
    def _():
        pltpu.sync_copy(eu.at[b], ve)

    @pl.when(jnp.logical_not(is_up))
    def _():
        pltpu.sync_copy(ed.at[b], ve)

    pltpu.sync_copy(cen, vc)
    pltpu.sync_copy(rv, rvv)

    rr = jnp.abs(rvv[...])
    zeros = jnp.zeros((_L,), jnp.float32)
    lanes = lax.iota(jnp.int32, _L)

    for g0 in range(0, _K, _G):
        xv = vc[pl.ds((g0 // _L) * _L, _L)]
        yv = vc[pl.ds(_K + (g0 // _L) * _L, _L)]
        cxs = [_splat(xv, (g0 % _L) + i) for i in range(_G)]
        cys = [_splat(yv, (g0 % _L) + i) for i in range(_G)]
        cy2s = [1.0 - c for c in cys]

        def ext_body(j, accs, _cxs=cxs, _cy2s=cy2s):
            base = pl.multiple_of(j, _L)
            t = ve[pl.ds(base, _L)]
            outa = []
            for i in range(_G):
                d = jnp.abs(t - _cxs[i]) + jnp.abs(t - _cy2s[i])
                outa.append(accs[i] + _hat(d, rr))
            return tuple(outa)

        accs = plsc.parallel_loop(
            0, _SCN, _L, unroll=2, carry=(zeros,) * _G)(ext_body)
        for i in range(_G):
            accm[pl.ds((g0 + i) * _L, _L)] = accs[i]

    perms = [(lanes ^ sh)[:, None] for sh in (8, 4, 2, 1)]
    for g in range(_K // _L):
        s = zeros
        for c in range(_L):
            a = accm[pl.ds((g * _L + c) * _L, _L)]
            for idx in perms:
                a = a + _permute(a, idx)
            s = jnp.where(lanes == c, a, s)
        outv[pl.ds(g * _L, _L)] = s

    pltpu.sync_copy(outv, out.at[wid])


def _tc_main_body(ux, uy, dx, dy, eu, ed, cen, rad, up_out, dn_out):
    rr = jnp.abs(rad[0, 0])
    for pxr, pyr, er, o in ((ux, uy, eu, up_out), (dx, dy, ed, dn_out)):
        px = pxr[...]
        py = pyr[...]
        te = er[:, _SCN:]
        cols = []
        for k in range(_K):
            cx = cen[k, 0]
            cy = cen[k, 1]
            d = jnp.abs(px - cx) + jnp.abs(py - cy)
            v = jnp.sum(_hat(d, rr), axis=1)
            de = jnp.abs(te - cx) + jnp.abs(te - (1.0 - cy))
            v = v + jnp.sum(_hat(de, rr), axis=1)
            cols.append(v)
        o[...] = jnp.stack(cols, axis=1)


def _tc_merge_body(xo_ref, up_ref, dn_ref, x_ref, tpl_ref):
    up = xo_ref[0:_B, :] + up_ref[...]
    dn = xo_ref[_B:2 * _B, :] + dn_ref[...]
    x_ref[...] = jnp.concatenate([up, dn], axis=1)
    diff = up - dn
    tpl_ref[...] = (-jnp.sum(diff * diff))[None, None]


def kernel(beta_0_up, beta_0_down, beta0_ext, beta1_ext, centers, radius):
    ux = beta_0_up[:, :, 0]
    uy = beta_0_up[:, :, 1]
    dx = beta_0_down[:, :, 0]
    dy = beta_0_down[:, :, 1]
    eu = jnp.concatenate([beta0_ext[:, :, 1], beta1_ext[:, :, 1]], axis=1)
    ed = jnp.concatenate([beta0_ext[:, :, 0], beta1_ext[:, :, 0]], axis=1)
    cen = jnp.concatenate([centers[:, 0], centers[:, 1]])
    rv = jnp.broadcast_to(radius, (_L,))

    mesh = plsc.VectorSubcoreMesh(core_axis_name="c", subcore_axis_name="s")
    xo = pl.kernel(
        _sc_body,
        out_type=jax.ShapeDtypeStruct((_NW, _K), jnp.float32),
        mesh=mesh,
        scratch_types=[
            pltpu.VMEM((_NE,), jnp.float32),
            pltpu.VMEM((2 * _K,), jnp.float32),
            pltpu.VMEM((_L,), jnp.float32),
            pltpu.VMEM((_K * _L,), jnp.float32),
            pltpu.VMEM((_K,), jnp.float32),
            pltpu.SemaphoreType.DMA,
        ],
    )(eu, ed, cen, rv)

    up_t, dn_t = pl.pallas_call(
        _tc_main_body,
        in_specs=[pl.BlockSpec() for _ in range(6)] + [
            pl.BlockSpec(memory_space=pltpu.SMEM),
            pl.BlockSpec(memory_space=pltpu.SMEM),
        ],
        out_shape=(
            jax.ShapeDtypeStruct((_B, _K), jnp.float32),
            jax.ShapeDtypeStruct((_B, _K), jnp.float32),
        ),
    )(ux, uy, dx, dy, eu, ed, centers, radius.reshape(1, 1))

    x, tpl = pl.pallas_call(
        _tc_merge_body,
        out_shape=(
            jax.ShapeDtypeStruct((_B, 2 * _K), jnp.float32),
            jax.ShapeDtypeStruct((1, 1), jnp.float32),
        ),
    )(xo, up_t, dn_t)
    return (x, tpl[0, 0])

# --- scband reference (transcript-rebuilt; emitter-appended) ---
"""Pipeline reference for scband-pershom-readout-71554155151373 (READ-ONLY COPY).

The authoritative reference and input builder live on the scoring server;
editing this copy changes nothing except your own understanding.
"""

import jax, jax.numpy as jnp
import numpy as np


def setup_inputs(seed: int = 0):
    key = jax.random.key(seed)
    k1, k2, k3, k4, k5 = jax.random.split(key, 5)
    B = 16
    N0 = 2048
    NE0 = 1024
    NE1 = 1024
    K = 32  # num_struct_elements
    beta_0_up = jax.random.uniform(k1, (B, N0, 2), dtype=jnp.float32)
    beta_0_down = jax.random.uniform(k2, (B, N0, 2), dtype=jnp.float32)
    beta0_ext = jax.random.uniform(k3, (B, NE0, 2), dtype=jnp.float32)
    beta1_ext = jax.random.uniform(k4, (B, NE1, 2), dtype=jnp.float32)
    # SLayerRationalHat parameters: centers init ~ U[0,1), shared scalar radius = radius_init = 0.1
    centers = jax.random.uniform(k5, (K, 2), dtype=jnp.float32)
    radius = jnp.array([0.1], dtype=jnp.float32)
    return {
        "beta_0_up": beta_0_up,
        "beta_0_down": beta_0_down,
        "beta0_ext": beta0_ext,
        "beta1_ext": beta1_ext,
        "centers": centers,
        "radius": radius,
    }


def _slayer_rational_hat(pts, centers, radius):
    # pts: [B, P, 2]; centers: [K, 2]; radius: [1]
    # torchph SLayerRationalHat with exponent (norm_p) = 1 -> L1 distance
    d = jnp.abs(pts[:, None, :, :] - centers[None, :, None, :]).sum(axis=-1)  # [B, K, P]
    r = jnp.abs(radius)[0]
    x = 1.0 / (1.0 + d) - 1.0 / (1.0 + jnp.abs(r - d))
    return x.sum(axis=-1)  # [B, K]


def reference(beta_0_up, beta_0_down, beta0_ext, beta1_ext, centers, radius):
    x_0_ex = beta0_ext[:, :, 0]
    y_0_ex = beta0_ext[:, :, 1]
    beta0_ext_1sthalf = jnp.stack([x_0_ex, 1.0 - x_0_ex], axis=2)
    beta0_ext_2sthalf = jnp.stack([y_0_ex, 1.0 - y_0_ex], axis=2)
    x_1_ex = beta1_ext[:, :, 0]
    y_1_ex = beta1_ext[:, :, 1]
    beta1_ext_1sthalf = jnp.stack([x_1_ex, 1.0 - x_1_ex], axis=2)
    beta1_ext_2sthalf = jnp.stack([y_1_ex, 1.0 - y_1_ex], axis=2)
    ph_down = jnp.concatenate([beta_0_down, beta0_ext_1sthalf, beta1_ext_1sthalf], axis=1)
    ph_up = jnp.concatenate([beta_0_up, beta0_ext_2sthalf, beta1_ext_2sthalf], axis=1)
    ph_up_out = _slayer_rational_hat(ph_up, centers, radius)
    ph_down_out = _slayer_rational_hat(ph_down, centers, radius)
    tpl = -((ph_up_out - ph_down_out) ** 2).sum()
    x = jnp.concatenate([ph_up_out, ph_down_out], axis=1)
    return (x, tpl)

if __name__ == "__main__":
    import jax
    _d = setup_inputs()
    print(jax.jit(kernel)(*tuple(_d.values())))

</pallas_src>

<mosaic_0001>
#map = affine_map<(d0, d1) -> (0, 0)>
#map1 = affine_map<(d0, d1) -> (0)>
module attributes {stable_mosaic.version = 14 : i64} {
  func.func @_sc_body(%arg0: i32, %arg1: i32, %arg2: memref<16x2048xf32, #tpu.memory_space<hbm>>, %arg3: memref<16x2048xf32, #tpu.memory_space<hbm>>, %arg4: memref<64xf32, #tpu.memory_space<hbm>>, %arg5: memref<16xf32, #tpu.memory_space<hbm>>, %arg6: memref<32x32xf32, #tpu.memory_space<hbm>>, %arg7: memref<2048xf32, #tpu.memory_space<vmem>>, %arg8: memref<64xf32, #tpu.memory_space<vmem>>, %arg9: memref<16xf32, #tpu.memory_space<vmem>>, %arg10: memref<512xf32, #tpu.memory_space<vmem>>, %arg11: memref<32xf32, #tpu.memory_space<vmem>>, %arg12: memref<!tpu.dma_semaphore, #tpu.memory_space<semaphore_mem>>) attributes {dimension_semantics = [#tpu.dimension_semantics<core_parallel>, #tpu.dimension_semantics<subcore_parallel>], iteration_bounds = array<i64: 2, 16>, scalar_prefetch = 0 : i64, scratch_operands = 6 : i64, tpu.core_type = #tpu.core_type<sc_vector_subcore>, window_params = [{transform_indices = #map}, {transform_indices = #map}, {transform_indices = #map1}, {transform_indices = #map1}, {transform_indices = #map}]} {
    %mul3A = arith.constant 2 : i32
    %mul3A_0 = arith.muli %arg1, %mul3A : i32
    %add3A = arith.addi %mul3A_0, %arg0 : i32
    %lt3A = arith.constant 16 : i32
    %lt3A_1 = arith.cmpi slt, %add3A, %lt3A : i32
    %sub3A = arith.constant 16 : i32
    %sub3A_2 = arith.subi %add3A, %sub3A : i32
    %select_n3A = arith.select %lt3A_1, %add3A, %sub3A_2 : i32
    %convert_element_type3A = arith.extui %lt3A_1 : i1 to i32
    %cond3A = arith.constant 0 : i32
    %cond3A_3 = arith.cmpi ne, %convert_element_type3A, %cond3A : i32
    scf.if %cond3A_3 {
      "tpu.region"() ({
        %run_scoped3A = tpu.sem_alloc : memref<!tpu.dma_semaphore, #tpu.memory_space<semaphore_mem>>
        %dma_start3A = arith.constant 0 : i32
        %dma_start3A_1158 = tpu.memref_slice %arg2[%select_n3A, %dma_start3A] : memref<16x2048xf32, #tpu.memory_space<hbm>> -> memref<1x2048xf32, #tpu.memory_space<hbm>>
        %dma_start3A_1159 = tpu.memref_squeeze %dma_start3A_1158 : memref<1x2048xf32, #tpu.memory_space<hbm>> -> memref<2048xf32, #tpu.memory_space<hbm>>
        %dma_start3A_1160 = arith.constant 0 : i32
        %dma_start3A_1161 = tpu.memref_slice %arg2[%select_n3A, %dma_start3A_1160] : memref<16x2048xf32, #tpu.memory_space<hbm>> -> memref<1x2048xf32, #tpu.memory_space<hbm>>
        %dma_start3A_1162 = tpu.memref_squeeze %dma_start3A_1161 : memref<1x2048xf32, #tpu.memory_space<hbm>> -> memref<2048xf32, #tpu.memory_space<hbm>>
        tpu.enqueue_dma source(%dma_start3A_1162 : memref<2048xf32, #tpu.memory_space<hbm>>) target(%arg7 : memref<2048xf32, #tpu.memory_space<vmem>>) target_semaphore(%run_scoped3A : memref<!tpu.dma_semaphore, #tpu.memory_space<semaphore_mem>>)
        %dma_wait3A = arith.constant 0 : i32
        %dma_wait3A_1163 = tpu.memref_slice %arg2[%select_n3A, %dma_wait3A] : memref<16x2048xf32, #tpu.memory_space<hbm>> -> memref<1x2048xf32, #tpu.memory_space<hbm>>
        %dma_wait3A_1164 = tpu.memref_squeeze %dma_wait3A_1163 : memref<1x2048xf32, #tpu.memory_space<hbm>> -> memref<2048xf32, #tpu.memory_space<hbm>>
        %dma_wait3A_1165 = arith.constant 0 : i32
        %dma_wait3A_1166 = tpu.memref_slice %arg2[%select_n3A, %dma_wait3A_1165] : memref<16x2048xf32, #tpu.memory_space<hbm>> -> memref<1x2048xf32, #tpu.memory_space<hbm>>
        %dma_wait3A_1167 = tpu.memref_squeeze %dma_wait3A_1166 : memref<1x2048xf32, #tpu.memory_space<hbm>> -> memref<2048xf32, #tpu.memory_space<hbm>>
        tpu.wait_dma2 semaphore(%run_scoped3A : memref<!tpu.dma_semaphore, #tpu.memory_space<semaphore_mem>>) src(%dma_wait3A_1167 : memref<2048xf32, #tpu.memory_space<hbm>>) dst(%arg7 : memref<2048xf32, #tpu.memory_space<vmem>>)
        tpu.yield
      }) : () -> ()
    } else {
    }
    %not3A = arith.constant true
    %not3A_4 = arith.xori %lt3A_1, %not3A : i1
    %convert_element_type3A_5 = arith.extui %not3A_4 : i1 to i32
    %cond3A_6 = arith.constant 0 : i32
    %cond3A_7 = arith.cmpi ne, %convert_element_type3A_5, %cond3A_6 : i32
    scf.if %cond3A_7 {
      "tpu.region"() ({
        %run_scoped3A = tpu.sem_alloc : memref<!tpu.dma_semaphore, #tpu.memory_space<semaphore_mem>>
        %dma_start3A = arith.constant 0 : i32
        %dma_start3A_1158 = tpu.memref_slice %arg3[%select_n3A, %dma_start3A] : memref<16x2048xf32, #tpu.memory_space<hbm>> -> memref<1x2048xf32, #tpu.memory_space<hbm>>
        %dma_start3A_1159 = tpu.memref_squeeze %dma_start3A_1158 : memref<1x2048xf32, #tpu.memory_space<hbm>> -> memref<2048xf32, #tpu.memory_space<hbm>>
        %dma_start3A_1160 = arith.constant 0 : i32
        %dma_start3A_1161 = tpu.memref_slice %arg3[%select_n3A, %dma_start3A_1160] : memref<16x2048xf32, #tpu.memory_space<hbm>> -> memref<1x2048xf32, #tpu.memory_space<hbm>>
        %dma_start3A_1162 = tpu.memref_squeeze %dma_start3A_1161 : memref<1x2048xf32, #tpu.memory_space<hbm>> -> memref<2048xf32, #tpu.memory_space<hbm>>
        tpu.enqueue_dma source(%dma_start3A_1162 : memref<2048xf32, #tpu.memory_space<hbm>>) target(%arg7 : memref<2048xf32, #tpu.memory_space<vmem>>) target_semaphore(%run_scoped3A : memref<!tpu.dma_semaphore, #tpu.memory_space<semaphore_mem>>)
        %dma_wait3A = arith.constant 0 : i32
        %dma_wait3A_1163 = tpu.memref_slice %arg3[%select_n3A, %dma_wait3A] : memref<16x2048xf32, #tpu.memory_space<hbm>> -> memref<1x2048xf32, #tpu.memory_space<hbm>>
        %dma_wait3A_1164 = tpu.memref_squeeze %dma_wait3A_1163 : memref<1x2048xf32, #tpu.memory_space<hbm>> -> memref<2048xf32, #tpu.memory_space<hbm>>
        %dma_wait3A_1165 = arith.constant 0 : i32
        %dma_wait3A_1166 = tpu.memref_slice %arg3[%select_n3A, %dma_wait3A_1165] : memref<16x2048xf32, #tpu.memory_space<hbm>> -> memref<1x2048xf32, #tpu.memory_space<hbm>>
        %dma_wait3A_1167 = tpu.memref_squeeze %dma_wait3A_1166 : memref<1x2048xf32, #tpu.memory_space<hbm>> -> memref<2048xf32, #tpu.memory_space<hbm>>
        tpu.wait_dma2 semaphore(%run_scoped3A : memref<!tpu.dma_semaphore, #tpu.memory_space<semaphore_mem>>) src(%dma_wait3A_1167 : memref<2048xf32, #tpu.memory_space<hbm>>) dst(%arg7 : memref<2048xf32, #tpu.memory_space<vmem>>)
        tpu.yield
      }) : () -> ()
    } else {
    }
    "tpu.region"() ({
      %run_scoped3A = tpu.sem_alloc : memref<!tpu.dma_semaphore, #tpu.memory_space<semaphore_mem>>
      tpu.enqueue_dma source(%arg4 : memref<64xf32, #tpu.memory_space<hbm>>) target(%arg8 : memref<64xf32, #tpu.memory_space<vmem>>) target_semaphore(%run_scoped3A : memref<!tpu.dma_semaphore, #tpu.memory_space<semaphore_mem>>)
      tpu.wait_dma2 semaphore(%run_scoped3A : memref<!tpu.dma_semaphore, #tpu.memory_space<semaphore_mem>>) src(%arg4 : memref<64xf32, #tpu.memory_space<hbm>>) dst(%arg8 : memref<64xf32, #tpu.memory_space<vmem>>)
      tpu.yield
    }) : () -> ()
    "tpu.region"() ({
      %run_scoped3A = tpu.sem_alloc : memref<!tpu.dma_semaphore, #tpu.memory_space<semaphore_mem>>
      tpu.enqueue_dma source(%arg5 : memref<16xf32, #tpu.memory_space<hbm>>) target(%arg9 : memref<16xf32, #tpu.memory_space<vmem>>) target_semaphore(%run_scoped3A : memref<!tpu.dma_semaphore, #tpu.memory_space<semaphore_mem>>)
      tpu.wait_dma2 semaphore(%run_scoped3A : memref<!tpu.dma_semaphore, #tpu.memory_space<semaphore_mem>>) src(%arg5 : memref<16xf32, #tpu.memory_space<hbm>>) dst(%arg9 : memref<16xf32, #tpu.memory_space<vmem>>)
      tpu.yield
    }) : () -> ()
    %get3A = arith.constant 0 : index
    %get3A_8 = tpu.vector_load %arg9[%get3A] {strides = array<i32>} : memref<16xf32, #tpu.memory_space<vmem>>, vector<16xf32>,
    %get3A_9 = vector.shape_cast %get3A_8 : vector<16xf32> to vector<16xf32>
    %abs3A = math.absf %get3A_9 : vector<16xf32>
    %broadcast_in_dim3A = arith.constant 0.000000e+00 : f32
    %broadcast_in_dim3A_10 = vector.broadcast %broadcast_in_dim3A : f32 to vector<16xf32>
    %iota3A = tpu.iota {dimensions = array<i32: 0>} : vector<16xi32>
    %get3A_11 = arith.constant 0 : index
    %get3A_12 = tpu.vector_load %arg8[%get3A_11] {strides = array<i32>} : memref<64xf32, #tpu.memory_space<vmem>>, vector<16xf32>,
    %get3A_13 = vector.shape_cast %get3A_12 : vector<16xf32> to vector<16xf32>
    %get3A_14 = arith.constant 32 : index
    %get3A_15 = tpu.vector_load %arg8[%get3A_14] {strides = array<i32>} : memref<64xf32, #tpu.memory_space<vmem>>, vector<16xf32>,
    %get3A_16 = vector.shape_cast %get3A_15 : vector<16xf32> to vector<16xf32>
    %broadcast_in_dim3A_17 = arith.constant 0 : i32
    %broadcast_in_dim3A_18 = vector.broadcast %broadcast_in_dim3A_17 : i32 to vector<16x1xi32>
    %gather3A = vector.shape_cast %broadcast_in_dim3A_18 : vector<16x1xi32> to vector<16xi32>
    %gather3A_19 = tpu.dynamic_gather %get3A_13[%gather3A] in [0] : vector<16xf32>, vector<16xi32> -> vector<16xf32>
    %broadcast_in_dim3A_20 = arith.constant 1 : i32
    %broadcast_in_dim3A_21 = vector.broadcast %broadcast_in_dim3A_20 : i32 to vector<16x1xi32>
    %gather3A_22 = vector.shape_cast %broadcast_in_dim3A_21 : vector<16x1xi32> to vector<16xi32>
    %gather3A_23 = tpu.dynamic_gather %get3A_13[%gather3A_22] in [0] : vector<16xf32>, vector<16xi32> -> vector<16xf32>
    %broadcast_in_dim3A_24 = arith.constant 2 : i32
    %broadcast_in_dim3A_25 = vector.broadcast %broadcast_in_dim3A_24 : i32 to vector<16x1xi32>
    %gather3A_26 = vector.shape_cast %broadcast_in_dim3A_25 : vector<16x1xi32> to vector<16xi32>
    %gather3A_27 = tpu.dynamic_gather %get3A_13[%gather3A_26] in [0] : vector<16xf32>, vector<16xi32> -> vector<16xf32>
    %broadcast_in_dim3A_28 = arith.constant 3 : i32
    %broadcast_in_dim3A_29 = vector.broadcast %broadcast_in_dim3A_28 : i32 to vector<16x1xi32>
    %gather3A_30 = vector.shape_cast %broadcast_in_dim3A_29 : vector<16x1xi32> to vector<16xi32>
    %gather3A_31 = tpu.dynamic_gather %get3A_13[%gather3A_30] in [0] : vector<16xf32>, vector<16xi32> -> vector<16xf32>
    %broadcast_in_dim3A_32 = arith.constant 4 : i32
    %broadcast_in_dim3A_33 = vector.broadcast %broadcast_in_dim3A_32 : i32 to vector<16x1xi32>
    %gather3A_34 = vector.shape_cast %broadcast_in_dim3A_33 : vector<16x1xi32> to vector<16xi32>
    %gather3A_35 = tpu.dynamic_gather %get3A_13[%gather3A_34] in [0] : vector<16xf32>, vector<16xi32> -> vector<16xf32>
    %broadcast_in_dim3A_36 = arith.constant 5 : i32
    %broadcast_in_dim3A_37 = vector.broadcast %broadcast_in_dim3A_36 : i32 to vector<16x1xi32>
    %gather3A_38 = vector.shape_cast %broadcast_in_dim3A_37 : vector<16x1xi32> to vector<16xi32>
    %gather3A_39 = tpu.dynamic_gather %get3A_13[%gather3A_38] in [0] : vector<16xf32>, vector<16xi32> -> vector<16xf32>
    %broadcast_in_dim3A_40 = arith.constant 6 : i32
    %broadcast_in_dim3A_41 = vector.broadcast %broadcast_in_dim3A_40 : i32 to vector<16x1xi32>
    %gather3A_42 = vector.shape_cast %broadcast_in_dim3A_41 : vector<16x1xi32> to vector<16xi32>
    %gather3A_43 = tpu.dynamic_gather %get3A_13[%gather3A_42] in [0] : vector<16xf32>, vector<16xi32> -> vector<16xf32>
    %broadcast_in_dim3A_44 = arith.constant 7 : i32
    %broadcast_in_dim3A_45 = vector.broadcast %broadcast_in_dim3A_44 : i32 to vector<16x1xi32>
    %gather3A_46 = vector.shape_cast %broadcast_in_dim3A_45 : vector<16x1xi32> to vector<16xi32>
    %gather3A_47 = tpu.dynamic_gather %get3A_13[%gather3A_46] in [0] : vector<16xf32>, vector<16xi32> -> vector<16xf32>
    %broadcast_in_dim3A_48 = arith.constant 0 : i32
    %broadcast_in_dim3A_49 = vector.broadcast %broadcast_in_dim3A_48 : i32 to vector<16x1xi32>
    %gather3A_50 = vector.shape_cast %broadcast_in_dim3A_49 : vector<16x1xi32> to vector<16xi32>
    %gather3A_51 = tpu.dynamic_gather %get3A_16[%gather3A_50] in [0] : vector<16xf32>, vector<16xi32> -> vector<16xf32>
    %broadcast_in_dim3A_52 = arith.constant 1 : i32
    %broadcast_in_dim3A_53 = vector.broadcast %broadcast_in_dim3A_52 : i32 to vector<16x1xi32>
    %gather3A_54 = vector.shape_cast %broadcast_in_dim3A_53 : vector<16x1xi32> to vector<16xi32>
    %gather3A_55 = tpu.dynamic_gather %get3A_16[%gather3A_54] in [0] : vector<16xf32>, vector<16xi32> -> vector<16xf32>
    %broadcast_in_dim3A_56 = arith.constant 2 : i32
    %broadcast_in_dim3A_57 = vector.broadcast %broadcast_in_dim3A_56 : i32 to vector<16x1xi32>
    %gather3A_58 = vector.shape_cast %broadcast_in_dim3A_57 : vector<16x1xi32> to vector<16xi32>
    %gather3A_59 = tpu.dynamic_gather %get3A_16[%gather3A_58] in [0] : vector<16xf32>, vector<16xi32> -> vector<16xf32>
    %broadcast_in_dim3A_60 = arith.constant 3 : i32
    %broadcast_in_dim3A_61 = vector.broadcast %broadcast_in_dim3A_60 : i32 to vector<16x1xi32>
    %gather3A_62 = vector.shape_cast %broadcast_in_dim3A_61 : vector<16x1xi32> to vector<16xi32>
    %gather3A_63 = tpu.dynamic_gather %get3A_16[%gather3A_62] in [0] : vector<16xf32>, vector<16xi32> -> vector<16xf32>
    %broadcast_in_dim3A_64 = arith.constant 4 : i32
    %broadcast_in_dim3A_65 = vector.broadcast %broadcast_in_dim3A_64 : i32 to vector<16x1xi32>
    %gather3A_66 = vector.shape_cast %broadcast_in_dim3A_65 : vector<16x1xi32> to vector<16xi32>
    %gather3A_67 = tpu.dynamic_gather %get3A_16[%gather3A_66] in [0] : vector<16xf32>, vector<16xi32> -> vector<16xf32>
    %broadcast_in_dim3A_68 = arith.constant 5 : i32
    %broadcast_in_dim3A_69 = vector.broadcast %broadcast_in_dim3A_68 : i32 to vector<16x1xi32>
    %gather3A_70 = vector.shape_cast %broadcast_in_dim3A_69 : vector<16x1xi32> to vector<16xi32>
    %gather3A_71 = tpu.dynamic_gather %get3A_16[%gather3A_70] in [0] : vector<16xf32>, vector<16xi32> -> vector<16xf32>
    %broadcast_in_dim3A_72 = arith.constant 6 : i32
    %broadcast_in_dim3A_73 = vector.broadcast %broadcast_in_dim3A_72 : i32 to vector<16x1xi32>
    %gather3A_74 = vector.shape_cast %broadcast_in_dim3A_73 : vector<16x1xi32> to vector<16xi32>
    %gather3A_75 = tpu.dynamic_gather %get3A_16[%gather3A_74] in [0] : vector<16xf32>, vector<16xi32> -> vector<16xf32>
    %broadcast_in_dim3A_76 = arith.constant 7 : i32
    %broadcast_in_dim3A_77 = vector.broadcast %broadcast_in_dim3A_76 : i32 to vector<16x1xi32>
    %gather3A_78 = vector.shape_cast %broadcast_in_dim3A_77 : vector<16x1xi32> to vector<16xi32>
    %gather3A_79 = tpu.dynamic_gather %get3A_16[%gather3A_78] in [0] : vector<16xf32>, vector<16xi32> -> vector<16xf32>
    %sub3A_80 = arith.constant 1.000000e+00 : f32
    %sub3A_81 = vector.broadcast %sub3A_80 : f32 to vector<16xf32>
    %sub3A_82 = arith.subf %sub3A_81, %gather3A_51 : vector<16xf32>
    %sub3A_83 = arith.constant 1.000000e+00 : f32
    %sub3A_84 = vector.broadcast %sub3A_83 : f32 to vector<16xf32>
    %sub3A_85 = arith.subf %sub3A_84, %gather3A_55 : vector<16xf32>
    %sub3A_86 = arith.constant 1.000000e+00 : f32
    %sub3A_87 = vector.broadcast %sub3A_86 : f32 to vector<16xf32>
    %sub3A_88 = arith.subf %sub3A_87, %gather3A_59 : vector<16xf32>
    %sub3A_89 = arith.constant 1.000000e+00 : f32
    %sub3A_90 = vector.broadcast %sub3A_89 : f32 to vector<16xf32>
    %sub3A_91 = arith.subf %sub3A_90, %gather3A_63 : vector<16xf32>
    %sub3A_92 = arith.constant 1.000000e+00 : f32
    %sub3A_93 = vector.broadcast %sub3A_92 : f32 to vector<16xf32>
    %sub3A_94 = arith.subf %sub3A_93, %gather3A_67 : vector<16xf32>
    %sub3A_95 = arith.constant 1.000000e+00 : f32
    %sub3A_96 = vector.broadcast %sub3A_95 : f32 to vector<16xf32>
    %sub3A_97 = arith.subf %sub3A_96, %gather3A_71 : vector<16xf32>
    %sub3A_98 = arith.constant 1.000000e+00 : f32
    %sub3A_99 = vector.broadcast %sub3A_98 : f32 to vector<16xf32>
    %sub3A_100 = arith.subf %sub3A_99, %gather3A_75 : vector<16xf32>
    %sub3A_101 = arith.constant 1.000000e+00 : f32
    %sub3A_102 = vector.broadcast %sub3A_101 : f32 to vector<16xf32>
    %sub3A_103 = arith.subf %sub3A_102, %gather3A_79 : vector<16xf32>
    %parallel_loop3A = arith.constant 0 : i32
    %parallel_loop3A_104 = arith.constant 1024 : i32
    %parallel_loop3A_105 = arith.constant 16 : i32
    %parallel_loop3A_106:8 = scf.for %parallel_loop3A_1158 = %parallel_loop3A to %parallel_loop3A_104 step %parallel_loop3A_105 iter_args(%parallel_loop3A_1159 = %broadcast_in_dim3A_10, %parallel_loop3A_1160 = %broadcast_in_dim3A_10, %parallel_loop3A_1161 = %broadcast_in_dim3A_10, %parallel_loop3A_1162 = %broadcast_in_dim3A_10, %parallel_loop3A_1163 = %broadcast_in_dim3A_10, %parallel_loop3A_1164 = %broadcast_in_dim3A_10, %parallel_loop3A_1165 = %broadcast_in_dim3A_10, %parallel_loop3A_1166 = %broadcast_in_dim3A_10) -> (vector<16xf32>, vector<16xf32>, vector<16xf32>, vector<16xf32>, vector<16xf32>, vector<16xf32>, vector<16xf32>, vector<16xf32>)  : i32 {
      %parallel_loop3A_1167 = tpu.assume_multiple %parallel_loop3A_1158, 16 : i32
      %parallel_loop3A_1168 = arith.index_cast %parallel_loop3A_1167 : i32 to index
      %parallel_loop3A_1169 = tpu.vector_load %arg7[%parallel_loop3A_1168] {strides = array<i32>} : memref<2048xf32, #tpu.memory_space<vmem>>, vector<16xf32>,
      %parallel_loop3A_1170 = vector.shape_cast %parallel_loop3A_1169 : vector<16xf32> to vector<16xf32>
      %parallel_loop3A_1171 = arith.subf %parallel_loop3A_1170, %gather3A_19 : vector<16xf32>
      %parallel_loop3A_1172 = math.absf %parallel_loop3A_1171 : vector<16xf32>
      %parallel_loop3A_1173 = arith.subf %parallel_loop3A_1170, %sub3A_82 : vector<16xf32>
      %parallel_loop3A_1174 = math.absf %parallel_loop3A_1173 : vector<16xf32>
      %parallel_loop3A_1175 = arith.addf %parallel_loop3A_1172, %parallel_loop3A_1174 : vector<16xf32>
      %parallel_loop3A_1176 = arith.subf %abs3A, %parallel_loop3A_1175 : vector<16xf32>
      %parallel_loop3A_1177 = math.absf %parallel_loop3A_1176 : vector<16xf32>
      %parallel_loop3A_1178 = arith.subf %parallel_loop3A_1177, %parallel_loop3A_1175 : vector<16xf32>
      %parallel_loop3A_1179 = arith.constant 1.000000e+00 : f32
      %parallel_loop3A_1180 = vector.broadcast %parallel_loop3A_1179 : f32 to vector<16xf32>
      %parallel_loop3A_1181 = arith.addf %parallel_loop3A_1180, %parallel_loop3A_1175 : vector<16xf32>
      %parallel_loop3A_1182 = arith.constant 1.000000e+00 : f32
      %parallel_loop3A_1183 = vector.broadcast %parallel_loop3A_1182 : f32 to vector<16xf32>
      %parallel_loop3A_1184 = arith.addf %parallel_loop3A_1183, %parallel_loop3A_1177 : vector<16xf32>
      %parallel_loop3A_1185 = arith.mulf %parallel_loop3A_1181, %parallel_loop3A_1184 : vector<16xf32>
      %parallel_loop3A_1186 = arith.divf %parallel_loop3A_1178, %parallel_loop3A_1185 : vector<16xf32>
      %parallel_loop3A_1187 = arith.addf %parallel_loop3A_1159, %parallel_loop3A_1186 : vector<16xf32>
      %parallel_loop3A_1188 = arith.subf %parallel_loop3A_1170, %gather3A_23 : vector<16xf32>
      %parallel_loop3A_1189 = math.absf %parallel_loop3A_1188 : vector<16xf32>
      %parallel_loop3A_1190 = arith.subf %parallel_loop3A_1170, %sub3A_85 : vector<16xf32>
      %parallel_loop3A_1191 = math.absf %parallel_loop3A_1190 : vector<16xf32>
      %parallel_loop3A_1192 = arith.addf %parallel_loop3A_1189, %parallel_loop3A_1191 : vector<16xf32>
      %parallel_loop3A_1193 = arith.subf %abs3A, %parallel_loop3A_1192 : vector<16xf32>
      %parallel_loop3A_1194 = math.absf %parallel_loop3A_1193 : vector<16xf32>
      %parallel_loop3A_1195 = arith.subf %parallel_loop3A_1194, %parallel_loop3A_1192 : vector<16xf32>
      %parallel_loop3A_1196 = arith.constant 1.000000e+00 : f32
      %parallel_loop3A_1197 = vector.broadcast %parallel_loop3A_1196 : f32 to vector<16xf32>
      %parallel_loop3A_1198 = arith.addf %parallel_loop3A_1197, %parallel_loop3A_1192 : vector<16xf32>
      %parallel_loop3A_1199 = arith.constant 1.000000e+00 : f32
      %parallel_loop3A_1200 = vector.broadcast %parallel_loop3A_1199 : f32 to vector<16xf32>
      %parallel_loop3A_1201 = arith.addf %parallel_loop3A_1200, %parallel_loop3A_1194 : vector<16xf32>
      %parallel_loop3A_1202 = arith.mulf %parallel_loop3A_1198, %parallel_loop3A_1201 : vector<16xf32>
      %parallel_loop3A_1203 = arith.divf %parallel_loop3A_1195, %parallel_loop3A_1202 : vector<16xf32>
      %parallel_loop3A_1204 = arith.addf %parallel_loop3A_1160, %parallel_loop3A_1203 : vector<16xf32>
      %parallel_loop3A_1205 = arith.subf %parallel_loop3A_1170, %gather3A_27 : vector<16xf32>
      %parallel_loop3A_1206 = math.absf %parallel_loop3A_1205 : vector<16xf32>
      %parallel_loop3A_1207 = arith.subf %parallel_loop3A_1170, %sub3A_88 : vector<16xf32>
      %parallel_loop3A_1208 = math.absf %parallel_loop3A_1207 : vector<16xf32>
      %parallel_loop3A_1209 = arith.addf %parallel_loop3A_1206, %parallel_loop3A_1208 : vector<16xf32>
      %parallel_loop3A_1210 = arith.subf %abs3A, %parallel_loop3A_1209 : vector<16xf32>
      %parallel_loop3A_1211 = math.absf %parallel_loop3A_1210 : vector<16xf32>
      %parallel_loop3A_1212 = arith.subf %parallel_loop3A_1211, %parallel_loop3A_1209 : vector<16xf32>
      %parallel_loop3A_1213 = arith.constant 1.000000e+00 : f32
      %parallel_loop3A_1214 = vector.broadcast %parallel_loop3A_1213 : f32 to vector<16xf32>
      %parallel_loop3A_1215 = arith.addf %parallel_loop3A_1214, %parallel_loop3A_1209 : vector<16xf32>
      %parallel_loop3A_1216 = arith.constant 1.000000e+00 : f32
      %parallel_loop3A_1217 = vector.broadcast %parallel_loop3A_1216 : f32 to vector<16xf32>
      %parallel_loop3A_1218 = arith.addf %parallel_loop3A_1217, %parallel_loop3A_1211 : vector<16xf32>
      %parallel_loop3A_1219 = arith.mulf %parallel_loop3A_1215, %parallel_loop3A_1218 : vector<16xf32>
      %parallel_loop3A_1220 = arith.divf %parallel_loop3A_1212, %parallel_loop3A_1219 : vector<16xf32>
      %parallel_loop3A_1221 = arith.addf %parallel_loop3A_1161, %parallel_loop3A_1220 : vector<16xf32>
      %parallel_loop3A_1222 = arith.subf %parallel_loop3A_1170, %gather3A_31 : vector<16xf32>
      %parallel_loop3A_1223 = math.absf %parallel_loop3A_1222 : vector<16xf32>
      %parallel_loop3A_1224 = arith.subf %parallel_loop3A_1170, %sub3A_91 : vector<16xf32>
      %parallel_loop3A_1225 = math.absf %parallel_loop3A_1224 : vector<16xf32>
      %parallel_loop3A_1226 = arith.addf %parallel_loop3A_1223, %parallel_loop3A_1225 : vector<16xf32>
      %parallel_loop3A_1227 = arith.subf %abs3A, %parallel_loop3A_1226 : vector<16xf32>
      %parallel_loop3A_1228 = math.absf %parallel_loop3A_1227 : vector<16xf32>
      %parallel_loop3A_1229 = arith.subf %parallel_loop3A_1228, %parallel_loop3A_1226 : vector<16xf32>
      %parallel_loop3A_1230 = arith.constant 1.000000e+00 : f32
      %parallel_loop3A_1231 = vector.broadcast %parallel_loop3A_1230 : f32 to vector<16xf32>
      %parallel_loop3A_1232 = arith.addf %parallel_loop3A_1231, %parallel_loop3A_1226 : vector<16xf32>
      %parallel_loop3A_1233 = arith.constant 1.000000e+00 : f32
      %parallel_loop3A_1234 = vector.broadcast %parallel_loop3A_1233 : f32 to vector<16xf32>
      %parallel_loop3A_1235 = arith.addf %parallel_loop3A_1234, %parallel_loop3A_1228 : vector<16xf32>
      %parallel_loop3A_1236 = arith.mulf %parallel_loop3A_1232, %parallel_loop3A_1235 : vector<16xf32>
      %parallel_loop3A_1237 = arith.divf %parallel_loop3A_1229, %parallel_loop3A_1236 : vector<16xf32>
      %parallel_loop3A_1238 = arith.addf %parallel_loop3A_1162, %parallel_loop3A_1237 : vector<16xf32>
      %parallel_loop3A_1239 = arith.subf %parallel_loop3A_1170, %gather3A_35 : vector<16xf32>
      %parallel_loop3A_1240 = math.absf %parallel_loop3A_1239 : vector<16xf32>
      %parallel_loop3A_1241 = arith.subf %parallel_loop3A_1170, %sub3A_94 : vector<16xf32>
      %parallel_loop3A_1242 = math.absf %parallel_loop3A_1241 : vector<16xf32>
      %parallel_loop3A_1243 = arith.addf %parallel_loop3A_1240, %parallel_loop3A_1242 : vector<16xf32>
      %parallel_loop3A_1244 = arith.subf %abs3A, %parallel_loop3A_1243 : vector<16xf32>
      %parallel_loop3A_1245 = math.absf %parallel_loop3A_1244 : vector<16xf32>
      %parallel_loop3A_1246 = arith.subf %parallel_loop3A_1245, %parallel_loop3A_1243 : vector<16xf32>
      %parallel_loop3A_1247 = arith.constant 1.000000e+00 : f32
      %parallel_loop3A_1248 = vector.broadcast %parallel_loop3A_1247 : f32 to vector<16xf32>
      %parallel_loop3A_1249 = arith.addf %parallel_loop3A_1248, %parallel_loop3A_1243 : vector<16xf32>
      %parallel_loop3A_1250 = arith.constant 1.000000e+00 : f32
      %parallel_loop3A_1251 = vector.broadcast %parallel_loop3A_1250 : f32 to vector<16xf32>
      %parallel_loop3A_1252 = arith.addf %parallel_loop3A_1251, %parallel_loop3A_1245 : vector<16xf32>
      %parallel_loop3A_1253 = arith.mulf %parallel_loop3A_1249, %parallel_loop3A_1252 : vector<16xf32>
      %parallel_loop3A_1254 = arith.divf %parallel_loop3A_1246, %parallel_loop3A_1253 : vector<16xf32>
      %parallel_loop3A_1255 = arith.addf %parallel_loop3A_1163, %parallel_loop3A_1254 : vector<16xf32>
      %parallel_loop3A_1256 = arith.subf %parallel_loop3A_1170, %gather3A_39 : vector<16xf32>
      %parallel_loop3A_1257 = math.absf %parallel_loop3A_1256 : vector<16xf32>
      %parallel_loop3A_1258 = arith.subf %parallel_loop3A_1170, %sub3A_97 : vector<16xf32>
      %parallel_loop3A_1259 = math.absf %parallel_loop3A_1258 : vector<16xf32>
      %parallel_loop3A_1260 = arith.addf %parallel_loop3A_1257, %parallel_loop3A_1259 : vector<16xf32>
      %parallel_loop3A_1261 = arith.subf %abs3A, %parallel_loop3A_1260 : vector<16xf32>
      %parallel_loop3A_1262 = math.absf %parallel_loop3A_1261 : vector<16xf32>
      %parallel_loop3A_1263 = arith.subf %parallel_loop3A_1262, %parallel_loop3A_1260 : vector<16xf32>
      %parallel_loop3A_1264 = arith.constant 1.000000e+00 : f32
      %parallel_loop3A_1265 = vector.broadcast %parallel_loop3A_1264 : f32 to vector<16xf32>
      %parallel_loop3A_1266 = arith.addf %parallel_loop3A_1265, %parallel_loop3A_1260 : vector<16xf32>
      %parallel_loop3A_1267 = arith.constant 1.000000e+00 : f32
      %parallel_loop3A_1268 = vector.broadcast %parallel_loop3A_1267 : f32 to vector<16xf32>
      %parallel_loop3A_1269 = arith.addf %parallel_loop3A_1268, %parallel_loop3A_1262 : vector<16xf32>
      %parallel_loop3A_1270 = arith.mulf %parallel_loop3A_1266, %parallel_loop3A_1269 : vector<16xf32>
      %parallel_loop3A_1271 = arith.divf %parallel_loop3A_1263, %parallel_loop3A_1270 : vector<16xf32>
      %parallel_loop3A_1272 = arith.addf %parallel_loop3A_1164, %parallel_loop3A_1271 : vector<16xf32>
      %parallel_loop3A_1273 = arith.subf %parallel_loop3A_1170, %gather3A_43 : vector<16xf32>
      %parallel_loop3A_1274 = math.absf %parallel_loop3A_1273 : vector<16xf32>
      %parallel_loop3A_1275 = arith.subf %parallel_loop3A_1170, %sub3A_100 : vector<16xf32>
      %parallel_loop3A_1276 = math.absf %parallel_loop3A_1275 : vector<16xf32>
      %parallel_loop3A_1277 = arith.addf %parallel_loop3A_1274, %parallel_loop3A_1276 : vector<16xf32>
      %parallel_loop3A_1278 = arith.subf %abs3A, %parallel_loop3A_1277 : vector<16xf32>
      %parallel_loop3A_1279 = math.absf %parallel_loop3A_1278 : vector<16xf32>
      %parallel_loop3A_1280 = arith.subf %parallel_loop3A_1279, %parallel_loop3A_1277 : vector<16xf32>
      %parallel_loop3A_1281 = arith.constant 1.000000e+00 : f32
      %parallel_loop3A_1282 = vector.broadcast %parallel_loop3A_1281 : f32 to vector<16xf32>
      %parallel_loop3A_1283 = arith.addf %parallel_loop3A_1282, %parallel_loop3A_1277 : vector<16xf32>
      %parallel_loop3A_1284 = arith.constant 1.000000e+00 : f32
      %parallel_loop3A_1285 = vector.broadcast %parallel_loop3A_1284 : f32 to vector<16xf32>
      %parallel_loop3A_1286 = arith.addf %parallel_loop3A_1285, %parallel_loop3A_1279 : vector<16xf32>
      %parallel_loop3A_1287 = arith.mulf %parallel_loop3A_1283, %parallel_loop3A_1286 : vector<16xf32>
      %parallel_loop3A_1288 = arith.divf %parallel_loop3A_1280, %parallel_loop3A_1287 : vector<16xf32>
      %parallel_loop3A_1289 = arith.addf %parallel_loop3A_1165, %parallel_loop3A_1288 : vector<16xf32>
      %parallel_loop3A_1290 = arith.subf %parallel_loop3A_1170, %gather3A_47 : vector<16xf32>
      %parallel_loop3A_1291 = math.absf %parallel_loop3A_1290 : vector<16xf32>
      %parallel_loop3A_1292 = arith.subf %parallel_loop3A_1170, %sub3A_103 : vector<16xf32>
      %parallel_loop3A_1293 = math.absf %parallel_loop3A_1292 : vector<16xf32>
      %parallel_loop3A_1294 = arith.addf %parallel_loop3A_1291, %parallel_loop3A_1293 : vector<16xf32>
      %parallel_loop3A_1295 = arith.subf %abs3A, %parallel_loop3A_1294 : vector<16xf32>
      %parallel_loop3A_1296 = math.absf %parallel_loop3A_1295 : vector<16xf32>
      %parallel_loop3A_1297 = arith.subf %parallel_loop3A_1296, %parallel_loop3A_1294 : vector<16xf32>
      %parallel_loop3A_1298 = arith.constant 1.000000e+00 : f32
      %parallel_loop3A_1299 = vector.broadcast %parallel_loop3A_1298 : f32 to vector<16xf32>
      %parallel_loop3A_1300 = arith.addf %parallel_loop3A_1299, %parallel_loop3A_1294 : vector<16xf32>
      %parallel_loop3A_1301 = arith.constant 1.000000e+00 : f32
      %parallel_loop3A_1302 = vector.broadcast %parallel_loop3A_1301 : f32 to vector<16xf32>
      %parallel_loop3A_1303 = arith.addf %parallel_loop3A_1302, %parallel_loop3A_1296 : vector<16xf32>
      %parallel_loop3A_1304 = arith.mulf %parallel_loop3A_1300, %parallel_loop3A_1303 : vector<16xf32>
      %parallel_loop3A_1305 = arith.divf %parallel_loop3A_1297, %parallel_loop3A_1304 : vector<16xf32>
      %parallel_loop3A_1306 = arith.addf %parallel_loop3A_1166, %parallel_loop3A_1305 : vector<16xf32>
      scf.yield %parallel_loop3A_1187, %parallel_loop3A_1204, %parallel_loop3A_1221, %parallel_loop3A_1238, %parallel_loop3A_1255, %parallel_loop3A_1272, %parallel_loop3A_1289, %parallel_loop3A_1306 : vector<16xf32>, vector<16xf32>, vector<16xf32>, vector<16xf32>, vector<16xf32>, vector<16xf32>, vector<16xf32>, vector<16xf32>
    } {sc.loop_unroll_factor = 2 : i64, sc.parallel_access}
    %swap3A = arith.constant 0 : index
    %swap3A_107 = tpu.vector_load %arg10[%swap3A] {strides = array<i32>} : memref<512xf32, #tpu.memory_space<vmem>>, vector<16xf32>,
    %swap3A_108 = vector.shape_cast %swap3A_107 : vector<16xf32> to vector<16xf32>
    %swap3A_109 = vector.shape_cast %parallel_loop3A_106#0 : vector<16xf32> to vector<16xf32>
    tpu.vector_store %arg10[%swap3A], %swap3A_109 {strides = array<i32>} : memref<512xf32, #tpu.memory_space<vmem>>, vector<16xf32>,
    %swap3A_110 = arith.constant 16 : index
    %swap3A_111 = tpu.vector_load %arg10[%swap3A_110] {strides = array<i32>} : memref<512xf32, #tpu.memory_space<vmem>>, vector<16xf32>,
    %swap3A_112 = vector.shape_cast %swap3A_111 : vector<16xf32> to vector<16xf32>
    %swap3A_113 = vector.shape_cast %parallel_loop3A_106#1 : vector<16xf32> to vector<16xf32>
    tpu.vector_store %arg10[%swap3A_110], %swap3A_113 {strides = array<i32>} : memref<512xf32, #tpu.memory_space<vmem>>, vector<16xf32>,
    %swap3A_114 = arith.constant 32 : index
    %swap3A_115 = tpu.vector_load %arg10[%swap3A_114] {strides = array<i32>} : memref<512xf32, #tpu.memory_space<vmem>>, vector<16xf32>,
    %swap3A_116 = vector.shape_cast %swap3A_115 : vector<16xf32> to vector<16xf32>
    %swap3A_117 = vector.shape_cast %parallel_loop3A_106#2 : vector<16xf32> to vector<16xf32>
    tpu.vector_store %arg10[%swap3A_114], %swap3A_117 {strides = array<i32>} : memref<512xf32, #tpu.memory_space<vmem>>, vector<16xf32>,
    %swap3A_118 = arith.constant 48 : index
    %swap3A_119 = tpu.vector_load %arg10[%swap3A_118] {strides = array<i32>} : memref<512xf32, #tpu.memory_space<vmem>>, vector<16xf32>,
    %swap3A_120 = vector.shape_cast %swap3A_119 : vector<16xf32> to vector<16xf32>
    %swap3A_121 = vector.shape_cast %parallel_loop3A_106#3 : vector<16xf32> to vector<16xf32>
    tpu.vector_store %arg10[%swap3A_118], %swap3A_121 {strides = array<i32>} : memref<512xf32, #tpu.memory_space<vmem>>, vector<16xf32>,
    %swap3A_122 = arith.constant 64 : index
    %swap3A_123 = tpu.vector_load %arg10[%swap3A_122] {strides = array<i32>} : memref<512xf32, #tpu.memory_space<vmem>>, vector<16xf32>,
    %swap3A_124 = vector.shape_cast %swap3A_123 : vector<16xf32> to vector<16xf32>
    %swap3A_125 = vector.shape_cast %parallel_loop3A_106#4 : vector<16xf32> to vector<16xf32>
    tpu.vector_store %arg10[%swap3A_122], %swap3A_125 {strides = array<i32>} : memref<512xf32, #tpu.memory_space<vmem>>, vector<16xf32>,
    %swap3A_126 = arith.constant 80 : index
    %swap3A_127 = tpu.vector_load %arg10[%swap3A_126] {strides = array<i32>} : memref<512xf32, #tpu.memory_space<vmem>>, vector<16xf32>,
    %swap3A_128 = vector.shape_cast %swap3A_127 : vector<16xf32> to vector<16xf32>
    %swap3A_129 = vector.shape_cast %parallel_loop3A_106#5 : vector<16xf32> to vector<16xf32>
    tpu.vector_store %arg10[%swap3A_126], %swap3A_129 {strides = array<i32>} : memref<512xf32, #tpu.memory_space<vmem>>, vector<16xf32>,
    %swap3A_130 = arith.constant 96 : index
    %swap3A_131 = tpu.vector_load %arg10[%swap3A_130] {strides = array<i32>} : memref<512xf32, #tpu.memory_space<vmem>>, vector<16xf32>,
    %swap3A_132 = vector.shape_cast %swap3A_131 : vector<16xf32> to vector<16xf32>
    %swap3A_133 = vector.shape_cast %parallel_loop3A_106#6 : vector<16xf32> to vector<16xf32>
    tpu.vector_store %arg10[%swap3A_130], %swap3A_133 {strides = array<i32>} : memref<512xf32, #tpu.memory_space<vmem>>, vector<16xf32>,
    %swap3A_134 = arith.constant 112 : index
    %swap3A_135 = tpu.vector_load %arg10[%swap3A_134] {strides = array<i32>} : memref<512xf32, #tpu.memory_space<vmem>>, vector<16xf32>,
    %swap3A_136 = vector.shape_cast %swap3A_135 : vector<16xf32> to vector<16xf32>
    %swap3A_137 = vector.shape_cast %parallel_loop3A_106#7 : vector<16xf32> to vector<16xf32>
    tpu.vector_store %arg10[%swap3A_134], %swap3A_137 {strides = array<i32>} : memref<512xf32, #tpu.memory_space<vmem>>, vector<16xf32>,
    %get3A_138 = arith.constant 0 : index
    %get3A_139 = tpu.vector_load %arg8[%get3A_138] {strides = array<i32>} : memref<64xf32, #tpu.memory_space<vmem>>, vector<16xf32>,
    %get3A_140 = vector.shape_cast %get3A_139 : vector<16xf32> to vector<16xf32>
    %get3A_141 = arith.constant 32 : index
    %get3A_142 = tpu.vector_load %arg8[%get3A_141] {strides = array<i32>} : memref<64xf32, #tpu.memory_space<vmem>>, vector<16xf32>,
    %get3A_143 = vector.shape_cast %get3A_142 : vector<16xf32> to vector<16xf32>
    %broadcast_in_dim3A_144 = arith.constant 8 : i32
    %broadcast_in_dim3A_145 = vector.broadcast %broadcast_in_dim3A_144 : i32 to vector<16x1xi32>
    %gather3A_146 = vector.shape_cast %broadcast_in_dim3A_145 : vector<16x1xi32> to vector<16xi32>
    %gather3A_147 = tpu.dynamic_gather %get3A_140[%gather3A_146] in [0] : vector<16xf32>, vector<16xi32> -> vector<16xf32>
    %broadcast_in_dim3A_148 = arith.constant 9 : i32
    %broadcast_in_dim3A_149 = vector.broadcast %broadcast_in_dim3A_148 : i32 to vector<16x1xi32>
    %gather3A_150 = vector.shape_cast %broadcast_in_dim3A_149 : vector<16x1xi32> to vector<16xi32>
    %gather3A_151 = tpu.dynamic_gather %get3A_140[%gather3A_150] in [0] : vector<16xf32>, vector<16xi32> -> vector<16xf32>
    %broadcast_in_dim3A_152 = arith.constant 10 : i32
    %broadcast_in_dim3A_153 = vector.broadcast %broadcast_in_dim3A_152 : i32 to vector<16x1xi32>
    %gather3A_154 = vector.shape_cast %broadcast_in_dim3A_153 : vector<16x1xi32> to vector<16xi32>
    %gather3A_155 = tpu.dynamic_gather %get3A_140[%gather3A_154] in [0] : vector<16xf32>, vector<16xi32> -> vector<16xf32>
    %broadcast_in_dim3A_156 = arith.constant 11 : i32
    %broadcast_in_dim3A_157 = vector.broadcast %broadcast_in_dim3A_156 : i32 to vector<16x1xi32>
    %gather3A_158 = vector.shape_cast %broadcast_in_dim3A_157 : vector<16x1xi32> to vector<16xi32>
    %gather3A_159 = tpu.dynamic_gather %get3A_140[%gather3A_158] in [0] : vector<16xf32>, vector<16xi32> -> vector<16xf32>
    %broadcast_in_dim3A_160 = arith.constant 12 : i32
    %broadcast_in_dim3A_161 = vector.broadcast %broadcast_in_dim3A_160 : i32 to vector<16x1xi32>
    %gather3A_162 = vector.shape_cast %broadcast_in_dim3A_161 : vector<16x1xi32> to vector<16xi32>
    %gather3A_163 = tpu.dynamic_gather %get3A_140[%gather3A_162] in [0] : vector<16xf32>, vector<16xi32> -> vector<16xf32>
    %broadcast_in_dim3A_164 = arith.constant 13 : i32
    %broadcast_in_dim3A_165 = vector.broadcast %broadcast_in_dim3A_164 : i32 to vector<16x1xi32>
    %gather3A_166 = vector.shape_cast %broadcast_in_dim3A_165 : vector<16x1xi32> to vector<16xi32>
    %gather3A_167 = tpu.dynamic_gather %get3A_140[%gather3A_166] in [0] : vector<16xf32>, vector<16xi32> -> vector<16xf32>
    %broadcast_in_dim3A_168 = arith.constant 14 : i32
    %broadcast_in_dim3A_169 = vector.broadcast %broadcast_in_dim3A_168 : i32 to vector<16x1xi32>
    %gather3A_170 = vector.shape_cast %broadcast_in_dim3A_169 : vector<16x1xi32> to vector<16xi32>
    %gather3A_171 = tpu.dynamic_gather %get3A_140[%gather3A_170] in [0] : vector<16xf32>, vector<16xi32> -> vector<16xf32>
    %broadcast_in_dim3A_172 = arith.constant 15 : i32
    %broadcast_in_dim3A_173 = vector.broadcast %broadcast_in_dim3A_172 : i32 to vector<16x1xi32>
    %gather3A_174 = vector.shape_cast %broadcast_in_dim3A_173 : vector<16x1xi32> to vector<16xi32>
    %gather3A_175 = tpu.dynamic_gather %get3A_140[%gather3A_174] in [0] : vector<16xf32>, vector<16xi32> -> vector<16xf32>
    %broadcast_in_dim3A_176 = arith.constant 8 : i32
    %broadcast_in_dim3A_177 = vector.broadcast %broadcast_in_dim3A_176 : i32 to vector<16x1xi32>
    %gather3A_178 = vector.shape_cast %broadcast_in_dim3A_177 : vector<16x1xi32> to vector<16xi32>
    %gather3A_179 = tpu.dynamic_gather %get3A_143[%gather3A_178] in [0] : vector<16xf32>, vector<16xi32> -> vector<16xf32>
    %broadcast_in_dim3A_180 = arith.constant 9 : i32
    %broadcast_in_dim3A_181 = vector.broadcast %broadcast_in_dim3A_180 : i32 to vector<16x1xi32>
    %gather3A_182 = vector.shape_cast %broadcast_in_dim3A_181 : vector<16x1xi32> to vector<16xi32>
    %gather3A_183 = tpu.dynamic_gather %get3A_143[%gather3A_182] in [0] : vector<16xf32>, vector<16xi32> -> vector<16xf32>
    %broadcast_in_dim3A_184 = arith.constant 10 : i32
    %broadcast_in_dim3A_185 = vector.broadcast %broadcast_in_dim3A_184 : i32 to vector<16x1xi32>
    %gather3A_186 = vector.shape_cast %broadcast_in_dim3A_185 : vector<16x1xi32> to vector<16xi32>
    %gather3A_187 = tpu.dynamic_gather %get3A_143[%gather3A_186] in [0] : vector<16xf32>, vector<16xi32> -> vector<16xf32>
    %broadcast_in_dim3A_188 = arith.constant 11 : i32
    %broadcast_in_dim3A_189 = vector.broadcast %broadcast_in_dim3A_188 : i32 to vector<16x1xi32>
    %gather3A_190 = vector.shape_cast %broadcast_in_dim3A_189 : vector<16x1xi32> to vector<16xi32>
    %gather3A_191 = tpu.dynamic_gather %get3A_143[%gather3A_190] in [0] : vector<16xf32>, vector<16xi32> -> vector<16xf32>
    %broadcast_in_dim3A_192 = arith.constant 12 : i32
    %broadcast_in_dim3A_193 = vector.broadcast %broadcast_in_dim3A_192 : i32 to vector<16x1xi32>
    %gather3A_194 = vector.shape_cast %broadcast_in_dim3A_193 : vector<16x1xi32> to vector<16xi32>
    %gather3A_195 = tpu.dynamic_gather %get3A_143[%gather3A_194] in [0] : vector<16xf32>, vector<16xi32> -> vector<16xf32>
    %broadcast_in_dim3A_196 = arith.constant 13 : i32
    %broadcast_in_dim3A_197 = vector.broadcast %broadcast_in_dim3A_196 : i32 to vector<16x1xi32>
    %gather3A_198 = vector.shape_cast %broadcast_in_dim3A_197 : vector<16x1xi32> to vector<16xi32>
    %gather3A_199 = tpu.dynamic_gather %get3A_143[%gather3A_198] in [0] : vector<16xf32>, vector<16xi32> -> vector<16xf32>
    %broadcast_in_dim3A_200 = arith.constant 14 : i32
    %broadcast_in_dim3A_201 = vector.broadcast %broadcast_in_dim3A_200 : i32 to vector<16x1xi32>
    %gather3A_202 = vector.shape_cast %broadcast_in_dim3A_201 : vector<16x1xi32> to vector<16xi32>
    %gather3A_203 = tpu.dynamic_gather %get3A_143[%gather3A_202] in [0] : vector<16xf32>, vector<16xi32> -> vector<16xf32>
    %broadcast_in_dim3A_204 = arith.constant 15 : i32
    %broadcast_in_dim3A_205 = vector.broadcast %broadcast_in_dim3A_204 : i32 to vector<16x1xi32>
    %gather3A_206 = vector.shape_cast %broadcast_in_dim3A_205 : vector<16x1xi32> to vector<16xi32>
    %gather3A_207 = tpu.dynamic_gather %get3A_143[%gather3A_206] in [0] : vector<16xf32>, vector<16xi32> -> vector<16xf32>
    %sub3A_208 = arith.constant 1.000000e+00 : f32
    %sub3A_209 = vector.broadcast %sub3A_208 : f32 to vector<16xf32>
    %sub3A_210 = arith.subf %sub3A_209, %gather3A_179 : vector<16xf32>
    %sub3A_211 = arith.constant 1.000000e+00 : f32
    %sub3A_212 = vector.broadcast %sub3A_211 : f32 to vector<16xf32>
    %sub3A_213 = arith.subf %sub3A_212, %gather3A_183 : vector<16xf32>
    %sub3A_214 = arith.constant 1.000000e+00 : f32
    %sub3A_215 = vector.broadcast %sub3A_214 : f32 to vector<16xf32>
    %sub3A_216 = arith.subf %sub3A_215, %gather3A_187 : vector<16xf32>
    %sub3A_217 = arith.constant 1.000000e+00 : f32
    %sub3A_218 = vector.broadcast %sub3A_217 : f32 to vector<16xf32>
    %sub3A_219 = arith.subf %sub3A_218, %gather3A_191 : vector<16xf32>
    %sub3A_220 = arith.constant 1.000000e+00 : f32
    %sub3A_221 = vector.broadcast %sub3A_220 : f32 to vector<16xf32>
    %sub3A_222 = arith.subf %sub3A_221, %gather3A_195 : vector<16xf32>
    %sub3A_223 = arith.constant 1.000000e+00 : f32
    %sub3A_224 = vector.broadcast %sub3A_223 : f32 to vector<16xf32>
    %sub3A_225 = arith.subf %sub3A_224, %gather3A_199 : vector<16xf32>
    %sub3A_226 = arith.constant 1.000000e+00 : f32
    %sub3A_227 = vector.broadcast %sub3A_226 : f32 to vector<16xf32>
    %sub3A_228 = arith.subf %sub3A_227, %gather3A_203 : vector<16xf32>
    %sub3A_229 = arith.constant 1.000000e+00 : f32
    %sub3A_230 = vector.broadcast %sub3A_229 : f32 to vector<16xf32>
    %sub3A_231 = arith.subf %sub3A_230, %gather3A_207 : vector<16xf32>
    %parallel_loop3A_232 = arith.constant 0 : i32
    %parallel_loop3A_233 = arith.constant 1024 : i32
    %parallel_loop3A_234 = arith.constant 16 : i32
    %parallel_loop3A_235:8 = scf.for %parallel_loop3A_1158 = %parallel_loop3A_232 to %parallel_loop3A_233 step %parallel_loop3A_234 iter_args(%parallel_loop3A_1159 = %broadcast_in_dim3A_10, %parallel_loop3A_1160 = %broadcast_in_dim3A_10, %parallel_loop3A_1161 = %broadcast_in_dim3A_10, %parallel_loop3A_1162 = %broadcast_in_dim3A_10, %parallel_loop3A_1163 = %broadcast_in_dim3A_10, %parallel_loop3A_1164 = %broadcast_in_dim3A_10, %parallel_loop3A_1165 = %broadcast_in_dim3A_10, %parallel_loop3A_1166 = %broadcast_in_dim3A_10) -> (vector<16xf32>, vector<16xf32>, vector<16xf32>, vector<16xf32>, vector<16xf32>, vector<16xf32>, vector<16xf32>, vector<16xf32>)  : i32 {
      %parallel_loop3A_1167 = tpu.assume_multiple %parallel_loop3A_1158, 16 : i32
      %parallel_loop3A_1168 = arith.index_cast %parallel_loop3A_1167 : i32 to index
      %parallel_loop3A_1169 = tpu.vector_load %arg7[%parallel_loop3A_1168] {strides = array<i32>} : memref<2048xf32, #tpu.memory_space<vmem>>, vector<16xf32>,
      %parallel_loop3A_1170 = vector.shape_cast %parallel_loop3A_1169 : vector<16xf32> to vector<16xf32>
      %parallel_loop3A_1171 = arith.subf %parallel_loop3A_1170, %gather3A_147 : vector<16xf32>
      %parallel_loop3A_1172 = math.absf %parallel_loop3A_1171 : vector<16xf32>
      %parallel_loop3A_1173 = arith.subf %parallel_loop3A_1170, %sub3A_210 : vector<16xf32>
      %parallel_loop3A_1174 = math.absf %parallel_loop3A_1173 : vector<16xf32>
      %parallel_loop3A_1175 = arith.addf %parallel_loop3A_1172, %parallel_loop3A_1174 : vector<16xf32>
      %parallel_loop3A_1176 = arith.subf %abs3A, %parallel_loop3A_1175 : vector<16xf32>
      %parallel_loop3A_1177 = math.absf %parallel_loop3A_1176 : vector<16xf32>
      %parallel_loop3A_1178 = arith.subf %parallel_loop3A_1177, %parallel_loop3A_1175 : vector<16xf32>
      %parallel_loop3A_1179 = arith.constant 1.000000e+00 : f32
      %parallel_loop3A_1180 = vector.broadcast %parallel_loop3A_1179 : f32 to vector<16xf32>
      %parallel_loop3A_1181 = arith.addf %parallel_loop3A_1180, %parallel_loop3A_1175 : vector<16xf32>
      %parallel_loop3A_1182 = arith.constant 1.000000e+00 : f32
      %parallel_loop3A_1183 = vector.broadcast %parallel_loop3A_1182 : f32 to vector<16xf32>
      %parallel_loop3A_1184 = arith.addf %parallel_loop3A_1183, %parallel_loop3A_1177 : vector<16xf32>
      %parallel_loop3A_1185 = arith.mulf %parallel_loop3A_1181, %parallel_loop3A_1184 : vector<16xf32>
      %parallel_loop3A_1186 = arith.divf %parallel_loop3A_1178, %parallel_loop3A_1185 : vector<16xf32>
      %parallel_loop3A_1187 = arith.addf %parallel_loop3A_1159, %parallel_loop3A_1186 : vector<16xf32>
      %parallel_loop3A_1188 = arith.subf %parallel_loop3A_1170, %gather3A_151 : vector<16xf32>
      %parallel_loop3A_1189 = math.absf %parallel_loop3A_1188 : vector<16xf32>
      %parallel_loop3A_1190 = arith.subf %parallel_loop3A_1170, %sub3A_213 : vector<16xf32>
      %parallel_loop3A_1191 = math.absf %parallel_loop3A_1190 : vector<16xf32>
      %parallel_loop3A_1192 = arith.addf %parallel_loop3A_1189, %parallel_loop3A_1191 : vector<16xf32>
      %parallel_loop3A_1193 = arith.subf %abs3A, %parallel_loop3A_1192 : vector<16xf32>
      %parallel_loop3A_1194 = math.absf %parallel_loop3A_1193 : vector<16xf32>
      %parallel_loop3A_1195 = arith.subf %parallel_loop3A_1194, %parallel_loop3A_1192 : vector<16xf32>
      %parallel_loop3A_1196 = arith.constant 1.000000e+00 : f32
      %parallel_loop3A_1197 = vector.broadcast %parallel_loop3A_1196 : f32 to vector<16xf32>
      %parallel_loop3A_1198 = arith.addf %parallel_loop3A_1197, %parallel_loop3A_1192 : vector<16xf32>
      %parallel_loop3A_1199 = arith.constant 1.000000e+00 : f32
      %parallel_loop3A_1200 = vector.broadcast %parallel_loop3A_1199 : f32 to vector<16xf32>
      %parallel_loop3A_1201 = arith.addf %parallel_loop3A_1200, %parallel_loop3A_1194 : vector<16xf32>
      %parallel_loop3A_1202 = arith.mulf %parallel_loop3A_1198, %parallel_loop3A_1201 : vector<16xf32>
      %parallel_loop3A_1203 = arith.divf %parallel_loop3A_1195, %parallel_loop3A_1202 : vector<16xf32>
      %parallel_loop3A_1204 = arith.addf %parallel_loop3A_1160, %parallel_loop3A_1203 : vector<16xf32>
      %parallel_loop3A_1205 = arith.subf %parallel_loop3A_1170, %gather3A_155 : vector<16xf32>
      %parallel_loop3A_1206 = math.absf %parallel_loop3A_1205 : vector<16xf32>
      %parallel_loop3A_1207 = arith.subf %parallel_loop3A_1170, %sub3A_216 : vector<16xf32>
      %parallel_loop3A_1208 = math.absf %parallel_loop3A_1207 : vector<16xf32>
      %parallel_loop3A_1209 = arith.addf %parallel_loop3A_1206, %parallel_loop3A_1208 : vector<16xf32>
      %parallel_loop3A_1210 = arith.subf %abs3A, %parallel_loop3A_1209 : vector<16xf32>
      %parallel_loop3A_1211 = math.absf %parallel_loop3A_1210 : vector<16xf32>
      %parallel_loop3A_1212 = arith.subf %parallel_loop3A_1211, %parallel_loop3A_1209 : vector<16xf32>
      %parallel_loop3A_1213 = arith.constant 1.000000e+00 : f32
      %parallel_loop3A_1214 = vector.broadcast %parallel_loop3A_1213 : f32 to vector<16xf32>
      %parallel_loop3A_1215 = arith.addf %parallel_loop3A_1214, %parallel_loop3A_1209 : vector<16xf32>
      %parallel_loop3A_1216 = arith.constant 1.000000e+00 : f32
      %parallel_loop3A_1217 = vector.broadcast %parallel_loop3A_1216 : f32 to vector<16xf32>
      %parallel_loop3A_1218 = arith.addf %parallel_loop3A_1217, %parallel_loop3A_1211 : vector<16xf32>
      %parallel_loop3A_1219 = arith.mulf %parallel_loop3A_1215, %parallel_loop3A_1218 : vector<16xf32>
      %parallel_loop3A_1220 = arith.divf %parallel_loop3A_1212, %parallel_loop3A_1219 : vector<16xf32>
      %parallel_loop3A_1221 = arith.addf %parallel_loop3A_1161, %parallel_loop3A_1220 : vector<16xf32>
      %parallel_loop3A_1222 = arith.subf %parallel_loop3A_1170, %gather3A_159 : vector<16xf32>
      %parallel_loop3A_1223 = math.absf %parallel_loop3A_1222 : vector<16xf32>
      %parallel_loop3A_1224 = arith.subf %parallel_loop3A_1170, %sub3A_219 : vector<16xf32>
      %parallel_loop3A_1225 = math.absf %parallel_loop3A_1224 : vector<16xf32>
      %parallel_loop3A_1226 = arith.addf %parallel_loop3A_1223, %parallel_loop3A_1225 : vector<16xf32>
      %parallel_loop3A_1227 = arith.subf %abs3A, %parallel_loop3A_1226 : vector<16xf32>
      %parallel_loop3A_1228 = math.absf %parallel_loop3A_1227 : vector<16xf32>
      %parallel_loop3A_1229 = arith.subf %parallel_loop3A_1228, %parallel_loop3A_1226 : vector<16xf32>
      %parallel_loop3A_1230 = arith.constant 1.000000e+00 : f32
      %parallel_loop3A_1231 = vector.broadcast %parallel_loop3A_1230 : f32 to vector<16xf32>
      %parallel_loop3A_1232 = arith.addf %parallel_loop3A_1231, %parallel_loop3A_1226 : vector<16xf32>
      %parallel_loop3A_1233 = arith.constant 1.000000e+00 : f32
      %parallel_loop3A_1234 = vector.broadcast %parallel_loop3A_1233 : f32 to vector<16xf32>
      %parallel_loop3A_1235 = arith.addf %parallel_loop3A_1234, %parallel_loop3A_1228 : vector<16xf32>
      %parallel_loop3A_1236 = arith.mulf %parallel_loop3A_1232, %parallel_loop3A_1235 : vector<16xf32>
      %parallel_loop3A_1237 = arith.divf %parallel_loop3A_1229, %parallel_loop3A_1236 : vector<16xf32>
      %parallel_loop3A_1238 = arith.addf %parallel_loop3A_1162, %parallel_loop3A_1237 : vector<16xf32>
      %parallel_loop3A_1239 = arith.subf %parallel_loop3A_1170, %gather3A_163 : vector<16xf32>
      %parallel_loop3A_1240 = math.absf %parallel_loop3A_1239 : vector<16xf32>
      %parallel_loop3A_1241 = arith.subf %parallel_loop3A_1170, %sub3A_222 : vector<16xf32>
      %parallel_loop3A_1242 = math.absf %parallel_loop3A_1241 : vector<16xf32>
      %parallel_loop3A_1243 = arith.addf %parallel_loop3A_1240, %parallel_loop3A_1242 : vector<16xf32>
      %parallel_loop3A_1244 = arith.subf %abs3A, %parallel_loop3A_1243 : vector<16xf32>
      %parallel_loop3A_1245 = math.absf %parallel_loop3A_1244 : vector<16xf32>
      %parallel_loop3A_1246 = arith.subf %parallel_loop3A_1245, %parallel_loop3A_1243 : vector<16xf32>
      %parallel_loop3A_1247 = arith.constant 1.000000e+00 : f32
      %parallel_loop3A_1248 = vector.broadcast %parallel_loop3A_1247 : f32 to vector<16xf32>
      %parallel_loop3A_1249 = arith.addf %parallel_loop3A_1248, %parallel_loop3A_1243 : vector<16xf32>
      %parallel_loop3A_1250 = arith.constant 1.000000e+00 : f32
      %parallel_loop3A_1251 = vector.broadcast %parallel_loop3A_1250 : f32 to vector<16xf32>
      %parallel_loop3A_1252 = arith.addf %parallel_loop3A_1251, %parallel_loop3A_1245 : vector<16xf32>
      %parallel_loop3A_1253 = arith.mulf %parallel_loop3A_1249, %parallel_loop3A_1252 : vector<16xf32>
      %parallel_loop3A_1254 = arith.divf %parallel_loop3A_1246, %parallel_loop3A_1253 : vector<16xf32>
      %parallel_loop3A_1255 = arith.addf %parallel_loop3A_1163, %parallel_loop3A_1254 : vector<16xf32>
      %parallel_loop3A_1256 = arith.subf %parallel_loop3A_1170, %gather3A_167 : vector<16xf32>
      %parallel_loop3A_1257 = math.absf %parallel_loop3A_1256 : vector<16xf32>
      %parallel_loop3A_1258 = arith.subf %parallel_loop3A_1170, %sub3A_225 : vector<16xf32>
      %parallel_loop3A_1259 = math.absf %parallel_loop3A_1258 : vector<16xf32>
      %parallel_loop3A_1260 = arith.addf %parallel_loop3A_1257, %parallel_loop3A_1259 : vector<16xf32>
      %parallel_loop3A_1261 = arith.subf %abs3A, %parallel_loop3A_1260 : vector<16xf32>
      %parallel_loop3A_1262 = math.absf %parallel_loop3A_1261 : vector<16xf32>
      %parallel_loop3A_1263 = arith.subf %parallel_loop3A_1262, %parallel_loop3A_1260 : vector<16xf32>
      %parallel_loop3A_1264 = arith.constant 1.000000e+00 : f32
      %parallel_loop3A_1265 = vector.broadcast %parallel_loop3A_1264 : f32 to vector<16xf32>
      %parallel_loop3A_1266 = arith.addf %parallel_loop3A_1265, %parallel_loop3A_1260 : vector<16xf32>
      %parallel_loop3A_1267 = arith.constant 1.000000e+00 : f32
      %parallel_loop3A_1268 = vector.broadcast %parallel_loop3A_1267 : f32 to vector<16xf32>
      %parallel_loop3A_1269 = arith.addf %parallel_loop3A_1268, %parallel_loop3A_1262 : vector<16xf32>
      %parallel_loop3A_1270 = arith.mulf %parallel_loop3A_1266, %parallel_loop3A_1269 : vector<16xf32>
      %parallel_loop3A_1271 = arith.divf %parallel_loop3A_1263, %parallel_loop3A_1270 : vector<16xf32>
      %parallel_loop3A_1272 = arith.addf %parallel_loop3A_1164, %parallel_loop3A_1271 : vector<16xf32>
      %parallel_loop3A_1273 = arith.subf %parallel_loop3A_1170, %gather3A_171 : vector<16xf32>
      %parallel_loop3A_1274 = math.absf %parallel_loop3A_1273 : vector<16xf32>
      %parallel_loop3A_1275 = arith.subf %parallel_loop3A_1170, %sub3A_228 : vector<16xf32>
      %parallel_loop3A_1276 = math.absf %parallel_loop3A_1275 : vector<16xf32>
      %parallel_loop3A_1277 = arith.addf %parallel_loop3A_1274, %parallel_loop3A_1276 : vector<16xf32>
      %parallel_loop3A_1278 = arith.subf %abs3A, %parallel_loop3A_1277 : vector<16xf32>
      %parallel_loop3A_1279 = math.absf %parallel_loop3A_1278 : vector<16xf32>
      %parallel_loop3A_1280 = arith.subf %parallel_loop3A_1279, %parallel_loop3A_1277 : vector<16xf32>
      %parallel_loop3A_1281 = arith.constant 1.000000e+00 : f32
      %parallel_loop3A_1282 = vector.broadcast %parallel_loop3A_1281 : f32 to vector<16xf32>
      %parallel_loop3A_1283 = arith.addf %parallel_loop3A_1282, %parallel_loop3A_1277 : vector<16xf32>
      %parallel_loop3A_1284 = arith.constant 1.000000e+00 : f32
      %parallel_loop3A_1285 = vector.broadcast %parallel_loop3A_1284 : f32 to vector<16xf32>
      %parallel_loop3A_1286 = arith.addf %parallel_loop3A_1285, %parallel_loop3A_1279 : vector<16xf32>
      %parallel_loop3A_1287 = arith.mulf %parallel_loop3A_1283, %parallel_loop3A_1286 : vector<16xf32>
      %parallel_loop3A_1288 = arith.divf %parallel_loop3A_1280, %parallel_loop3A_1287 : vector<16xf32>
      %parallel_loop3A_1289 = arith.addf %parallel_loop3A_1165, %parallel_loop3A_1288 : vector<16xf32>
      %parallel_loop3A_1290 = arith.subf %parallel_loop3A_1170, %gather3A_175 : vector<16xf32>
      %parallel_loop3A_1291 = math.absf %parallel_loop3A_1290 : vector<16xf32>
      %parallel_loop3A_1292 = arith.subf %parallel_loop3A_1170, %sub3A_231 : vector<16xf32>
      %parallel_loop3A_1293 = math.absf %parallel_loop3A_1292 : vector<16xf32>
      %parallel_loop3A_1294 = arith.addf %parallel_loop3A_1291, %parallel_loop3A_1293 : vector<16xf32>
      %parallel_loop3A_1295 = arith.subf %abs3A, %parallel_loop3A_1294 : vector<16xf32>
      %parallel_loop3A_1296 = math.absf %parallel_loop3A_1295 : vector<16xf32>
      %parallel_loop3A_1297 = arith.subf %parallel_loop3A_1296, %parallel_loop3A_1294 : vector<16xf32>
      %parallel_loop3A_1298 = arith.constant 1.000000e+00 : f32
      %parallel_loop3A_1299 = vector.broadcast %parallel_loop3A_1298 : f32 to vector<16xf32>
      %parallel_loop3A_1300 = arith.addf %parallel_loop3A_1299, %parallel_loop3A_1294 : vector<16xf32>
      %parallel_loop3A_1301 = arith.constant 1.000000e+00 : f32
      %parallel_loop3A_1302 = vector.broadcast %parallel_loop3A_1301 : f32 to vector<16xf32>
      %parallel_loop3A_1303 = arith.addf %parallel_loop3A_1302, %parallel_loop3A_1296 : vector<16xf32>
      %parallel_loop3A_1304 = arith.mulf %parallel_loop3A_1300, %parallel_loop3A_1303 : vector<16xf32>
      %parallel_loop3A_1305 = arith.divf %parallel_loop3A_1297, %parallel_loop3A_1304 : vector<16xf32>
      %parallel_loop3A_1306 = arith.addf %parallel_loop3A_1166, %parallel_loop3A_1305 : vector<16xf32>
      scf.yield %parallel_loop3A_1187, %parallel_loop3A_1204, %parallel_loop3A_1221, %parallel_loop3A_1238, %parallel_loop3A_1255, %parallel_loop3A_1272, %parallel_loop3A_1289, %parallel_loop3A_1306 : vector<16xf32>, vector<16xf32>, vector<16xf32>, vector<16xf32>, vector<16xf32>, vector<16xf32>, vector<16xf32>, vector<16xf32>
    } {sc.loop_unroll_factor = 2 : i64, sc.parallel_access}
    %swap3A_236 = arith.constant 128 : index
    %swap3A_237 = tpu.vector_load %arg10[%swap3A_236] {strides = array<i32>} : memref<512xf32, #tpu.memory_space<vmem>>, vector<16xf32>,
    %swap3A_238 = vector.shape_cast %swap3A_237 : vector<16xf32> to vector<16xf32>
    %swap3A_239 = vector.shape_cast %parallel_loop3A_235#0 : vector<16xf32> to vector<16xf32>
    tpu.vector_store %arg10[%swap3A_236], %swap3A_239 {strides = array<i32>} : memref<512xf32, #tpu.memory_space<vmem>>, vector<16xf32>,
    %swap3A_240 = arith.constant 144 : index
    %swap3A_241 = tpu.vector_load %arg10[%swap3A_240] {strides = array<i32>} : memref<512xf32, #tpu.memory_space<vmem>>, vector<16xf32>,
    %swap3A_242 = vector.shape_cast %swap3A_241 : vector<16xf32> to vector<16xf32>
    %swap3A_243 = vector.shape_cast %parallel_loop3A_235#1 : vector<16xf32> to vector<16xf32>
    tpu.vector_store %arg10[%swap3A_240], %swap3A_243 {strides = array<i32>} : memref<512xf32, #tpu.memory_space<vmem>>, vector<16xf32>,
    %swap3A_244 = arith.constant 160 : index
    %swap3A_245 = tpu.vector_load %arg10[%swap3A_244] {strides = array<i32>} : memref<512xf32, #tpu.memory_space<vmem>>, vector<16xf32>,
    %swap3A_246 = vector.shape_cast %swap3A_245 : vector<16xf32> to vector<16xf32>
    %swap3A_247 = vector.shape_cast %parallel_loop3A_235#2 : vector<16xf32> to vector<16xf32>
    tpu.vector_store %arg10[%swap3A_244], %swap3A_247 {strides = array<i32>} : memref<512xf32, #tpu.memory_space<vmem>>, vector<16xf32>,
    %swap3A_248 = arith.constant 176 : index
    %swap3A_249 = tpu.vector_load %arg10[%swap3A_248] {strides = array<i32>} : memref<512xf32, #tpu.memory_space<vmem>>, vector<16xf32>,
    %swap3A_250 = vector.shape_cast %swap3A_249 : vector<16xf32> to vector<16xf32>
    %swap3A_251 = vector.shape_cast %parallel_loop3A_235#3 : vector<16xf32> to vector<16xf32>
    tpu.vector_store %arg10[%swap3A_248], %swap3A_251 {strides = array<i32>} : memref<512xf32, #tpu.memory_space<vmem>>, vector<16xf32>,
    %swap3A_252 = arith.constant 192 : index
    %swap3A_253 = tpu.vector_load %arg10[%swap3A_252] {strides = array<i32>} : memref<512xf32, #tpu.memory_space<vmem>>, vector<16xf32>,
    %swap3A_254 = vector.shape_cast %swap3A_253 : vector<16xf32> to vector<16xf32>
    %swap3A_255 = vector.shape_cast %parallel_loop3A_235#4 : vector<16xf32> to vector<16xf32>
    tpu.vector_store %arg10[%swap3A_252], %swap3A_255 {strides = array<i32>} : memref<512xf32, #tpu.memory_space<vmem>>, vector<16xf32>,
    %swap3A_256 = arith.constant 208 : index
    %swap3A_257 = tpu.vector_load %arg10[%swap3A_256] {strides = array<i32>} : memref<512xf32, #tpu.memory_space<vmem>>, vector<16xf32>,
    %swap3A_258 = vector.shape_cast %swap3A_257 : vector<16xf32> to vector<16xf32>
    %swap3A_259 = vector.shape_cast %parallel_loop3A_235#5 : vector<16xf32> to vector<16xf32>
    tpu.vector_store %arg10[%swap3A_256], %swap3A_259 {strides = array<i32>} : memref<512xf32, #tpu.memory_space<vmem>>, vector<16xf32>,
    %swap3A_260 = arith.constant 224 : index
    %swap3A_261 = tpu.vector_load %arg10[%swap3A_260] {strides = array<i32>} : memref<512xf32, #tpu.memory_space<vmem>>, vector<16xf32>,
    %swap3A_262 = vector.shape_cast %swap3A_261 : vector<16xf32> to vector<16xf32>
    %swap3A_263 = vector.shape_cast %parallel_loop3A_235#6 : vector<16xf32> to vector<16xf32>
    tpu.vector_store %arg10[%swap3A_260], %swap3A_263 {strides = array<i32>} : memref<512xf32, #tpu.memory_space<vmem>>, vector<16xf32>,
    %swap3A_264 = arith.constant 240 : index
    %swap3A_265 = tpu.vector_load %arg10[%swap3A_264] {strides = array<i32>} : memref<512xf32, #tpu.memory_space<vmem>>, vector<16xf32>,
    %swap3A_266 = vector.shape_cast %swap3A_265 : vector<16xf32> to vector<16xf32>
    %swap3A_267 = vector.shape_cast %parallel_loop3A_235#7 : vector<16xf32> to vector<16xf32>
    tpu.vector_store %arg10[%swap3A_264], %swap3A_267 {strides = array<i32>} : memref<512xf32, #tpu.memory_space<vmem>>, vector<16xf32>,
    %get3A_268 = arith.constant 16 : index
    %get3A_269 = tpu.vector_load %arg8[%get3A_268] {strides = array<i32>} : memref<64xf32, #tpu.memory_space<vmem>>, vector<16xf32>,
    %get3A_270 = vector.shape_cast %get3A_269 : vector<16xf32> to vector<16xf32>
    %get3A_271 = arith.constant 48 : index
    %get3A_272 = tpu.vector_load %arg8[%get3A_271] {strides = array<i32>} : memref<64xf32, #tpu.memory_space<vmem>>, vector<16xf32>,
    %get3A_273 = vector.shape_cast %get3A_272 : vector<16xf32> to vector<16xf32>
    %broadcast_in_dim3A_274 = arith.constant 0 : i32
    %broadcast_in_dim3A_275 = vector.broadcast %broadcast_in_dim3A_274 : i32 to vector<16x1xi32>
    %gather3A_276 = vector.shape_cast %broadcast_in_dim3A_275 : vector<16x1xi32> to vector<16xi32>
    %gather3A_277 = tpu.dynamic_gather %get3A_270[%gather3A_276] in [0] : vector<16xf32>, vector<16xi32> -> vector<16xf32>
    %broadcast_in_dim3A_278 = arith.constant 1 : i32
    %broadcast_in_dim3A_279 = vector.broadcast %broadcast_in_dim3A_278 : i32 to vector<16x1xi32>
    %gather3A_280 = vector.shape_cast %broadcast_in_dim3A_279 : vector<16x1xi32> to vector<16xi32>
    %gather3A_281 = tpu.dynamic_gather %get3A_270[%gather3A_280] in [0] : vector<16xf32>, vector<16xi32> -> vector<16xf32>
    %broadcast_in_dim3A_282 = arith.constant 2 : i32
    %broadcast_in_dim3A_283 = vector.broadcast %broadcast_in_dim3A_282 : i32 to vector<16x1xi32>
    %gather3A_284 = vector.shape_cast %broadcast_in_dim3A_283 : vector<16x1xi32> to vector<16xi32>
    %gather3A_285 = tpu.dynamic_gather %get3A_270[%gather3A_284] in [0] : vector<16xf32>, vector<16xi32> -> vector<16xf32>
    %broadcast_in_dim3A_286 = arith.constant 3 : i32
    %broadcast_in_dim3A_287 = vector.broadcast %broadcast_in_dim3A_286 : i32 to vector<16x1xi32>
    %gather3A_288 = vector.shape_cast %broadcast_in_dim3A_287 : vector<16x1xi32> to vector<16xi32>
    %gather3A_289 = tpu.dynamic_gather %get3A_270[%gather3A_288] in [0] : vector<16xf32>, vector<16xi32> -> vector<16xf32>
    %broadcast_in_dim3A_290 = arith.constant 4 : i32
    %broadcast_in_dim3A_291 = vector.broadcast %broadcast_in_dim3A_290 : i32 to vector<16x1xi32>
    %gather3A_292 = vector.shape_cast %broadcast_in_dim3A_291 : vector<16x1xi32> to vector<16xi32>
    %gather3A_293 = tpu.dynamic_gather %get3A_270[%gather3A_292] in [0] : vector<16xf32>, vector<16xi32> -> vector<16xf32>
    %broadcast_in_dim3A_294 = arith.constant 5 : i32
    %broadcast_in_dim3A_295 = vector.broadcast %broadcast_in_dim3A_294 : i32 to vector<16x1xi32>
    %gather3A_296 = vector.shape_cast %broadcast_in_dim3A_295 : vector<16x1xi32> to vector<16xi32>
    %gather3A_297 = tpu.dynamic_gather %get3A_270[%gather3A_296] in [0] : vector<16xf32>, vector<16xi32> -> vector<16xf32>
    %broadcast_in_dim3A_298 = arith.constant 6 : i32
    %broadcast_in_dim3A_299 = vector.broadcast %broadcast_in_dim3A_298 : i32 to vector<16x1xi32>
    %gather3A_300 = vector.shape_cast %broadcast_in_dim3A_299 : vector<16x1xi32> to vector<16xi32>
    %gather3A_301 = tpu.dynamic_gather %get3A_270[%gather3A_300] in [0] : vector<16xf32>, vector<16xi32> -> vector<16xf32>
    %broadcast_in_dim3A_302 = arith.constant 7 : i32
    %broadcast_in_dim3A_303 = vector.broadcast %broadcast_in_dim3A_302 : i32 to vector<16x1xi32>
    %gather3A_304 = vector.shape_cast %broadcast_in_dim3A_303 : vector<16x1xi32> to vector<16xi32>
    %gather3A_305 = tpu.dynamic_gather %get3A_270[%gather3A_304] in [0] : vector<16xf32>, vector<16xi32> -> vector<16xf32>
    %broadcast_in_dim3A_306 = arith.constant 0 : i32
    %broadcast_in_dim3A_307 = vector.broadcast %broadcast_in_dim3A_306 : i32 to vector<16x1xi32>
    %gather3A_308 = vector.shape_cast %broadcast_in_dim3A_307 : vector<16x1xi32> to vector<16xi32>
    %gather3A_309 = tpu.dynamic_gather %get3A_273[%gather3A_308] in [0] : vector<16xf32>, vector<16xi32> -> vector<16xf32>
    %broadcast_in_dim3A_310 = arith.constant 1 : i32
    %broadcast_in_dim3A_311 = vector.broadcast %broadcast_in_dim3A_310 : i32 to vector<16x1xi32>
    %gather3A_312 = vector.shape_cast %broadcast_in_dim3A_311 : vector<16x1xi32> to vector<16xi32>
    %gather3A_313 = tpu.dynamic_gather %get3A_273[%gather3A_312] in [0] : vector<16xf32>, vector<16xi32> -> vector<16xf32>
    %broadcast_in_dim3A_314 = arith.constant 2 : i32
    %broadcast_in_dim3A_315 = vector.broadcast %broadcast_in_dim3A_314 : i32 to vector<16x1xi32>
    %gather3A_316 = vector.shape_cast %broadcast_in_dim3A_315 : vector<16x1xi32> to vector<16xi32>
    %gather3A_317 = tpu.dynamic_gather %get3A_273[%gather3A_316] in [0] : vector<16xf32>, vector<16xi32> -> vector<16xf32>
    %broadcast_in_dim3A_318 = arith.constant 3 : i32
    %broadcast_in_dim3A_319 = vector.broadcast %broadcast_in_dim3A_318 : i32 to vector<16x1xi32>
    %gather3A_320 = vector.shape_cast %broadcast_in_dim3A_319 : vector<16x1xi32> to vector<16xi32>
    %gather3A_321 = tpu.dynamic_gather %get3A_273[%gather3A_320] in [0] : vector<16xf32>, vector<16xi32> -> vector<16xf32>
    %broadcast_in_dim3A_322 = arith.constant 4 : i32
    %broadcast_in_dim3A_323 = vector.broadcast %broadcast_in_dim3A_322 : i32 to vector<16x1xi32>
    %gather3A_324 = vector.shape_cast %broadcast_in_dim3A_323 : vector<16x1xi32> to vector<16xi32>
    %gather3A_325 = tpu.dynamic_gather %get3A_273[%gather3A_324] in [0] : vector<16xf32>, vector<16xi32> -> vector<16xf32>
    %broadcast_in_dim3A_326 = arith.constant 5 : i32
    %broadcast_in_dim3A_327 = vector.broadcast %broadcast_in_dim3A_326 : i32 to vector<16x1xi32>
    %gather3A_328 = vector.shape_cast %broadcast_in_dim3A_327 : vector<16x1xi32> to vector<16xi32>
    %gather3A_329 = tpu.dynamic_gather %get3A_273[%gather3A_328] in [0] : vector<16xf32>, vector<16xi32> -> vector<16xf32>
    %broadcast_in_dim3A_330 = arith.constant 6 : i32
    %broadcast_in_dim3A_331 = vector.broadcast %broadcast_in_dim3A_330 : i32 to vector<16x1xi32>
    %gather3A_332 = vector.shape_cast %broadcast_in_dim3A_331 : vector<16x1xi32> to vector<16xi32>
    %gather3A_333 = tpu.dynamic_gather %get3A_273[%gather3A_332] in [0] : vector<16xf32>, vector<16xi32> -> vector<16xf32>
    %broadcast_in_dim3A_334 = arith.constant 7 : i32
    %broadcast_in_dim3A_335 = vector.broadcast %broadcast_in_dim3A_334 : i32 to vector<16x1xi32>
    %gather3A_336 = vector.shape_cast %broadcast_in_dim3A_335 : vector<16x1xi32> to vector<16xi32>
    %gather3A_337 = tpu.dynamic_gather %get3A_273[%gather3A_336] in [0] : vector<16xf32>, vector<16xi32> -> vector<16xf32>
    %sub3A_338 = arith.constant 1.000000e+00 : f32
    %sub3A_339 = vector.broadcast %sub3A_338 : f32 to vector<16xf32>
    %sub3A_340 = arith.subf %sub3A_339, %gather3A_309 : vector<16xf32>
    %sub3A_341 = arith.constant 1.000000e+00 : f32
    %sub3A_342 = vector.broadcast %sub3A_341 : f32 to vector<16xf32>
    %sub3A_343 = arith.subf %sub3A_342, %gather3A_313 : vector<16xf32>
    %sub3A_344 = arith.constant 1.000000e+00 : f32
    %sub3A_345 = vector.broadcast %sub3A_344 : f32 to vector<16xf32>
    %sub3A_346 = arith.subf %sub3A_345, %gather3A_317 : vector<16xf32>
    %sub3A_347 = arith.constant 1.000000e+00 : f32
    %sub3A_348 = vector.broadcast %sub3A_347 : f32 to vector<16xf32>
    %sub3A_349 = arith.subf %sub3A_348, %gather3A_321 : vector<16xf32>
    %sub3A_350 = arith.constant 1.000000e+00 : f32
    %sub3A_351 = vector.broadcast %sub3A_350 : f32 to vector<16xf32>
    %sub3A_352 = arith.subf %sub3A_351, %gather3A_325 : vector<16xf32>
    %sub3A_353 = arith.constant 1.000000e+00 : f32
    %sub3A_354 = vector.broadcast %sub3A_353 : f32 to vector<16xf32>
    %sub3A_355 = arith.subf %sub3A_354, %gather3A_329 : vector<16xf32>
    %sub3A_356 = arith.constant 1.000000e+00 : f32
    %sub3A_357 = vector.broadcast %sub3A_356 : f32 to vector<16xf32>
    %sub3A_358 = arith.subf %sub3A_357, %gather3A_333 : vector<16xf32>
    %sub3A_359 = arith.constant 1.000000e+00 : f32
    %sub3A_360 = vector.broadcast %sub3A_359 : f32 to vector<16xf32>
    %sub3A_361 = arith.subf %sub3A_360, %gather3A_337 : vector<16xf32>
    %parallel_loop3A_362 = arith.constant 0 : i32
    %parallel_loop3A_363 = arith.constant 1024 : i32
    %parallel_loop3A_364 = arith.constant 16 : i32
    %parallel_loop3A_365:8 = scf.for %parallel_loop3A_1158 = %parallel_loop3A_362 to %parallel_loop3A_363 step %parallel_loop3A_364 iter_args(%parallel_loop3A_1159 = %broadcast_in_dim3A_10, %parallel_loop3A_1160 = %broadcast_in_dim3A_10, %parallel_loop3A_1161 = %broadcast_in_dim3A_10, %parallel_loop3A_1162 = %broadcast_in_dim3A_10, %parallel_loop3A_1163 = %broadcast_in_dim3A_10, %parallel_loop3A_1164 = %broadcast_in_dim3A_10, %parallel_loop3A_1165 = %broadcast_in_dim3A_10, %parallel_loop3A_1166 = %broadcast_in_dim3A_10) -> (vector<16xf32>, vector<16xf32>, vector<16xf32>, vector<16xf32>, vector<16xf32>, vector<16xf32>, vector<16xf32>, vector<16xf32>)  : i32 {
      %parallel_loop3A_1167 = tpu.assume_multiple %parallel_loop3A_1158, 16 : i32
      %parallel_loop3A_1168 = arith.index_cast %parallel_loop3A_1167 : i32 to index
      %parallel_loop3A_1169 = tpu.vector_load %arg7[%parallel_loop3A_1168] {strides = array<i32>} : memref<2048xf32, #tpu.memory_space<vmem>>, vector<16xf32>,
      %parallel_loop3A_1170 = vector.shape_cast %parallel_loop3A_1169 : vector<16xf32> to vector<16xf32>
      %parallel_loop3A_1171 = arith.subf %parallel_loop3A_1170, %gather3A_277 : vector<16xf32>
      %parallel_loop3A_1172 = math.absf %parallel_loop3A_1171 : vector<16xf32>
      %parallel_loop3A_1173 = arith.subf %parallel_loop3A_1170, %sub3A_340 : vector<16xf32>
      %parallel_loop3A_1174 = math.absf %parallel_loop3A_1173 : vector<16xf32>
      %parallel_loop3A_1175 = arith.addf %parallel_loop3A_1172, %parallel_loop3A_1174 : vector<16xf32>
      %parallel_loop3A_1176 = arith.subf %abs3A, %parallel_loop3A_1175 : vector<16xf32>
      %parallel_loop3A_1177 = math.absf %parallel_loop3A_1176 : vector<16xf32>
      %parallel_loop3A_1178 = arith.subf %parallel_loop3A_1177, %parallel_loop3A_1175 : vector<16xf32>
      %parallel_loop3A_1179 = arith.constant 1.000000e+00 : f32
      %parallel_loop3A_1180 = vector.broadcast %parallel_loop3A_1179 : f32 to vector<16xf32>
      %parallel_loop3A_1181 = arith.addf %parallel_loop3A_1180, %parallel_loop3A_1175 : vector<16xf32>
      %parallel_loop3A_1182 = arith.constant 1.000000e+00 : f32
      %parallel_loop3A_1183 = vector.broadcast %parallel_loop3A_1182 : f32 to vector<16xf32>
      %parallel_loop3A_1184 = arith.addf %parallel_loop3A_1183, %parallel_loop3A_1177 : vector<16xf32>
      %parallel_loop3A_1185 = arith.mulf %parallel_loop3A_1181, %parallel_loop3A_1184 : vector<16xf32>
      %parallel_loop3A_1186 = arith.divf %parallel_loop3A_1178, %parallel_loop3A_1185 : vector<16xf32>
      %parallel_loop3A_1187 = arith.addf %parallel_loop3A_1159, %parallel_loop3A_1186 : vector<16xf32>
      %parallel_loop3A_1188 = arith.subf %parallel_loop3A_1170, %gather3A_281 : vector<16xf32>
      %parallel_loop3A_1189 = math.absf %parallel_loop3A_1188 : vector<16xf32>
      %parallel_loop3A_1190 = arith.subf %parallel_loop3A_1170, %sub3A_343 : vector<16xf32>
      %parallel_loop3A_1191 = math.absf %parallel_loop3A_1190 : vector<16xf32>
      %parallel_loop3A_1192 = arith.addf %parallel_loop3A_1189, %parallel_loop3A_1191 : vector<16xf32>
      %parallel_loop3A_1193 = arith.subf %abs3A, %parallel_loop3A_1192 : vector<16xf32>
      %parallel_loop3A_1194 = math.absf %parallel_loop3A_1193 : vector<16xf32>
      %parallel_loop3A_1195 = arith.subf %parallel_loop3A_1194, %parallel_loop3A_1192 : vector<16xf32>
      %parallel_loop3A_1196 = arith.constant 1.000000e+00 : f32
      %parallel_loop3A_1197 = vector.broadcast %parallel_loop3A_1196 : f32 to vector<16xf32>
      %parallel_loop3A_1198 = arith.addf %parallel_loop3A_1197, %parallel_loop3A_1192 : vector<16xf32>
      %parallel_loop3A_1199 = arith.constant 1.000000e+00 : f32
      %parallel_loop3A_1200 = vector.broadcast %parallel_loop3A_1199 : f32 to vector<16xf32>
      %parallel_loop3A_1201 = arith.addf %parallel_loop3A_1200, %parallel_loop3A_1194 : vector<16xf32>
      %parallel_loop3A_1202 = arith.mulf %parallel_loop3A_1198, %parallel_loop3A_1201 : vector<16xf32>
      %parallel_loop3A_1203 = arith.divf %parallel_loop3A_1195, %parallel_loop3A_1202 : vector<16xf32>
      %parallel_loop3A_1204 = arith.addf %parallel_loop3A_1160, %parallel_loop3A_1203 : vector<16xf32>
      %parallel_loop3A_1205 = arith.subf %parallel_loop3A_1170, %gather3A_285 : vector<16xf32>
      %parallel_loop3A_1206 = math.absf %parallel_loop3A_1205 : vector<16xf32>
      %parallel_loop3A_1207 = arith.subf %parallel_loop3A_1170, %sub3A_346 : vector<16xf32>
      %parallel_loop3A_1208 = math.absf %parallel_loop3A_1207 : vector<16xf32>
      %parallel_loop3A_1209 = arith.addf %parallel_loop3A_1206, %parallel_loop3A_1208 : vector<16xf32>
      %parallel_loop3A_1210 = arith.subf %abs3A, %parallel_loop3A_1209 : vector<16xf32>
      %parallel_loop3A_1211 = math.absf %parallel_loop3A_1210 : vector<16xf32>
      %parallel_loop3A_1212 = arith.subf %parallel_loop3A_1211, %parallel_loop3A_1209 : vector<16xf32>
      %parallel_loop3A_1213 = arith.constant 1.000000e+00 : f32
      %parallel_loop3A_1214 = vector.broadcast %parallel_loop3A_1213 : f32 to vector<16xf32>
      %parallel_loop3A_1215 = arith.addf %parallel_loop3A_1214, %parallel_loop3A_1209 : vector<16xf32>
      %parallel_loop3A_1216 = arith.constant 1.000000e+00 : f32
      %parallel_loop3A_1217 = vector.broadcast %parallel_loop3A_1216 : f32 to vector<16xf32>
      %parallel_loop3A_1218 = arith.addf %parallel_loop3A_1217, %parallel_loop3A_1211 : vector<16xf32>
      %parallel_loop3A_1219 = arith.mulf %parallel_loop3A_1215, %parallel_loop3A_1218 : vector<16xf32>
      %parallel_loop3A_1220 = arith.divf %parallel_loop3A_1212, %parallel_loop3A_1219 : vector<16xf32>
      %parallel_loop3A_1221 = arith.addf %parallel_loop3A_1161, %parallel_loop3A_1220 : vector<16xf32>
      %parallel_loop3A_1222 = arith.subf %parallel_loop3A_1170, %gather3A_289 : vector<16xf32>
      %parallel_loop3A_1223 = math.absf %parallel_loop3A_1222 : vector<16xf32>
      %parallel_loop3A_1224 = arith.subf %parallel_loop3A_1170, %sub3A_349 : vector<16xf32>
      %parallel_loop3A_1225 = math.absf %parallel_loop3A_1224 : vector<16xf32>
      %parallel_loop3A_1226 = arith.addf %parallel_loop3A_1223, %parallel_loop3A_1225 : vector<16xf32>
      %parallel_loop3A_1227 = arith.subf %abs3A, %parallel_loop3A_1226 : vector<16xf32>
      %parallel_loop3A_1228 = math.absf %parallel_loop3A_1227 : vector<16xf32>
      %parallel_loop3A_1229 = arith.subf %parallel_loop3A_1228, %parallel_loop3A_1226 : vector<16xf32>
      %parallel_loop3A_1230 = arith.constant 1.000000e+00 : f32
      %parallel_loop3A_1231 = vector.broadcast %parallel_loop3A_1230 : f32 to vector<16xf32>
      %parallel_loop3A_1232 = arith.addf %parallel_loop3A_1231, %parallel_loop3A_1226 : vector<16xf32>
      %parallel_loop3A_1233 = arith.constant 1.000000e+00 : f32
      %parallel_loop3A_1234 = vector.broadcast %parallel_loop3A_1233 : f32 to vector<16xf32>
      %parallel_loop3A_1235 = arith.addf %parallel_loop3A_1234, %parallel_loop3A_1228 : vector<16xf32>
      %parallel_loop3A_1236 = arith.mulf %parallel_loop3A_1232, %parallel_loop3A_1235 : vector<16xf32>
      %parallel_loop3A_1237 = arith.divf %parallel_loop3A_1229, %parallel_loop3A_1236 : vector<16xf32>
      %parallel_loop3A_1238 = arith.addf %parallel_loop3A_1162, %parallel_loop3A_1237 : vector<16xf32>
      %parallel_loop3A_1239 = arith.subf %parallel_loop3A_1170, %gather3A_293 : vector<16xf32>
      %parallel_loop3A_1240 = math.absf %parallel_loop3A_1239 : vector<16xf32>
      %parallel_loop3A_1241 = arith.subf %parallel_loop3A_1170, %sub3A_352 : vector<16xf32>
      %parallel_loop3A_1242 = math.absf %parallel_loop3A_1241 : vector<16xf32>
      %parallel_loop3A_1243 = arith.addf %parallel_loop3A_1240, %parallel_loop3A_1242 : vector<16xf32>
      %parallel_loop3A_1244 = arith.subf %abs3A, %parallel_loop3A_1243 : vector<16xf32>
      %parallel_loop3A_1245 = math.absf %parallel_loop3A_1244 : vector<16xf32>
      %parallel_loop3A_1246 = arith.subf %parallel_loop3A_1245, %parallel_loop3A_1243 : vector<16xf32>
      %parallel_loop3A_1247 = arith.constant 1.000000e+00 : f32
      %parallel_loop3A_1248 = vector.broadcast %parallel_loop3A_1247 : f32 to vector<16xf32>
      %parallel_loop3A_1249 = arith.addf %parallel_loop3A_1248, %parallel_loop3A_1243 : vector<16xf32>
      %parallel_loop3A_1250 = arith.constant 1.000000e+00 : f32
      %parallel_loop3A_1251 = vector.broadcast %parallel_loop3A_1250 : f32 to vector<16xf32>
      %parallel_loop3A_1252 = arith.addf %parallel_loop3A_1251, %parallel_loop3A_1245 : vector<16xf32>
      %parallel_loop3A_1253 = arith.mulf %parallel_loop3A_1249, %parallel_loop3A_1252 : vector<16xf32>
      %parallel_loop3A_1254 = arith.divf %parallel_loop3A_1246, %parallel_loop3A_1253 : vector<16xf32>
      %parallel_loop3A_1255 = arith.addf %parallel_loop3A_1163, %parallel_loop3A_1254 : vector<16xf32>
      %parallel_loop3A_1256 = arith.subf %parallel_loop3A_1170, %gather3A_297 : vector<16xf32>
      %parallel_loop3A_1257 = math.absf %parallel_loop3A_1256 : vector<16xf32>
      %parallel_loop3A_1258 = arith.subf %parallel_loop3A_1170, %sub3A_355 : vector<16xf32>
      %parallel_loop3A_1259 = math.absf %parallel_loop3A_1258 : vector<16xf32>
      %parallel_loop3A_1260 = arith.addf %parallel_loop3A_1257, %parallel_loop3A_1259 : vector<16xf32>
      %parallel_loop3A_1261 = arith.subf %abs3A, %parallel_loop3A_1260 : vector<16xf32>
      %parallel_loop3A_1262 = math.absf %parallel_loop3A_1261 : vector<16xf32>
      %parallel_loop3A_1263 = arith.subf %parallel_loop3A_1262, %parallel_loop3A_1260 : vector<16xf32>
      %parallel_loop3A_1264 = arith.constant 1.000000e+00 : f32
      %parallel_loop3A_1265 = vector.broadcast %parallel_loop3A_1264 : f32 to vector<16xf32>
      %parallel_loop3A_1266 = arith.addf %parallel_loop3A_1265, %parallel_loop3A_1260 : vector<16xf32>
      %parallel_loop3A_1267 = arith.constant 1.000000e+00 : f32
      %parallel_loop3A_1268 = vector.broadcast %parallel_loop3A_1267 : f32 to vector<16xf32>
      %parallel_loop3A_1269 = arith.addf %parallel_loop3A_1268, %parallel_loop3A_1262 : vector<16xf32>
      %parallel_loop3A_1270 = arith.mulf %parallel_loop3A_1266, %parallel_loop3A_1269 : vector<16xf32>
      %parallel_loop3A_1271 = arith.divf %parallel_loop3A_1263, %parallel_loop3A_1270 : vector<16xf32>
      %parallel_loop3A_1272 = arith.addf %parallel_loop3A_1164, %parallel_loop3A_1271 : vector<16xf32>
      %parallel_loop3A_1273 = arith.subf %parallel_loop3A_1170, %gather3A_301 : vector<16xf32>
      %parallel_loop3A_1274 = math.absf %parallel_loop3A_1273 : vector<16xf32>
      %parallel_loop3A_1275 = arith.subf %parallel_loop3A_1170, %sub3A_358 : vector<16xf32>
      %parallel_loop3A_1276 = math.absf %parallel_loop3A_1275 : vector<16xf32>
      %parallel_loop3A_1277 = arith.addf %parallel_loop3A_1274, %parallel_loop3A_1276 : vector<16xf32>
      %parallel_loop3A_1278 = arith.subf %abs3A, %parallel_loop3A_1277 : vector<16xf32>
      %parallel_loop3A_1279 = math.absf %parallel_loop3A_1278 : vector<16xf32>
      %parallel_loop3A_1280 = arith.subf %parallel_loop3A_1279, %parallel_loop3A_1277 : vector<16xf32>
      %parallel_loop3A_1281 = arith.constant 1.000000e+00 : f32
      %parallel_loop3A_1282 = vector.broadcast %parallel_loop3A_1281 : f32 to vector<16xf32>
      %parallel_loop3A_1283 = arith.addf %parallel_loop3A_1282, %parallel_loop3A_1277 : vector<16xf32>
      %parallel_loop3A_1284 = arith.constant 1.000000e+00 : f32
      %parallel_loop3A_1285 = vector.broadcast %parallel_loop3A_1284 : f32 to vector<16xf32>
      %parallel_loop3A_1286 = arith.addf %parallel_loop3A_1285, %parallel_loop3A_1279 : vector<16xf32>
      %parallel_loop3A_1287 = arith.mulf %parallel_loop3A_1283, %parallel_loop3A_1286 : vector<16xf32>
      %parallel_loop3A_1288 = arith.divf %parallel_loop3A_1280, %parallel_loop3A_1287 : vector<16xf32>
      %parallel_loop3A_1289 = arith.addf %parallel_loop3A_1165, %parallel_loop3A_1288 : vector<16xf32>
      %parallel_loop3A_1290 = arith.subf %parallel_loop3A_1170, %gather3A_305 : vector<16xf32>
      %parallel_loop3A_1291 = math.absf %parallel_loop3A_1290 : vector<16xf32>
      %parallel_loop3A_1292 = arith.subf %parallel_loop3A_1170, %sub3A_361 : vector<16xf32>
      %parallel_loop3A_1293 = math.absf %parallel_loop3A_1292 : vector<16xf32>
      %parallel_loop3A_1294 = arith.addf %parallel_loop3A_1291, %parallel_loop3A_1293 : vector<16xf32>
      %parallel_loop3A_1295 = arith.subf %abs3A, %parallel_loop3A_1294 : vector<16xf32>
      %parallel_loop3A_1296 = math.absf %parallel_loop3A_1295 : vector<16xf32>
      %parallel_loop3A_1297 = arith.subf %parallel_loop3A_1296, %parallel_loop3A_1294 : vector<16xf32>
      %parallel_loop3A_1298 = arith.constant 1.000000e+00 : f32
      %parallel_loop3A_1299 = vector.broadcast %parallel_loop3A_1298 : f32 to vector<16xf32>
      %parallel_loop3A_1300 = arith.addf %parallel_loop3A_1299, %parallel_loop3A_1294 : vector<16xf32>
      %parallel_loop3A_1301 = arith.constant 1.000000e+00 : f32
      %parallel_loop3A_1302 = vector.broadcast %parallel_loop3A_1301 : f32 to vector<16xf32>
      %parallel_loop3A_1303 = arith.addf %parallel_loop3A_1302, %parallel_loop3A_1296 : vector<16xf32>
      %parallel_loop3A_1304 = arith.mulf %parallel_loop3A_1300, %parallel_loop3A_1303 : vector<16xf32>
      %parallel_loop3A_1305 = arith.divf %parallel_loop3A_1297, %parallel_loop3A_1304 : vector<16xf32>
      %parallel_loop3A_1306 = arith.addf %parallel_loop3A_1166, %parallel_loop3A_1305 : vector<16xf32>
      scf.yield %parallel_loop3A_1187, %parallel_loop3A_1204, %parallel_loop3A_1221, %parallel_loop3A_1238, %parallel_loop3A_1255, %parallel_loop3A_1272, %parallel_loop3A_1289, %parallel_loop3A_1306 : vector<16xf32>, vector<16xf32>, vector<16xf32>, vector<16xf32>, vector<16xf32>, vector<16xf32>, vector<16xf32>, vector<16xf32>
    } {sc.loop_unroll_factor = 2 : i64, sc.parallel_access}
    %swap3A_366 = arith.constant 256 : index
    %swap3A_367 = tpu.vector_load %arg10[%swap3A_366] {strides = array<i32>} : memref<512xf32, #tpu.memory_space<vmem>>, vector<16xf32>,
    %swap3A_368 = vector.shape_cast %swap3A_367 : vector<16xf32> to vector<16xf32>
    %swap3A_369 = vector.shape_cast %parallel_loop3A_365#0 : vector<16xf32> to vector<16xf32>
    tpu.vector_store %arg10[%swap3A_366], %swap3A_369 {strides = array<i32>} : memref<512xf32, #tpu.memory_space<vmem>>, vector<16xf32>,
    %swap3A_370 = arith.constant 272 : index
    %swap3A_371 = tpu.vector_load %arg10[%swap3A_370] {strides = array<i32>} : memref<512xf32, #tpu.memory_space<vmem>>, vector<16xf32>,
    %swap3A_372 = vector.shape_cast %swap3A_371 : vector<16xf32> to vector<16xf32>
    %swap3A_373 = vector.shape_cast %parallel_loop3A_365#1 : vector<16xf32> to vector<16xf32>
    tpu.vector_store %arg10[%swap3A_370], %swap3A_373 {strides = array<i32>} : memref<512xf32, #tpu.memory_space<vmem>>, vector<16xf32>,
    %swap3A_374 = arith.constant 288 : index
    %swap3A_375 = tpu.vector_load %arg10[%swap3A_374] {strides = array<i32>} : memref<512xf32, #tpu.memory_space<vmem>>, vector<16xf32>,
    %swap3A_376 = vector.shape_cast %swap3A_375 : vector<16xf32> to vector<16xf32>
    %swap3A_377 = vector.shape_cast %parallel_loop3A_365#2 : vector<16xf32> to vector<16xf32>
    tpu.vector_store %arg10[%swap3A_374], %swap3A_377 {strides = array<i32>} : memref<512xf32, #tpu.memory_space<vmem>>, vector<16xf32>,
    %swap3A_378 = arith.constant 304 : index
    %swap3A_379 = tpu.vector_load %arg10[%swap3A_378] {strides = array<i32>} : memref<512xf32, #tpu.memory_space<vmem>>, vector<16xf32>,
    %swap3A_380 = vector.shape_cast %swap3A_379 : vector<16xf32> to vector<16xf32>
    %swap3A_381 = vector.shape_cast %parallel_loop3A_365#3 : vector<16xf32> to vector<16xf32>
    tpu.vector_store %arg10[%swap3A_378], %swap3A_381 {strides = array<i32>} : memref<512xf32, #tpu.memory_space<vmem>>, vector<16xf32>,
    %swap3A_382 = arith.constant 320 : index
    %swap3A_383 = tpu.vector_load %arg10[%swap3A_382] {strides = array<i32>} : memref<512xf32, #tpu.memory_space<vmem>>, vector<16xf32>,
    %swap3A_384 = vector.shape_cast %swap3A_383 : vector<16xf32> to vector<16xf32>
    %swap3A_385 = vector.shape_cast %parallel_loop3A_365#4 : vector<16xf32> to vector<16xf32>
    tpu.vector_store %arg10[%swap3A_382], %swap3A_385 {strides = array<i32>} : memref<512xf32, #tpu.memory_space<vmem>>, vector<16xf32>,
    %swap3A_386 = arith.constant 336 : index
    %swap3A_387 = tpu.vector_load %arg10[%swap3A_386] {strides = array<i32>} : memref<512xf32, #tpu.memory_space<vmem>>, vector<16xf32>,
    %swap3A_388 = vector.shape_cast %swap3A_387 : vector<16xf32> to vector<16xf32>
    %swap3A_389 = vector.shape_cast %parallel_loop3A_365#5 : vector<16xf32> to vector<16xf32>
    tpu.vector_store %arg10[%swap3A_386], %swap3A_389 {strides = array<i32>} : memref<512xf32, #tpu.memory_space<vmem>>, vector<16xf32>,
    %swap3A_390 = arith.constant 352 : index
    %swap3A_391 = tpu.vector_load %arg10[%swap3A_390] {strides = array<i32>} : memref<512xf32, #tpu.memory_space<vmem>>, vector<16xf32>,
    %swap3A_392 = vector.shape_cast %swap3A_391 : vector<16xf32> to vector<16xf32>
    %swap3A_393 = vector.shape_cast %parallel_loop3A_365#6 : vector<16xf32> to vector<16xf32>
    tpu.vector_store %arg10[%swap3A_390], %swap3A_393 {strides = array<i32>} : memref<512xf32, #tpu.memory_space<vmem>>, vector<16xf32>,
    %swap3A_394 = arith.constant 368 : index
    %swap3A_395 = tpu.vector_load %arg10[%swap3A_394] {strides = array<i32>} : memref<512xf32, #tpu.memory_space<vmem>>, vector<16xf32>,
    %swap3A_396 = vector.shape_cast %swap3A_395 : vector<16xf32> to vector<16xf32>
    %swap3A_397 = vector.shape_cast %parallel_loop3A_365#7 : vector<16xf32> to vector<16xf32>
    tpu.vector_store %arg10[%swap3A_394], %swap3A_397 {strides = array<i32>} : memref<512xf32, #tpu.memory_space<vmem>>, vector<16xf32>,
    %get3A_398 = arith.constant 16 : index
    %get3A_399 = tpu.vector_load %arg8[%get3A_398] {strides = array<i32>} : memref<64xf32, #tpu.memory_space<vmem>>, vector<16xf32>,
    %get3A_400 = vector.shape_cast %get3A_399 : vector<16xf32> to vector<16xf32>
    %get3A_401 = arith.constant 48 : index
    %get3A_402 = tpu.vector_load %arg8[%get3A_401] {strides = array<i32>} : memref<64xf32, #tpu.memory_space<vmem>>, vector<16xf32>,
    %get3A_403 = vector.shape_cast %get3A_402 : vector<16xf32> to vector<16xf32>
    %broadcast_in_dim3A_404 = arith.constant 8 : i32
    %broadcast_in_dim3A_405 = vector.broadcast %broadcast_in_dim3A_404 : i32 to vector<16x1xi32>
    %gather3A_406 = vector.shape_cast %broadcast_in_dim3A_405 : vector<16x1xi32> to vector<16xi32>
    %gather3A_407 = tpu.dynamic_gather %get3A_400[%gather3A_406] in [0] : vector<16xf32>, vector<16xi32> -> vector<16xf32>
    %broadcast_in_dim3A_408 = arith.constant 9 : i32
    %broadcast_in_dim3A_409 = vector.broadcast %broadcast_in_dim3A_408 : i32 to vector<16x1xi32>
    %gather3A_410 = vector.shape_cast %broadcast_in_dim3A_409 : vector<16x1xi32> to vector<16xi32>
    %gather3A_411 = tpu.dynamic_gather %get3A_400[%gather3A_410] in [0] : vector<16xf32>, vector<16xi32> -> vector<16xf32>
    %broadcast_in_dim3A_412 = arith.constant 10 : i32
    %broadcast_in_dim3A_413 = vector.broadcast %broadcast_in_dim3A_412 : i32 to vector<16x1xi32>
    %gather3A_414 = vector.shape_cast %broadcast_in_dim3A_413 : vector<16x1xi32> to vector<16xi32>
    %gather3A_415 = tpu.dynamic_gather %get3A_400[%gather3A_414] in [0] : vector<16xf32>, vector<16xi32> -> vector<16xf32>
    %broadcast_in_dim3A_416 = arith.constant 11 : i32
    %broadcast_in_dim3A_417 = vector.broadcast %broadcast_in_dim3A_416 : i32 to vector<16x1xi32>
    %gather3A_418 = vector.shape_cast %broadcast_in_dim3A_417 : vector<16x1xi32> to vector<16xi32>
    %gather3A_419 = tpu.dynamic_gather %get3A_400[%gather3A_418] in [0] : vector<16xf32>, vector<16xi32> -> vector<16xf32>
    %broadcast_in_dim3A_420 = arith.constant 12 : i32
    %broadcast_in_dim3A_421 = vector.broadcast %broadcast_in_dim3A_420 : i32 to vector<16x1xi32>
    %gather3A_422 = vector.shape_cast %broadcast_in_dim3A_421 : vector<16x1xi32> to vector<16xi32>
    %gather3A_423 = tpu.dynamic_gather %get3A_400[%gather3A_422] in [0] : vector<16xf32>, vector<16xi32> -> vector<16xf32>
    %broadcast_in_dim3A_424 = arith.constant 13 : i32
    %broadcast_in_dim3A_425 = vector.broadcast %broadcast_in_dim3A_424 : i32 to vector<16x1xi32>
    %gather3A_426 = vector.shape_cast %broadcast_in_dim3A_425 : vector<16x1xi32> to vector<16xi32>
    %gather3A_427 = tpu.dynamic_gather %get3A_400[%gather3A_426] in [0] : vector<16xf32>, vector<16xi32> -> vector<16xf32>
    %broadcast_in_dim3A_428 = arith.constant 14 : i32
    %broadcast_in_dim3A_429 = vector.broadcast %broadcast_in_dim3A_428 : i32 to vector<16x1xi32>
    %gather3A_430 = vector.shape_cast %broadcast_in_dim3A_429 : vector<16x1xi32> to vector<16xi32>
    %gather3A_431 = tpu.dynamic_gather %get3A_400[%gather3A_430] in [0] : vector<16xf32>, vector<16xi32> -> vector<16xf32>
    %broadcast_in_dim3A_432 = arith.constant 15 : i32
    %broadcast_in_dim3A_433 = vector.broadcast %broadcast_in_dim3A_432 : i32 to vector<16x1xi32>
    %gather3A_434 = vector.shape_cast %broadcast_in_dim3A_433 : vector<16x1xi32> to vector<16xi32>
    %gather3A_435 = tpu.dynamic_gather %get3A_400[%gather3A_434] in [0] : vector<16xf32>, vector<16xi32> -> vector<16xf32>
    %broadcast_in_dim3A_436 = arith.constant 8 : i32
    %broadcast_in_dim3A_437 = vector.broadcast %broadcast_in_dim3A_436 : i32 to vector<16x1xi32>
    %gather3A_438 = vector.shape_cast %broadcast_in_dim3A_437 : vector<16x1xi32> to vector<16xi32>
    %gather3A_439 = tpu.dynamic_gather %get3A_403[%gather3A_438] in [0] : vector<16xf32>, vector<16xi32> -> vector<16xf32>
    %broadcast_in_dim3A_440 = arith.constant 9 : i32
    %broadcast_in_dim3A_441 = vector.broadcast %broadcast_in_dim3A_440 : i32 to vector<16x1xi32>
    %gather3A_442 = vector.shape_cast %broadcast_in_dim3A_441 : vector<16x1xi32> to vector<16xi32>
    %gather3A_443 = tpu.dynamic_gather %get3A_403[%gather3A_442] in [0] : vector<16xf32>, vector<16xi32> -> vector<16xf32>
    %broadcast_in_dim3A_444 = arith.constant 10 : i32
    %broadcast_in_dim3A_445 = vector.broadcast %broadcast_in_dim3A_444 : i32 to vector<16x1xi32>
    %gather3A_446 = vector.shape_cast %broadcast_in_dim3A_445 : vector<16x1xi32> to vector<16xi32>
    %gather3A_447 = tpu.dynamic_gather %get3A_403[%gather3A_446] in [0] : vector<16xf32>, vector<16xi32> -> vector<16xf32>
    %broadcast_in_dim3A_448 = arith.constant 11 : i32
    %broadcast_in_dim3A_449 = vector.broadcast %broadcast_in_dim3A_448 : i32 to vector<16x1xi32>
    %gather3A_450 = vector.shape_cast %broadcast_in_dim3A_449 : vector<16x1xi32> to vector<16xi32>
    %gather3A_451 = tpu.dynamic_gather %get3A_403[%gather3A_450] in [0] : vector<16xf32>, vector<16xi32> -> vector<16xf32>
    %broadcast_in_dim3A_452 = arith.constant 12 : i32
    %broadcast_in_dim3A_453 = vector.broadcast %broadcast_in_dim3A_452 : i32 to vector<16x1xi32>
    %gather3A_454 = vector.shape_cast %broadcast_in_dim3A_453 : vector<16x1xi32> to vector<16xi32>
    %gather3A_455 = tpu.dynamic_gather %get3A_403[%gather3A_454] in [0] : vector<16xf32>, vector<16xi32> -> vector<16xf32>
    %broadcast_in_dim3A_456 = arith.constant 13 : i32
    %broadcast_in_dim3A_457 = vector.broadcast %broadcast_in_dim3A_456 : i32 to vector<16x1xi32>
    %gather3A_458 = vector.shape_cast %broadcast_in_dim3A_457 : vector<16x1xi32> to vector<16xi32>
    %gather3A_459 = tpu.dynamic_gather %get3A_403[%gather3A_458] in [0] : vector<16xf32>, vector<16xi32> -> vector<16xf32>
    %broadcast_in_dim3A_460 = arith.constant 14 : i32
    %broadcast_in_dim3A_461 = vector.broadcast %broadcast_in_dim3A_460 : i32 to vector<16x1xi32>
    %gather3A_462 = vector.shape_cast %broadcast_in_dim3A_461 : vector<16x1xi32> to vector<16xi32>
    %gather3A_463 = tpu.dynamic_gather %get3A_403[%gather3A_462] in [0] : vector<16xf32>, vector<16xi32> -> vector<16xf32>
    %broadcast_in_dim3A_464 = arith.constant 15 : i32
    %broadcast_in_dim3A_465 = vector.broadcast %broadcast_in_dim3A_464 : i32 to vector<16x1xi32>
    %gather3A_466 = vector.shape_cast %broadcast_in_dim3A_465 : vector<16x1xi32> to vector<16xi32>
    %gather3A_467 = tpu.dynamic_gather %get3A_403[%gather3A_466] in [0] : vector<16xf32>, vector<16xi32> -> vector<16xf32>
    %sub3A_468 = arith.constant 1.000000e+00 : f32
    %sub3A_469 = vector.broadcast %sub3A_468 : f32 to vector<16xf32>
    %sub3A_470 = arith.subf %sub3A_469, %gather3A_439 : vector<16xf32>
    %sub3A_471 = arith.constant 1.000000e+00 : f32
    %sub3A_472 = vector.broadcast %sub3A_471 : f32 to vector<16xf32>
    %sub3A_473 = arith.subf %sub3A_472, %gather3A_443 : vector<16xf32>
    %sub3A_474 = arith.constant 1.000000e+00 : f32
    %sub3A_475 = vector.broadcast %sub3A_474 : f32 to vector<16xf32>
    %sub3A_476 = arith.subf %sub3A_475, %gather3A_447 : vector<16xf32>
    %sub3A_477 = arith.constant 1.000000e+00 : f32
    %sub3A_478 = vector.broadcast %sub3A_477 : f32 to vector<16xf32>
    %sub3A_479 = arith.subf %sub3A_478, %gather3A_451 : vector<16xf32>
    %sub3A_480 = arith.constant 1.000000e+00 : f32
    %sub3A_481 = vector.broadcast %sub3A_480 : f32 to vector<16xf32>
    %sub3A_482 = arith.subf %sub3A_481, %gather3A_455 : vector<16xf32>
    %sub3A_483 = arith.constant 1.000000e+00 : f32
    %sub3A_484 = vector.broadcast %sub3A_483 : f32 to vector<16xf32>
    %sub3A_485 = arith.subf %sub3A_484, %gather3A_459 : vector<16xf32>
    %sub3A_486 = arith.constant 1.000000e+00 : f32
    %sub3A_487 = vector.broadcast %sub3A_486 : f32 to vector<16xf32>
    %sub3A_488 = arith.subf %sub3A_487, %gather3A_463 : vector<16xf32>
    %sub3A_489 = arith.constant 1.000000e+00 : f32
    %sub3A_490 = vector.broadcast %sub3A_489 : f32 to vector<16xf32>
    %sub3A_491 = arith.subf %sub3A_490, %gather3A_467 : vector<16xf32>
    %parallel_loop3A_492 = arith.constant 0 : i32
    %parallel_loop3A_493 = arith.constant 1024 : i32
    %parallel_loop3A_494 = arith.constant 16 : i32
    %parallel_loop3A_495:8 = scf.for %parallel_loop3A_1158 = %parallel_loop3A_492 to %parallel_loop3A_493 step %parallel_loop3A_494 iter_args(%parallel_loop3A_1159 = %broadcast_in_dim3A_10, %parallel_loop3A_1160 = %broadcast_in_dim3A_10, %parallel_loop3A_1161 = %broadcast_in_dim3A_10, %parallel_loop3A_1162 = %broadcast_in_dim3A_10, %parallel_loop3A_1163 = %broadcast_in_dim3A_10, %parallel_loop3A_1164 = %broadcast_in_dim3A_10, %parallel_loop3A_1165 = %broadcast_in_dim3A_10, %parallel_loop3A_1166 = %broadcast_in_dim3A_10) -> (vector<16xf32>, vector<16xf32>, vector<16xf32>, vector<16xf32>, vector<16xf32>, vector<16xf32>, vector<16xf32>, vector<16xf32>)  : i32 {
      %parallel_loop3A_1167 = tpu.assume_multiple %parallel_loop3A_1158, 16 : i32
      %parallel_loop3A_1168 = arith.index_cast %parallel_loop3A_1167 : i32 to index
      %parallel_loop3A_1169 = tpu.vector_load %arg7[%parallel_loop3A_1168] {strides = array<i32>} : memref<2048xf32, #tpu.memory_space<vmem>>, vector<16xf32>,
      %parallel_loop3A_1170 = vector.shape_cast %parallel_loop3A_1169 : vector<16xf32> to vector<16xf32>
      %parallel_loop3A_1171 = arith.subf %parallel_loop3A_1170, %gather3A_407 : vector<16xf32>
      %parallel_loop3A_1172 = math.absf %parallel_loop3A_1171 : vector<16xf32>
      %parallel_loop3A_1173 = arith.subf %parallel_loop3A_1170, %sub3A_470 : vector<16xf32>
      %parallel_loop3A_1174 = math.absf %parallel_loop3A_1173 : vector<16xf32>
      %parallel_loop3A_1175 = arith.addf %parallel_loop3A_1172, %parallel_loop3A_1174 : vector<16xf32>
      %parallel_loop3A_1176 = arith.subf %abs3A, %parallel_loop3A_1175 : vector<16xf32>
      %parallel_loop3A_1177 = math.absf %parallel_loop3A_1176 : vector<16xf32>
      %parallel_loop3A_1178 = arith.subf %parallel_loop3A_1177, %parallel_loop3A_1175 : vector<16xf32>
      %parallel_loop3A_1179 = arith.constant 1.000000e+00 : f32
      %parallel_loop3A_1180 = vector.broadcast %parallel_loop3A_1179 : f32 to vector<16xf32>
      %parallel_loop3A_1181 = arith.addf %parallel_loop3A_1180, %parallel_loop3A_1175 : vector<16xf32>
      %parallel_loop3A_1182 = arith.constant 1.000000e+00 : f32
      %parallel_loop3A_1183 = vector.broadcast %parallel_loop3A_1182 : f32 to vector<16xf32>
      %parallel_loop3A_1184 = arith.addf %parallel_loop3A_1183, %parallel_loop3A_1177 : vector<16xf32>
      %parallel_loop3A_1185 = arith.mulf %parallel_loop3A_1181, %parallel_loop3A_1184 : vector<16xf32>
      %parallel_loop3A_1186 = arith.divf %parallel_loop3A_1178, %parallel_loop3A_1185 : vector<16xf32>
      %parallel_loop3A_1187 = arith.addf %parallel_loop3A_1159, %parallel_loop3A_1186 : vector<16xf32>
      %parallel_loop3A_1188 = arith.subf %parallel_loop3A_1170, %gather3A_411 : vector<16xf32>
      %parallel_loop3A_1189 = math.absf %parallel_loop3A_1188 : vector<16xf32>
      %parallel_loop3A_1190 = arith.subf %parallel_loop3A_1170, %sub3A_473 : vector<16xf32>
      %parallel_loop3A_1191 = math.absf %parallel_loop3A_1190 : vector<16xf32>
      %parallel_loop3A_1192 = arith.addf %parallel_loop3A_1189, %parallel_loop3A_1191 : vector<16xf32>
      %parallel_loop3A_1193 = arith.subf %abs3A, %parallel_loop3A_1192 : vector<16xf32>
      %parallel_loop3A_1194 = math.absf %parallel_loop3A_1193 : vector<16xf32>
      %parallel_loop3A_1195 = arith.subf %parallel_loop3A_1194, %parallel_loop3A_1192 : vector<16xf32>
      %parallel_loop3A_1196 = arith.constant 1.000000e+00 : f32
      %parallel_loop3A_1197 = vector.broadcast %parallel_loop3A_1196 : f32 to vector<16xf32>
      %parallel_loop3A_1198 = arith.addf %parallel_loop3A_1197, %parallel_loop3A_1192 : vector<16xf32>
      %parallel_loop3A_1199 = arith.constant 1.000000e+00 : f32
      %parallel_loop3A_1200 = vector.broadcast %parallel_loop3A_1199 : f32 to vector<16xf32>
      %parallel_loop3A_1201 = arith.addf %parallel_loop3A_1200, %parallel_loop3A_1194 : vector<16xf32>
      %parallel_loop3A_1202 = arith.mulf %parallel_loop3A_1198, %parallel_loop3A_1201 : vector<16xf32>
      %parallel_loop3A_1203 = arith.divf %parallel_loop3A_1195, %parallel_loop3A_1202 : vector<16xf32>
      %parallel_loop3A_1204 = arith.addf %parallel_loop3A_1160, %parallel_loop3A_1203 : vector<16xf32>
      %parallel_loop3A_1205 = arith.subf %parallel_loop3A_1170, %gather3A_415 : vector<16xf32>
      %parallel_loop3A_1206 = math.absf %parallel_loop3A_1205 : vector<16xf32>
      %parallel_loop3A_1207 = arith.subf %parallel_loop3A_1170, %sub3A_476 : vector<16xf32>
      %parallel_loop3A_1208 = math.absf %parallel_loop3A_1207 : vector<16xf32>
      %parallel_loop3A_1209 = arith.addf %parallel_loop3A_1206, %parallel_loop3A_1208 : vector<16xf32>
      %parallel_loop3A_1210 = arith.subf %abs3A, %parallel_loop3A_1209 : vector<16xf32>
      %parallel_loop3A_1211 = math.absf %parallel_loop3A_1210 : vector<16xf32>
      %parallel_loop3A_1212 = arith.subf %parallel_loop3A_1211, %parallel_loop3A_1209 : vector<16xf32>
      %parallel_loop3A_1213 = arith.constant 1.000000e+00 : f32
      %parallel_loop3A_1214 = vector.broadcast %parallel_loop3A_1213 : f32 to vector<16xf32>
      %parallel_loop3A_1215 = arith.addf %parallel_loop3A_1214, %parallel_loop3A_1209 : vector<16xf32>
      %parallel_loop3A_1216 = arith.constant 1.000000e+00 : f32
      %parallel_loop3A_1217 = vector.broadcast %parallel_loop3A_1216 : f32 to vector<16xf32>
      %parallel_loop3A_1218 = arith.addf %parallel_loop3A_1217, %parallel_loop3A_1211 : vector<16xf32>
      %parallel_loop3A_1219 = arith.mulf %parallel_loop3A_1215, %parallel_loop3A_1218 : vector<16xf32>
      %parallel_loop3A_1220 = arith.divf %parallel_loop3A_1212, %parallel_loop3A_1219 : vector<16xf32>
      %parallel_loop3A_1221 = arith.addf %parallel_loop3A_1161, %parallel_loop3A_1220 : vector<16xf32>
      %parallel_loop3A_1222 = arith.subf %parallel_loop3A_1170, %gather3A_419 : vector<16xf32>
      %parallel_loop3A_1223 = math.absf %parallel_loop3A_1222 : vector<16xf32>
      %parallel_loop3A_1224 = arith.subf %parallel_loop3A_1170, %sub3A_479 : vector<16xf32>
      %parallel_loop3A_1225 = math.absf %parallel_loop3A_1224 : vector<16xf32>
      %parallel_loop3A_1226 = arith.addf %parallel_loop3A_1223, %parallel_loop3A_1225 : vector<16xf32>
      %parallel_loop3A_1227 = arith.subf %abs3A, %parallel_loop3A_1226 : vector<16xf32>
      %parallel_loop3A_1228 = math.absf %parallel_loop3A_1227 : vector<16xf32>
      %parallel_loop3A_1229 = arith.subf %parallel_loop3A_1228, %parallel_loop3A_1226 : vector<16xf32>
      %parallel_loop3A_1230 = arith.constant 1.000000e+00 : f32
      %parallel_loop3A_1231 = vector.broadcast %parallel_loop3A_1230 : f32 to vector<16xf32>
      %parallel_loop3A_1232 = arith.addf %parallel_loop3A_1231, %parallel_loop3A_1226 : vector<16xf32>
      %parallel_loop3A_1233 = arith.constant 1.000000e+00 : f32
      %parallel_loop3A_1234 = vector.broadcast %parallel_loop3A_1233 : f32 to vector<16xf32>
      %parallel_loop3A_1235 = arith.addf %parallel_loop3A_1234, %parallel_loop3A_1228 : vector<16xf32>
      %parallel_loop3A_1236 = arith.mulf %parallel_loop3A_1232, %parallel_loop3A_1235 : vector<16xf32>
      %parallel_loop3A_1237 = arith.divf %parallel_loop3A_1229, %parallel_loop3A_1236 : vector<16xf32>
      %parallel_loop3A_1238 = arith.addf %parallel_loop3A_1162, %parallel_loop3A_1237 : vector<16xf32>
      %parallel_loop3A_1239 = arith.subf %parallel_loop3A_1170, %gather3A_423 : vector<16xf32>
      %parallel_loop3A_1240 = math.absf %parallel_loop3A_1239 : vector<16xf32>
      %parallel_loop3A_1241 = arith.subf %parallel_loop3A_1170, %sub3A_482 : vector<16xf32>
      %parallel_loop3A_1242 = math.absf %parallel_loop3A_1241 : vector<16xf32>
      %parallel_loop3A_1243 = arith.addf %parallel_loop3A_1240, %parallel_loop3A_1242 : vector<16xf32>
      %parallel_loop3A_1244 = arith.subf %abs3A, %parallel_loop3A_1243 : vector<16xf32>
      %parallel_loop3A_1245 = math.absf %parallel_loop3A_1244 : vector<16xf32>
      %parallel_loop3A_1246 = arith.subf %parallel_loop3A_1245, %parallel_loop3A_1243 : vector<16xf32>
      %parallel_loop3A_1247 = arith.constant 1.000000e+00 : f32
      %parallel_loop3A_1248 = vector.broadcast %parallel_loop3A_1247 : f32 to vector<16xf32>
      %parallel_loop3A_1249 = arith.addf %parallel_loop3A_1248, %parallel_loop3A_1243 : vector<16xf32>
      %parallel_loop3A_1250 = arith.constant 1.000000e+00 : f32
      %parallel_loop3A_1251 = vector.broadcast %parallel_loop3A_1250 : f32 to vector<16xf32>
      %parallel_loop3A_1252 = arith.addf %parallel_loop3A_1251, %parallel_loop3A_1245 : vector<16xf32>
      %parallel_loop3A_1253 = arith.mulf %parallel_loop3A_1249, %parallel_loop3A_1252 : vector<16xf32>
      %parallel_loop3A_1254 = arith.divf %parallel_loop3A_1246, %parallel_loop3A_1253 : vector<16xf32>
      %parallel_loop3A_1255 = arith.addf %parallel_loop3A_1163, %parallel_loop3A_1254 : vector<16xf32>
      %parallel_loop3A_1256 = arith.subf %parallel_loop3A_1170, %gather3A_427 : vector<16xf32>
      %parallel_loop3A_1257 = math.absf %parallel_loop3A_1256 : vector<16xf32>
      %parallel_loop3A_1258 = arith.subf %parallel_loop3A_1170, %sub3A_485 : vector<16xf32>
      %parallel_loop3A_1259 = math.absf %parallel_loop3A_1258 : vector<16xf32>
      %parallel_loop3A_1260 = arith.addf %parallel_loop3A_1257, %parallel_loop3A_1259 : vector<16xf32>
      %parallel_loop3A_1261 = arith.subf %abs3A, %parallel_loop3A_1260 : vector<16xf32>
      %parallel_loop3A_1262 = math.absf %parallel_loop3A_1261 : vector<16xf32>
      %parallel_loop3A_1263 = arith.subf %parallel_loop3A_1262, %parallel_loop3A_1260 : vector<16xf32>
      %parallel_loop3A_1264 = arith.constant 1.000000e+00 : f32
      %parallel_loop3A_1265 = vector.broadcast %parallel_loop3A_1264 : f32 to vector<16xf32>
      %parallel_loop3A_1266 = arith.addf %parallel_loop3A_1265, %parallel_loop3A_1260 : vector<16xf32>
      %parallel_loop3A_1267 = arith.constant 1.000000e+00 : f32
      %parallel_loop3A_1268 = vector.broadcast %parallel_loop3A_1267 : f32 to vector<16xf32>
      %parallel_loop3A_1269 = arith.addf %parallel_loop3A_1268, %parallel_loop3A_1262 : vector<16xf32>
      %parallel_loop3A_1270 = arith.mulf %parallel_loop3A_1266, %parallel_loop3A_1269 : vector<16xf32>
      %parallel_loop3A_1271 = arith.divf %parallel_loop3A_1263, %parallel_loop3A_1270 : vector<16xf32>
      %parallel_loop3A_1272 = arith.addf %parallel_loop3A_1164, %parallel_loop3A_1271 : vector<16xf32>
      %parallel_loop3A_1273 = arith.subf %parallel_loop3A_1170, %gather3A_431 : vector<16xf32>
      %parallel_loop3A_1274 = math.absf %parallel_loop3A_1273 : vector<16xf32>
      %parallel_loop3A_1275 = arith.subf %parallel_loop3A_1170, %sub3A_488 : vector<16xf32>
      %parallel_loop3A_1276 = math.absf %parallel_loop3A_1275 : vector<16xf32>
      %parallel_loop3A_1277 = arith.addf %parallel_loop3A_1274, %parallel_loop3A_1276 : vector<16xf32>
      %parallel_loop3A_1278 = arith.subf %abs3A, %parallel_loop3A_1277 : vector<16xf32>
      %parallel_loop3A_1279 = math.absf %parallel_loop3A_1278 : vector<16xf32>
      %parallel_loop3A_1280 = arith.subf %parallel_loop3A_1279, %parallel_loop3A_1277 : vector<16xf32>
      %parallel_loop3A_1281 = arith.constant 1.000000e+00 : f32
      %parallel_loop3A_1282 = vector.broadcast %parallel_loop3A_1281 : f32 to vector<16xf32>
      %parallel_loop3A_1283 = arith.addf %parallel_loop3A_1282, %parallel_loop3A_1277 : vector<16xf32>
      %parallel_loop3A_1284 = arith.constant 1.000000e+00 : f32
      %parallel_loop3A_1285 = vector.broadcast %parallel_loop3A_1284 : f32 to vector<16xf32>
      %parallel_loop3A_1286 = arith.addf %parallel_loop3A_1285, %parallel_loop3A_1279 : vector<16xf32>
      %parallel_loop3A_1287 = arith.mulf %parallel_loop3A_1283, %parallel_loop3A_1286 : vector<16xf32>
      %parallel_loop3A_1288 = arith.divf %parallel_loop3A_1280, %parallel_loop3A_1287 : vector<16xf32>
      %parallel_loop3A_1289 = arith.addf %parallel_loop3A_1165, %parallel_loop3A_1288 : vector<16xf32>
      %parallel_loop3A_1290 = arith.subf %parallel_loop3A_1170, %gather3A_435 : vector<16xf32>
      %parallel_loop3A_1291 = math.absf %parallel_loop3A_1290 : vector<16xf32>
      %parallel_loop3A_1292 = arith.subf %parallel_loop3A_1170, %sub3A_491 : vector<16xf32>
      %parallel_loop3A_1293 = math.absf %parallel_loop3A_1292 : vector<16xf32>
      %parallel_loop3A_1294 = arith.addf %parallel_loop3A_1291, %parallel_loop3A_1293 : vector<16xf32>
      %parallel_loop3A_1295 = arith.subf %abs3A, %parallel_loop3A_1294 : vector<16xf32>
      %parallel_loop3A_1296 = math.absf %parallel_loop3A_1295 : vector<16xf32>
      %parallel_loop3A_1297 = arith.subf %parallel_loop3A_1296, %parallel_loop3A_1294 : vector<16xf32>
      %parallel_loop3A_1298 = arith.constant 1.000000e+00 : f32
      %parallel_loop3A_1299 = vector.broadcast %parallel_loop3A_1298 : f32 to vector<16xf32>
      %parallel_loop3A_1300 = arith.addf %parallel_loop3A_1299, %parallel_loop3A_1294 : vector<16xf32>
      %parallel_loop3A_1301 = arith.constant 1.000000e+00 : f32
      %parallel_loop3A_1302 = vector.broadcast %parallel_loop3A_1301 : f32 to vector<16xf32>
      %parallel_loop3A_1303 = arith.addf %parallel_loop3A_1302, %parallel_loop3A_1296 : vector<16xf32>
      %parallel_loop3A_1304 = arith.mulf %parallel_loop3A_1300, %parallel_loop3A_1303 : vector<16xf32>
      %parallel_loop3A_1305 = arith.divf %parallel_loop3A_1297, %parallel_loop3A_1304 : vector<16xf32>
      %parallel_loop3A_1306 = arith.addf %parallel_loop3A_1166, %parallel_loop3A_1305 : vector<16xf32>
      scf.yield %parallel_loop3A_1187, %parallel_loop3A_1204, %parallel_loop3A_1221, %parallel_loop3A_1238, %parallel_loop3A_1255, %parallel_loop3A_1272, %parallel_loop3A_1289, %parallel_loop3A_1306 : vector<16xf32>, vector<16xf32>, vector<16xf32>, vector<16xf32>, vector<16xf32>, vector<16xf32>, vector<16xf32>, vector<16xf32>
    } {sc.loop_unroll_factor = 2 : i64, sc.parallel_access}
    %swap3A_496 = arith.constant 384 : index
    %swap3A_497 = tpu.vector_load %arg10[%swap3A_496] {strides = array<i32>} : memref<512xf32, #tpu.memory_space<vmem>>, vector<16xf32>,
    %swap3A_498 = vector.shape_cast %swap3A_497 : vector<16xf32> to vector<16xf32>
    %swap3A_499 = vector.shape_cast %parallel_loop3A_495#0 : vector<16xf32> to vector<16xf32>
    tpu.vector_store %arg10[%swap3A_496], %swap3A_499 {strides = array<i32>} : memref<512xf32, #tpu.memory_space<vmem>>, vector<16xf32>,
    %swap3A_500 = arith.constant 400 : index
    %swap3A_501 = tpu.vector_load %arg10[%swap3A_500] {strides = array<i32>} : memref<512xf32, #tpu.memory_space<vmem>>, vector<16xf32>,
    %swap3A_502 = vector.shape_cast %swap3A_501 : vector<16xf32> to vector<16xf32>
    %swap3A_503 = vector.shape_cast %parallel_loop3A_495#1 : vector<16xf32> to vector<16xf32>
    tpu.vector_store %arg10[%swap3A_500], %swap3A_503 {strides = array<i32>} : memref<512xf32, #tpu.memory_space<vmem>>, vector<16xf32>,
    %swap3A_504 = arith.constant 416 : index
    %swap3A_505 = tpu.vector_load %arg10[%swap3A_504] {strides = array<i32>} : memref<512xf32, #tpu.memory_space<vmem>>, vector<16xf32>,
    %swap3A_506 = vector.shape_cast %swap3A_505 : vector<16xf32> to vector<16xf32>
    %swap3A_507 = vector.shape_cast %parallel_loop3A_495#2 : vector<16xf32> to vector<16xf32>
    tpu.vector_store %arg10[%swap3A_504], %swap3A_507 {strides = array<i32>} : memref<512xf32, #tpu.memory_space<vmem>>, vector<16xf32>,
    %swap3A_508 = arith.constant 432 : index
    %swap3A_509 = tpu.vector_load %arg10[%swap3A_508] {strides = array<i32>} : memref<512xf32, #tpu.memory_space<vmem>>, vector<16xf32>,
    %swap3A_510 = vector.shape_cast %swap3A_509 : vector<16xf32> to vector<16xf32>
    %swap3A_511 = vector.shape_cast %parallel_loop3A_495#3 : vector<16xf32> to vector<16xf32>
    tpu.vector_store %arg10[%swap3A_508], %swap3A_511 {strides = array<i32>} : memref<512xf32, #tpu.memory_space<vmem>>, vector<16xf32>,
    %swap3A_512 = arith.constant 448 : index
    %swap3A_513 = tpu.vector_load %arg10[%swap3A_512] {strides = array<i32>} : memref<512xf32, #tpu.memory_space<vmem>>, vector<16xf32>,
    %swap3A_514 = vector.shape_cast %swap3A_513 : vector<16xf32> to vector<16xf32>
    %swap3A_515 = vector.shape_cast %parallel_loop3A_495#4 : vector<16xf32> to vector<16xf32>
    tpu.vector_store %arg10[%swap3A_512], %swap3A_515 {strides = array<i32>} : memref<512xf32, #tpu.memory_space<vmem>>, vector<16xf32>,
    %swap3A_516 = arith.constant 464 : index
    %swap3A_517 = tpu.vector_load %arg10[%swap3A_516] {strides = array<i32>} : memref<512xf32, #tpu.memory_space<vmem>>, vector<16xf32>,
    %swap3A_518 = vector.shape_cast %swap3A_517 : vector<16xf32> to vector<16xf32>
    %swap3A_519 = vector.shape_cast %parallel_loop3A_495#5 : vector<16xf32> to vector<16xf32>
    tpu.vector_store %arg10[%swap3A_516], %swap3A_519 {strides = array<i32>} : memref<512xf32, #tpu.memory_space<vmem>>, vector<16xf32>,
    %swap3A_520 = arith.constant 480 : index
    %swap3A_521 = tpu.vector_load %arg10[%swap3A_520] {strides = array<i32>} : memref<512xf32, #tpu.memory_space<vmem>>, vector<16xf32>,
    %swap3A_522 = vector.shape_cast %swap3A_521 : vector<16xf32> to vector<16xf32>
    %swap3A_523 = vector.shape_cast %parallel_loop3A_495#6 : vector<16xf32> to vector<16xf32>
    tpu.vector_store %arg10[%swap3A_520], %swap3A_523 {strides = array<i32>} : memref<512xf32, #tpu.memory_space<vmem>>, vector<16xf32>,
    %swap3A_524 = arith.constant 496 : index
    %swap3A_525 = tpu.vector_load %arg10[%swap3A_524] {strides = array<i32>} : memref<512xf32, #tpu.memory_space<vmem>>, vector<16xf32>,
    %swap3A_526 = vector.shape_cast %swap3A_525 : vector<16xf32> to vector<16xf32>
    %swap3A_527 = vector.shape_cast %parallel_loop3A_495#7 : vector<16xf32> to vector<16xf32>
    tpu.vector_store %arg10[%swap3A_524], %swap3A_527 {strides = array<i32>} : memref<512xf32, #tpu.memory_space<vmem>>, vector<16xf32>,
    %xor3A = arith.constant 8 : i32
    %xor3A_528 = vector.broadcast %xor3A : i32 to vector<16xi32>
    %xor3A_529 = arith.xori %iota3A, %xor3A_528 : vector<16xi32>
    %broadcast_in_dim3A_530 = vector.shape_cast %xor3A_529 : vector<16xi32> to vector<16x1xi32>
    %xor3A_531 = arith.constant 4 : i32
    %xor3A_532 = vector.broadcast %xor3A_531 : i32 to vector<16xi32>
    %xor3A_533 = arith.xori %iota3A, %xor3A_532 : vector<16xi32>
    %broadcast_in_dim3A_534 = vector.shape_cast %xor3A_533 : vector<16xi32> to vector<16x1xi32>
    %xor3A_535 = arith.constant 2 : i32
    %xor3A_536 = vector.broadcast %xor3A_535 : i32 to vector<16xi32>
    %xor3A_537 = arith.xori %iota3A, %xor3A_536 : vector<16xi32>
    %broadcast_in_dim3A_538 = vector.shape_cast %xor3A_537 : vector<16xi32> to vector<16x1xi32>
    %xor3A_539 = arith.constant 1 : i32
    %xor3A_540 = vector.broadcast %xor3A_539 : i32 to vector<16xi32>
    %xor3A_541 = arith.xori %iota3A, %xor3A_540 : vector<16xi32>
    %broadcast_in_dim3A_542 = vector.shape_cast %xor3A_541 : vector<16xi32> to vector<16x1xi32>
    %get3A_543 = arith.constant 0 : index
    %get3A_544 = tpu.vector_load %arg10[%get3A_543] {strides = array<i32>} : memref<512xf32, #tpu.memory_space<vmem>>, vector<16xf32>,
    %get3A_545 = vector.shape_cast %get3A_544 : vector<16xf32> to vector<16xf32>
    %gather3A_546 = vector.shape_cast %broadcast_in_dim3A_530 : vector<16x1xi32> to vector<16xi32>
    %gather3A_547 = tpu.dynamic_gather %get3A_545[%gather3A_546] in [0] : vector<16xf32>, vector<16xi32> -> vector<16xf32>
    %add3A_548 = arith.addf %get3A_545, %gather3A_547 : vector<16xf32>
    %gather3A_549 = vector.shape_cast %broadcast_in_dim3A_534 : vector<16x1xi32> to vector<16xi32>
    %gather3A_550 = tpu.dynamic_gather %add3A_548[%gather3A_549] in [0] : vector<16xf32>, vector<16xi32> -> vector<16xf32>
    %add3A_551 = arith.addf %add3A_548, %gather3A_550 : vector<16xf32>
    %gather3A_552 = vector.shape_cast %broadcast_in_dim3A_538 : vector<16x1xi32> to vector<16xi32>
    %gather3A_553 = tpu.dynamic_gather %add3A_551[%gather3A_552] in [0] : vector<16xf32>, vector<16xi32> -> vector<16xf32>
    %add3A_554 = arith.addf %add3A_551, %gather3A_553 : vector<16xf32>
    %gather3A_555 = vector.shape_cast %broadcast_in_dim3A_542 : vector<16x1xi32> to vector<16xi32>
    %gather3A_556 = tpu.dynamic_gather %add3A_554[%gather3A_555] in [0] : vector<16xf32>, vector<16xi32> -> vector<16xf32>
    %add3A_557 = arith.addf %add3A_554, %gather3A_556 : vector<16xf32>
    %eq3A = arith.constant 0 : i32
    %eq3A_558 = vector.broadcast %eq3A : i32 to vector<16xi32>
    %eq3A_559 = arith.cmpi eq, %iota3A, %eq3A_558 : vector<16xi32>
    %select_n3A_560 = arith.select %eq3A_559, %add3A_557, %broadcast_in_dim3A_10 : vector<16xi1>, vector<16xf32>
    %get3A_561 = arith.constant 16 : index
    %get3A_562 = tpu.vector_load %arg10[%get3A_561] {strides = array<i32>} : memref<512xf32, #tpu.memory_space<vmem>>, vector<16xf32>,
    %get3A_563 = vector.shape_cast %get3A_562 : vector<16xf32> to vector<16xf32>
    %gather3A_564 = vector.shape_cast %broadcast_in_dim3A_530 : vector<16x1xi32> to vector<16xi32>
    %gather3A_565 = tpu.dynamic_gather %get3A_563[%gather3A_564] in [0] : vector<16xf32>, vector<16xi32> -> vector<16xf32>
    %add3A_566 = arith.addf %get3A_563, %gather3A_565 : vector<16xf32>
    %gather3A_567 = vector.shape_cast %broadcast_in_dim3A_534 : vector<16x1xi32> to vector<16xi32>
    %gather3A_568 = tpu.dynamic_gather %add3A_566[%gather3A_567] in [0] : vector<16xf32>, vector<16xi32> -> vector<16xf32>
    %add3A_569 = arith.addf %add3A_566, %gather3A_568 : vector<16xf32>
    %gather3A_570 = vector.shape_cast %broadcast_in_dim3A_538 : vector<16x1xi32> to vector<16xi32>
    %gather3A_571 = tpu.dynamic_gather %add3A_569[%gather3A_570] in [0] : vector<16xf32>, vector<16xi32> -> vector<16xf32>
    %add3A_572 = arith.addf %add3A_569, %gather3A_571 : vector<16xf32>
    %gather3A_573 = vector.shape_cast %broadcast_in_dim3A_542 : vector<16x1xi32> to vector<16xi32>
    %gather3A_574 = tpu.dynamic_gather %add3A_572[%gather3A_573] in [0] : vector<16xf32>, vector<16xi32> -> vector<16xf32>
    %add3A_575 = arith.addf %add3A_572, %gather3A_574 : vector<16xf32>
    %eq3A_576 = arith.constant 1 : i32
    %eq3A_577 = vector.broadcast %eq3A_576 : i32 to vector<16xi32>
    %eq3A_578 = arith.cmpi eq, %iota3A, %eq3A_577 : vector<16xi32>
    %select_n3A_579 = arith.select %eq3A_578, %add3A_575, %select_n3A_560 : vector<16xi1>, vector<16xf32>
    %get3A_580 = arith.constant 32 : index
    %get3A_581 = tpu.vector_load %arg10[%get3A_580] {strides = array<i32>} : memref<512xf32, #tpu.memory_space<vmem>>, vector<16xf32>,
    %get3A_582 = vector.shape_cast %get3A_581 : vector<16xf32> to vector<16xf32>
    %gather3A_583 = vector.shape_cast %broadcast_in_dim3A_530 : vector<16x1xi32> to vector<16xi32>
    %gather3A_584 = tpu.dynamic_gather %get3A_582[%gather3A_583] in [0] : vector<16xf32>, vector<16xi32> -> vector<16xf32>
    %add3A_585 = arith.addf %get3A_582, %gather3A_584 : vector<16xf32>
    %gather3A_586 = vector.shape_cast %broadcast_in_dim3A_534 : vector<16x1xi32> to vector<16xi32>
    %gather3A_587 = tpu.dynamic_gather %add3A_585[%gather3A_586] in [0] : vector<16xf32>, vector<16xi32> -> vector<16xf32>
    %add3A_588 = arith.addf %add3A_585, %gather3A_587 : vector<16xf32>
    %gather3A_589 = vector.shape_cast %broadcast_in_dim3A_538 : vector<16x1xi32> to vector<16xi32>
    %gather3A_590 = tpu.dynamic_gather %add3A_588[%gather3A_589] in [0] : vector<16xf32>, vector<16xi32> -> vector<16xf32>
    %add3A_591 = arith.addf %add3A_588, %gather3A_590 : vector<16xf32>
    %gather3A_592 = vector.shape_cast %broadcast_in_dim3A_542 : vector<16x1xi32> to vector<16xi32>
    %gather3A_593 = tpu.dynamic_gather %add3A_591[%gather3A_592] in [0] : vector<16xf32>, vector<16xi32> -> vector<16xf32>
    %add3A_594 = arith.addf %add3A_591, %gather3A_593 : vector<16xf32>
    %eq3A_595 = arith.constant 2 : i32
    %eq3A_596 = vector.broadcast %eq3A_595 : i32 to vector<16xi32>
    %eq3A_597 = arith.cmpi eq, %iota3A, %eq3A_596 : vector<16xi32>
    %select_n3A_598 = arith.select %eq3A_597, %add3A_594, %select_n3A_579 : vector<16xi1>, vector<16xf32>
    %get3A_599 = arith.constant 48 : index
    %get3A_600 = tpu.vector_load %arg10[%get3A_599] {strides = array<i32>} : memref<512xf32, #tpu.memory_space<vmem>>, vector<16xf32>,
    %get3A_601 = vector.shape_cast %get3A_600 : vector<16xf32> to vector<16xf32>
    %gather3A_602 = vector.shape_cast %broadcast_in_dim3A_530 : vector<16x1xi32> to vector<16xi32>
    %gather3A_603 = tpu.dynamic_gather %get3A_601[%gather3A_602] in [0] : vector<16xf32>, vector<16xi32> -> vector<16xf32>
    %add3A_604 = arith.addf %get3A_601, %gather3A_603 : vector<16xf32>
    %gather3A_605 = vector.shape_cast %broadcast_in_dim3A_534 : vector<16x1xi32> to vector<16xi32>
    %gather3A_606 = tpu.dynamic_gather %add3A_604[%gather3A_605] in [0] : vector<16xf32>, vector<16xi32> -> vector<16xf32>
    %add3A_607 = arith.addf %add3A_604, %gather3A_606 : vector<16xf32>
    %gather3A_608 = vector.shape_cast %broadcast_in_dim3A_538 : vector<16x1xi32> to vector<16xi32>
    %gather3A_609 = tpu.dynamic_gather %add3A_607[%gather3A_608] in [0] : vector<16xf32>, vector<16xi32> -> vector<16xf32>
    %add3A_610 = arith.addf %add3A_607, %gather3A_609 : vector<16xf32>
    %gather3A_611 = vector.shape_cast %broadcast_in_dim3A_542 : vector<16x1xi32> to vector<16xi32>
    %gather3A_612 = tpu.dynamic_gather %add3A_610[%gather3A_611] in [0] : vector<16xf32>, vector<16xi32> -> vector<16xf32>
    %add3A_613 = arith.addf %add3A_610, %gather3A_612 : vector<16xf32>
    %eq3A_614 = arith.constant 3 : i32
    %eq3A_615 = vector.broadcast %eq3A_614 : i32 to vector<16xi32>
    %eq3A_616 = arith.cmpi eq, %iota3A, %eq3A_615 : vector<16xi32>
    %select_n3A_617 = arith.select %eq3A_616, %add3A_613, %select_n3A_598 : vector<16xi1>, vector<16xf32>
    %get3A_618 = arith.constant 64 : index
    %get3A_619 = tpu.vector_load %arg10[%get3A_618] {strides = array<i32>} : memref<512xf32, #tpu.memory_space<vmem>>, vector<16xf32>,
    %get3A_620 = vector.shape_cast %get3A_619 : vector<16xf32> to vector<16xf32>
    %gather3A_621 = vector.shape_cast %broadcast_in_dim3A_530 : vector<16x1xi32> to vector<16xi32>
    %gather3A_622 = tpu.dynamic_gather %get3A_620[%gather3A_621] in [0] : vector<16xf32>, vector<16xi32> -> vector<16xf32>
    %add3A_623 = arith.addf %get3A_620, %gather3A_622 : vector<16xf32>
    %gather3A_624 = vector.shape_cast %broadcast_in_dim3A_534 : vector<16x1xi32> to vector<16xi32>
    %gather3A_625 = tpu.dynamic_gather %add3A_623[%gather3A_624] in [0] : vector<16xf32>, vector<16xi32> -> vector<16xf32>
    %add3A_626 = arith.addf %add3A_623, %gather3A_625 : vector<16xf32>
    %gather3A_627 = vector.shape_cast %broadcast_in_dim3A_538 : vector<16x1xi32> to vector<16xi32>
    %gather3A_628 = tpu.dynamic_gather %add3A_626[%gather3A_627] in [0] : vector<16xf32>, vector<16xi32> -> vector<16xf32>
    %add3A_629 = arith.addf %add3A_626, %gather3A_628 : vector<16xf32>
    %gather3A_630 = vector.shape_cast %broadcast_in_dim3A_542 : vector<16x1xi32> to vector<16xi32>
    %gather3A_631 = tpu.dynamic_gather %add3A_629[%gather3A_630] in [0] : vector<16xf32>, vector<16xi32> -> vector<16xf32>
    %add3A_632 = arith.addf %add3A_629, %gather3A_631 : vector<16xf32>
    %eq3A_633 = arith.constant 4 : i32
    %eq3A_634 = vector.broadcast %eq3A_633 : i32 to vector<16xi32>
    %eq3A_635 = arith.cmpi eq, %iota3A, %eq3A_634 : vector<16xi32>
    %select_n3A_636 = arith.select %eq3A_635, %add3A_632, %select_n3A_617 : vector<16xi1>, vector<16xf32>
    %get3A_637 = arith.constant 80 : index
    %get3A_638 = tpu.vector_load %arg10[%get3A_637] {strides = array<i32>} : memref<512xf32, #tpu.memory_space<vmem>>, vector<16xf32>,
    %get3A_639 = vector.shape_cast %get3A_638 : vector<16xf32> to vector<16xf32>
    %gather3A_640 = vector.shape_cast %broadcast_in_dim3A_530 : vector<16x1xi32> to vector<16xi32>
    %gather3A_641 = tpu.dynamic_gather %get3A_639[%gather3A_640] in [0] : vector<16xf32>, vector<16xi32> -> vector<16xf32>
    %add3A_642 = arith.addf %get3A_639, %gather3A_641 : vector<16xf32>
    %gather3A_643 = vector.shape_cast %broadcast_in_dim3A_534 : vector<16x1xi32> to vector<16xi32>
    %gather3A_644 = tpu.dynamic_gather %add3A_642[%gather3A_643] in [0] : vector<16xf32>, vector<16xi32> -> vector<16xf32>
    %add3A_645 = arith.addf %add3A_642, %gather3A_644 : vector<16xf32>
    %gather3A_646 = vector.shape_cast %broadcast_in_dim3A_538 : vector<16x1xi32> to vector<16xi32>
    %gather3A_647 = tpu.dynamic_gather %add3A_645[%gather3A_646] in [0] : vector<16xf32>, vector<16xi32> -> vector<16xf32>
    %add3A_648 = arith.addf %add3A_645, %gather3A_647 : vector<16xf32>
    %gather3A_649 = vector.shape_cast %broadcast_in_dim3A_542 : vector<16x1xi32> to vector<16xi32>
    %gather3A_650 = tpu.dynamic_gather %add3A_648[%gather3A_649] in [0] : vector<16xf32>, vector<16xi32> -> vector<16xf32>
    %add3A_651 = arith.addf %add3A_648, %gather3A_650 : vector<16xf32>
    %eq3A_652 = arith.constant 5 : i32
    %eq3A_653 = vector.broadcast %eq3A_652 : i32 to vector<16xi32>
    %eq3A_654 = arith.cmpi eq, %iota3A, %eq3A_653 : vector<16xi32>
    %select_n3A_655 = arith.select %eq3A_654, %add3A_651, %select_n3A_636 : vector<16xi1>, vector<16xf32>
    %get3A_656 = arith.constant 96 : index
    %get3A_657 = tpu.vector_load %arg10[%get3A_656] {strides = array<i32>} : memref<512xf32, #tpu.memory_space<vmem>>, vector<16xf32>,
    %get3A_658 = vector.shape_cast %get3A_657 : vector<16xf32> to vector<16xf32>
    %gather3A_659 = vector.shape_cast %broadcast_in_dim3A_530 : vector<16x1xi32> to vector<16xi32>
    %gather3A_660 = tpu.dynamic_gather %get3A_658[%gather3A_659] in [0] : vector<16xf32>, vector<16xi32> -> vector<16xf32>
    %add3A_661 = arith.addf %get3A_658, %gather3A_660 : vector<16xf32>
    %gather3A_662 = vector.shape_cast %broadcast_in_dim3A_534 : vector<16x1xi32> to vector<16xi32>
    %gather3A_663 = tpu.dynamic_gather %add3A_661[%gather3A_662] in [0] : vector<16xf32>, vector<16xi32> -> vector<16xf32>
    %add3A_664 = arith.addf %add3A_661, %gather3A_663 : vector<16xf32>
    %gather3A_665 = vector.shape_cast %broadcast_in_dim3A_538 : vector<16x1xi32> to vector<16xi32>
    %gather3A_666 = tpu.dynamic_gather %add3A_664[%gather3A_665] in [0] : vector<16xf32>, vector<16xi32> -> vector<16xf32>
    %add3A_667 = arith.addf %add3A_664, %gather3A_666 : vector<16xf32>
    %gather3A_668 = vector.shape_cast %broadcast_in_dim3A_542 : vector<16x1xi32> to vector<16xi32>
    %gather3A_669 = tpu.dynamic_gather %add3A_667[%gather3A_668] in [0] : vector<16xf32>, vector<16xi32> -> vector<16xf32>
    %add3A_670 = arith.addf %add3A_667, %gather3A_669 : vector<16xf32>
    %eq3A_671 = arith.constant 6 : i32
    %eq3A_672 = vector.broadcast %eq3A_671 : i32 to vector<16xi32>
    %eq3A_673 = arith.cmpi eq, %iota3A, %eq3A_672 : vector<16xi32>
    %select_n3A_674 = arith.select %eq3A_673, %add3A_670, %select_n3A_655 : vector<16xi1>, vector<16xf32>
    %get3A_675 = arith.constant 112 : index
    %get3A_676 = tpu.vector_load %arg10[%get3A_675] {strides = array<i32>} : memref<512xf32, #tpu.memory_space<vmem>>, vector<16xf32>,
    %get3A_677 = vector.shape_cast %get3A_676 : vector<16xf32> to vector<16xf32>
    %gather3A_678 = vector.shape_cast %broadcast_in_dim3A_530 : vector<16x1xi32> to vector<16xi32>
    %gather3A_679 = tpu.dynamic_gather %get3A_677[%gather3A_678] in [0] : vector<16xf32>, vector<16xi32> -> vector<16xf32>
    %add3A_680 = arith.addf %get3A_677, %gather3A_679 : vector<16xf32>
    %gather3A_681 = vector.shape_cast %broadcast_in_dim3A_534 : vector<16x1xi32> to vector<16xi32>
    %gather3A_682 = tpu.dynamic_gather %add3A_680[%gather3A_681] in [0] : vector<16xf32>, vector<16xi32> -> vector<16xf32>
    %add3A_683 = arith.addf %add3A_680, %gather3A_682 : vector<16xf32>
    %gather3A_684 = vector.shape_cast %broadcast_in_dim3A_538 : vector<16x1xi32> to vector<16xi32>
    %gather3A_685 = tpu.dynamic_gather %add3A_683[%gather3A_684] in [0] : vector<16xf32>, vector<16xi32> -> vector<16xf32>
    %add3A_686 = arith.addf %add3A_683, %gather3A_685 : vector<16xf32>
    %gather3A_687 = vector.shape_cast %broadcast_in_dim3A_542 : vector<16x1xi32> to vector<16xi32>
    %gather3A_688 = tpu.dynamic_gather %add3A_686[%gather3A_687] in [0] : vector<16xf32>, vector<16xi32> -> vector<16xf32>
    %add3A_689 = arith.addf %add3A_686, %gather3A_688 : vector<16xf32>
    %eq3A_690 = arith.constant 7 : i32
    %eq3A_691 = vector.broadcast %eq3A_690 : i32 to vector<16xi32>
    %eq3A_692 = arith.cmpi eq, %iota3A, %eq3A_691 : vector<16xi32>
    %select_n3A_693 = arith.select %eq3A_692, %add3A_689, %select_n3A_674 : vector<16xi1>, vector<16xf32>
    %get3A_694 = arith.constant 128 : index
    %get3A_695 = tpu.vector_load %arg10[%get3A_694] {strides = array<i32>} : memref<512xf32, #tpu.memory_space<vmem>>, vector<16xf32>,
    %get3A_696 = vector.shape_cast %get3A_695 : vector<16xf32> to vector<16xf32>
    %gather3A_697 = vector.shape_cast %broadcast_in_dim3A_530 : vector<16x1xi32> to vector<16xi32>
    %gather3A_698 = tpu.dynamic_gather %get3A_696[%gather3A_697] in [0] : vector<16xf32>, vector<16xi32> -> vector<16xf32>
    %add3A_699 = arith.addf %get3A_696, %gather3A_698 : vector<16xf32>
    %gather3A_700 = vector.shape_cast %broadcast_in_dim3A_534 : vector<16x1xi32> to vector<16xi32>
    %gather3A_701 = tpu.dynamic_gather %add3A_699[%gather3A_700] in [0] : vector<16xf32>, vector<16xi32> -> vector<16xf32>
    %add3A_702 = arith.addf %add3A_699, %gather3A_701 : vector<16xf32>
    %gather3A_703 = vector.shape_cast %broadcast_in_dim3A_538 : vector<16x1xi32> to vector<16xi32>
    %gather3A_704 = tpu.dynamic_gather %add3A_702[%gather3A_703] in [0] : vector<16xf32>, vector<16xi32> -> vector<16xf32>
    %add3A_705 = arith.addf %add3A_702, %gather3A_704 : vector<16xf32>
    %gather3A_706 = vector.shape_cast %broadcast_in_dim3A_542 : vector<16x1xi32> to vector<16xi32>
    %gather3A_707 = tpu.dynamic_gather %add3A_705[%gather3A_706] in [0] : vector<16xf32>, vector<16xi32> -> vector<16xf32>
    %add3A_708 = arith.addf %add3A_705, %gather3A_707 : vector<16xf32>
    %eq3A_709 = arith.constant 8 : i32
    %eq3A_710 = vector.broadcast %eq3A_709 : i32 to vector<16xi32>
    %eq3A_711 = arith.cmpi eq, %iota3A, %eq3A_710 : vector<16xi32>
    %select_n3A_712 = arith.select %eq3A_711, %add3A_708, %select_n3A_693 : vector<16xi1>, vector<16xf32>
    %get3A_713 = arith.constant 144 : index
    %get3A_714 = tpu.vector_load %arg10[%get3A_713] {strides = array<i32>} : memref<512xf32, #tpu.memory_space<vmem>>, vector<16xf32>,
    %get3A_715 = vector.shape_cast %get3A_714 : vector<16xf32> to vector<16xf32>
    %gather3A_716 = vector.shape_cast %broadcast_in_dim3A_530 : vector<16x1xi32> to vector<16xi32>
    %gather3A_717 = tpu.dynamic_gather %get3A_715[%gather3A_716] in [0] : vector<16xf32>, vector<16xi32> -> vector<16xf32>
    %add3A_718 = arith.addf %get3A_715, %gather3A_717 : vector<16xf32>
    %gather3A_719 = vector.shape_cast %broadcast_in_dim3A_534 : vector<16x1xi32> to vector<16xi32>
    %gather3A_720 = tpu.dynamic_gather %add3A_718[%gather3A_719] in [0] : vector<16xf32>, vector<16xi32> -> vector<16xf32>
    %add3A_721 = arith.addf %add3A_718, %gather3A_720 : vector<16xf32>
    %gather3A_722 = vector.shape_cast %broadcast_in_dim3A_538 : vector<16x1xi32> to vector<16xi32>
    %gather3A_723 = tpu.dynamic_gather %add3A_721[%gather3A_722] in [0] : vector<16xf32>, vector<16xi32> -> vector<16xf32>
    %add3A_724 = arith.addf %add3A_721, %gather3A_723 : vector<16xf32>
    %gather3A_725 = vector.shape_cast %broadcast_in_dim3A_542 : vector<16x1xi32> to vector<16xi32>
    %gather3A_726 = tpu.dynamic_gather %add3A_724[%gather3A_725] in [0] : vector<16xf32>, vector<16xi32> -> vector<16xf32>
    %add3A_727 = arith.addf %add3A_724, %gather3A_726 : vector<16xf32>
    %eq3A_728 = arith.constant 9 : i32
    %eq3A_729 = vector.broadcast %eq3A_728 : i32 to vector<16xi32>
    %eq3A_730 = arith.cmpi eq, %iota3A, %eq3A_729 : vector<16xi32>
    %select_n3A_731 = arith.select %eq3A_730, %add3A_727, %select_n3A_712 : vector<16xi1>, vector<16xf32>
    %get3A_732 = arith.constant 160 : index
    %get3A_733 = tpu.vector_load %arg10[%get3A_732] {strides = array<i32>} : memref<512xf32, #tpu.memory_space<vmem>>, vector<16xf32>,
    %get3A_734 = vector.shape_cast %get3A_733 : vector<16xf32> to vector<16xf32>
    %gather3A_735 = vector.shape_cast %broadcast_in_dim3A_530 : vector<16x1xi32> to vector<16xi32>
    %gather3A_736 = tpu.dynamic_gather %get3A_734[%gather3A_735] in [0] : vector<16xf32>, vector<16xi32> -> vector<16xf32>
    %add3A_737 = arith.addf %get3A_734, %gather3A_736 : vector<16xf32>
    %gather3A_738 = vector.shape_cast %broadcast_in_dim3A_534 : vector<16x1xi32> to vector<16xi32>
    %gather3A_739 = tpu.dynamic_gather %add3A_737[%gather3A_738] in [0] : vector<16xf32>, vector<16xi32> -> vector<16xf32>
    %add3A_740 = arith.addf %add3A_737, %gather3A_739 : vector<16xf32>
    %gather3A_741 = vector.shape_cast %broadcast_in_dim3A_538 : vector<16x1xi32> to vector<16xi32>
    %gather3A_742 = tpu.dynamic_gather %add3A_740[%gather3A_741] in [0] : vector<16xf32>, vector<16xi32> -> vector<16xf32>
    %add3A_743 = arith.addf %add3A_740, %gather3A_742 : vector<16xf32>
    %gather3A_744 = vector.shape_cast %broadcast_in_dim3A_542 : vector<16x1xi32> to vector<16xi32>
    %gather3A_745 = tpu.dynamic_gather %add3A_743[%gather3A_744] in [0] : vector<16xf32>, vector<16xi32> -> vector<16xf32>
    %add3A_746 = arith.addf %add3A_743, %gather3A_745 : vector<16xf32>
    %eq3A_747 = arith.constant 10 : i32
    %eq3A_748 = vector.broadcast %eq3A_747 : i32 to vector<16xi32>
    %eq3A_749 = arith.cmpi eq, %iota3A, %eq3A_748 : vector<16xi32>
    %select_n3A_750 = arith.select %eq3A_749, %add3A_746, %select_n3A_731 : vector<16xi1>, vector<16xf32>
    %get3A_751 = arith.constant 176 : index
    %get3A_752 = tpu.vector_load %arg10[%get3A_751] {strides = array<i32>} : memref<512xf32, #tpu.memory_space<vmem>>, vector<16xf32>,
    %get3A_753 = vector.shape_cast %get3A_752 : vector<16xf32> to vector<16xf32>
    %gather3A_754 = vector.shape_cast %broadcast_in_dim3A_530 : vector<16x1xi32> to vector<16xi32>
    %gather3A_755 = tpu.dynamic_gather %get3A_753[%gather3A_754] in [0] : vector<16xf32>, vector<16xi32> -> vector<16xf32>
    %add3A_756 = arith.addf %get3A_753, %gather3A_755 : vector<16xf32>
    %gather3A_757 = vector.shape_cast %broadcast_in_dim3A_534 : vector<16x1xi32> to vector<16xi32>
    %gather3A_758 = tpu.dynamic_gather %add3A_756[%gather3A_757] in [0] : vector<16xf32>, vector<16xi32> -> vector<16xf32>
    %add3A_759 = arith.addf %add3A_756, %gather3A_758 : vector<16xf32>
    %gather3A_760 = vector.shape_cast %broadcast_in_dim3A_538 : vector<16x1xi32> to vector<16xi32>
    %gather3A_761 = tpu.dynamic_gather %add3A_759[%gather3A_760] in [0] : vector<16xf32>, vector<16xi32> -> vector<16xf32>
    %add3A_762 = arith.addf %add3A_759, %gather3A_761 : vector<16xf32>
    %gather3A_763 = vector.shape_cast %broadcast_in_dim3A_542 : vector<16x1xi32> to vector<16xi32>
    %gather3A_764 = tpu.dynamic_gather %add3A_762[%gather3A_763] in [0] : vector<16xf32>, vector<16xi32> -> vector<16xf32>
    %add3A_765 = arith.addf %add3A_762, %gather3A_764 : vector<16xf32>
    %eq3A_766 = arith.constant 11 : i32
    %eq3A_767 = vector.broadcast %eq3A_766 : i32 to vector<16xi32>
    %eq3A_768 = arith.cmpi eq, %iota3A, %eq3A_767 : vector<16xi32>
    %select_n3A_769 = arith.select %eq3A_768, %add3A_765, %select_n3A_750 : vector<16xi1>, vector<16xf32>
    %get3A_770 = arith.constant 192 : index
    %get3A_771 = tpu.vector_load %arg10[%get3A_770] {strides = array<i32>} : memref<512xf32, #tpu.memory_space<vmem>>, vector<16xf32>,
    %get3A_772 = vector.shape_cast %get3A_771 : vector<16xf32> to vector<16xf32>
    %gather3A_773 = vector.shape_cast %broadcast_in_dim3A_530 : vector<16x1xi32> to vector<16xi32>
    %gather3A_774 = tpu.dynamic_gather %get3A_772[%gather3A_773] in [0] : vector<16xf32>, vector<16xi32> -> vector<16xf32>
    %add3A_775 = arith.addf %get3A_772, %gather3A_774 : vector<16xf32>
    %gather3A_776 = vector.shape_cast %broadcast_in_dim3A_534 : vector<16x1xi32> to vector<16xi32>
    %gather3A_777 = tpu.dynamic_gather %add3A_775[%gather3A_776] in [0] : vector<16xf32>, vector<16xi32> -> vector<16xf32>
    %add3A_778 = arith.addf %add3A_775, %gather3A_777 : vector<16xf32>
    %gather3A_779 = vector.shape_cast %broadcast_in_dim3A_538 : vector<16x1xi32> to vector<16xi32>
    %gather3A_780 = tpu.dynamic_gather %add3A_778[%gather3A_779] in [0] : vector<16xf32>, vector<16xi32> -> vector<16xf32>
    %add3A_781 = arith.addf %add3A_778, %gather3A_780 : vector<16xf32>
    %gather3A_782 = vector.shape_cast %broadcast_in_dim3A_542 : vector<16x1xi32> to vector<16xi32>
    %gather3A_783 = tpu.dynamic_gather %add3A_781[%gather3A_782] in [0] : vector<16xf32>, vector<16xi32> -> vector<16xf32>
    %add3A_784 = arith.addf %add3A_781, %gather3A_783 : vector<16xf32>
    %eq3A_785 = arith.constant 12 : i32
    %eq3A_786 = vector.broadcast %eq3A_785 : i32 to vector<16xi32>
    %eq3A_787 = arith.cmpi eq, %iota3A, %eq3A_786 : vector<16xi32>
    %select_n3A_788 = arith.select %eq3A_787, %add3A_784, %select_n3A_769 : vector<16xi1>, vector<16xf32>
    %get3A_789 = arith.constant 208 : index
    %get3A_790 = tpu.vector_load %arg10[%get3A_789] {strides = array<i32>} : memref<512xf32, #tpu.memory_space<vmem>>, vector<16xf32>,
    %get3A_791 = vector.shape_cast %get3A_790 : vector<16xf32> to vector<16xf32>
    %gather3A_792 = vector.shape_cast %broadcast_in_dim3A_530 : vector<16x1xi32> to vector<16xi32>
    %gather3A_793 = tpu.dynamic_gather %get3A_791[%gather3A_792] in [0] : vector<16xf32>, vector<16xi32> -> vector<16xf32>
    %add3A_794 = arith.addf %get3A_791, %gather3A_793 : vector<16xf32>
    %gather3A_795 = vector.shape_cast %broadcast_in_dim3A_534 : vector<16x1xi32> to vector<16xi32>
    %gather3A_796 = tpu.dynamic_gather %add3A_794[%gather3A_795] in [0] : vector<16xf32>, vector<16xi32> -> vector<16xf32>
    %add3A_797 = arith.addf %add3A_794, %gather3A_796 : vector<16xf32>
    %gather3A_798 = vector.shape_cast %broadcast_in_dim3A_538 : vector<16x1xi32> to vector<16xi32>
    %gather3A_799 = tpu.dynamic_gather %add3A_797[%gather3A_798] in [0] : vector<16xf32>, vector<16xi32> -> vector<16xf32>
    %add3A_800 = arith.addf %add3A_797, %gather3A_799 : vector<16xf32>
    %gather3A_801 = vector.shape_cast %broadcast_in_dim3A_542 : vector<16x1xi32> to vector<16xi32>
    %gather3A_802 = tpu.dynamic_gather %add3A_800[%gather3A_801] in [0] : vector<16xf32>, vector<16xi32> -> vector<16xf32>
    %add3A_803 = arith.addf %add3A_800, %gather3A_802 : vector<16xf32>
    %eq3A_804 = arith.constant 13 : i32
    %eq3A_805 = vector.broadcast %eq3A_804 : i32 to vector<16xi32>
    %eq3A_806 = arith.cmpi eq, %iota3A, %eq3A_805 : vector<16xi32>
    %select_n3A_807 = arith.select %eq3A_806, %add3A_803, %select_n3A_788 : vector<16xi1>, vector<16xf32>
    %get3A_808 = arith.constant 224 : index
    %get3A_809 = tpu.vector_load %arg10[%get3A_808] {strides = array<i32>} : memref<512xf32, #tpu.memory_space<vmem>>, vector<16xf32>,
    %get3A_810 = vector.shape_cast %get3A_809 : vector<16xf32> to vector<16xf32>
    %gather3A_811 = vector.shape_cast %broadcast_in_dim3A_530 : vector<16x1xi32> to vector<16xi32>
    %gather3A_812 = tpu.dynamic_gather %get3A_810[%gather3A_811] in [0] : vector<16xf32>, vector<16xi32> -> vector<16xf32>
    %add3A_813 = arith.addf %get3A_810, %gather3A_812 : vector<16xf32>
    %gather3A_814 = vector.shape_cast %broadcast_in_dim3A_534 : vector<16x1xi32> to vector<16xi32>
    %gather3A_815 = tpu.dynamic_gather %add3A_813[%gather3A_814] in [0] : vector<16xf32>, vector<16xi32> -> vector<16xf32>
    %add3A_816 = arith.addf %add3A_813, %gather3A_815 : vector<16xf32>
    %gather3A_817 = vector.shape_cast %broadcast_in_dim3A_538 : vector<16x1xi32> to vector<16xi32>
    %gather3A_818 = tpu.dynamic_gather %add3A_816[%gather3A_817] in [0] : vector<16xf32>, vector<16xi32> -> vector<16xf32>
    %add3A_819 = arith.addf %add3A_816, %gather3A_818 : vector<16xf32>
    %gather3A_820 = vector.shape_cast %broadcast_in_dim3A_542 : vector<16x1xi32> to vector<16xi32>
    %gather3A_821 = tpu.dynamic_gather %add3A_819[%gather3A_820] in [0] : vector<16xf32>, vector<16xi32> -> vector<16xf32>
    %add3A_822 = arith.addf %add3A_819, %gather3A_821 : vector<16xf32>
    %eq3A_823 = arith.constant 14 : i32
    %eq3A_824 = vector.broadcast %eq3A_823 : i32 to vector<16xi32>
    %eq3A_825 = arith.cmpi eq, %iota3A, %eq3A_824 : vector<16xi32>
    %select_n3A_826 = arith.select %eq3A_825, %add3A_822, %select_n3A_807 : vector<16xi1>, vector<16xf32>
    %get3A_827 = arith.constant 240 : index
    %get3A_828 = tpu.vector_load %arg10[%get3A_827] {strides = array<i32>} : memref<512xf32, #tpu.memory_space<vmem>>, vector<16xf32>,
    %get3A_829 = vector.shape_cast %get3A_828 : vector<16xf32> to vector<16xf32>
    %gather3A_830 = vector.shape_cast %broadcast_in_dim3A_530 : vector<16x1xi32> to vector<16xi32>
    %gather3A_831 = tpu.dynamic_gather %get3A_829[%gather3A_830] in [0] : vector<16xf32>, vector<16xi32> -> vector<16xf32>
    %add3A_832 = arith.addf %get3A_829, %gather3A_831 : vector<16xf32>
    %gather3A_833 = vector.shape_cast %broadcast_in_dim3A_534 : vector<16x1xi32> to vector<16xi32>
    %gather3A_834 = tpu.dynamic_gather %add3A_832[%gather3A_833] in [0] : vector<16xf32>, vector<16xi32> -> vector<16xf32>
    %add3A_835 = arith.addf %add3A_832, %gather3A_834 : vector<16xf32>
    %gather3A_836 = vector.shape_cast %broadcast_in_dim3A_538 : vector<16x1xi32> to vector<16xi32>
    %gather3A_837 = tpu.dynamic_gather %add3A_835[%gather3A_836] in [0] : vector<16xf32>, vector<16xi32> -> vector<16xf32>
    %add3A_838 = arith.addf %add3A_835, %gather3A_837 : vector<16xf32>
    %gather3A_839 = vector.shape_cast %broadcast_in_dim3A_542 : vector<16x1xi32> to vector<16xi32>
    %gather3A_840 = tpu.dynamic_gather %add3A_838[%gather3A_839] in [0] : vector<16xf32>, vector<16xi32> -> vector<16xf32>
    %add3A_841 = arith.addf %add3A_838, %gather3A_840 : vector<16xf32>
    %eq3A_842 = arith.constant 15 : i32
    %eq3A_843 = vector.broadcast %eq3A_842 : i32 to vector<16xi32>
    %eq3A_844 = arith.cmpi eq, %iota3A, %eq3A_843 : vector<16xi32>
    %select_n3A_845 = arith.select %eq3A_844, %add3A_841, %select_n3A_826 : vector<16xi1>, vector<16xf32>
    %swap3A_846 = arith.constant 0 : index
    %swap3A_847 = tpu.vector_load %arg11[%swap3A_846] {strides = array<i32>} : memref<32xf32, #tpu.memory_space<vmem>>, vector<16xf32>,
    %swap3A_848 = vector.shape_cast %swap3A_847 : vector<16xf32> to vector<16xf32>
    %swap3A_849 = vector.shape_cast %select_n3A_845 : vector<16xf32> to vector<16xf32>
    tpu.vector_store %arg11[%swap3A_846], %swap3A_849 {strides = array<i32>} : memref<32xf32, #tpu.memory_space<vmem>>, vector<16xf32>,
    %get3A_850 = arith.constant 256 : index
    %get3A_851 = tpu.vector_load %arg10[%get3A_850] {strides = array<i32>} : memref<512xf32, #tpu.memory_space<vmem>>, vector<16xf32>,
    %get3A_852 = vector.shape_cast %get3A_851 : vector<16xf32> to vector<16xf32>
    %gather3A_853 = vector.shape_cast %broadcast_in_dim3A_530 : vector<16x1xi32> to vector<16xi32>
    %gather3A_854 = tpu.dynamic_gather %get3A_852[%gather3A_853] in [0] : vector<16xf32>, vector<16xi32> -> vector<16xf32>
    %add3A_855 = arith.addf %get3A_852, %gather3A_854 : vector<16xf32>
    %gather3A_856 = vector.shape_cast %broadcast_in_dim3A_534 : vector<16x1xi32> to vector<16xi32>
    %gather3A_857 = tpu.dynamic_gather %add3A_855[%gather3A_856] in [0] : vector<16xf32>, vector<16xi32> -> vector<16xf32>
    %add3A_858 = arith.addf %add3A_855, %gather3A_857 : vector<16xf32>
    %gather3A_859 = vector.shape_cast %broadcast_in_dim3A_538 : vector<16x1xi32> to vector<16xi32>
    %gather3A_860 = tpu.dynamic_gather %add3A_858[%gather3A_859] in [0] : vector<16xf32>, vector<16xi32> -> vector<16xf32>
    %add3A_861 = arith.addf %add3A_858, %gather3A_860 : vector<16xf32>
    %gather3A_862 = vector.shape_cast %broadcast_in_dim3A_542 : vector<16x1xi32> to vector<16xi32>
    %gather3A_863 = tpu.dynamic_gather %add3A_861[%gather3A_862] in [0] : vector<16xf32>, vector<16xi32> -> vector<16xf32>
    %add3A_864 = arith.addf %add3A_861, %gather3A_863 : vector<16xf32>
    %eq3A_865 = arith.constant 0 : i32
    %eq3A_866 = vector.broadcast %eq3A_865 : i32 to vector<16xi32>
    %eq3A_867 = arith.cmpi eq, %iota3A, %eq3A_866 : vector<16xi32>
    %select_n3A_868 = arith.select %eq3A_867, %add3A_864, %broadcast_in_dim3A_10 : vector<16xi1>, vector<16xf32>
    %get3A_869 = arith.constant 272 : index
    %get3A_870 = tpu.vector_load %arg10[%get3A_869] {strides = array<i32>} : memref<512xf32, #tpu.memory_space<vmem>>, vector<16xf32>,
    %get3A_871 = vector.shape_cast %get3A_870 : vector<16xf32> to vector<16xf32>
    %gather3A_872 = vector.shape_cast %broadcast_in_dim3A_530 : vector<16x1xi32> to vector<16xi32>
    %gather3A_873 = tpu.dynamic_gather %get3A_871[%gather3A_872] in [0] : vector<16xf32>, vector<16xi32> -> vector<16xf32>
    %add3A_874 = arith.addf %get3A_871, %gather3A_873 : vector<16xf32>
    %gather3A_875 = vector.shape_cast %broadcast_in_dim3A_534 : vector<16x1xi32> to vector<16xi32>
    %gather3A_876 = tpu.dynamic_gather %add3A_874[%gather3A_875] in [0] : vector<16xf32>, vector<16xi32> -> vector<16xf32>
    %add3A_877 = arith.addf %add3A_874, %gather3A_876 : vector<16xf32>
    %gather3A_878 = vector.shape_cast %broadcast_in_dim3A_538 : vector<16x1xi32> to vector<16xi32>
    %gather3A_879 = tpu.dynamic_gather %add3A_877[%gather3A_878] in [0] : vector<16xf32>, vector<16xi32> -> vector<16xf32>
    %add3A_880 = arith.addf %add3A_877, %gather3A_879 : vector<16xf32>
    %gather3A_881 = vector.shape_cast %broadcast_in_dim3A_542 : vector<16x1xi32> to vector<16xi32>
    %gather3A_882 = tpu.dynamic_gather %add3A_880[%gather3A_881] in [0] : vector<16xf32>, vector<16xi32> -> vector<16xf32>
    %add3A_883 = arith.addf %add3A_880, %gather3A_882 : vector<16xf32>
    %eq3A_884 = arith.constant 1 : i32
    %eq3A_885 = vector.broadcast %eq3A_884 : i32 to vector<16xi32>
    %eq3A_886 = arith.cmpi eq, %iota3A, %eq3A_885 : vector<16xi32>
    %select_n3A_887 = arith.select %eq3A_886, %add3A_883, %select_n3A_868 : vector<16xi1>, vector<16xf32>
    %get3A_888 = arith.constant 288 : index
    %get3A_889 = tpu.vector_load %arg10[%get3A_888] {strides = array<i32>} : memref<512xf32, #tpu.memory_space<vmem>>, vector<16xf32>,
    %get3A_890 = vector.shape_cast %get3A_889 : vector<16xf32> to vector<16xf32>
    %gather3A_891 = vector.shape_cast %broadcast_in_dim3A_530 : vector<16x1xi32> to vector<16xi32>
    %gather3A_892 = tpu.dynamic_gather %get3A_890[%gather3A_891] in [0] : vector<16xf32>, vector<16xi32> -> vector<16xf32>
    %add3A_893 = arith.addf %get3A_890, %gather3A_892 : vector<16xf32>
    %gather3A_894 = vector.shape_cast %broadcast_in_dim3A_534 : vector<16x1xi32> to vector<16xi32>
    %gather3A_895 = tpu.dynamic_gather %add3A_893[%gather3A_894] in [0] : vector<16xf32>, vector<16xi32> -> vector<16xf32>
    %add3A_896 = arith.addf %add3A_893, %gather3A_895 : vector<16xf32>
    %gather3A_897 = vector.shape_cast %broadcast_in_dim3A_538 : vector<16x1xi32> to vector<16xi32>
    %gather3A_898 = tpu.dynamic_gather %add3A_896[%gather3A_897] in [0] : vector<16xf32>, vector<16xi32> -> vector<16xf32>
    %add3A_899 = arith.addf %add3A_896, %gather3A_898 : vector<16xf32>
    %gather3A_900 = vector.shape_cast %broadcast_in_dim3A_542 : vector<16x1xi32> to vector<16xi32>
    %gather3A_901 = tpu.dynamic_gather %add3A_899[%gather3A_900] in [0] : vector<16xf32>, vector<16xi32> -> vector<16xf32>
    %add3A_902 = arith.addf %add3A_899, %gather3A_901 : vector<16xf32>
    %eq3A_903 = arith.constant 2 : i32
    %eq3A_904 = vector.broadcast %eq3A_903 : i32 to vector<16xi32>
    %eq3A_905 = arith.cmpi eq, %iota3A, %eq3A_904 : vector<16xi32>
    %select_n3A_906 = arith.select %eq3A_905, %add3A_902, %select_n3A_887 : vector<16xi1>, vector<16xf32>
    %get3A_907 = arith.constant 304 : index
    %get3A_908 = tpu.vector_load %arg10[%get3A_907] {strides = array<i32>} : memref<512xf32, #tpu.memory_space<vmem>>, vector<16xf32>,
    %get3A_909 = vector.shape_cast %get3A_908 : vector<16xf32> to vector<16xf32>
    %gather3A_910 = vector.shape_cast %broadcast_in_dim3A_530 : vector<16x1xi32> to vector<16xi32>
    %gather3A_911 = tpu.dynamic_gather %get3A_909[%gather3A_910] in [0] : vector<16xf32>, vector<16xi32> -> vector<16xf32>
    %add3A_912 = arith.addf %get3A_909, %gather3A_911 : vector<16xf32>
    %gather3A_913 = vector.shape_cast %broadcast_in_dim3A_534 : vector<16x1xi32> to vector<16xi32>
    %gather3A_914 = tpu.dynamic_gather %add3A_912[%gather3A_913] in [0] : vector<16xf32>, vector<16xi32> -> vector<16xf32>
    %add3A_915 = arith.addf %add3A_912, %gather3A_914 : vector<16xf32>
    %gather3A_916 = vector.shape_cast %broadcast_in_dim3A_538 : vector<16x1xi32> to vector<16xi32>
    %gather3A_917 = tpu.dynamic_gather %add3A_915[%gather3A_916] in [0] : vector<16xf32>, vector<16xi32> -> vector<16xf32>
    %add3A_918 = arith.addf %add3A_915, %gather3A_917 : vector<16xf32>
    %gather3A_919 = vector.shape_cast %broadcast_in_dim3A_542 : vector<16x1xi32> to vector<16xi32>
    %gather3A_920 = tpu.dynamic_gather %add3A_918[%gather3A_919] in [0] : vector<16xf32>, vector<16xi32> -> vector<16xf32>
    %add3A_921 = arith.addf %add3A_918, %gather3A_920 : vector<16xf32>
    %eq3A_922 = arith.constant 3 : i32
    %eq3A_923 = vector.broadcast %eq3A_922 : i32 to vector<16xi32>
    %eq3A_924 = arith.cmpi eq, %iota3A, %eq3A_923 : vector<16xi32>
    %select_n3A_925 = arith.select %eq3A_924, %add3A_921, %select_n3A_906 : vector<16xi1>, vector<16xf32>
    %get3A_926 = arith.constant 320 : index
    %get3A_927 = tpu.vector_load %arg10[%get3A_926] {strides = array<i32>} : memref<512xf32, #tpu.memory_space<vmem>>, vector<16xf32>,
    %get3A_928 = vector.shape_cast %get3A_927 : vector<16xf32> to vector<16xf32>
    %gather3A_929 = vector.shape_cast %broadcast_in_dim3A_530 : vector<16x1xi32> to vector<16xi32>
    %gather3A_930 = tpu.dynamic_gather %get3A_928[%gather3A_929] in [0] : vector<16xf32>, vector<16xi32> -> vector<16xf32>
    %add3A_931 = arith.addf %get3A_928, %gather3A_930 : vector<16xf32>
    %gather3A_932 = vector.shape_cast %broadcast_in_dim3A_534 : vector<16x1xi32> to vector<16xi32>
    %gather3A_933 = tpu.dynamic_gather %add3A_931[%gather3A_932] in [0] : vector<16xf32>, vector<16xi32> -> vector<16xf32>
    %add3A_934 = arith.addf %add3A_931, %gather3A_933 : vector<16xf32>
    %gather3A_935 = vector.shape_cast %broadcast_in_dim3A_538 : vector<16x1xi32> to vector<16xi32>
    %gather3A_936 = tpu.dynamic_gather %add3A_934[%gather3A_935] in [0] : vector<16xf32>, vector<16xi32> -> vector<16xf32>
    %add3A_937 = arith.addf %add3A_934, %gather3A_936 : vector<16xf32>
    %gather3A_938 = vector.shape_cast %broadcast_in_dim3A_542 : vector<16x1xi32> to vector<16xi32>
    %gather3A_939 = tpu.dynamic_gather %add3A_937[%gather3A_938] in [0] : vector<16xf32>, vector<16xi32> -> vector<16xf32>
    %add3A_940 = arith.addf %add3A_937, %gather3A_939 : vector<16xf32>
    %eq3A_941 = arith.constant 4 : i32
    %eq3A_942 = vector.broadcast %eq3A_941 : i32 to vector<16xi32>
    %eq3A_943 = arith.cmpi eq, %iota3A, %eq3A_942 : vector<16xi32>
    %select_n3A_944 = arith.select %eq3A_943, %add3A_940, %select_n3A_925 : vector<16xi1>, vector<16xf32>
    %get3A_945 = arith.constant 336 : index
    %get3A_946 = tpu.vector_load %arg10[%get3A_945] {strides = array<i32>} : memref<512xf32, #tpu.memory_space<vmem>>, vector<16xf32>,
    %get3A_947 = vector.shape_cast %get3A_946 : vector<16xf32> to vector<16xf32>
    %gather3A_948 = vector.shape_cast %broadcast_in_dim3A_530 : vector<16x1xi32> to vector<16xi32>
    %gather3A_949 = tpu.dynamic_gather %get3A_947[%gather3A_948] in [0] : vector<16xf32>, vector<16xi32> -> vector<16xf32>
    %add3A_950 = arith.addf %get3A_947, %gather3A_949 : vector<16xf32>
    %gather3A_951 = vector.shape_cast %broadcast_in_dim3A_534 : vector<16x1xi32> to vector<16xi32>
    %gather3A_952 = tpu.dynamic_gather %add3A_950[%gather3A_951] in [0] : vector<16xf32>, vector<16xi32> -> vector<16xf32>
    %add3A_953 = arith.addf %add3A_950, %gather3A_952 : vector<16xf32>
    %gather3A_954 = vector.shape_cast %broadcast_in_dim3A_538 : vector<16x1xi32> to vector<16xi32>
    %gather3A_955 = tpu.dynamic_gather %add3A_953[%gather3A_954] in [0] : vector<16xf32>, vector<16xi32> -> vector<16xf32>
    %add3A_956 = arith.addf %add3A_953, %gather3A_955 : vector<16xf32>
    %gather3A_957 = vector.shape_cast %broadcast_in_dim3A_542 : vector<16x1xi32> to vector<16xi32>
    %gather3A_958 = tpu.dynamic_gather %add3A_956[%gather3A_957] in [0] : vector<16xf32>, vector<16xi32> -> vector<16xf32>
    %add3A_959 = arith.addf %add3A_956, %gather3A_958 : vector<16xf32>
    %eq3A_960 = arith.constant 5 : i32
    %eq3A_961 = vector.broadcast %eq3A_960 : i32 to vector<16xi32>
    %eq3A_962 = arith.cmpi eq, %iota3A, %eq3A_961 : vector<16xi32>
    %select_n3A_963 = arith.select %eq3A_962, %add3A_959, %select_n3A_944 : vector<16xi1>, vector<16xf32>
    %get3A_964 = arith.constant 352 : index
    %get3A_965 = tpu.vector_load %arg10[%get3A_964] {strides = array<i32>} : memref<512xf32, #tpu.memory_space<vmem>>, vector<16xf32>,
    %get3A_966 = vector.shape_cast %get3A_965 : vector<16xf32> to vector<16xf32>
    %gather3A_967 = vector.shape_cast %broadcast_in_dim3A_530 : vector<16x1xi32> to vector<16xi32>
    %gather3A_968 = tpu.dynamic_gather %get3A_966[%gather3A_967] in [0] : vector<16xf32>, vector<16xi32> -> vector<16xf32>
    %add3A_969 = arith.addf %get3A_966, %gather3A_968 : vector<16xf32>
    %gather3A_970 = vector.shape_cast %broadcast_in_dim3A_534 : vector<16x1xi32> to vector<16xi32>
    %gather3A_971 = tpu.dynamic_gather %add3A_969[%gather3A_970] in [0] : vector<16xf32>, vector<16xi32> -> vector<16xf32>
    %add3A_972 = arith.addf %add3A_969, %gather3A_971 : vector<16xf32>
    %gather3A_973 = vector.shape_cast %broadcast_in_dim3A_538 : vector<16x1xi32> to vector<16xi32>
    %gather3A_974 = tpu.dynamic_gather %add3A_972[%gather3A_973] in [0] : vector<16xf32>, vector<16xi32> -> vector<16xf32>
    %add3A_975 = arith.addf %add3A_972, %gather3A_974 : vector<16xf32>
    %gather3A_976 = vector.shape_cast %broadcast_in_dim3A_542 : vector<16x1xi32> to vector<16xi32>
    %gather3A_977 = tpu.dynamic_gather %add3A_975[%gather3A_976] in [0] : vector<16xf32>, vector<16xi32> -> vector<16xf32>
    %add3A_978 = arith.addf %add3A_975, %gather3A_977 : vector<16xf32>
    %eq3A_979 = arith.constant 6 : i32
    %eq3A_980 = vector.broadcast %eq3A_979 : i32 to vector<16xi32>
    %eq3A_981 = arith.cmpi eq, %iota3A, %eq3A_980 : vector<16xi32>
    %select_n3A_982 = arith.select %eq3A_981, %add3A_978, %select_n3A_963 : vector<16xi1>, vector<16xf32>
    %get3A_983 = arith.constant 368 : index
    %get3A_984 = tpu.vector_load %arg10[%get3A_983] {strides = array<i32>} : memref<512xf32, #tpu.memory_space<vmem>>, vector<16xf32>,
    %get3A_985 = vector.shape_cast %get3A_984 : vector<16xf32> to vector<16xf32>
    %gather3A_986 = vector.shape_cast %broadcast_in_dim3A_530 : vector<16x1xi32> to vector<16xi32>
    %gather3A_987 = tpu.dynamic_gather %get3A_985[%gather3A_986] in [0] : vector<16xf32>, vector<16xi32> -> vector<16xf32>
    %add3A_988 = arith.addf %get3A_985, %gather3A_987 : vector<16xf32>
    %gather3A_989 = vector.shape_cast %broadcast_in_dim3A_534 : vector<16x1xi32> to vector<16xi32>
    %gather3A_990 = tpu.dynamic_gather %add3A_988[%gather3A_989] in [0] : vector<16xf32>, vector<16xi32> -> vector<16xf32>
    %add3A_991 = arith.addf %add3A_988, %gather3A_990 : vector<16xf32>
    %gather3A_992 = vector.shape_cast %broadcast_in_dim3A_538 : vector<16x1xi32> to vector<16xi32>
    %gather3A_993 = tpu.dynamic_gather %add3A_991[%gather3A_992] in [0] : vector<16xf32>, vector<16xi32> -> vector<16xf32>
    %add3A_994 = arith.addf %add3A_991, %gather3A_993 : vector<16xf32>
    %gather3A_995 = vector.shape_cast %broadcast_in_dim3A_542 : vector<16x1xi32> to vector<16xi32>
    %gather3A_996 = tpu.dynamic_gather %add3A_994[%gather3A_995] in [0] : vector<16xf32>, vector<16xi32> -> vector<16xf32>
    %add3A_997 = arith.addf %add3A_994, %gather3A_996 : vector<16xf32>
    %eq3A_998 = arith.constant 7 : i32
    %eq3A_999 = vector.broadcast %eq3A_998 : i32 to vector<16xi32>
    %eq3A_1000 = arith.cmpi eq, %iota3A, %eq3A_999 : vector<16xi32>
    %select_n3A_1001 = arith.select %eq3A_1000, %add3A_997, %select_n3A_982 : vector<16xi1>, vector<16xf32>
    %get3A_1002 = arith.constant 384 : index
    %get3A_1003 = tpu.vector_load %arg10[%get3A_1002] {strides = array<i32>} : memref<512xf32, #tpu.memory_space<vmem>>, vector<16xf32>,
    %get3A_1004 = vector.shape_cast %get3A_1003 : vector<16xf32> to vector<16xf32>
    %gather3A_1005 = vector.shape_cast %broadcast_in_dim3A_530 : vector<16x1xi32> to vector<16xi32>
    %gather3A_1006 = tpu.dynamic_gather %get3A_1004[%gather3A_1005] in [0] : vector<16xf32>, vector<16xi32> -> vector<16xf32>
    %add3A_1007 = arith.addf %get3A_1004, %gather3A_1006 : vector<16xf32>
    %gather3A_1008 = vector.shape_cast %broadcast_in_dim3A_534 : vector<16x1xi32> to vector<16xi32>
    %gather3A_1009 = tpu.dynamic_gather %add3A_1007[%gather3A_1008] in [0] : vector<16xf32>, vector<16xi32> -> vector<16xf32>
    %add3A_1010 = arith.addf %add3A_1007, %gather3A_1009 : vector<16xf32>
    %gather3A_1011 = vector.shape_cast %broadcast_in_dim3A_538 : vector<16x1xi32> to vector<16xi32>
    %gather3A_1012 = tpu.dynamic_gather %add3A_1010[%gather3A_1011] in [0] : vector<16xf32>, vector<16xi32> -> vector<16xf32>
    %add3A_1013 = arith.addf %add3A_1010, %gather3A_1012 : vector<16xf32>
    %gather3A_1014 = vector.shape_cast %broadcast_in_dim3A_542 : vector<16x1xi32> to vector<16xi32>
    %gather3A_1015 = tpu.dynamic_gather %add3A_1013[%gather3A_1014] in [0] : vector<16xf32>, vector<16xi32> -> vector<16xf32>
    %add3A_1016 = arith.addf %add3A_1013, %gather3A_1015 : vector<16xf32>
    %eq3A_1017 = arith.constant 8 : i32
    %eq3A_1018 = vector.broadcast %eq3A_1017 : i32 to vector<16xi32>
    %eq3A_1019 = arith.cmpi eq, %iota3A, %eq3A_1018 : vector<16xi32>
    %select_n3A_1020 = arith.select %eq3A_1019, %add3A_1016, %select_n3A_1001 : vector<16xi1>, vector<16xf32>
    %get3A_1021 = arith.constant 400 : index
    %get3A_1022 = tpu.vector_load %arg10[%get3A_1021] {strides = array<i32>} : memref<512xf32, #tpu.memory_space<vmem>>, vector<16xf32>,
    %get3A_1023 = vector.shape_cast %get3A_1022 : vector<16xf32> to vector<16xf32>
    %gather3A_1024 = vector.shape_cast %broadcast_in_dim3A_530 : vector<16x1xi32> to vector<16xi32>
    %gather3A_1025 = tpu.dynamic_gather %get3A_1023[%gather3A_1024] in [0] : vector<16xf32>, vector<16xi32> -> vector<16xf32>
    %add3A_1026 = arith.addf %get3A_1023, %gather3A_1025 : vector<16xf32>
    %gather3A_1027 = vector.shape_cast %broadcast_in_dim3A_534 : vector<16x1xi32> to vector<16xi32>
    %gather3A_1028 = tpu.dynamic_gather %add3A_1026[%gather3A_1027] in [0] : vector<16xf32>, vector<16xi32> -> vector<16xf32>
    %add3A_1029 = arith.addf %add3A_1026, %gather3A_1028 : vector<16xf32>
    %gather3A_1030 = vector.shape_cast %broadcast_in_dim3A_538 : vector<16x1xi32> to vector<16xi32>
    %gather3A_1031 = tpu.dynamic_gather %add3A_1029[%gather3A_1030] in [0] : vector<16xf32>, vector<16xi32> -> vector<16xf32>
    %add3A_1032 = arith.addf %add3A_1029, %gather3A_1031 : vector<16xf32>
    %gather3A_1033 = vector.shape_cast %broadcast_in_dim3A_542 : vector<16x1xi32> to vector<16xi32>
    %gather3A_1034 = tpu.dynamic_gather %add3A_1032[%gather3A_1033] in [0] : vector<16xf32>, vector<16xi32> -> vector<16xf32>
    %add3A_1035 = arith.addf %add3A_1032, %gather3A_1034 : vector<16xf32>
    %eq3A_1036 = arith.constant 9 : i32
    %eq3A_1037 = vector.broadcast %eq3A_1036 : i32 to vector<16xi32>
    %eq3A_1038 = arith.cmpi eq, %iota3A, %eq3A_1037 : vector<16xi32>
    %select_n3A_1039 = arith.select %eq3A_1038, %add3A_1035, %select_n3A_1020 : vector<16xi1>, vector<16xf32>
    %get3A_1040 = arith.constant 416 : index
    %get3A_1041 = tpu.vector_load %arg10[%get3A_1040] {strides = array<i32>} : memref<512xf32, #tpu.memory_space<vmem>>, vector<16xf32>,
    %get3A_1042 = vector.shape_cast %get3A_1041 : vector<16xf32> to vector<16xf32>
    %gather3A_1043 = vector.shape_cast %broadcast_in_dim3A_530 : vector<16x1xi32> to vector<16xi32>
    %gather3A_1044 = tpu.dynamic_gather %get3A_1042[%gather3A_1043] in [0] : vector<16xf32>, vector<16xi32> -> vector<16xf32>
    %add3A_1045 = arith.addf %get3A_1042, %gather3A_1044 : vector<16xf32>
    %gather3A_1046 = vector.shape_cast %broadcast_in_dim3A_534 : vector<16x1xi32> to vector<16xi32>
    %gather3A_1047 = tpu.dynamic_gather %add3A_1045[%gather3A_1046] in [0] : vector<16xf32>, vector<16xi32> -> vector<16xf32>
    %add3A_1048 = arith.addf %add3A_1045, %gather3A_1047 : vector<16xf32>
    %gather3A_1049 = vector.shape_cast %broadcast_in_dim3A_538 : vector<16x1xi32> to vector<16xi32>
    %gather3A_1050 = tpu.dynamic_gather %add3A_1048[%gather3A_1049] in [0] : vector<16xf32>, vector<16xi32> -> vector<16xf32>
    %add3A_1051 = arith.addf %add3A_1048, %gather3A_1050 : vector<16xf32>
    %gather3A_1052 = vector.shape_cast %broadcast_in_dim3A_542 : vector<16x1xi32> to vector<16xi32>
    %gather3A_1053 = tpu.dynamic_gather %add3A_1051[%gather3A_1052] in [0] : vector<16xf32>, vector<16xi32> -> vector<16xf32>
    %add3A_1054 = arith.addf %add3A_1051, %gather3A_1053 : vector<16xf32>
    %eq3A_1055 = arith.constant 10 : i32
    %eq3A_1056 = vector.broadcast %eq3A_1055 : i32 to vector<16xi32>
    %eq3A_1057 = arith.cmpi eq, %iota3A, %eq3A_1056 : vector<16xi32>
    %select_n3A_1058 = arith.select %eq3A_1057, %add3A_1054, %select_n3A_1039 : vector<16xi1>, vector<16xf32>
    %get3A_1059 = arith.constant 432 : index
    %get3A_1060 = tpu.vector_load %arg10[%get3A_1059] {strides = array<i32>} : memref<512xf32, #tpu.memory_space<vmem>>, vector<16xf32>,
    %get3A_1061 = vector.shape_cast %get3A_1060 : vector<16xf32> to vector<16xf32>
    %gather3A_1062 = vector.shape_cast %broadcast_in_dim3A_530 : vector<16x1xi32> to vector<16xi32>
    %gather3A_1063 = tpu.dynamic_gather %get3A_1061[%gather3A_1062] in [0] : vector<16xf32>, vector<16xi32> -> vector<16xf32>
    %add3A_1064 = arith.addf %get3A_1061, %gather3A_1063 : vector<16xf32>
    %gather3A_1065 = vector.shape_cast %broadcast_in_dim3A_534 : vector<16x1xi32> to vector<16xi32>
    %gather3A_1066 = tpu.dynamic_gather %add3A_1064[%gather3A_1065] in [0] : vector<16xf32>, vector<16xi32> -> vector<16xf32>
    %add3A_1067 = arith.addf %add3A_1064, %gather3A_1066 : vector<16xf32>
    %gather3A_1068 = vector.shape_cast %broadcast_in_dim3A_538 : vector<16x1xi32> to vector<16xi32>
    %gather3A_1069 = tpu.dynamic_gather %add3A_1067[%gather3A_1068] in [0] : vector<16xf32>, vector<16xi32> -> vector<16xf32>
    %add3A_1070 = arith.addf %add3A_1067, %gather3A_1069 : vector<16xf32>
    %gather3A_1071 = vector.shape_cast %broadcast_in_dim3A_542 : vector<16x1xi32> to vector<16xi32>
    %gather3A_1072 = tpu.dynamic_gather %add3A_1070[%gather3A_1071] in [0] : vector<16xf32>, vector<16xi32> -> vector<16xf32>
    %add3A_1073 = arith.addf %add3A_1070, %gather3A_1072 : vector<16xf32>
    %eq3A_1074 = arith.constant 11 : i32
    %eq3A_1075 = vector.broadcast %eq3A_1074 : i32 to vector<16xi32>
    %eq3A_1076 = arith.cmpi eq, %iota3A, %eq3A_1075 : vector<16xi32>
    %select_n3A_1077 = arith.select %eq3A_1076, %add3A_1073, %select_n3A_1058 : vector<16xi1>, vector<16xf32>
    %get3A_1078 = arith.constant 448 : index
    %get3A_1079 = tpu.vector_load %arg10[%get3A_1078] {strides = array<i32>} : memref<512xf32, #tpu.memory_space<vmem>>, vector<16xf32>,
    %get3A_1080 = vector.shape_cast %get3A_1079 : vector<16xf32> to vector<16xf32>
    %gather3A_1081 = vector.shape_cast %broadcast_in_dim3A_530 : vector<16x1xi32> to vector<16xi32>
    %gather3A_1082 = tpu.dynamic_gather %get3A_1080[%gather3A_1081] in [0] : vector<16xf32>, vector<16xi32> -> vector<16xf32>
    %add3A_1083 = arith.addf %get3A_1080, %gather3A_1082 : vector<16xf32>
    %gather3A_1084 = vector.shape_cast %broadcast_in_dim3A_534 : vector<16x1xi32> to vector<16xi32>
    %gather3A_1085 = tpu.dynamic_gather %add3A_1083[%gather3A_1084] in [0] : vector<16xf32>, vector<16xi32> -> vector<16xf32>
    %add3A_1086 = arith.addf %add3A_1083, %gather3A_1085 : vector<16xf32>
    %gather3A_1087 = vector.shape_cast %broadcast_in_dim3A_538 : vector<16x1xi32> to vector<16xi32>
    %gather3A_1088 = tpu.dynamic_gather %add3A_1086[%gather3A_1087] in [0] : vector<16xf32>, vector<16xi32> -> vector<16xf32>
    %add3A_1089 = arith.addf %add3A_1086, %gather3A_1088 : vector<16xf32>
    %gather3A_1090 = vector.shape_cast %broadcast_in_dim3A_542 : vector<16x1xi32> to vector<16xi32>
    %gather3A_1091 = tpu.dynamic_gather %add3A_1089[%gather3A_1090] in [0] : vector<16xf32>, vector<16xi32> -> vector<16xf32>
    %add3A_1092 = arith.addf %add3A_1089, %gather3A_1091 : vector<16xf32>
    %eq3A_1093 = arith.constant 12 : i32
    %eq3A_1094 = vector.broadcast %eq3A_1093 : i32 to vector<16xi32>
    %eq3A_1095 = arith.cmpi eq, %iota3A, %eq3A_1094 : vector<16xi32>
    %select_n3A_1096 = arith.select %eq3A_1095, %add3A_1092, %select_n3A_1077 : vector<16xi1>, vector<16xf32>
    %get3A_1097 = arith.constant 464 : index
    %get3A_1098 = tpu.vector_load %arg10[%get3A_1097] {strides = array<i32>} : memref<512xf32, #tpu.memory_space<vmem>>, vector<16xf32>,
    %get3A_1099 = vector.shape_cast %get3A_1098 : vector<16xf32> to vector<16xf32>
    %gather3A_1100 = vector.shape_cast %broadcast_in_dim3A_530 : vector<16x1xi32> to vector<16xi32>
    %gather3A_1101 = tpu.dynamic_gather %get3A_1099[%gather3A_1100] in [0] : vector<16xf32>, vector<16xi32> -> vector<16xf32>
    %add3A_1102 = arith.addf %get3A_1099, %gather3A_1101 : vector<16xf32>
    %gather3A_1103 = vector.shape_cast %broadcast_in_dim3A_534 : vector<16x1xi32> to vector<16xi32>
    %gather3A_1104 = tpu.dynamic_gather %add3A_1102[%gather3A_1103] in [0] : vector<16xf32>, vector<16xi32> -> vector<16xf32>
    %add3A_1105 = arith.addf %add3A_1102, %gather3A_1104 : vector<16xf32>
    %gather3A_1106 = vector.shape_cast %broadcast_in_dim3A_538 : vector<16x1xi32> to vector<16xi32>
    %gather3A_1107 = tpu.dynamic_gather %add3A_1105[%gather3A_1106] in [0] : vector<16xf32>, vector<16xi32> -> vector<16xf32>
    %add3A_1108 = arith.addf %add3A_1105, %gather3A_1107 : vector<16xf32>
    %gather3A_1109 = vector.shape_cast %broadcast_in_dim3A_542 : vector<16x1xi32> to vector<16xi32>
    %gather3A_1110 = tpu.dynamic_gather %add3A_1108[%gather3A_1109] in [0] : vector<16xf32>, vector<16xi32> -> vector<16xf32>
    %add3A_1111 = arith.addf %add3A_1108, %gather3A_1110 : vector<16xf32>
    %eq3A_1112 = arith.constant 13 : i32
    %eq3A_1113 = vector.broadcast %eq3A_1112 : i32 to vector<16xi32>
    %eq3A_1114 = arith.cmpi eq, %iota3A, %eq3A_1113 : vector<16xi32>
    %select_n3A_1115 = arith.select %eq3A_1114, %add3A_1111, %select_n3A_1096 : vector<16xi1>, vector<16xf32>
    %get3A_1116 = arith.constant 480 : index
    %get3A_1117 = tpu.vector_load %arg10[%get3A_1116] {strides = array<i32>} : memref<512xf32, #tpu.memory_space<vmem>>, vector<16xf32>,
    %get3A_1118 = vector.shape_cast %get3A_1117 : vector<16xf32> to vector<16xf32>
    %gather3A_1119 = vector.shape_cast %broadcast_in_dim3A_530 : vector<16x1xi32> to vector<16xi32>
    %gather3A_1120 = tpu.dynamic_gather %get3A_1118[%gather3A_1119] in [0] : vector<16xf32>, vector<16xi32> -> vector<16xf32>
    %add3A_1121 = arith.addf %get3A_1118, %gather3A_1120 : vector<16xf32>
    %gather3A_1122 = vector.shape_cast %broadcast_in_dim3A_534 : vector<16x1xi32> to vector<16xi32>
    %gather3A_1123 = tpu.dynamic_gather %add3A_1121[%gather3A_1122] in [0] : vector<16xf32>, vector<16xi32> -> vector<16xf32>
    %add3A_1124 = arith.addf %add3A_1121, %gather3A_1123 : vector<16xf32>
    %gather3A_1125 = vector.shape_cast %broadcast_in_dim3A_538 : vector<16x1xi32> to vector<16xi32>
    %gather3A_1126 = tpu.dynamic_gather %add3A_1124[%gather3A_1125] in [0] : vector<16xf32>, vector<16xi32> -> vector<16xf32>
    %add3A_1127 = arith.addf %add3A_1124, %gather3A_1126 : vector<16xf32>
    %gather3A_1128 = vector.shape_cast %broadcast_in_dim3A_542 : vector<16x1xi32> to vector<16xi32>
    %gather3A_1129 = tpu.dynamic_gather %add3A_1127[%gather3A_1128] in [0] : vector<16xf32>, vector<16xi32> -> vector<16xf32>
    %add3A_1130 = arith.addf %add3A_1127, %gather3A_1129 : vector<16xf32>
    %eq3A_1131 = arith.constant 14 : i32
    %eq3A_1132 = vector.broadcast %eq3A_1131 : i32 to vector<16xi32>
    %eq3A_1133 = arith.cmpi eq, %iota3A, %eq3A_1132 : vector<16xi32>
    %select_n3A_1134 = arith.select %eq3A_1133, %add3A_1130, %select_n3A_1115 : vector<16xi1>, vector<16xf32>
    %get3A_1135 = arith.constant 496 : index
    %get3A_1136 = tpu.vector_load %arg10[%get3A_1135] {strides = array<i32>} : memref<512xf32, #tpu.memory_space<vmem>>, vector<16xf32>,
    %get3A_1137 = vector.shape_cast %get3A_1136 : vector<16xf32> to vector<16xf32>
    %gather3A_1138 = vector.shape_cast %broadcast_in_dim3A_530 : vector<16x1xi32> to vector<16xi32>
    %gather3A_1139 = tpu.dynamic_gather %get3A_1137[%gather3A_1138] in [0] : vector<16xf32>, vector<16xi32> -> vector<16xf32>
    %add3A_1140 = arith.addf %get3A_1137, %gather3A_1139 : vector<16xf32>
    %gather3A_1141 = vector.shape_cast %broadcast_in_dim3A_534 : vector<16x1xi32> to vector<16xi32>
    %gather3A_1142 = tpu.dynamic_gather %add3A_1140[%gather3A_1141] in [0] : vector<16xf32>, vector<16xi32> -> vector<16xf32>
    %add3A_1143 = arith.addf %add3A_1140, %gather3A_1142 : vector<16xf32>
    %gather3A_1144 = vector.shape_cast %broadcast_in_dim3A_538 : vector<16x1xi32> to vector<16xi32>
    %gather3A_1145 = tpu.dynamic_gather %add3A_1143[%gather3A_1144] in [0] : vector<16xf32>, vector<16xi32> -> vector<16xf32>
    %add3A_1146 = arith.addf %add3A_1143, %gather3A_1145 : vector<16xf32>
    %gather3A_1147 = vector.shape_cast %broadcast_in_dim3A_542 : vector<16x1xi32> to vector<16xi32>
    %gather3A_1148 = tpu.dynamic_gather %add3A_1146[%gather3A_1147] in [0] : vector<16xf32>, vector<16xi32> -> vector<16xf32>
    %add3A_1149 = arith.addf %add3A_1146, %gather3A_1148 : vector<16xf32>
    %eq3A_1150 = arith.constant 15 : i32
    %eq3A_1151 = vector.broadcast %eq3A_1150 : i32 to vector<16xi32>
    %eq3A_1152 = arith.cmpi eq, %iota3A, %eq3A_1151 : vector<16xi32>
    %select_n3A_1153 = arith.select %eq3A_1152, %add3A_1149, %select_n3A_1134 : vector<16xi1>, vector<16xf32>
    %swap3A_1154 = arith.constant 16 : index
    %swap3A_1155 = tpu.vector_load %arg11[%swap3A_1154] {strides = array<i32>} : memref<32xf32, #tpu.memory_space<vmem>>, vector<16xf32>,
    %swap3A_1156 = vector.shape_cast %swap3A_1155 : vector<16xf32> to vector<16xf32>
    %swap3A_1157 = vector.shape_cast %select_n3A_1153 : vector<16xf32> to vector<16xf32>
    tpu.vector_store %arg11[%swap3A_1154], %swap3A_1157 {strides = array<i32>} : memref<32xf32, #tpu.memory_space<vmem>>, vector<16xf32>,
    "tpu.region"() ({
      %run_scoped3A = tpu.sem_alloc : memref<!tpu.dma_semaphore, #tpu.memory_space<semaphore_mem>>
      %dma_start3A = arith.constant 0 : i32
      %dma_start3A_1158 = tpu.memref_slice %arg6[%add3A, %dma_start3A] : memref<32x32xf32, #tpu.memory_space<hbm>> -> memref<1x32xf32, #tpu.memory_space<hbm>>
      %dma_start3A_1159 = tpu.memref_squeeze %dma_start3A_1158 : memref<1x32xf32, #tpu.memory_space<hbm>> -> memref<32xf32, #tpu.memory_space<hbm>>
      %dma_start3A_1160 = arith.constant 0 : i32
      %dma_start3A_1161 = tpu.memref_slice %arg6[%add3A, %dma_start3A_1160] : memref<32x32xf32, #tpu.memory_space<hbm>> -> memref<1x32xf32, #tpu.memory_space<hbm>>
      %dma_start3A_1162 = tpu.memref_squeeze %dma_start3A_1161 : memref<1x32xf32, #tpu.memory_space<hbm>> -> memref<32xf32, #tpu.memory_space<hbm>>
      tpu.enqueue_dma source(%arg11 : memref<32xf32, #tpu.memory_space<vmem>>) target(%dma_start3A_1162 : memref<32xf32, #tpu.memory_space<hbm>>) target_semaphore(%run_scoped3A : memref<!tpu.dma_semaphore, #tpu.memory_space<semaphore_mem>>)
      %dma_wait3A = arith.constant 0 : i32
      %dma_wait3A_1163 = tpu.memref_slice %arg6[%add3A, %dma_wait3A] : memref<32x32xf32, #tpu.memory_space<hbm>> -> memref<1x32xf32, #tpu.memory_space<hbm>>
      %dma_wait3A_1164 = tpu.memref_squeeze %dma_wait3A_1163 : memref<1x32xf32, #tpu.memory_space<hbm>> -> memref<32xf32, #tpu.memory_space<hbm>>
      %dma_wait3A_1165 = arith.constant 0 : i32
      %dma_wait3A_1166 = tpu.memref_slice %arg6[%add3A, %dma_wait3A_1165] : memref<32x32xf32, #tpu.memory_space<hbm>> -> memref<1x32xf32, #tpu.memory_space<hbm>>
      %dma_wait3A_1167 = tpu.memref_squeeze %dma_wait3A_1166 : memref<1x32xf32, #tpu.memory_space<hbm>> -> memref<32xf32, #tpu.memory_space<hbm>>
      tpu.wait_dma2 semaphore(%run_scoped3A : memref<!tpu.dma_semaphore, #tpu.memory_space<semaphore_mem>>) src(%arg11 : memref<32xf32, #tpu.memory_space<vmem>>) dst(%dma_wait3A_1167 : memref<32xf32, #tpu.memory_space<hbm>>)
      tpu.yield
    }) : () -> ()
    return
  }
}

module attributes {stable_mosaic.version = 14 : i64} {
  func.func @_tc_merge_body(%arg0: memref<32x32xf32, #tpu.memory_space<vmem>>, %arg1: memref<16x32xf32, #tpu.memory_space<vmem>>, %arg2: memref<16x32xf32, #tpu.memory_space<vmem>>, %arg3: memref<16x64xf32, #tpu.memory_space<vmem>>, %arg4: memref<1x1xf32, #tpu.memory_space<vmem>>) attributes {dimension_semantics = [], scalar_prefetch = 0 : i64, scratch_operands = 0 : i64, tpu.core_type = #tpu.core_type<tc>} {
    %get3A = arith.constant 0 : index
    %get3A_0 = arith.constant 0 : index
    %get3A_1 = vector.load %arg0[%get3A, %get3A_0] : memref<32x32xf32, #tpu.memory_space<vmem>>, vector<16x32xf32>
    %get3A_2 = arith.constant 0 : index
    %get3A_3 = arith.constant 0 : index
    %get3A_4 = vector.load %arg1[%get3A_2, %get3A_3] : memref<16x32xf32, #tpu.memory_space<vmem>>, vector<16x32xf32>
    %add3A = arith.addf %get3A_1, %get3A_4 : vector<16x32xf32>
    %get3A_5 = arith.constant 16 : index
    %get3A_6 = arith.constant 0 : index
    %get3A_7 = vector.load %arg0[%get3A_5, %get3A_6] : memref<32x32xf32, #tpu.memory_space<vmem>>, vector<16x32xf32>
    %get3A_8 = arith.constant 0 : index
    %get3A_9 = arith.constant 0 : index
    %get3A_10 = vector.load %arg2[%get3A_8, %get3A_9] : memref<16x32xf32, #tpu.memory_space<vmem>>, vector<16x32xf32>
    %add3A_11 = arith.addf %get3A_7, %get3A_10 : vector<16x32xf32>
    %concatenate3A = tpu.concatenate %add3A, %add3A_11 in 1 : vector<16x32xf32>, vector<16x32xf32> -> vector<16x64xf32>
    %swap3A = arith.constant 0 : index
    %swap3A_12 = arith.constant 0 : index
    %swap3A_13 = vector.load %arg3[%swap3A, %swap3A_12] : memref<16x64xf32, #tpu.memory_space<vmem>>, vector<16x64xf32>
    tpu.vector_store %arg3[%swap3A, %swap3A_12], %concatenate3A {strides = array<i32>} : memref<16x64xf32, #tpu.memory_space<vmem>>, vector<16x64xf32>,
    %sub3A = arith.subf %add3A, %add3A_11 : vector<16x32xf32>
    %mul3A = arith.mulf %sub3A, %sub3A : vector<16x32xf32>
    %reduce_sum3A = vector.shape_cast %mul3A : vector<16x32xf32> to vector<1x16x32xf32>
    %reduce_sum3A_14 = arith.constant dense<0.000000e+00> : vector<1xf32>
    %reduce_sum3A_15 = vector.multi_reduction <add>, %reduce_sum3A, %reduce_sum3A_14 [1, 2] : vector<1x16x32xf32> to vector<1xf32>
    %reduce_sum3A_16 = vector.shape_cast %reduce_sum3A_15 : vector<1xf32> to vector<1x1x1xf32>
    %reduce_sum3A_17 = vector.extract %reduce_sum3A_16[0, 0, 0] : f32 from vector<1x1x1xf32>
    %neg3A = arith.constant 0.000000e+00 : f32
    %neg3A_18 = arith.subf %neg3A, %reduce_sum3A_17 : f32
    %broadcast_in_dim3A = vector.broadcast %neg3A_18 : f32 to vector<1x1xf32>
    %swap3A_19 = arith.constant 0 : index
    %swap3A_20 = arith.constant 0 : index
    %swap3A_21 = vector.load %arg4[%swap3A_19, %swap3A_20] : memref<1x1xf32, #tpu.memory_space<vmem>>, vector<1x1xf32>
    tpu.vector_store %arg4[%swap3A_19, %swap3A_20], %broadcast_in_dim3A {strides = array<i32>} : memref<1x1xf32, #tpu.memory_space<vmem>>, vector<1x1xf32>,
    return
  }
}

module attributes {stable_mosaic.version = 14 : i64} {
  func.func @_tc_main_body(%arg0: memref<16x2048xf32, #tpu.memory_space<vmem>>, %arg1: memref<16x2048xf32, #tpu.memory_space<vmem>>, %arg2: memref<16x2048xf32, #tpu.memory_space<vmem>>, %arg3: memref<16x2048xf32, #tpu.memory_space<vmem>>, %arg4: memref<16x2048xf32, #tpu.memory_space<vmem>>, %arg5: memref<16x2048xf32, #tpu.memory_space<vmem>>, %arg6: memref<32x2xf32, #tpu.memory_space<smem>>, %arg7: memref<1x1xf32, #tpu.memory_space<smem>>, %arg8: memref<16x32xf32, #tpu.memory_space<vmem>>, %arg9: memref<16x32xf32, #tpu.memory_space<vmem>>) attributes {dimension_semantics = [], scalar_prefetch = 0 : i64, scratch_operands = 0 : i64, tpu.core_type = #tpu.core_type<tc>} {
    %get3A = arith.constant 0 : index
    %get3A_0 = arith.constant 0 : index
    %get3A_1 = memref.load %arg7[%get3A, %get3A_0] : memref<1x1xf32, #tpu.memory_space<smem>>
    %abs3A = math.absf %get3A_1 : f32
    %get3A_2 = arith.constant 0 : index
    %get3A_3 = arith.constant 0 : index
    %get3A_4 = vector.load %arg0[%get3A_2, %get3A_3] : memref<16x2048xf32, #tpu.memory_space<vmem>>, vector<16x2048xf32>
    %get3A_5 = arith.constant 0 : index
    %get3A_6 = arith.constant 0 : index
    %get3A_7 = vector.load %arg1[%get3A_5, %get3A_6] : memref<16x2048xf32, #tpu.memory_space<vmem>>, vector<16x2048xf32>
    %get3A_8 = arith.constant 0 : index
    %get3A_9 = arith.constant 1024 : index
    %get3A_10 = vector.load %arg4[%get3A_8, %get3A_9] : memref<16x2048xf32, #tpu.memory_space<vmem>>, vector<16x1024xf32>
    %get3A_11 = arith.constant 0 : index
    %get3A_12 = arith.constant 0 : index
    %get3A_13 = memref.load %arg6[%get3A_11, %get3A_12] : memref<32x2xf32, #tpu.memory_space<smem>>
    %get3A_14 = arith.constant 0 : index
    %get3A_15 = arith.constant 1 : index
    %get3A_16 = memref.load %arg6[%get3A_14, %get3A_15] : memref<32x2xf32, #tpu.memory_space<smem>>
    %sub3A = vector.broadcast %get3A_13 : f32 to vector<16x2048xf32>
    %sub3A_17 = arith.subf %get3A_4, %sub3A : vector<16x2048xf32>
    %abs3A_18 = math.absf %sub3A_17 : vector<16x2048xf32>
    %sub3A_19 = vector.broadcast %get3A_16 : f32 to vector<16x2048xf32>
    %sub3A_20 = arith.subf %get3A_7, %sub3A_19 : vector<16x2048xf32>
    %abs3A_21 = math.absf %sub3A_20 : vector<16x2048xf32>
    %add3A = arith.addf %abs3A_18, %abs3A_21 : vector<16x2048xf32>
    %sub3A_22 = vector.broadcast %abs3A : f32 to vector<16x2048xf32>
    %sub3A_23 = arith.subf %sub3A_22, %add3A : vector<16x2048xf32>
    %abs3A_24 = math.absf %sub3A_23 : vector<16x2048xf32>
    %sub3A_25 = arith.subf %abs3A_24, %add3A : vector<16x2048xf32>
    %add3A_26 = arith.constant 1.000000e+00 : f32
    %add3A_27 = vector.broadcast %add3A_26 : f32 to vector<16x2048xf32>
    %add3A_28 = arith.addf %add3A_27, %add3A : vector<16x2048xf32>
    %add3A_29 = arith.constant 1.000000e+00 : f32
    %add3A_30 = vector.broadcast %add3A_29 : f32 to vector<16x2048xf32>
    %add3A_31 = arith.addf %add3A_30, %abs3A_24 : vector<16x2048xf32>
    %mul3A = arith.mulf %add3A_28, %add3A_31 : vector<16x2048xf32>
    %div3A = arith.divf %sub3A_25, %mul3A : vector<16x2048xf32>
    %reduce_sum3A = arith.constant dense<0.000000e+00> : vector<16xf32>
    %reduce_sum3A_32 = vector.multi_reduction <add>, %div3A, %reduce_sum3A [1] : vector<16x2048xf32> to vector<16xf32>
    %sub3A_33 = vector.broadcast %get3A_13 : f32 to vector<16x1024xf32>
    %sub3A_34 = arith.subf %get3A_10, %sub3A_33 : vector<16x1024xf32>
    %abs3A_35 = math.absf %sub3A_34 : vector<16x1024xf32>
    %sub3A_36 = arith.constant 1.000000e+00 : f32
    %sub3A_37 = arith.subf %sub3A_36, %get3A_16 : f32
    %sub3A_38 = vector.broadcast %sub3A_37 : f32 to vector<16x1024xf32>
    %sub3A_39 = arith.subf %get3A_10, %sub3A_38 : vector<16x1024xf32>
    %abs3A_40 = math.absf %sub3A_39 : vector<16x1024xf32>
    %add3A_41 = arith.addf %abs3A_35, %abs3A_40 : vector<16x1024xf32>
    %sub3A_42 = vector.broadcast %abs3A : f32 to vector<16x1024xf32>
    %sub3A_43 = arith.subf %sub3A_42, %add3A_41 : vector<16x1024xf32>
    %abs3A_44 = math.absf %sub3A_43 : vector<16x1024xf32>
    %sub3A_45 = arith.subf %abs3A_44, %add3A_41 : vector<16x1024xf32>
    %add3A_46 = arith.constant 1.000000e+00 : f32
    %add3A_47 = vector.broadcast %add3A_46 : f32 to vector<16x1024xf32>
    %add3A_48 = arith.addf %add3A_47, %add3A_41 : vector<16x1024xf32>
    %add3A_49 = arith.constant 1.000000e+00 : f32
    %add3A_50 = vector.broadcast %add3A_49 : f32 to vector<16x1024xf32>
    %add3A_51 = arith.addf %add3A_50, %abs3A_44 : vector<16x1024xf32>
    %mul3A_52 = arith.mulf %add3A_48, %add3A_51 : vector<16x1024xf32>
    %div3A_53 = arith.divf %sub3A_45, %mul3A_52 : vector<16x1024xf32>
    %reduce_sum3A_54 = arith.constant dense<0.000000e+00> : vector<16xf32>
    %reduce_sum3A_55 = vector.multi_reduction <add>, %div3A_53, %reduce_sum3A_54 [1] : vector<16x1024xf32> to vector<16xf32>
    %add3A_56 = arith.addf %reduce_sum3A_32, %reduce_sum3A_55 : vector<16xf32>
    %get3A_57 = arith.constant 1 : index
    %get3A_58 = arith.constant 0 : index
    %get3A_59 = memref.load %arg6[%get3A_57, %get3A_58] : memref<32x2xf32, #tpu.memory_space<smem>>
    %get3A_60 = arith.constant 1 : index
    %get3A_61 = arith.constant 1 : index
    %get3A_62 = memref.load %arg6[%get3A_60, %get3A_61] : memref<32x2xf32, #tpu.memory_space<smem>>
    %sub3A_63 = vector.broadcast %get3A_59 : f32 to vector<16x2048xf32>
    %sub3A_64 = arith.subf %get3A_4, %sub3A_63 : vector<16x2048xf32>
    %abs3A_65 = math.absf %sub3A_64 : vector<16x2048xf32>
    %sub3A_66 = vector.broadcast %get3A_62 : f32 to vector<16x2048xf32>
    %sub3A_67 = arith.subf %get3A_7, %sub3A_66 : vector<16x2048xf32>
    %abs3A_68 = math.absf %sub3A_67 : vector<16x2048xf32>
    %add3A_69 = arith.addf %abs3A_65, %abs3A_68 : vector<16x2048xf32>
    %sub3A_70 = vector.broadcast %abs3A : f32 to vector<16x2048xf32>
    %sub3A_71 = arith.subf %sub3A_70, %add3A_69 : vector<16x2048xf32>
    %abs3A_72 = math.absf %sub3A_71 : vector<16x2048xf32>
    %sub3A_73 = arith.subf %abs3A_72, %add3A_69 : vector<16x2048xf32>
    %add3A_74 = arith.constant 1.000000e+00 : f32
    %add3A_75 = vector.broadcast %add3A_74 : f32 to vector<16x2048xf32>
    %add3A_76 = arith.addf %add3A_75, %add3A_69 : vector<16x2048xf32>
    %add3A_77 = arith.constant 1.000000e+00 : f32
    %add3A_78 = vector.broadcast %add3A_77 : f32 to vector<16x2048xf32>
    %add3A_79 = arith.addf %add3A_78, %abs3A_72 : vector<16x2048xf32>
    %mul3A_80 = arith.mulf %add3A_76, %add3A_79 : vector<16x2048xf32>
    %div3A_81 = arith.divf %sub3A_73, %mul3A_80 : vector<16x2048xf32>
    %reduce_sum3A_82 = arith.constant dense<0.000000e+00> : vector<16xf32>
    %reduce_sum3A_83 = vector.multi_reduction <add>, %div3A_81, %reduce_sum3A_82 [1] : vector<16x2048xf32> to vector<16xf32>
    %sub3A_84 = vector.broadcast %get3A_59 : f32 to vector<16x1024xf32>
    %sub3A_85 = arith.subf %get3A_10, %sub3A_84 : vector<16x1024xf32>
    %abs3A_86 = math.absf %sub3A_85 : vector<16x1024xf32>
    %sub3A_87 = arith.constant 1.000000e+00 : f32
    %sub3A_88 = arith.subf %sub3A_87, %get3A_62 : f32
    %sub3A_89 = vector.broadcast %sub3A_88 : f32 to vector<16x1024xf32>
    %sub3A_90 = arith.subf %get3A_10, %sub3A_89 : vector<16x1024xf32>
    %abs3A_91 = math.absf %sub3A_90 : vector<16x1024xf32>
    %add3A_92 = arith.addf %abs3A_86, %abs3A_91 : vector<16x1024xf32>
    %sub3A_93 = vector.broadcast %abs3A : f32 to vector<16x1024xf32>
    %sub3A_94 = arith.subf %sub3A_93, %add3A_92 : vector<16x1024xf32>
    %abs3A_95 = math.absf %sub3A_94 : vector<16x1024xf32>
    %sub3A_96 = arith.subf %abs3A_95, %add3A_92 : vector<16x1024xf32>
    %add3A_97 = arith.constant 1.000000e+00 : f32
    %add3A_98 = vector.broadcast %add3A_97 : f32 to vector<16x1024xf32>
    %add3A_99 = arith.addf %add3A_98, %add3A_92 : vector<16x1024xf32>
    %add3A_100 = arith.constant 1.000000e+00 : f32
    %add3A_101 = vector.broadcast %add3A_100 : f32 to vector<16x1024xf32>
    %add3A_102 = arith.addf %add3A_101, %abs3A_95 : vector<16x1024xf32>
    %mul3A_103 = arith.mulf %add3A_99, %add3A_102 : vector<16x1024xf32>
    %div3A_104 = arith.divf %sub3A_96, %mul3A_103 : vector<16x1024xf32>
    %reduce_sum3A_105 = arith.constant dense<0.000000e+00> : vector<16xf32>
    %reduce_sum3A_106 = vector.multi_reduction <add>, %div3A_104, %reduce_sum3A_105 [1] : vector<16x1024xf32> to vector<16xf32>
    %add3A_107 = arith.addf %reduce_sum3A_83, %reduce_sum3A_106 : vector<16xf32>
    %get3A_108 = arith.constant 2 : index
    %get3A_109 = arith.constant 0 : index
    %get3A_110 = memref.load %arg6[%get3A_108, %get3A_109] : memref<32x2xf32, #tpu.memory_space<smem>>
    %get3A_111 = arith.constant 2 : index
    %get3A_112 = arith.constant 1 : index
    %get3A_113 = memref.load %arg6[%get3A_111, %get3A_112] : memref<32x2xf32, #tpu.memory_space<smem>>
    %sub3A_114 = vector.broadcast %get3A_110 : f32 to vector<16x2048xf32>
    %sub3A_115 = arith.subf %get3A_4, %sub3A_114 : vector<16x2048xf32>
    %abs3A_116 = math.absf %sub3A_115 : vector<16x2048xf32>
    %sub3A_117 = vector.broadcast %get3A_113 : f32 to vector<16x2048xf32>
    %sub3A_118 = arith.subf %get3A_7, %sub3A_117 : vector<16x2048xf32>
    %abs3A_119 = math.absf %sub3A_118 : vector<16x2048xf32>
    %add3A_120 = arith.addf %abs3A_116, %abs3A_119 : vector<16x2048xf32>
    %sub3A_121 = vector.broadcast %abs3A : f32 to vector<16x2048xf32>
    %sub3A_122 = arith.subf %sub3A_121, %add3A_120 : vector<16x2048xf32>
    %abs3A_123 = math.absf %sub3A_122 : vector<16x2048xf32>
    %sub3A_124 = arith.subf %abs3A_123, %add3A_120 : vector<16x2048xf32>
    %add3A_125 = arith.constant 1.000000e+00 : f32
    %add3A_126 = vector.broadcast %add3A_125 : f32 to vector<16x2048xf32>
    %add3A_127 = arith.addf %add3A_126, %add3A_120 : vector<16x2048xf32>
    %add3A_128 = arith.constant 1.000000e+00 : f32
    %add3A_129 = vector.broadcast %add3A_128 : f32 to vector<16x2048xf32>
    %add3A_130 = arith.addf %add3A_129, %abs3A_123 : vector<16x2048xf32>
    %mul3A_131 = arith.mulf %add3A_127, %add3A_130 : vector<16x2048xf32>
    %div3A_132 = arith.divf %sub3A_124, %mul3A_131 : vector<16x2048xf32>
    %reduce_sum3A_133 = arith.constant dense<0.000000e+00> : vector<16xf32>
    %reduce_sum3A_134 = vector.multi_reduction <add>, %div3A_132, %reduce_sum3A_133 [1] : vector<16x2048xf32> to vector<16xf32>
    %sub3A_135 = vector.broadcast %get3A_110 : f32 to vector<16x1024xf32>
    %sub3A_136 = arith.subf %get3A_10, %sub3A_135 : vector<16x1024xf32>
    %abs3A_137 = math.absf %sub3A_136 : vector<16x1024xf32>
    %sub3A_138 = arith.constant 1.000000e+00 : f32
    %sub3A_139 = arith.subf %sub3A_138, %get3A_113 : f32
    %sub3A_140 = vector.broadcast %sub3A_139 : f32 to vector<16x1024xf32>
    %sub3A_141 = arith.subf %get3A_10, %sub3A_140 : vector<16x1024xf32>
    %abs3A_142 = math.absf %sub3A_141 : vector<16x1024xf32>
    %add3A_143 = arith.addf %abs3A_137, %abs3A_142 : vector<16x1024xf32>
    %sub3A_144 = vector.broadcast %abs3A : f32 to vector<16x1024xf32>
    %sub3A_145 = arith.subf %sub3A_144, %add3A_143 : vector<16x1024xf32>
    %abs3A_146 = math.absf %sub3A_145 : vector<16x1024xf32>
    %sub3A_147 = arith.subf %abs3A_146, %add3A_143 : vector<16x1024xf32>
    %add3A_148 = arith.constant 1.000000e+00 : f32
    %add3A_149 = vector.broadcast %add3A_148 : f32 to vector<16x1024xf32>
    %add3A_150 = arith.addf %add3A_149, %add3A_143 : vector<16x1024xf32>
    %add3A_151 = arith.constant 1.000000e+00 : f32
    %add3A_152 = vector.broadcast %add3A_151 : f32 to vector<16x1024xf32>
    %add3A_153 = arith.addf %add3A_152, %abs3A_146 : vector<16x1024xf32>
    %mul3A_154 = arith.mulf %add3A_150, %add3A_153 : vector<16x1024xf32>
    %div3A_155 = arith.divf %sub3A_147, %mul3A_154 : vector<16x1024xf32>
    %reduce_sum3A_156 = arith.constant dense<0.000000e+00> : vector<16xf32>
    %reduce_sum3A_157 = vector.multi_reduction <add>, %div3A_155, %reduce_sum3A_156 [1] : vector<16x1024xf32> to vector<16xf32>
    %add3A_158 = arith.addf %reduce_sum3A_134, %reduce_sum3A_157 : vector<16xf32>
    %get3A_159 = arith.constant 3 : index
    %get3A_160 = arith.constant 0 : index
    %get3A_161 = memref.load %arg6[%get3A_159, %get3A_160] : memref<32x2xf32, #tpu.memory_space<smem>>
    %get3A_162 = arith.constant 3 : index
    %get3A_163 = arith.constant 1 : index
    %get3A_164 = memref.load %arg6[%get3A_162, %get3A_163] : memref<32x2xf32, #tpu.memory_space<smem>>
    %sub3A_165 = vector.broadcast %get3A_161 : f32 to vector<16x2048xf32>
    %sub3A_166 = arith.subf %get3A_4, %sub3A_165 : vector<16x2048xf32>
    %abs3A_167 = math.absf %sub3A_166 : vector<16x2048xf32>
    %sub3A_168 = vector.broadcast %get3A_164 : f32 to vector<16x2048xf32>
    %sub3A_169 = arith.subf %get3A_7, %sub3A_168 : vector<16x2048xf32>
    %abs3A_170 = math.absf %sub3A_169 : vector<16x2048xf32>
    %add3A_171 = arith.addf %abs3A_167, %abs3A_170 : vector<16x2048xf32>
    %sub3A_172 = vector.broadcast %abs3A : f32 to vector<16x2048xf32>
    %sub3A_173 = arith.subf %sub3A_172, %add3A_171 : vector<16x2048xf32>
    %abs3A_174 = math.absf %sub3A_173 : vector<16x2048xf32>
    %sub3A_175 = arith.subf %abs3A_174, %add3A_171 : vector<16x2048xf32>
    %add3A_176 = arith.constant 1.000000e+00 : f32
    %add3A_177 = vector.broadcast %add3A_176 : f32 to vector<16x2048xf32>
    %add3A_178 = arith.addf %add3A_177, %add3A_171 : vector<16x2048xf32>
    %add3A_179 = arith.constant 1.000000e+00 : f32
    %add3A_180 = vector.broadcast %add3A_179 : f32 to vector<16x2048xf32>
    %add3A_181 = arith.addf %add3A_180, %abs3A_174 : vector<16x2048xf32>
    %mul3A_182 = arith.mulf %add3A_178, %add3A_181 : vector<16x2048xf32>
    %div3A_183 = arith.divf %sub3A_175, %mul3A_182 : vector<16x2048xf32>
    %reduce_sum3A_184 = arith.constant dense<0.000000e+00> : vector<16xf32>
    %reduce_sum3A_185 = vector.multi_reduction <add>, %div3A_183, %reduce_sum3A_184 [1] : vector<16x2048xf32> to vector<16xf32>
    %sub3A_186 = vector.broadcast %get3A_161 : f32 to vector<16x1024xf32>
    %sub3A_187 = arith.subf %get3A_10, %sub3A_186 : vector<16x1024xf32>
    %abs3A_188 = math.absf %sub3A_187 : vector<16x1024xf32>
    %sub3A_189 = arith.constant 1.000000e+00 : f32
    %sub3A_190 = arith.subf %sub3A_189, %get3A_164 : f32
    %sub3A_191 = vector.broadcast %sub3A_190 : f32 to vector<16x1024xf32>
    %sub3A_192 = arith.subf %get3A_10, %sub3A_191 : vector<16x1024xf32>
    %abs3A_193 = math.absf %sub3A_192 : vector<16x1024xf32>
    %add3A_194 = arith.addf %abs3A_188, %abs3A_193 : vector<16x1024xf32>
    %sub3A_195 = vector.broadcast %abs3A : f32 to vector<16x1024xf32>
    %sub3A_196 = arith.subf %sub3A_195, %add3A_194 : vector<16x1024xf32>
    %abs3A_197 = math.absf %sub3A_196 : vector<16x1024xf32>
    %sub3A_198 = arith.subf %abs3A_197, %add3A_194 : vector<16x1024xf32>
    %add3A_199 = arith.constant 1.000000e+00 : f32
    %add3A_200 = vector.broadcast %add3A_199 : f32 to vector<16x1024xf32>
    %add3A_201 = arith.addf %add3A_200, %add3A_194 : vector<16x1024xf32>
    %add3A_202 = arith.constant 1.000000e+00 : f32
    %add3A_203 = vector.broadcast %add3A_202 : f32 to vector<16x1024xf32>
    %add3A_204 = arith.addf %add3A_203, %abs3A_197 : vector<16x1024xf32>
    %mul3A_205 = arith.mulf %add3A_201, %add3A_204 : vector<16x1024xf32>
    %div3A_206 = arith.divf %sub3A_198, %mul3A_205 : vector<16x1024xf32>
    %reduce_sum3A_207 = arith.constant dense<0.000000e+00> : vector<16xf32>
    %reduce_sum3A_208 = vector.multi_reduction <add>, %div3A_206, %reduce_sum3A_207 [1] : vector<16x1024xf32> to vector<16xf32>
    %add3A_209 = arith.addf %reduce_sum3A_185, %reduce_sum3A_208 : vector<16xf32>
    %get3A_210 = arith.constant 4 : index
    %get3A_211 = arith.constant 0 : index
    %get3A_212 = memref.load %arg6[%get3A_210, %get3A_211] : memref<32x2xf32, #tpu.memory_space<smem>>
    %get3A_213 = arith.constant 4 : index
    %get3A_214 = arith.constant 1 : index
    %get3A_215 = memref.load %arg6[%get3A_213, %get3A_214] : memref<32x2xf32, #tpu.memory_space<smem>>
    %sub3A_216 = vector.broadcast %get3A_212 : f32 to vector<16x2048xf32>
    %sub3A_217 = arith.subf %get3A_4, %sub3A_216 : vector<16x2048xf32>
    %abs3A_218 = math.absf %sub3A_217 : vector<16x2048xf32>
    %sub3A_219 = vector.broadcast %get3A_215 : f32 to vector<16x2048xf32>
    %sub3A_220 = arith.subf %get3A_7, %sub3A_219 : vector<16x2048xf32>
    %abs3A_221 = math.absf %sub3A_220 : vector<16x2048xf32>
    %add3A_222 = arith.addf %abs3A_218, %abs3A_221 : vector<16x2048xf32>
    %sub3A_223 = vector.broadcast %abs3A : f32 to vector<16x2048xf32>
    %sub3A_224 = arith.subf %sub3A_223, %add3A_222 : vector<16x2048xf32>
    %abs3A_225 = math.absf %sub3A_224 : vector<16x2048xf32>
    %sub3A_226 = arith.subf %abs3A_225, %add3A_222 : vector<16x2048xf32>
    %add3A_227 = arith.constant 1.000000e+00 : f32
    %add3A_228 = vector.broadcast %add3A_227 : f32 to vector<16x2048xf32>
    %add3A_229 = arith.addf %add3A_228, %add3A_222 : vector<16x2048xf32>
    %add3A_230 = arith.constant 1.000000e+00 : f32
    %add3A_231 = vector.broadcast %add3A_230 : f32 to vector<16x2048xf32>
    %add3A_232 = arith.addf %add3A_231, %abs3A_225 : vector<16x2048xf32>
    %mul3A_233 = arith.mulf %add3A_229, %add3A_232 : vector<16x2048xf32>
    %div3A_234 = arith.divf %sub3A_226, %mul3A_233 : vector<16x2048xf32>
    %reduce_sum3A_235 = arith.constant dense<0.000000e+00> : vector<16xf32>
    %reduce_sum3A_236 = vector.multi_reduction <add>, %div3A_234, %reduce_sum3A_235 [1] : vector<16x2048xf32> to vector<16xf32>
    %sub3A_237 = vector.broadcast %get3A_212 : f32 to vector<16x1024xf32>
    %sub3A_238 = arith.subf %get3A_10, %sub3A_237 : vector<16x1024xf32>
    %abs3A_239 = math.absf %sub3A_238 : vector<16x1024xf32>
    %sub3A_240 = arith.constant 1.000000e+00 : f32
    %sub3A_241 = arith.subf %sub3A_240, %get3A_215 : f32
    %sub3A_242 = vector.broadcast %sub3A_241 : f32 to vector<16x1024xf32>
    %sub3A_243 = arith.subf %get3A_10, %sub3A_242 : vector<16x1024xf32>
    %abs3A_244 = math.absf %sub3A_243 : vector<16x1024xf32>
    %add3A_245 = arith.addf %abs3A_239, %abs3A_244 : vector<16x1024xf32>
    %sub3A_246 = vector.broadcast %abs3A : f32 to vector<16x1024xf32>
    %sub3A_247 = arith.subf %sub3A_246, %add3A_245 : vector<16x1024xf32>
    %abs3A_248 = math.absf %sub3A_247 : vector<16x1024xf32>
    %sub3A_249 = arith.subf %abs3A_248, %add3A_245 : vector<16x1024xf32>
    %add3A_250 = arith.constant 1.000000e+00 : f32
    %add3A_251 = vector.broadcast %add3A_250 : f32 to vector<16x1024xf32>
    %add3A_252 = arith.addf %add3A_251, %add3A_245 : vector<16x1024xf32>
    %add3A_253 = arith.constant 1.000000e+00 : f32
    %add3A_254 = vector.broadcast %add3A_253 : f32 to vector<16x1024xf32>
    %add3A_255 = arith.addf %add3A_254, %abs3A_248 : vector<16x1024xf32>
    %mul3A_256 = arith.mulf %add3A_252, %add3A_255 : vector<16x1024xf32>
    %div3A_257 = arith.divf %sub3A_249, %mul3A_256 : vector<16x1024xf32>
    %reduce_sum3A_258 = arith.constant dense<0.000000e+00> : vector<16xf32>
    %reduce_sum3A_259 = vector.multi_reduction <add>, %div3A_257, %reduce_sum3A_258 [1] : vector<16x1024xf32> to vector<16xf32>
    %add3A_260 = arith.addf %reduce_sum3A_236, %reduce_sum3A_259 : vector<16xf32>
    %get3A_261 = arith.constant 5 : index
    %get3A_262 = arith.constant 0 : index
    %get3A_263 = memref.load %arg6[%get3A_261, %get3A_262] : memref<32x2xf32, #tpu.memory_space<smem>>
    %get3A_264 = arith.constant 5 : index
    %get3A_265 = arith.constant 1 : index
    %get3A_266 = memref.load %arg6[%get3A_264, %get3A_265] : memref<32x2xf32, #tpu.memory_space<smem>>
    %sub3A_267 = vector.broadcast %get3A_263 : f32 to vector<16x2048xf32>
    %sub3A_268 = arith.subf %get3A_4, %sub3A_267 : vector<16x2048xf32>
    %abs3A_269 = math.absf %sub3A_268 : vector<16x2048xf32>
    %sub3A_270 = vector.broadcast %get3A_266 : f32 to vector<16x2048xf32>
    %sub3A_271 = arith.subf %get3A_7, %sub3A_270 : vector<16x2048xf32>
    %abs3A_272 = math.absf %sub3A_271 : vector<16x2048xf32>
    %add3A_273 = arith.addf %abs3A_269, %abs3A_272 : vector<16x2048xf32>
    %sub3A_274 = vector.broadcast %abs3A : f32 to vector<16x2048xf32>
    %sub3A_275 = arith.subf %sub3A_274, %add3A_273 : vector<16x2048xf32>
    %abs3A_276 = math.absf %sub3A_275 : vector<16x2048xf32>
    %sub3A_277 = arith.subf %abs3A_276, %add3A_273 : vector<16x2048xf32>
    %add3A_278 = arith.constant 1.000000e+00 : f32
    %add3A_279 = vector.broadcast %add3A_278 : f32 to vector<16x2048xf32>
    %add3A_280 = arith.addf %add3A_279, %add3A_273 : vector<16x2048xf32>
    %add3A_281 = arith.constant 1.000000e+00 : f32
    %add3A_282 = vector.broadcast %add3A_281 : f32 to vector<16x2048xf32>
    %add3A_283 = arith.addf %add3A_282, %abs3A_276 : vector<16x2048xf32>
    %mul3A_284 = arith.mulf %add3A_280, %add3A_283 : vector<16x2048xf32>
    %div3A_285 = arith.divf %sub3A_277, %mul3A_284 : vector<16x2048xf32>
    %reduce_sum3A_286 = arith.constant dense<0.000000e+00> : vector<16xf32>
    %reduce_sum3A_287 = vector.multi_reduction <add>, %div3A_285, %reduce_sum3A_286 [1] : vector<16x2048xf32> to vector<16xf32>
    %sub3A_288 = vector.broadcast %get3A_263 : f32 to vector<16x1024xf32>
    %sub3A_289 = arith.subf %get3A_10, %sub3A_288 : vector<16x1024xf32>
    %abs3A_290 = math.absf %sub3A_289 : vector<16x1024xf32>
    %sub3A_291 = arith.constant 1.000000e+00 : f32
    %sub3A_292 = arith.subf %sub3A_291, %get3A_266 : f32
    %sub3A_293 = vector.broadcast %sub3A_292 : f32 to vector<16x1024xf32>
    %sub3A_294 = arith.subf %get3A_10, %sub3A_293 : vector<16x1024xf32>
    %abs3A_295 = math.absf %sub3A_294 : vector<16x1024xf32>
    %add3A_296 = arith.addf %abs3A_290, %abs3A_295 : vector<16x1024xf32>
    %sub3A_297 = vector.broadcast %abs3A : f32 to vector<16x1024xf32>
    %sub3A_298 = arith.subf %sub3A_297, %add3A_296 : vector<16x1024xf32>
    %abs3A_299 = math.absf %sub3A_298 : vector<16x1024xf32>
    %sub3A_300 = arith.subf %abs3A_299, %add3A_296 : vector<16x1024xf32>
    %add3A_301 = arith.constant 1.000000e+00 : f32
    %add3A_302 = vector.broadcast %add3A_301 : f32 to vector<16x1024xf32>
    %add3A_303 = arith.addf %add3A_302, %add3A_296 : vector<16x1024xf32>
    %add3A_304 = arith.constant 1.000000e+00 : f32
    %add3A_305 = vector.broadcast %add3A_304 : f32 to vector<16x1024xf32>
    %add3A_306 = arith.addf %add3A_305, %abs3A_299 : vector<16x1024xf32>
    %mul3A_307 = arith.mulf %add3A_303, %add3A_306 : vector<16x1024xf32>
    %div3A_308 = arith.divf %sub3A_300, %mul3A_307 : vector<16x1024xf32>
    %reduce_sum3A_309 = arith.constant dense<0.000000e+00> : vector<16xf32>
    %reduce_sum3A_310 = vector.multi_reduction <add>, %div3A_308, %reduce_sum3A_309 [1] : vector<16x1024xf32> to vector<16xf32>
    %add3A_311 = arith.addf %reduce_sum3A_287, %reduce_sum3A_310 : vector<16xf32>
    %get3A_312 = arith.constant 6 : index
    %get3A_313 = arith.constant 0 : index
    %get3A_314 = memref.load %arg6[%get3A_312, %get3A_313] : memref<32x2xf32, #tpu.memory_space<smem>>
    %get3A_315 = arith.constant 6 : index
    %get3A_316 = arith.constant 1 : index
    %get3A_317 = memref.load %arg6[%get3A_315, %get3A_316] : memref<32x2xf32, #tpu.memory_space<smem>>
    %sub3A_318 = vector.broadcast %get3A_314 : f32 to vector<16x2048xf32>
    %sub3A_319 = arith.subf %get3A_4, %sub3A_318 : vector<16x2048xf32>
    %abs3A_320 = math.absf %sub3A_319 : vector<16x2048xf32>
    %sub3A_321 = vector.broadcast %get3A_317 : f32 to vector<16x2048xf32>
    %sub3A_322 = arith.subf %get3A_7, %sub3A_321 : vector<16x2048xf32>
    %abs3A_323 = math.absf %sub3A_322 : vector<16x2048xf32>
    %add3A_324 = arith.addf %abs3A_320, %abs3A_323 : vector<16x2048xf32>
    %sub3A_325 = vector.broadcast %abs3A : f32 to vector<16x2048xf32>
    %sub3A_326 = arith.subf %sub3A_325, %add3A_324 : vector<16x2048xf32>
    %abs3A_327 = math.absf %sub3A_326 : vector<16x2048xf32>
    %sub3A_328 = arith.subf %abs3A_327, %add3A_324 : vector<16x2048xf32>
    %add3A_329 = arith.constant 1.000000e+00 : f32
    %add3A_330 = vector.broadcast %add3A_329 : f32 to vector<16x2048xf32>
    %add3A_331 = arith.addf %add3A_330, %add3A_324 : vector<16x2048xf32>
    %add3A_332 = arith.constant 1.000000e+00 : f32
    %add3A_333 = vector.broadcast %add3A_332 : f32 to vector<16x2048xf32>
    %add3A_334 = arith.addf %add3A_333, %abs3A_327 : vector<16x2048xf32>
    %mul3A_335 = arith.mulf %add3A_331, %add3A_334 : vector<16x2048xf32>
    %div3A_336 = arith.divf %sub3A_328, %mul3A_335 : vector<16x2048xf32>
    %reduce_sum3A_337 = arith.constant dense<0.000000e+00> : vector<16xf32>
    %reduce_sum3A_338 = vector.multi_reduction <add>, %div3A_336, %reduce_sum3A_337 [1] : vector<16x2048xf32> to vector<16xf32>
    %sub3A_339 = vector.broadcast %get3A_314 : f32 to vector<16x1024xf32>
    %sub3A_340 = arith.subf %get3A_10, %sub3A_339 : vector<16x1024xf32>
    %abs3A_341 = math.absf %sub3A_340 : vector<16x1024xf32>
    %sub3A_342 = arith.constant 1.000000e+00 : f32
    %sub3A_343 = arith.subf %sub3A_342, %get3A_317 : f32
    %sub3A_344 = vector.broadcast %sub3A_343 : f32 to vector<16x1024xf32>
    %sub3A_345 = arith.subf %get3A_10, %sub3A_344 : vector<16x1024xf32>
    %abs3A_346 = math.absf %sub3A_345 : vector<16x1024xf32>
    %add3A_347 = arith.addf %abs3A_341, %abs3A_346 : vector<16x1024xf32>
    %sub3A_348 = vector.broadcast %abs3A : f32 to vector<16x1024xf32>
    %sub3A_349 = arith.subf %sub3A_348, %add3A_347 : vector<16x1024xf32>
    %abs3A_350 = math.absf %sub3A_349 : vector<16x1024xf32>
    %sub3A_351 = arith.subf %abs3A_350, %add3A_347 : vector<16x1024xf32>
    %add3A_352 = arith.constant 1.000000e+00 : f32
    %add3A_353 = vector.broadcast %add3A_352 : f32 to vector<16x1024xf32>
    %add3A_354 = arith.addf %add3A_353, %add3A_347 : vector<16x1024xf32>
    %add3A_355 = arith.constant 1.000000e+00 : f32
    %add3A_356 = vector.broadcast %add3A_355 : f32 to vector<16x1024xf32>
    %add3A_357 = arith.addf %add3A_356, %abs3A_350 : vector<16x1024xf32>
    %mul3A_358 = arith.mulf %add3A_354, %add3A_357 : vector<16x1024xf32>
    %div3A_359 = arith.divf %sub3A_351, %mul3A_358 : vector<16x1024xf32>
    %reduce_sum3A_360 = arith.constant dense<0.000000e+00> : vector<16xf32>
    %reduce_sum3A_361 = vector.multi_reduction <add>, %div3A_359, %reduce_sum3A_360 [1] : vector<16x1024xf32> to vector<16xf32>
    %add3A_362 = arith.addf %reduce_sum3A_338, %reduce_sum3A_361 : vector<16xf32>
    %get3A_363 = arith.constant 7 : index
    %get3A_364 = arith.constant 0 : index
    %get3A_365 = memref.load %arg6[%get3A_363, %get3A_364] : memref<32x2xf32, #tpu.memory_space<smem>>
    %get3A_366 = arith.constant 7 : index
    %get3A_367 = arith.constant 1 : index
    %get3A_368 = memref.load %arg6[%get3A_366, %get3A_367] : memref<32x2xf32, #tpu.memory_space<smem>>
    %sub3A_369 = vector.broadcast %get3A_365 : f32 to vector<16x2048xf32>
    %sub3A_370 = arith.subf %get3A_4, %sub3A_369 : vector<16x2048xf32>
    %abs3A_371 = math.absf %sub3A_370 : vector<16x2048xf32>
    %sub3A_372 = vector.broadcast %get3A_368 : f32 to vector<16x2048xf32>
    %sub3A_373 = arith.subf %get3A_7, %sub3A_372 : vector<16x2048xf32>
    %abs3A_374 = math.absf %sub3A_373 : vector<16x2048xf32>
    %add3A_375 = arith.addf %abs3A_371, %abs3A_374 : vector<16x2048xf32>
    %sub3A_376 = vector.broadcast %abs3A : f32 to vector<16x2048xf32>
    %sub3A_377 = arith.subf %sub3A_376, %add3A_375 : vector<16x2048xf32>
    %abs3A_378 = math.absf %sub3A_377 : vector<16x2048xf32>
    %sub3A_379 = arith.subf %abs3A_378, %add3A_375 : vector<16x2048xf32>
    %add3A_380 = arith.constant 1.000000e+00 : f32
    %add3A_381 = vector.broadcast %add3A_380 : f32 to vector<16x2048xf32>
    %add3A_382 = arith.addf %add3A_381, %add3A_375 : vector<16x2048xf32>
    %add3A_383 = arith.constant 1.000000e+00 : f32
    %add3A_384 = vector.broadcast %add3A_383 : f32 to vector<16x2048xf32>
    %add3A_385 = arith.addf %add3A_384, %abs3A_378 : vector<16x2048xf32>
    %mul3A_386 = arith.mulf %add3A_382, %add3A_385 : vector<16x2048xf32>
    %div3A_387 = arith.divf %sub3A_379, %mul3A_386 : vector<16x2048xf32>
    %reduce_sum3A_388 = arith.constant dense<0.000000e+00> : vector<16xf32>
    %reduce_sum3A_389 = vector.multi_reduction <add>, %div3A_387, %reduce_sum3A_388 [1] : vector<16x2048xf32> to vector<16xf32>
    %sub3A_390 = vector.broadcast %get3A_365 : f32 to vector<16x1024xf32>
    %sub3A_391 = arith.subf %get3A_10, %sub3A_390 : vector<16x1024xf32>
    %abs3A_392 = math.absf %sub3A_391 : vector<16x1024xf32>
    %sub3A_393 = arith.constant 1.000000e+00 : f32
    %sub3A_394 = arith.subf %sub3A_393, %get3A_368 : f32
    %sub3A_395 = vector.broadcast %sub3A_394 : f32 to vector<16x1024xf32>
    %sub3A_396 = arith.subf %get3A_10, %sub3A_395 : vector<16x1024xf32>
    %abs3A_397 = math.absf %sub3A_396 : vector<16x1024xf32>
    %add3A_398 = arith.addf %abs3A_392, %abs3A_397 : vector<16x1024xf32>
    %sub3A_399 = vector.broadcast %abs3A : f32 to vector<16x1024xf32>
    %sub3A_400 = arith.subf %sub3A_399, %add3A_398 : vector<16x1024xf32>
    %abs3A_401 = math.absf %sub3A_400 : vector<16x1024xf32>
    %sub3A_402 = arith.subf %abs3A_401, %add3A_398 : vector<16x1024xf32>
    %add3A_403 = arith.constant 1.000000e+00 : f32
    %add3A_404 = vector.broadcast %add3A_403 : f32 to vector<16x1024xf32>
    %add3A_405 = arith.addf %add3A_404, %add3A_398 : vector<16x1024xf32>
    %add3A_406 = arith.constant 1.000000e+00 : f32
    %add3A_407 = vector.broadcast %add3A_406 : f32 to vector<16x1024xf32>
    %add3A_408 = arith.addf %add3A_407, %abs3A_401 : vector<16x1024xf32>
    %mul3A_409 = arith.mulf %add3A_405, %add3A_408 : vector<16x1024xf32>
    %div3A_410 = arith.divf %sub3A_402, %mul3A_409 : vector<16x1024xf32>
    %reduce_sum3A_411 = arith.constant dense<0.000000e+00> : vector<16xf32>
    %reduce_sum3A_412 = vector.multi_reduction <add>, %div3A_410, %reduce_sum3A_411 [1] : vector<16x1024xf32> to vector<16xf32>
    %add3A_413 = arith.addf %reduce_sum3A_389, %reduce_sum3A_412 : vector<16xf32>
    %get3A_414 = arith.constant 8 : index
    %get3A_415 = arith.constant 0 : index
    %get3A_416 = memref.load %arg6[%get3A_414, %get3A_415] : memref<32x2xf32, #tpu.memory_space<smem>>
    %get3A_417 = arith.constant 8 : index
    %get3A_418 = arith.constant 1 : index
    %get3A_419 = memref.load %arg6[%get3A_417, %get3A_418] : memref<32x2xf32, #tpu.memory_space<smem>>
    %sub3A_420 = vector.broadcast %get3A_416 : f32 to vector<16x2048xf32>
    %sub3A_421 = arith.subf %get3A_4, %sub3A_420 : vector<16x2048xf32>
    %abs3A_422 = math.absf %sub3A_421 : vector<16x2048xf32>
    %sub3A_423 = vector.broadcast %get3A_419 : f32 to vector<16x2048xf32>
    %sub3A_424 = arith.subf %get3A_7, %sub3A_423 : vector<16x2048xf32>
    %abs3A_425 = math.absf %sub3A_424 : vector<16x2048xf32>
    %add3A_426 = arith.addf %abs3A_422, %abs3A_425 : vector<16x2048xf32>
    %sub3A_427 = vector.broadcast %abs3A : f32 to vector<16x2048xf32>
    %sub3A_428 = arith.subf %sub3A_427, %add3A_426 : vector<16x2048xf32>
    %abs3A_429 = math.absf %sub3A_428 : vector<16x2048xf32>
    %sub3A_430 = arith.subf %abs3A_429, %add3A_426 : vector<16x2048xf32>
    %add3A_431 = arith.constant 1.000000e+00 : f32
    %add3A_432 = vector.broadcast %add3A_431 : f32 to vector<16x2048xf32>
    %add3A_433 = arith.addf %add3A_432, %add3A_426 : vector<16x2048xf32>
    %add3A_434 = arith.constant 1.000000e+00 : f32
    %add3A_435 = vector.broadcast %add3A_434 : f32 to vector<16x2048xf32>
    %add3A_436 = arith.addf %add3A_435, %abs3A_429 : vector<16x2048xf32>
    %mul3A_437 = arith.mulf %add3A_433, %add3A_436 : vector<16x2048xf32>
    %div3A_438 = arith.divf %sub3A_430, %mul3A_437 : vector<16x2048xf32>
    %reduce_sum3A_439 = arith.constant dense<0.000000e+00> : vector<16xf32>
    %reduce_sum3A_440 = vector.multi_reduction <add>, %div3A_438, %reduce_sum3A_439 [1] : vector<16x2048xf32> to vector<16xf32>
    %sub3A_441 = vector.broadcast %get3A_416 : f32 to vector<16x1024xf32>
    %sub3A_442 = arith.subf %get3A_10, %sub3A_441 : vector<16x1024xf32>
    %abs3A_443 = math.absf %sub3A_442 : vector<16x1024xf32>
    %sub3A_444 = arith.constant 1.000000e+00 : f32
    %sub3A_445 = arith.subf %sub3A_444, %get3A_419 : f32
    %sub3A_446 = vector.broadcast %sub3A_445 : f32 to vector<16x1024xf32>
    %sub3A_447 = arith.subf %get3A_10, %sub3A_446 : vector<16x1024xf32>
    %abs3A_448 = math.absf %sub3A_447 : vector<16x1024xf32>
    %add3A_449 = arith.addf %abs3A_443, %abs3A_448 : vector<16x1024xf32>
    %sub3A_450 = vector.broadcast %abs3A : f32 to vector<16x1024xf32>
    %sub3A_451 = arith.subf %sub3A_450, %add3A_449 : vector<16x1024xf32>
    %abs3A_452 = math.absf %sub3A_451 : vector<16x1024xf32>
    %sub3A_453 = arith.subf %abs3A_452, %add3A_449 : vector<16x1024xf32>
    %add3A_454 = arith.constant 1.000000e+00 : f32
    %add3A_455 = vector.broadcast %add3A_454 : f32 to vector<16x1024xf32>
    %add3A_456 = arith.addf %add3A_455, %add3A_449 : vector<16x1024xf32>
    %add3A_457 = arith.constant 1.000000e+00 : f32
    %add3A_458 = vector.broadcast %add3A_457 : f32 to vector<16x1024xf32>
    %add3A_459 = arith.addf %add3A_458, %abs3A_452 : vector<16x1024xf32>
    %mul3A_460 = arith.mulf %add3A_456, %add3A_459 : vector<16x1024xf32>
    %div3A_461 = arith.divf %sub3A_453, %mul3A_460 : vector<16x1024xf32>
    %reduce_sum3A_462 = arith.constant dense<0.000000e+00> : vector<16xf32>
    %reduce_sum3A_463 = vector.multi_reduction <add>, %div3A_461, %reduce_sum3A_462 [1] : vector<16x1024xf32> to vector<16xf32>
    %add3A_464 = arith.addf %reduce_sum3A_440, %reduce_sum3A_463 : vector<16xf32>
    %get3A_465 = arith.constant 9 : index
    %get3A_466 = arith.constant 0 : index
    %get3A_467 = memref.load %arg6[%get3A_465, %get3A_466] : memref<32x2xf32, #tpu.memory_space<smem>>
    %get3A_468 = arith.constant 9 : index
    %get3A_469 = arith.constant 1 : index
    %get3A_470 = memref.load %arg6[%get3A_468, %get3A_469] : memref<32x2xf32, #tpu.memory_space<smem>>
    %sub3A_471 = vector.broadcast %get3A_467 : f32 to vector<16x2048xf32>
    %sub3A_472 = arith.subf %get3A_4, %sub3A_471 : vector<16x2048xf32>
    %abs3A_473 = math.absf %sub3A_472 : vector<16x2048xf32>
    %sub3A_474 = vector.broadcast %get3A_470 : f32 to vector<16x2048xf32>
    %sub3A_475 = arith.subf %get3A_7, %sub3A_474 : vector<16x2048xf32>
    %abs3A_476 = math.absf %sub3A_475 : vector<16x2048xf32>
    %add3A_477 = arith.addf %abs3A_473, %abs3A_476 : vector<16x2048xf32>
    %sub3A_478 = vector.broadcast %abs3A : f32 to vector<16x2048xf32>
    %sub3A_479 = arith.subf %sub3A_478, %add3A_477 : vector<16x2048xf32>
    %abs3A_480 = math.absf %sub3A_479 : vector<16x2048xf32>
    %sub3A_481 = arith.subf %abs3A_480, %add3A_477 : vector<16x2048xf32>
    %add3A_482 = arith.constant 1.000000e+00 : f32
    %add3A_483 = vector.broadcast %add3A_482 : f32 to vector<16x2048xf32>
    %add3A_484 = arith.addf %add3A_483, %add3A_477 : vector<16x2048xf32>
    %add3A_485 = arith.constant 1.000000e+00 : f32
    %add3A_486 = vector.broadcast %add3A_485 : f32 to vector<16x2048xf32>
    %add3A_487 = arith.addf %add3A_486, %abs3A_480 : vector<16x2048xf32>
    %mul3A_488 = arith.mulf %add3A_484, %add3A_487 : vector<16x2048xf32>
    %div3A_489 = arith.divf %sub3A_481, %mul3A_488 : vector<16x2048xf32>
    %reduce_sum3A_490 = arith.constant dense<0.000000e+00> : vector<16xf32>
    %reduce_sum3A_491 = vector.multi_reduction <add>, %div3A_489, %reduce_sum3A_490 [1] : vector<16x2048xf32> to vector<16xf32>
    %sub3A_492 = vector.broadcast %get3A_467 : f32 to vector<16x1024xf32>
    %sub3A_493 = arith.subf %get3A_10, %sub3A_492 : vector<16x1024xf32>
    %abs3A_494 = math.absf %sub3A_493 : vector<16x1024xf32>
    %sub3A_495 = arith.constant 1.000000e+00 : f32
    %sub3A_496 = arith.subf %sub3A_495, %get3A_470 : f32
    %sub3A_497 = vector.broadcast %sub3A_496 : f32 to vector<16x1024xf32>
    %sub3A_498 = arith.subf %get3A_10, %sub3A_497 : vector<16x1024xf32>
    %abs3A_499 = math.absf %sub3A_498 : vector<16x1024xf32>
    %add3A_500 = arith.addf %abs3A_494, %abs3A_499 : vector<16x1024xf32>
    %sub3A_501 = vector.broadcast %abs3A : f32 to vector<16x1024xf32>
    %sub3A_502 = arith.subf %sub3A_501, %add3A_500 : vector<16x1024xf32>
    %abs3A_503 = math.absf %sub3A_502 : vector<16x1024xf32>
    %sub3A_504 = arith.subf %abs3A_503, %add3A_500 : vector<16x1024xf32>
    %add3A_505 = arith.constant 1.000000e+00 : f32
    %add3A_506 = vector.broadcast %add3A_505 : f32 to vector<16x1024xf32>
    %add3A_507 = arith.addf %add3A_506, %add3A_500 : vector<16x1024xf32>
    %add3A_508 = arith.constant 1.000000e+00 : f32
    %add3A_509 = vector.broadcast %add3A_508 : f32 to vector<16x1024xf32>
    %add3A_510 = arith.addf %add3A_509, %abs3A_503 : vector<16x1024xf32>
    %mul3A_511 = arith.mulf %add3A_507, %add3A_510 : vector<16x1024xf32>
    %div3A_512 = arith.divf %sub3A_504, %mul3A_511 : vector<16x1024xf32>
    %reduce_sum3A_513 = arith.constant dense<0.000000e+00> : vector<16xf32>
    %reduce_sum3A_514 = vector.multi_reduction <add>, %div3A_512, %reduce_sum3A_513 [1] : vector<16x1024xf32> to vector<16xf32>
    %add3A_515 = arith.addf %reduce_sum3A_491, %reduce_sum3A_514 : vector<16xf32>
    %get3A_516 = arith.constant 10 : index
    %get3A_517 = arith.constant 0 : index
    %get3A_518 = memref.load %arg6[%get3A_516, %get3A_517] : memref<32x2xf32, #tpu.memory_space<smem>>
    %get3A_519 = arith.constant 10 : index
    %get3A_520 = arith.constant 1 : index
    %get3A_521 = memref.load %arg6[%get3A_519, %get3A_520] : memref<32x2xf32, #tpu.memory_space<smem>>
    %sub3A_522 = vector.broadcast %get3A_518 : f32 to vector<16x2048xf32>
    %sub3A_523 = arith.subf %get3A_4, %sub3A_522 : vector<16x2048xf32>
    %abs3A_524 = math.absf %sub3A_523 : vector<16x2048xf32>
    %sub3A_525 = vector.broadcast %get3A_521 : f32 to vector<16x2048xf32>
    %sub3A_526 = arith.subf %get3A_7, %sub3A_525 : vector<16x2048xf32>
    %abs3A_527 = math.absf %sub3A_526 : vector<16x2048xf32>
    %add3A_528 = arith.addf %abs3A_524, %abs3A_527 : vector<16x2048xf32>
    %sub3A_529 = vector.broadcast %abs3A : f32 to vector<16x2048xf32>
    %sub3A_530 = arith.subf %sub3A_529, %add3A_528 : vector<16x2048xf32>
    %abs3A_531 = math.absf %sub3A_530 : vector<16x2048xf32>
    %sub3A_532 = arith.subf %abs3A_531, %add3A_528 : vector<16x2048xf32>
    %add3A_533 = arith.constant 1.000000e+00 : f32
    %add3A_534 = vector.broadcast %add3A_533 : f32 to vector<16x2048xf32>
    %add3A_535 = arith.addf %add3A_534, %add3A_528 : vector<16x2048xf32>
    %add3A_536 = arith.constant 1.000000e+00 : f32
    %add3A_537 = vector.broadcast %add3A_536 : f32 to vector<16x2048xf32>
    %add3A_538 = arith.addf %add3A_537, %abs3A_531 : vector<16x2048xf32>
    %mul3A_539 = arith.mulf %add3A_535, %add3A_538 : vector<16x2048xf32>
    %div3A_540 = arith.divf %sub3A_532, %mul3A_539 : vector<16x2048xf32>
    %reduce_sum3A_541 = arith.constant dense<0.000000e+00> : vector<16xf32>
    %reduce_sum3A_542 = vector.multi_reduction <add>, %div3A_540, %reduce_sum3A_541 [1] : vector<16x2048xf32> to vector<16xf32>
    %sub3A_543 = vector.broadcast %get3A_518 : f32 to vector<16x1024xf32>
    %sub3A_544 = arith.subf %get3A_10, %sub3A_543 : vector<16x1024xf32>
    %abs3A_545 = math.absf %sub3A_544 : vector<16x1024xf32>
    %sub3A_546 = arith.constant 1.000000e+00 : f32
    %sub3A_547 = arith.subf %sub3A_546, %get3A_521 : f32
    %sub3A_548 = vector.broadcast %sub3A_547 : f32 to vector<16x1024xf32>
    %sub3A_549 = arith.subf %get3A_10, %sub3A_548 : vector<16x1024xf32>
    %abs3A_550 = math.absf %sub3A_549 : vector<16x1024xf32>
    %add3A_551 = arith.addf %abs3A_545, %abs3A_550 : vector<16x1024xf32>
    %sub3A_552 = vector.broadcast %abs3A : f32 to vector<16x1024xf32>
    %sub3A_553 = arith.subf %sub3A_552, %add3A_551 : vector<16x1024xf32>
    %abs3A_554 = math.absf %sub3A_553 : vector<16x1024xf32>
    %sub3A_555 = arith.subf %abs3A_554, %add3A_551 : vector<16x1024xf32>
    %add3A_556 = arith.constant 1.000000e+00 : f32
    %add3A_557 = vector.broadcast %add3A_556 : f32 to vector<16x1024xf32>
    %add3A_558 = arith.addf %add3A_557, %add3A_551 : vector<16x1024xf32>
    %add3A_559 = arith.constant 1.000000e+00 : f32
    %add3A_560 = vector.broadcast %add3A_559 : f32 to vector<16x1024xf32>
    %add3A_561 = arith.addf %add3A_560, %abs3A_554 : vector<16x1024xf32>
    %mul3A_562 = arith.mulf %add3A_558, %add3A_561 : vector<16x1024xf32>
    %div3A_563 = arith.divf %sub3A_555, %mul3A_562 : vector<16x1024xf32>
    %reduce_sum3A_564 = arith.constant dense<0.000000e+00> : vector<16xf32>
    %reduce_sum3A_565 = vector.multi_reduction <add>, %div3A_563, %reduce_sum3A_564 [1] : vector<16x1024xf32> to vector<16xf32>
    %add3A_566 = arith.addf %reduce_sum3A_542, %reduce_sum3A_565 : vector<16xf32>
    %get3A_567 = arith.constant 11 : index
    %get3A_568 = arith.constant 0 : index
    %get3A_569 = memref.load %arg6[%get3A_567, %get3A_568] : memref<32x2xf32, #tpu.memory_space<smem>>
    %get3A_570 = arith.constant 11 : index
    %get3A_571 = arith.constant 1 : index
    %get3A_572 = memref.load %arg6[%get3A_570, %get3A_571] : memref<32x2xf32, #tpu.memory_space<smem>>
    %sub3A_573 = vector.broadcast %get3A_569 : f32 to vector<16x2048xf32>
    %sub3A_574 = arith.subf %get3A_4, %sub3A_573 : vector<16x2048xf32>
    %abs3A_575 = math.absf %sub3A_574 : vector<16x2048xf32>
    %sub3A_576 = vector.broadcast %get3A_572 : f32 to vector<16x2048xf32>
    %sub3A_577 = arith.subf %get3A_7, %sub3A_576 : vector<16x2048xf32>
    %abs3A_578 = math.absf %sub3A_577 : vector<16x2048xf32>
    %add3A_579 = arith.addf %abs3A_575, %abs3A_578 : vector<16x2048xf32>
    %sub3A_580 = vector.broadcast %abs3A : f32 to vector<16x2048xf32>
    %sub3A_581 = arith.subf %sub3A_580, %add3A_579 : vector<16x2048xf32>
    %abs3A_582 = math.absf %sub3A_581 : vector<16x2048xf32>
    %sub3A_583 = arith.subf %abs3A_582, %add3A_579 : vector<16x2048xf32>
    %add3A_584 = arith.constant 1.000000e+00 : f32
    %add3A_585 = vector.broadcast %add3A_584 : f32 to vector<16x2048xf32>
    %add3A_586 = arith.addf %add3A_585, %add3A_579 : vector<16x2048xf32>
    %add3A_587 = arith.constant 1.000000e+00 : f32
    %add3A_588 = vector.broadcast %add3A_587 : f32 to vector<16x2048xf32>
    %add3A_589 = arith.addf %add3A_588, %abs3A_582 : vector<16x2048xf32>
    %mul3A_590 = arith.mulf %add3A_586, %add3A_589 : vector<16x2048xf32>
    %div3A_591 = arith.divf %sub3A_583, %mul3A_590 : vector<16x2048xf32>
    %reduce_sum3A_592 = arith.constant dense<0.000000e+00> : vector<16xf32>
    %reduce_sum3A_593 = vector.multi_reduction <add>, %div3A_591, %reduce_sum3A_592 [1] : vector<16x2048xf32> to vector<16xf32>
    %sub3A_594 = vector.broadcast %get3A_569 : f32 to vector<16x1024xf32>
    %sub3A_595 = arith.subf %get3A_10, %sub3A_594 : vector<16x1024xf32>
    %abs3A_596 = math.absf %sub3A_595 : vector<16x1024xf32>
    %sub3A_597 = arith.constant 1.000000e+00 : f32
    %sub3A_598 = arith.subf %sub3A_597, %get3A_572 : f32
    %sub3A_599 = vector.broadcast %sub3A_598 : f32 to vector<16x1024xf32>
    %sub3A_600 = arith.subf %get3A_10, %sub3A_599 : vector<16x1024xf32>
    %abs3A_601 = math.absf %sub3A_600 : vector<16x1024xf32>
    %add3A_602 = arith.addf %abs3A_596, %abs3A_601 : vector<16x1024xf32>
    %sub3A_603 = vector.broadcast %abs3A : f32 to vector<16x1024xf32>
    %sub3A_604 = arith.subf %sub3A_603, %add3A_602 : vector<16x1024xf32>
    %abs3A_605 = math.absf %sub3A_604 : vector<16x1024xf32>
    %sub3A_606 = arith.subf %abs3A_605, %add3A_602 : vector<16x1024xf32>
    %add3A_607 = arith.constant 1.000000e+00 : f32
    %add3A_608 = vector.broadcast %add3A_607 : f32 to vector<16x1024xf32>
    %add3A_609 = arith.addf %add3A_608, %add3A_602 : vector<16x1024xf32>
    %add3A_610 = arith.constant 1.000000e+00 : f32
    %add3A_611 = vector.broadcast %add3A_610 : f32 to vector<16x1024xf32>
    %add3A_612 = arith.addf %add3A_611, %abs3A_605 : vector<16x1024xf32>
    %mul3A_613 = arith.mulf %add3A_609, %add3A_612 : vector<16x1024xf32>
    %div3A_614 = arith.divf %sub3A_606, %mul3A_613 : vector<16x1024xf32>
    %reduce_sum3A_615 = arith.constant dense<0.000000e+00> : vector<16xf32>
    %reduce_sum3A_616 = vector.multi_reduction <add>, %div3A_614, %reduce_sum3A_615 [1] : vector<16x1024xf32> to vector<16xf32>
    %add3A_617 = arith.addf %reduce_sum3A_593, %reduce_sum3A_616 : vector<16xf32>
    %get3A_618 = arith.constant 12 : index
    %get3A_619 = arith.constant 0 : index
    %get3A_620 = memref.load %arg6[%get3A_618, %get3A_619] : memref<32x2xf32, #tpu.memory_space<smem>>
    %get3A_621 = arith.constant 12 : index
    %get3A_622 = arith.constant 1 : index
    %get3A_623 = memref.load %arg6[%get3A_621, %get3A_622] : memref<32x2xf32, #tpu.memory_space<smem>>
    %sub3A_624 = vector.broadcast %get3A_620 : f32 to vector<16x2048xf32>
    %sub3A_625 = arith.subf %get3A_4, %sub3A_624 : vector<16x2048xf32>
    %abs3A_626 = math.absf %sub3A_625 : vector<16x2048xf32>
    %sub3A_627 = vector.broadcast %get3A_623 : f32 to vector<16x2048xf32>
    %sub3A_628 = arith.subf %get3A_7, %sub3A_627 : vector<16x2048xf32>
    %abs3A_629 = math.absf %sub3A_628 : vector<16x2048xf32>
    %add3A_630 = arith.addf %abs3A_626, %abs3A_629 : vector<16x2048xf32>
    %sub3A_631 = vector.broadcast %abs3A : f32 to vector<16x2048xf32>
    %sub3A_632 = arith.subf %sub3A_631, %add3A_630 : vector<16x2048xf32>
    %abs3A_633 = math.absf %sub3A_632 : vector<16x2048xf32>
    %sub3A_634 = arith.subf %abs3A_633, %add3A_630 : vector<16x2048xf32>
    %add3A_635 = arith.constant 1.000000e+00 : f32
    %add3A_636 = vector.broadcast %add3A_635 : f32 to vector<16x2048xf32>
    %add3A_637 = arith.addf %add3A_636, %add3A_630 : vector<16x2048xf32>
    %add3A_638 = arith.constant 1.000000e+00 : f32
    %add3A_639 = vector.broadcast %add3A_638 : f32 to vector<16x2048xf32>
    %add3A_640 = arith.addf %add3A_639, %abs3A_633 : vector<16x2048xf32>
    %mul3A_641 = arith.mulf %add3A_637, %add3A_640 : vector<16x2048xf32>
    %div3A_642 = arith.divf %sub3A_634, %mul3A_641 : vector<16x2048xf32>
    %reduce_sum3A_643 = arith.constant dense<0.000000e+00> : vector<16xf32>
    %reduce_sum3A_644 = vector.multi_reduction <add>, %div3A_642, %reduce_sum3A_643 [1] : vector<16x2048xf32> to vector<16xf32>
    %sub3A_645 = vector.broadcast %get3A_620 : f32 to vector<16x1024xf32>
    %sub3A_646 = arith.subf %get3A_10, %sub3A_645 : vector<16x1024xf32>
    %abs3A_647 = math.absf %sub3A_646 : vector<16x1024xf32>
    %sub3A_648 = arith.constant 1.000000e+00 : f32
    %sub3A_649 = arith.subf %sub3A_648, %get3A_623 : f32
    %sub3A_650 = vector.broadcast %sub3A_649 : f32 to vector<16x1024xf32>
    %sub3A_651 = arith.subf %get3A_10, %sub3A_650 : vector<16x1024xf32>
    %abs3A_652 = math.absf %sub3A_651 : vector<16x1024xf32>
    %add3A_653 = arith.addf %abs3A_647, %abs3A_652 : vector<16x1024xf32>
    %sub3A_654 = vector.broadcast %abs3A : f32 to vector<16x1024xf32>
    %sub3A_655 = arith.subf %sub3A_654, %add3A_653 : vector<16x1024xf32>
    %abs3A_656 = math.absf %sub3A_655 : vector<16x1024xf32>
    %sub3A_657 = arith.subf %abs3A_656, %add3A_653 : vector<16x1024xf32>
    %add3A_658 = arith.constant 1.000000e+00 : f32
    %add3A_659 = vector.broadcast %add3A_658 : f32 to vector<16x1024xf32>
    %add3A_660 = arith.addf %add3A_659, %add3A_653 : vector<16x1024xf32>
    %add3A_661 = arith.constant 1.000000e+00 : f32
    %add3A_662 = vector.broadcast %add3A_661 : f32 to vector<16x1024xf32>
    %add3A_663 = arith.addf %add3A_662, %abs3A_656 : vector<16x1024xf32>
    %mul3A_664 = arith.mulf %add3A_660, %add3A_663 : vector<16x1024xf32>
    %div3A_665 = arith.divf %sub3A_657, %mul3A_664 : vector<16x1024xf32>
    %reduce_sum3A_666 = arith.constant dense<0.000000e+00> : vector<16xf32>
    %reduce_sum3A_667 = vector.multi_reduction <add>, %div3A_665, %reduce_sum3A_666 [1] : vector<16x1024xf32> to vector<16xf32>
    %add3A_668 = arith.addf %reduce_sum3A_644, %reduce_sum3A_667 : vector<16xf32>
    %get3A_669 = arith.constant 13 : index
    %get3A_670 = arith.constant 0 : index
    %get3A_671 = memref.load %arg6[%get3A_669, %get3A_670] : memref<32x2xf32, #tpu.memory_space<smem>>
    %get3A_672 = arith.constant 13 : index
    %get3A_673 = arith.constant 1 : index
    %get3A_674 = memref.load %arg6[%get3A_672, %get3A_673] : memref<32x2xf32, #tpu.memory_space<smem>>
    %sub3A_675 = vector.broadcast %get3A_671 : f32 to vector<16x2048xf32>
    %sub3A_676 = arith.subf %get3A_4, %sub3A_675 : vector<16x2048xf32>
    %abs3A_677 = math.absf %sub3A_676 : vector<16x2048xf32>
    %sub3A_678 = vector.broadcast %get3A_674 : f32 to vector<16x2048xf32>
    %sub3A_679 = arith.subf %get3A_7, %sub3A_678 : vector<16x2048xf32>
    %abs3A_680 = math.absf %sub3A_679 : vector<16x2048xf32>
    %add3A_681 = arith.addf %abs3A_677, %abs3A_680 : vector<16x2048xf32>
    %sub3A_682 = vector.broadcast %abs3A : f32 to vector<16x2048xf32>
    %sub3A_683 = arith.subf %sub3A_682, %add3A_681 : vector<16x2048xf32>
    %abs3A_684 = math.absf %sub3A_683 : vector<16x2048xf32>
    %sub3A_685 = arith.subf %abs3A_684, %add3A_681 : vector<16x2048xf32>
    %add3A_686 = arith.constant 1.000000e+00 : f32
    %add3A_687 = vector.broadcast %add3A_686 : f32 to vector<16x2048xf32>
    %add3A_688 = arith.addf %add3A_687, %add3A_681 : vector<16x2048xf32>
    %add3A_689 = arith.constant 1.000000e+00 : f32
    %add3A_690 = vector.broadcast %add3A_689 : f32 to vector<16x2048xf32>
    %add3A_691 = arith.addf %add3A_690, %abs3A_684 : vector<16x2048xf32>
    %mul3A_692 = arith.mulf %add3A_688, %add3A_691 : vector<16x2048xf32>
    %div3A_693 = arith.divf %sub3A_685, %mul3A_692 : vector<16x2048xf32>
    %reduce_sum3A_694 = arith.constant dense<0.000000e+00> : vector<16xf32>
    %reduce_sum3A_695 = vector.multi_reduction <add>, %div3A_693, %reduce_sum3A_694 [1] : vector<16x2048xf32> to vector<16xf32>
    %sub3A_696 = vector.broadcast %get3A_671 : f32 to vector<16x1024xf32>
    %sub3A_697 = arith.subf %get3A_10, %sub3A_696 : vector<16x1024xf32>
    %abs3A_698 = math.absf %sub3A_697 : vector<16x1024xf32>
    %sub3A_699 = arith.constant 1.000000e+00 : f32
    %sub3A_700 = arith.subf %sub3A_699, %get3A_674 : f32
    %sub3A_701 = vector.broadcast %sub3A_700 : f32 to vector<16x1024xf32>
    %sub3A_702 = arith.subf %get3A_10, %sub3A_701 : vector<16x1024xf32>
    %abs3A_703 = math.absf %sub3A_702 : vector<16x1024xf32>
    %add3A_704 = arith.addf %abs3A_698, %abs3A_703 : vector<16x1024xf32>
    %sub3A_705 = vector.broadcast %abs3A : f32 to vector<16x1024xf32>
    %sub3A_706 = arith.subf %sub3A_705, %add3A_704 : vector<16x1024xf32>
    %abs3A_707 = math.absf %sub3A_706 : vector<16x1024xf32>
    %sub3A_708 = arith.subf %abs3A_707, %add3A_704 : vector<16x1024xf32>
    %add3A_709 = arith.constant 1.000000e+00 : f32
    %add3A_710 = vector.broadcast %add3A_709 : f32 to vector<16x1024xf32>
    %add3A_711 = arith.addf %add3A_710, %add3A_704 : vector<16x1024xf32>
    %add3A_712 = arith.constant 1.000000e+00 : f32
    %add3A_713 = vector.broadcast %add3A_712 : f32 to vector<16x1024xf32>
    %add3A_714 = arith.addf %add3A_713, %abs3A_707 : vector<16x1024xf32>
    %mul3A_715 = arith.mulf %add3A_711, %add3A_714 : vector<16x1024xf32>
    %div3A_716 = arith.divf %sub3A_708, %mul3A_715 : vector<16x1024xf32>
    %reduce_sum3A_717 = arith.constant dense<0.000000e+00> : vector<16xf32>
    %reduce_sum3A_718 = vector.multi_reduction <add>, %div3A_716, %reduce_sum3A_717 [1] : vector<16x1024xf32> to vector<16xf32>
    %add3A_719 = arith.addf %reduce_sum3A_695, %reduce_sum3A_718 : vector<16xf32>
    %get3A_720 = arith.constant 14 : index
    %get3A_721 = arith.constant 0 : index
    %get3A_722 = memref.load %arg6[%get3A_720, %get3A_721] : memref<32x2xf32, #tpu.memory_space<smem>>
    %get3A_723 = arith.constant 14 : index
    %get3A_724 = arith.constant 1 : index
    %get3A_725 = memref.load %arg6[%get3A_723, %get3A_724] : memref<32x2xf32, #tpu.memory_space<smem>>
    %sub3A_726 = vector.broadcast %get3A_722 : f32 to vector<16x2048xf32>
    %sub3A_727 = arith.subf %get3A_4, %sub3A_726 : vector<16x2048xf32>
    %abs3A_728 = math.absf %sub3A_727 : vector<16x2048xf32>
    %sub3A_729 = vector.broadcast %get3A_725 : f32 to vector<16x2048xf32>
    %sub3A_730 = arith.subf %get3A_7, %sub3A_729 : vector<16x2048xf32>
    %abs3A_731 = math.absf %sub3A_730 : vector<16x2048xf32>
    %add3A_732 = arith.addf %abs3A_728, %abs3A_731 : vector<16x2048xf32>
    %sub3A_733 = vector.broadcast %abs3A : f32 to vector<16x2048xf32>
    %sub3A_734 = arith.subf %sub3A_733, %add3A_732 : vector<16x2048xf32>
    %abs3A_735 = math.absf %sub3A_734 : vector<16x2048xf32>
    %sub3A_736 = arith.subf %abs3A_735, %add3A_732 : vector<16x2048xf32>
    %add3A_737 = arith.constant 1.000000e+00 : f32
    %add3A_738 = vector.broadcast %add3A_737 : f32 to vector<16x2048xf32>
    %add3A_739 = arith.addf %add3A_738, %add3A_732 : vector<16x2048xf32>
    %add3A_740 = arith.constant 1.000000e+00 : f32
    %add3A_741 = vector.broadcast %add3A_740 : f32 to vector<16x2048xf32>
    %add3A_742 = arith.addf %add3A_741, %abs3A_735 : vector<16x2048xf32>
    %mul3A_743 = arith.mulf %add3A_739, %add3A_742 : vector<16x2048xf32>
    %div3A_744 = arith.divf %sub3A_736, %mul3A_743 : vector<16x2048xf32>
    %reduce_sum3A_745 = arith.constant dense<0.000000e+00> : vector<16xf32>
    %reduce_sum3A_746 = vector.multi_reduction <add>, %div3A_744, %reduce_sum3A_745 [1] : vector<16x2048xf32> to vector<16xf32>
    %sub3A_747 = vector.broadcast %get3A_722 : f32 to vector<16x1024xf32>
    %sub3A_748 = arith.subf %get3A_10, %sub3A_747 : vector<16x1024xf32>
    %abs3A_749 = math.absf %sub3A_748 : vector<16x1024xf32>
    %sub3A_750 = arith.constant 1.000000e+00 : f32
    %sub3A_751 = arith.subf %sub3A_750, %get3A_725 : f32
    %sub3A_752 = vector.broadcast %sub3A_751 : f32 to vector<16x1024xf32>
    %sub3A_753 = arith.subf %get3A_10, %sub3A_752 : vector<16x1024xf32>
    %abs3A_754 = math.absf %sub3A_753 : vector<16x1024xf32>
    %add3A_755 = arith.addf %abs3A_749, %abs3A_754 : vector<16x1024xf32>
    %sub3A_756 = vector.broadcast %abs3A : f32 to vector<16x1024xf32>
    %sub3A_757 = arith.subf %sub3A_756, %add3A_755 : vector<16x1024xf32>
    %abs3A_758 = math.absf %sub3A_757 : vector<16x1024xf32>
    %sub3A_759 = arith.subf %abs3A_758, %add3A_755 : vector<16x1024xf32>
    %add3A_760 = arith.constant 1.000000e+00 : f32
    %add3A_761 = vector.broadcast %add3A_760 : f32 to vector<16x1024xf32>
    %add3A_762 = arith.addf %add3A_761, %add3A_755 : vector<16x1024xf32>
    %add3A_763 = arith.constant 1.000000e+00 : f32
    %add3A_764 = vector.broadcast %add3A_763 : f32 to vector<16x1024xf32>
    %add3A_765 = arith.addf %add3A_764, %abs3A_758 : vector<16x1024xf32>
    %mul3A_766 = arith.mulf %add3A_762, %add3A_765 : vector<16x1024xf32>
    %div3A_767 = arith.divf %sub3A_759, %mul3A_766 : vector<16x1024xf32>
    %reduce_sum3A_768 = arith.constant dense<0.000000e+00> : vector<16xf32>
    %reduce_sum3A_769 = vector.multi_reduction <add>, %div3A_767, %reduce_sum3A_768 [1] : vector<16x1024xf32> to vector<16xf32>
    %add3A_770 = arith.addf %reduce_sum3A_746, %reduce_sum3A_769 : vector<16xf32>
    %get3A_771 = arith.constant 15 : index
    %get3A_772 = arith.constant 0 : index
    %get3A_773 = memref.load %arg6[%get3A_771, %get3A_772] : memref<32x2xf32, #tpu.memory_space<smem>>
    %get3A_774 = arith.constant 15 : index
    %get3A_775 = arith.constant 1 : index
    %get3A_776 = memref.load %arg6[%get3A_774, %get3A_775] : memref<32x2xf32, #tpu.memory_space<smem>>
    %sub3A_777 = vector.broadcast %get3A_773 : f32 to vector<16x2048xf32>
    %sub3A_778 = arith.subf %get3A_4, %sub3A_777 : vector<16x2048xf32>
    %abs3A_779 = math.absf %sub3A_778 : vector<16x2048xf32>
    %sub3A_780 = vector.broadcast %get3A_776 : f32 to vector<16x2048xf32>
    %sub3A_781 = arith.subf %get3A_7, %sub3A_780 : vector<16x2048xf32>
    %abs3A_782 = math.absf %sub3A_781 : vector<16x2048xf32>
    %add3A_783 = arith.addf %abs3A_779, %abs3A_782 : vector<16x2048xf32>
    %sub3A_784 = vector.broadcast %abs3A : f32 to vector<16x2048xf32>
    %sub3A_785 = arith.subf %sub3A_784, %add3A_783 : vector<16x2048xf32>
    %abs3A_786 = math.absf %sub3A_785 : vector<16x2048xf32>
    %sub3A_787 = arith.subf %abs3A_786, %add3A_783 : vector<16x2048xf32>
    %add3A_788 = arith.constant 1.000000e+00 : f32
    %add3A_789 = vector.broadcast %add3A_788 : f32 to vector<16x2048xf32>
    %add3A_790 = arith.addf %add3A_789, %add3A_783 : vector<16x2048xf32>
    %add3A_791 = arith.constant 1.000000e+00 : f32
    %add3A_792 = vector.broadcast %add3A_791 : f32 to vector<16x2048xf32>
    %add3A_793 = arith.addf %add3A_792, %abs3A_786 : vector<16x2048xf32>
    %mul3A_794 = arith.mulf %add3A_790, %add3A_793 : vector<16x2048xf32>
    %div3A_795 = arith.divf %sub3A_787, %mul3A_794 : vector<16x2048xf32>
    %reduce_sum3A_796 = arith.constant dense<0.000000e+00> : vector<16xf32>
    %reduce_sum3A_797 = vector.multi_reduction <add>, %div3A_795, %reduce_sum3A_796 [1] : vector<16x2048xf32> to vector<16xf32>
    %sub3A_798 = vector.broadcast %get3A_773 : f32 to vector<16x1024xf32>
    %sub3A_799 = arith.subf %get3A_10, %sub3A_798 : vector<16x1024xf32>
    %abs3A_800 = math.absf %sub3A_799 : vector<16x1024xf32>
    %sub3A_801 = arith.constant 1.000000e+00 : f32
    %sub3A_802 = arith.subf %sub3A_801, %get3A_776 : f32
    %sub3A_803 = vector.broadcast %sub3A_802 : f32 to vector<16x1024xf32>
    %sub3A_804 = arith.subf %get3A_10, %sub3A_803 : vector<16x1024xf32>
    %abs3A_805 = math.absf %sub3A_804 : vector<16x1024xf32>
    %add3A_806 = arith.addf %abs3A_800, %abs3A_805 : vector<16x1024xf32>
    %sub3A_807 = vector.broadcast %abs3A : f32 to vector<16x1024xf32>
    %sub3A_808 = arith.subf %sub3A_807, %add3A_806 : vector<16x1024xf32>
    %abs3A_809 = math.absf %sub3A_808 : vector<16x1024xf32>
    %sub3A_810 = arith.subf %abs3A_809, %add3A_806 : vector<16x1024xf32>
    %add3A_811 = arith.constant 1.000000e+00 : f32
    %add3A_812 = vector.broadcast %add3A_811 : f32 to vector<16x1024xf32>
    %add3A_813 = arith.addf %add3A_812, %add3A_806 : vector<16x1024xf32>
    %add3A_814 = arith.constant 1.000000e+00 : f32
    %add3A_815 = vector.broadcast %add3A_814 : f32 to vector<16x1024xf32>
    %add3A_816 = arith.addf %add3A_815, %abs3A_809 : vector<16x1024xf32>
    %mul3A_817 = arith.mulf %add3A_813, %add3A_816 : vector<16x1024xf32>
    %div3A_818 = arith.divf %sub3A_810, %mul3A_817 : vector<16x1024xf32>
    %reduce_sum3A_819 = arith.constant dense<0.000000e+00> : vector<16xf32>
    %reduce_sum3A_820 = vector.multi_reduction <add>, %div3A_818, %reduce_sum3A_819 [1] : vector<16x1024xf32> to vector<16xf32>
    %add3A_821 = arith.addf %reduce_sum3A_797, %reduce_sum3A_820 : vector<16xf32>
    %get3A_822 = arith.constant 16 : index
    %get3A_823 = arith.constant 0 : index
    %get3A_824 = memref.load %arg6[%get3A_822, %get3A_823] : memref<32x2xf32, #tpu.memory_space<smem>>
    %get3A_825 = arith.constant 16 : index
    %get3A_826 = arith.constant 1 : index
    %get3A_827 = memref.load %arg6[%get3A_825, %get3A_826] : memref<32x2xf32, #tpu.memory_space<smem>>
    %sub3A_828 = vector.broadcast %get3A_824 : f32 to vector<16x2048xf32>
    %sub3A_829 = arith.subf %get3A_4, %sub3A_828 : vector<16x2048xf32>
    %abs3A_830 = math.absf %sub3A_829 : vector<16x2048xf32>
    %sub3A_831 = vector.broadcast %get3A_827 : f32 to vector<16x2048xf32>
    %sub3A_832 = arith.subf %get3A_7, %sub3A_831 : vector<16x2048xf32>
    %abs3A_833 = math.absf %sub3A_832 : vector<16x2048xf32>
    %add3A_834 = arith.addf %abs3A_830, %abs3A_833 : vector<16x2048xf32>
    %sub3A_835 = vector.broadcast %abs3A : f32 to vector<16x2048xf32>
    %sub3A_836 = arith.subf %sub3A_835, %add3A_834 : vector<16x2048xf32>
    %abs3A_837 = math.absf %sub3A_836 : vector<16x2048xf32>
    %sub3A_838 = arith.subf %abs3A_837, %add3A_834 : vector<16x2048xf32>
    %add3A_839 = arith.constant 1.000000e+00 : f32
    %add3A_840 = vector.broadcast %add3A_839 : f32 to vector<16x2048xf32>
    %add3A_841 = arith.addf %add3A_840, %add3A_834 : vector<16x2048xf32>
    %add3A_842 = arith.constant 1.000000e+00 : f32
    %add3A_843 = vector.broadcast %add3A_842 : f32 to vector<16x2048xf32>
    %add3A_844 = arith.addf %add3A_843, %abs3A_837 : vector<16x2048xf32>
    %mul3A_845 = arith.mulf %add3A_841, %add3A_844 : vector<16x2048xf32>
    %div3A_846 = arith.divf %sub3A_838, %mul3A_845 : vector<16x2048xf32>
    %reduce_sum3A_847 = arith.constant dense<0.000000e+00> : vector<16xf32>
    %reduce_sum3A_848 = vector.multi_reduction <add>, %div3A_846, %reduce_sum3A_847 [1] : vector<16x2048xf32> to vector<16xf32>
    %sub3A_849 = vector.broadcast %get3A_824 : f32 to vector<16x1024xf32>
    %sub3A_850 = arith.subf %get3A_10, %sub3A_849 : vector<16x1024xf32>
    %abs3A_851 = math.absf %sub3A_850 : vector<16x1024xf32>
    %sub3A_852 = arith.constant 1.000000e+00 : f32
    %sub3A_853 = arith.subf %sub3A_852, %get3A_827 : f32
    %sub3A_854 = vector.broadcast %sub3A_853 : f32 to vector<16x1024xf32>
    %sub3A_855 = arith.subf %get3A_10, %sub3A_854 : vector<16x1024xf32>
    %abs3A_856 = math.absf %sub3A_855 : vector<16x1024xf32>
    %add3A_857 = arith.addf %abs3A_851, %abs3A_856 : vector<16x1024xf32>
    %sub3A_858 = vector.broadcast %abs3A : f32 to vector<16x1024xf32>
    %sub3A_859 = arith.subf %sub3A_858, %add3A_857 : vector<16x1024xf32>
    %abs3A_860 = math.absf %sub3A_859 : vector<16x1024xf32>
    %sub3A_861 = arith.subf %abs3A_860, %add3A_857 : vector<16x1024xf32>
    %add3A_862 = arith.constant 1.000000e+00 : f32
    %add3A_863 = vector.broadcast %add3A_862 : f32 to vector<16x1024xf32>
    %add3A_864 = arith.addf %add3A_863, %add3A_857 : vector<16x1024xf32>
    %add3A_865 = arith.constant 1.000000e+00 : f32
    %add3A_866 = vector.broadcast %add3A_865 : f32 to vector<16x1024xf32>
    %add3A_867 = arith.addf %add3A_866, %abs3A_860 : vector<16x1024xf32>
    %mul3A_868 = arith.mulf %add3A_864, %add3A_867 : vector<16x1024xf32>
    %div3A_869 = arith.divf %sub3A_861, %mul3A_868 : vector<16x1024xf32>
    %reduce_sum3A_870 = arith.constant dense<0.000000e+00> : vector<16xf32>
    %reduce_sum3A_871 = vector.multi_reduction <add>, %div3A_869, %reduce_sum3A_870 [1] : vector<16x1024xf32> to vector<16xf32>
    %add3A_872 = arith.addf %reduce_sum3A_848, %reduce_sum3A_871 : vector<16xf32>
    %get3A_873 = arith.constant 17 : index
    %get3A_874 = arith.constant 0 : index
    %get3A_875 = memref.load %arg6[%get3A_873, %get3A_874] : memref<32x2xf32, #tpu.memory_space<smem>>
    %get3A_876 = arith.constant 17 : index
    %get3A_877 = arith.constant 1 : index
    %get3A_878 = memref.load %arg6[%get3A_876, %get3A_877] : memref<32x2xf32, #tpu.memory_space<smem>>
    %sub3A_879 = vector.broadcast %get3A_875 : f32 to vector<16x2048xf32>
    %sub3A_880 = arith.subf %get3A_4, %sub3A_879 : vector<16x2048xf32>
    %abs3A_881 = math.absf %sub3A_880 : vector<16x2048xf32>
    %sub3A_882 = vector.broadcast %get3A_878 : f32 to vector<16x2048xf32>
    %sub3A_883 = arith.subf %get3A_7, %sub3A_882 : vector<16x2048xf32>
    %abs3A_884 = math.absf %sub3A_883 : vector<16x2048xf32>
    %add3A_885 = arith.addf %abs3A_881, %abs3A_884 : vector<16x2048xf32>
    %sub3A_886 = vector.broadcast %abs3A : f32 to vector<16x2048xf32>
    %sub3A_887 = arith.subf %sub3A_886, %add3A_885 : vector<16x2048xf32>
    %abs3A_888 = math.absf %sub3A_887 : vector<16x2048xf32>
    %sub3A_889 = arith.subf %abs3A_888, %add3A_885 : vector<16x2048xf32>
    %add3A_890 = arith.constant 1.000000e+00 : f32
    %add3A_891 = vector.broadcast %add3A_890 : f32 to vector<16x2048xf32>
    %add3A_892 = arith.addf %add3A_891, %add3A_885 : vector<16x2048xf32>
    %add3A_893 = arith.constant 1.000000e+00 : f32
    %add3A_894 = vector.broadcast %add3A_893 : f32 to vector<16x2048xf32>
    %add3A_895 = arith.addf %add3A_894, %abs3A_888 : vector<16x2048xf32>
    %mul3A_896 = arith.mulf %add3A_892, %add3A_895 : vector<16x2048xf32>
    %div3A_897 = arith.divf %sub3A_889, %mul3A_896 : vector<16x2048xf32>
    %reduce_sum3A_898 = arith.constant dense<0.000000e+00> : vector<16xf32>
    %reduce_sum3A_899 = vector.multi_reduction <add>, %div3A_897, %reduce_sum3A_898 [1] : vector<16x2048xf32> to vector<16xf32>
    %sub3A_900 = vector.broadcast %get3A_875 : f32 to vector<16x1024xf32>
    %sub3A_901 = arith.subf %get3A_10, %sub3A_900 : vector<16x1024xf32>
    %abs3A_902 = math.absf %sub3A_901 : vector<16x1024xf32>
    %sub3A_903 = arith.constant 1.000000e+00 : f32
    %sub3A_904 = arith.subf %sub3A_903, %get3A_878 : f32
    %sub3A_905 = vector.broadcast %sub3A_904 : f32 to vector<16x1024xf32>
    %sub3A_906 = arith.subf %get3A_10, %sub3A_905 : vector<16x1024xf32>
    %abs3A_907 = math.absf %sub3A_906 : vector<16x1024xf32>
    %add3A_908 = arith.addf %abs3A_902, %abs3A_907 : vector<16x1024xf32>
    %sub3A_909 = vector.broadcast %abs3A : f32 to vector<16x1024xf32>
    %sub3A_910 = arith.subf %sub3A_909, %add3A_908 : vector<16x1024xf32>
    %abs3A_911 = math.absf %sub3A_910 : vector<16x1024xf32>
    %sub3A_912 = arith.subf %abs3A_911, %add3A_908 : vector<16x1024xf32>
    %add3A_913 = arith.constant 1.000000e+00 : f32
    %add3A_914 = vector.broadcast %add3A_913 : f32 to vector<16x1024xf32>
    %add3A_915 = arith.addf %add3A_914, %add3A_908 : vector<16x1024xf32>
    %add3A_916 = arith.constant 1.000000e+00 : f32
    %add3A_917 = vector.broadcast %add3A_916 : f32 to vector<16x1024xf32>
    %add3A_918 = arith.addf %add3A_917, %abs3A_911 : vector<16x1024xf32>
    %mul3A_919 = arith.mulf %add3A_915, %add3A_918 : vector<16x1024xf32>
    %div3A_920 = arith.divf %sub3A_912, %mul3A_919 : vector<16x1024xf32>
    %reduce_sum3A_921 = arith.constant dense<0.000000e+00> : vector<16xf32>
    %reduce_sum3A_922 = vector.multi_reduction <add>, %div3A_920, %reduce_sum3A_921 [1] : vector<16x1024xf32> to vector<16xf32>
    %add3A_923 = arith.addf %reduce_sum3A_899, %reduce_sum3A_922 : vector<16xf32>
    %get3A_924 = arith.constant 18 : index
    %get3A_925 = arith.constant 0 : index
    %get3A_926 = memref.load %arg6[%get3A_924, %get3A_925] : memref<32x2xf32, #tpu.memory_space<smem>>
    %get3A_927 = arith.constant 18 : index
    %get3A_928 = arith.constant 1 : index
    %get3A_929 = memref.load %arg6[%get3A_927, %get3A_928] : memref<32x2xf32, #tpu.memory_space<smem>>
    %sub3A_930 = vector.broadcast %get3A_926 : f32 to vector<16x2048xf32>
    %sub3A_931 = arith.subf %get3A_4, %sub3A_930 : vector<16x2048xf32>
    %abs3A_932 = math.absf %sub3A_931 : vector<16x2048xf32>
    %sub3A_933 = vector.broadcast %get3A_929 : f32 to vector<16x2048xf32>
    %sub3A_934 = arith.subf %get3A_7, %sub3A_933 : vector<16x2048xf32>
    %abs3A_935 = math.absf %sub3A_934 : vector<16x2048xf32>
    %add3A_936 = arith.addf %abs3A_932, %abs3A_935 : vector<16x2048xf32>
    %sub3A_937 = vector.broadcast %abs3A : f32 to vector<16x2048xf32>
    %sub3A_938 = arith.subf %sub3A_937, %add3A_936 : vector<16x2048xf32>
    %abs3A_939 = math.absf %sub3A_938 : vector<16x2048xf32>
    %sub3A_940 = arith.subf %abs3A_939, %add3A_936 : vector<16x2048xf32>
    %add3A_941 = arith.constant 1.000000e+00 : f32
    %add3A_942 = vector.broadcast %add3A_941 : f32 to vector<16x2048xf32>
    %add3A_943 = arith.addf %add3A_942, %add3A_936 : vector<16x2048xf32>
    %add3A_944 = arith.constant 1.000000e+00 : f32
    %add3A_945 = vector.broadcast %add3A_944 : f32 to vector<16x2048xf32>
    %add3A_946 = arith.addf %add3A_945, %abs3A_939 : vector<16x2048xf32>
    %mul3A_947 = arith.mulf %add3A_943, %add3A_946 : vector<16x2048xf32>
    %div3A_948 = arith.divf %sub3A_940, %mul3A_947 : vector<16x2048xf32>
    %reduce_sum3A_949 = arith.constant dense<0.000000e+00> : vector<16xf32>
    %reduce_sum3A_950 = vector.multi_reduction <add>, %div3A_948, %reduce_sum3A_949 [1] : vector<16x2048xf32> to vector<16xf32>
    %sub3A_951 = vector.broadcast %get3A_926 : f32 to vector<16x1024xf32>
    %sub3A_952 = arith.subf %get3A_10, %sub3A_951 : vector<16x1024xf32>
    %abs3A_953 = math.absf %sub3A_952 : vector<16x1024xf32>
    %sub3A_954 = arith.constant 1.000000e+00 : f32
    %sub3A_955 = arith.subf %sub3A_954, %get3A_929 : f32
    %sub3A_956 = vector.broadcast %sub3A_955 : f32 to vector<16x1024xf32>
    %sub3A_957 = arith.subf %get3A_10, %sub3A_956 : vector<16x1024xf32>
    %abs3A_958 = math.absf %sub3A_957 : vector<16x1024xf32>
    %add3A_959 = arith.addf %abs3A_953, %abs3A_958 : vector<16x1024xf32>
    %sub3A_960 = vector.broadcast %abs3A : f32 to vector<16x1024xf32>
    %sub3A_961 = arith.subf %sub3A_960, %add3A_959 : vector<16x1024xf32>
    %abs3A_962 = math.absf %sub3A_961 : vector<16x1024xf32>
    %sub3A_963 = arith.subf %abs3A_962, %add3A_959 : vector<16x1024xf32>
    %add3A_964 = arith.constant 1.000000e+00 : f32
    %add3A_965 = vector.broadcast %add3A_964 : f32 to vector<16x1024xf32>
    %add3A_966 = arith.addf %add3A_965, %add3A_959 : vector<16x1024xf32>
    %add3A_967 = arith.constant 1.000000e+00 : f32
    %add3A_968 = vector.broadcast %add3A_967 : f32 to vector<16x1024xf32>
    %add3A_969 = arith.addf %add3A_968, %abs3A_962 : vector<16x1024xf32>
    %mul3A_970 = arith.mulf %add3A_966, %add3A_969 : vector<16x1024xf32>
    %div3A_971 = arith.divf %sub3A_963, %mul3A_970 : vector<16x1024xf32>
    %reduce_sum3A_972 = arith.constant dense<0.000000e+00> : vector<16xf32>
    %reduce_sum3A_973 = vector.multi_reduction <add>, %div3A_971, %reduce_sum3A_972 [1] : vector<16x1024xf32> to vector<16xf32>
    %add3A_974 = arith.addf %reduce_sum3A_950, %reduce_sum3A_973 : vector<16xf32>
    %get3A_975 = arith.constant 19 : index
    %get3A_976 = arith.constant 0 : index
    %get3A_977 = memref.load %arg6[%get3A_975, %get3A_976] : memref<32x2xf32, #tpu.memory_space<smem>>
    %get3A_978 = arith.constant 19 : index
    %get3A_979 = arith.constant 1 : index
    %get3A_980 = memref.load %arg6[%get3A_978, %get3A_979] : memref<32x2xf32, #tpu.memory_space<smem>>
    %sub3A_981 = vector.broadcast %get3A_977 : f32 to vector<16x2048xf32>
    %sub3A_982 = arith.subf %get3A_4, %sub3A_981 : vector<16x2048xf32>
    %abs3A_983 = math.absf %sub3A_982 : vector<16x2048xf32>
    %sub3A_984 = vector.broadcast %get3A_980 : f32 to vector<16x2048xf32>
    %sub3A_985 = arith.subf %get3A_7, %sub3A_984 : vector<16x2048xf32>
    %abs3A_986 = math.absf %sub3A_985 : vector<16x2048xf32>
    %add3A_987 = arith.addf %abs3A_983, %abs3A_986 : vector<16x2048xf32>
    %sub3A_988 = vector.broadcast %abs3A : f32 to vector<16x2048xf32>
    %sub3A_989 = arith.subf %sub3A_988, %add3A_987 : vector<16x2048xf32>
    %abs3A_990 = math.absf %sub3A_989 : vector<16x2048xf32>
    %sub3A_991 = arith.subf %abs3A_990, %add3A_987 : vector<16x2048xf32>
    %add3A_992 = arith.constant 1.000000e+00 : f32
    %add3A_993 = vector.broadcast %add3A_992 : f32 to vector<16x2048xf32>
    %add3A_994 = arith.addf %add3A_993, %add3A_987 : vector<16x2048xf32>
    %add3A_995 = arith.constant 1.000000e+00 : f32
    %add3A_996 = vector.broadcast %add3A_995 : f32 to vector<16x2048xf32>
    %add3A_997 = arith.addf %add3A_996, %abs3A_990 : vector<16x2048xf32>
    %mul3A_998 = arith.mulf %add3A_994, %add3A_997 : vector<16x2048xf32>
    %div3A_999 = arith.divf %sub3A_991, %mul3A_998 : vector<16x2048xf32>
    %reduce_sum3A_1000 = arith.constant dense<0.000000e+00> : vector<16xf32>
    %reduce_sum3A_1001 = vector.multi_reduction <add>, %div3A_999, %reduce_sum3A_1000 [1] : vector<16x2048xf32> to vector<16xf32>
    %sub3A_1002 = vector.broadcast %get3A_977 : f32 to vector<16x1024xf32>
    %sub3A_1003 = arith.subf %get3A_10, %sub3A_1002 : vector<16x1024xf32>
    %abs3A_1004 = math.absf %sub3A_1003 : vector<16x1024xf32>
    %sub3A_1005 = arith.constant 1.000000e+00 : f32
    %sub3A_1006 = arith.subf %sub3A_1005, %get3A_980 : f32
    %sub3A_1007 = vector.broadcast %sub3A_1006 : f32 to vector<16x1024xf32>
    %sub3A_1008 = arith.subf %get3A_10, %sub3A_1007 : vector<16x1024xf32>
    %abs3A_1009 = math.absf %sub3A_1008 : vector<16x1024xf32>
    %add3A_1010 = arith.addf %abs3A_1004, %abs3A_1009 : vector<16x1024xf32>
    %sub3A_1011 = vector.broadcast %abs3A : f32 to vector<16x1024xf32>
    %sub3A_1012 = arith.subf %sub3A_1011, %add3A_1010 : vector<16x1024xf32>
    %abs3A_1013 = math.absf %sub3A_1012 : vector<16x1024xf32>
    %sub3A_1014 = arith.subf %abs3A_1013, %add3A_1010 : vector<16x1024xf32>
    %add3A_1015 = arith.constant 1.000000e+00 : f32
    %add3A_1016 = vector.broadcast %add3A_1015 : f32 to vector<16x1024xf32>
    %add3A_1017 = arith.addf %add3A_1016, %add3A_1010 : vector<16x1024xf32>
    %add3A_1018 = arith.constant 1.000000e+00 : f32
    %add3A_1019 = vector.broadcast %add3A_1018 : f32 to vector<16x1024xf32>
    %add3A_1020 = arith.addf %add3A_1019, %abs3A_1013 : vector<16x1024xf32>
    %mul3A_1021 = arith.mulf %add3A_1017, %add3A_1020 : vector<16x1024xf32>
    %div3A_1022 = arith.divf %sub3A_1014, %mul3A_1021 : vector<16x1024xf32>
    %reduce_sum3A_1023 = arith.constant dense<0.000000e+00> : vector<16xf32>
    %reduce_sum3A_1024 = vector.multi_reduction <add>, %div3A_1022, %reduce_sum3A_1023 [1] : vector<16x1024xf32> to vector<16xf32>
    %add3A_1025 = arith.addf %reduce_sum3A_1001, %reduce_sum3A_1024 : vector<16xf32>
    %get3A_1026 = arith.constant 20 : index
    %get3A_1027 = arith.constant 0 : index
    %get3A_1028 = memref.load %arg6[%get3A_1026, %get3A_1027] : memref<32x2xf32, #tpu.memory_space<smem>>
    %get3A_1029 = arith.constant 20 : index
    %get3A_1030 = arith.constant 1 : index
    %get3A_1031 = memref.load %arg6[%get3A_1029, %get3A_1030] : memref<32x2xf32, #tpu.memory_space<smem>>
    %sub3A_1032 = vector.broadcast %get3A_1028 : f32 to vector<16x2048xf32>
    %sub3A_1033 = arith.subf %get3A_4, %sub3A_1032 : vector<16x2048xf32>
    %abs3A_1034 = math.absf %sub3A_1033 : vector<16x2048xf32>
    %sub3A_1035 = vector.broadcast %get3A_1031 : f32 to vector<16x2048xf32>
    %sub3A_1036 = arith.subf %get3A_7, %sub3A_1035 : vector<16x2048xf32>
    %abs3A_1037 = math.absf %sub3A_1036 : vector<16x2048xf32>
    %add3A_1038 = arith.addf %abs3A_1034, %abs3A_1037 : vector<16x2048xf32>
    %sub3A_1039 = vector.broadcast %abs3A : f32 to vector<16x2048xf32>
    %sub3A_1040 = arith.subf %sub3A_1039, %add3A_1038 : vector<16x2048xf32>
    %abs3A_1041 = math.absf %sub3A_1040 : vector<16x2048xf32>
    %sub3A_1042 = arith.subf %abs3A_1041, %add3A_1038 : vector<16x2048xf32>
    %add3A_1043 = arith.constant 1.000000e+00 : f32
    %add3A_1044 = vector.broadcast %add3A_1043 : f32 to vector<16x2048xf32>
    %add3A_1045 = arith.addf %add3A_1044, %add3A_1038 : vector<16x2048xf32>
    %add3A_1046 = arith.constant 1.000000e+00 : f32
    %add3A_1047 = vector.broadcast %add3A_1046 : f32 to vector<16x2048xf32>
    %add3A_1048 = arith.addf %add3A_1047, %abs3A_1041 : vector<16x2048xf32>
    %mul3A_1049 = arith.mulf %add3A_1045, %add3A_1048 : vector<16x2048xf32>
    %div3A_1050 = arith.divf %sub3A_1042, %mul3A_1049 : vector<16x2048xf32>
    %reduce_sum3A_1051 = arith.constant dense<0.000000e+00> : vector<16xf32>
    %reduce_sum3A_1052 = vector.multi_reduction <add>, %div3A_1050, %reduce_sum3A_1051 [1] : vector<16x2048xf32> to vector<16xf32>
    %sub3A_1053 = vector.broadcast %get3A_1028 : f32 to vector<16x1024xf32>
    %sub3A_1054 = arith.subf %get3A_10, %sub3A_1053 : vector<16x1024xf32>
    %abs3A_1055 = math.absf %sub3A_1054 : vector<16x1024xf32>
    %sub3A_1056 = arith.constant 1.000000e+00 : f32
    %sub3A_1057 = arith.subf %sub3A_1056, %get3A_1031 : f32
    %sub3A_1058 = vector.broadcast %sub3A_1057 : f32 to vector<16x1024xf32>
    %sub3A_1059 = arith.subf %get3A_10, %sub3A_1058 : vector<16x1024xf32>
    %abs3A_1060 = math.absf %sub3A_1059 : vector<16x1024xf32>
    %add3A_1061 = arith.addf %abs3A_1055, %abs3A_1060 : vector<16x1024xf32>
    %sub3A_1062 = vector.broadcast %abs3A : f32 to vector<16x1024xf32>
    %sub3A_1063 = arith.subf %sub3A_1062, %add3A_1061 : vector<16x1024xf32>
    %abs3A_1064 = math.absf %sub3A_1063 : vector<16x1024xf32>
    %sub3A_1065 = arith.subf %abs3A_1064, %add3A_1061 : vector<16x1024xf32>
    %add3A_1066 = arith.constant 1.000000e+00 : f32
    %add3A_1067 = vector.broadcast %add3A_1066 : f32 to vector<16x1024xf32>
    %add3A_1068 = arith.addf %add3A_1067, %add3A_1061 : vector<16x1024xf32>
    %add3A_1069 = arith.constant 1.000000e+00 : f32
    %add3A_1070 = vector.broadcast %add3A_1069 : f32 to vector<16x1024xf32>
    %add3A_1071 = arith.addf %add3A_1070, %abs3A_1064 : vector<16x1024xf32>
    %mul3A_1072 = arith.mulf %add3A_1068, %add3A_1071 : vector<16x1024xf32>
    %div3A_1073 = arith.divf %sub3A_1065, %mul3A_1072 : vector<16x1024xf32>
    %reduce_sum3A_1074 = arith.constant dense<0.000000e+00> : vector<16xf32>
    %reduce_sum3A_1075 = vector.multi_reduction <add>, %div3A_1073, %reduce_sum3A_1074 [1] : vector<16x1024xf32> to vector<16xf32>
    %add3A_1076 = arith.addf %reduce_sum3A_1052, %reduce_sum3A_1075 : vector<16xf32>
    %get3A_1077 = arith.constant 21 : index
    %get3A_1078 = arith.constant 0 : index
    %get3A_1079 = memref.load %arg6[%get3A_1077, %get3A_1078] : memref<32x2xf32, #tpu.memory_space<smem>>
    %get3A_1080 = arith.constant 21 : index
    %get3A_1081 = arith.constant 1 : index
    %get3A_1082 = memref.load %arg6[%get3A_1080, %get3A_1081] : memref<32x2xf32, #tpu.memory_space<smem>>
    %sub3A_1083 = vector.broadcast %get3A_1079 : f32 to vector<16x2048xf32>
    %sub3A_1084 = arith.subf %get3A_4, %sub3A_1083 : vector<16x2048xf32>
    %abs3A_1085 = math.absf %sub3A_1084 : vector<16x2048xf32>
    %sub3A_1086 = vector.broadcast %get3A_1082 : f32 to vector<16x2048xf32>
    %sub3A_1087 = arith.subf %get3A_7, %sub3A_1086 : vector<16x2048xf32>
    %abs3A_1088 = math.absf %sub3A_1087 : vector<16x2048xf32>
    %add3A_1089 = arith.addf %abs3A_1085, %abs3A_1088 : vector<16x2048xf32>
    %sub3A_1090 = vector.broadcast %abs3A : f32 to vector<16x2048xf32>
    %sub3A_1091 = arith.subf %sub3A_1090, %add3A_1089 : vector<16x2048xf32>
    %abs3A_1092 = math.absf %sub3A_1091 : vector<16x2048xf32>
    %sub3A_1093 = arith.subf %abs3A_1092, %add3A_1089 : vector<16x2048xf32>
    %add3A_1094 = arith.constant 1.000000e+00 : f32
    %add3A_1095 = vector.broadcast %add3A_1094 : f32 to vector<16x2048xf32>
    %add3A_1096 = arith.addf %add3A_1095, %add3A_1089 : vector<16x2048xf32>
    %add3A_1097 = arith.constant 1.000000e+00 : f32
    %add3A_1098 = vector.broadcast %add3A_1097 : f32 to vector<16x2048xf32>
    %add3A_1099 = arith.addf %add3A_1098, %abs3A_1092 : vector<16x2048xf32>
    %mul3A_1100 = arith.mulf %add3A_1096, %add3A_1099 : vector<16x2048xf32>
    %div3A_1101 = arith.divf %sub3A_1093, %mul3A_1100 : vector<16x2048xf32>
    %reduce_sum3A_1102 = arith.constant dense<0.000000e+00> : vector<16xf32>
    %reduce_sum3A_1103 = vector.multi_reduction <add>, %div3A_1101, %reduce_sum3A_1102 [1] : vector<16x2048xf32> to vector<16xf32>
    %sub3A_1104 = vector.broadcast %get3A_1079 : f32 to vector<16x1024xf32>
    %sub3A_1105 = arith.subf %get3A_10, %sub3A_1104 : vector<16x1024xf32>
    %abs3A_1106 = math.absf %sub3A_1105 : vector<16x1024xf32>
    %sub3A_1107 = arith.constant 1.000000e+00 : f32
    %sub3A_1108 = arith.subf %sub3A_1107, %get3A_1082 : f32
    %sub3A_1109 = vector.broadcast %sub3A_1108 : f32 to vector<16x1024xf32>
    %sub3A_1110 = arith.subf %get3A_10, %sub3A_1109 : vector<16x1024xf32>
    %abs3A_1111 = math.absf %sub3A_1110 : vector<16x1024xf32>
    %add3A_1112 = arith.addf %abs3A_1106, %abs3A_1111 : vector<16x1024xf32>
    %sub3A_1113 = vector.broadcast %abs3A : f32 to vector<16x1024xf32>
    %sub3A_1114 = arith.subf %sub3A_1113, %add3A_1112 : vector<16x1024xf32>
    %abs3A_1115 = math.absf %sub3A_1114 : vector<16x1024xf32>
    %sub3A_1116 = arith.subf %abs3A_1115, %add3A_1112 : vector<16x1024xf32>
    %add3A_1117 = arith.constant 1.000000e+00 : f32
    %add3A_1118 = vector.broadcast %add3A_1117 : f32 to vector<16x1024xf32>
    %add3A_1119 = arith.addf %add3A_1118, %add3A_1112 : vector<16x1024xf32>
    %add3A_1120 = arith.constant 1.000000e+00 : f32
    %add3A_1121 = vector.broadcast %add3A_1120 : f32 to vector<16x1024xf32>
    %add3A_1122 = arith.addf %add3A_1121, %abs3A_1115 : vector<16x1024xf32>
    %mul3A_1123 = arith.mulf %add3A_1119, %add3A_1122 : vector<16x1024xf32>
    %div3A_1124 = arith.divf %sub3A_1116, %mul3A_1123 : vector<16x1024xf32>
    %reduce_sum3A_1125 = arith.constant dense<0.000000e+00> : vector<16xf32>
    %reduce_sum3A_1126 = vector.multi_reduction <add>, %div3A_1124, %reduce_sum3A_1125 [1] : vector<16x1024xf32> to vector<16xf32>
    %add3A_1127 = arith.addf %reduce_sum3A_1103, %reduce_sum3A_1126 : vector<16xf32>
    %get3A_1128 = arith.constant 22 : index
    %get3A_1129 = arith.constant 0 : index
    %get3A_1130 = memref.load %arg6[%get3A_1128, %get3A_1129] : memref<32x2xf32, #tpu.memory_space<smem>>
    %get3A_1131 = arith.constant 22 : index
    %get3A_1132 = arith.constant 1 : index
    %get3A_1133 = memref.load %arg6[%get3A_1131, %get3A_1132] : memref<32x2xf32, #tpu.memory_space<smem>>
    %sub3A_1134 = vector.broadcast %get3A_1130 : f32 to vector<16x2048xf32>
    %sub3A_1135 = arith.subf %get3A_4, %sub3A_1134 : vector<16x2048xf32>
    %abs3A_1136 = math.absf %sub3A_1135 : vector<16x2048xf32>
    %sub3A_1137 = vector.broadcast %get3A_1133 : f32 to vector<16x2048xf32>
    %sub3A_1138 = arith.subf %get3A_7, %sub3A_1137 : vector<16x2048xf32>
    %abs3A_1139 = math.absf %sub3A_1138 : vector<16x2048xf32>
    %add3A_1140 = arith.addf %abs3A_1136, %abs3A_1139 : vector<16x2048xf32>
    %sub3A_1141 = vector.broadcast %abs3A : f32 to vector<16x2048xf32>
    %sub3A_1142 = arith.subf %sub3A_1141, %add3A_1140 : vector<16x2048xf32>
    %abs3A_1143 = math.absf %sub3A_1142 : vector<16x2048xf32>
    %sub3A_1144 = arith.subf %abs3A_1143, %add3A_1140 : vector<16x2048xf32>
    %add3A_1145 = arith.constant 1.000000e+00 : f32
    %add3A_1146 = vector.broadcast %add3A_1145 : f32 to vector<16x2048xf32>
    %add3A_1147 = arith.addf %add3A_1146, %add3A_1140 : vector<16x2048xf32>
    %add3A_1148 = arith.constant 1.000000e+00 : f32
    %add3A_1149 = vector.broadcast %add3A_1148 : f32 to vector<16x2048xf32>
    %add3A_1150 = arith.addf %add3A_1149, %abs3A_1143 : vector<16x2048xf32>
    %mul3A_1151 = arith.mulf %add3A_1147, %add3A_1150 : vector<16x2048xf32>
    %div3A_1152 = arith.divf %sub3A_1144, %mul3A_1151 : vector<16x2048xf32>
    %reduce_sum3A_1153 = arith.constant dense<0.000000e+00> : vector<16xf32>
    %reduce_sum3A_1154 = vector.multi_reduction <add>, %div3A_1152, %reduce_sum3A_1153 [1] : vector<16x2048xf32> to vector<16xf32>
    %sub3A_1155 = vector.broadcast %get3A_1130 : f32 to vector<16x1024xf32>
    %sub3A_1156 = arith.subf %get3A_10, %sub3A_1155 : vector<16x1024xf32>
    %abs3A_1157 = math.absf %sub3A_1156 : vector<16x1024xf32>
    %sub3A_1158 = arith.constant 1.000000e+00 : f32
    %sub3A_1159 = arith.subf %sub3A_1158, %get3A_1133 : f32
    %sub3A_1160 = vector.broadcast %sub3A_1159 : f32 to vector<16x1024xf32>
    %sub3A_1161 = arith.subf %get3A_10, %sub3A_1160 : vector<16x1024xf32>
    %abs3A_1162 = math.absf %sub3A_1161 : vector<16x1024xf32>
    %add3A_1163 = arith.addf %abs3A_1157, %abs3A_1162 : vector<16x1024xf32>
    %sub3A_1164 = vector.broadcast %abs3A : f32 to vector<16x1024xf32>
    %sub3A_1165 = arith.subf %sub3A_1164, %add3A_1163 : vector<16x1024xf32>
    %abs3A_1166 = math.absf %sub3A_1165 : vector<16x1024xf32>
    %sub3A_1167 = arith.subf %abs3A_1166, %add3A_1163 : vector<16x1024xf32>
    %add3A_1168 = arith.constant 1.000000e+00 : f32
    %add3A_1169 = vector.broadcast %add3A_1168 : f32 to vector<16x1024xf32>
    %add3A_1170 = arith.addf %add3A_1169, %add3A_1163 : vector<16x1024xf32>
    %add3A_1171 = arith.constant 1.000000e+00 : f32
    %add3A_1172 = vector.broadcast %add3A_1171 : f32 to vector<16x1024xf32>
    %add3A_1173 = arith.addf %add3A_1172, %abs3A_1166 : vector<16x1024xf32>
    %mul3A_1174 = arith.mulf %add3A_1170, %add3A_1173 : vector<16x1024xf32>
    %div3A_1175 = arith.divf %sub3A_1167, %mul3A_1174 : vector<16x1024xf32>
    %reduce_sum3A_1176 = arith.constant dense<0.000000e+00> : vector<16xf32>
    %reduce_sum3A_1177 = vector.multi_reduction <add>, %div3A_1175, %reduce_sum3A_1176 [1] : vector<16x1024xf32> to vector<16xf32>
    %add3A_1178 = arith.addf %reduce_sum3A_1154, %reduce_sum3A_1177 : vector<16xf32>
    %get3A_1179 = arith.constant 23 : index
    %get3A_1180 = arith.constant 0 : index
    %get3A_1181 = memref.load %arg6[%get3A_1179, %get3A_1180] : memref<32x2xf32, #tpu.memory_space<smem>>
    %get3A_1182 = arith.constant 23 : index
    %get3A_1183 = arith.constant 1 : index
    %get3A_1184 = memref.load %arg6[%get3A_1182, %get3A_1183] : memref<32x2xf32, #tpu.memory_space<smem>>
    %sub3A_1185 = vector.broadcast %get3A_1181 : f32 to vector<16x2048xf32>
    %sub3A_1186 = arith.subf %get3A_4, %sub3A_1185 : vector<16x2048xf32>
    %abs3A_1187 = math.absf %sub3A_1186 : vector<16x2048xf32>
    %sub3A_1188 = vector.broadcast %get3A_1184 : f32 to vector<16x2048xf32>
    %sub3A_1189 = arith.subf %get3A_7, %sub3A_1188 : vector<16x2048xf32>
    %abs3A_1190 = math.absf %sub3A_1189 : vector<16x2048xf32>
    %add3A_1191 = arith.addf %abs3A_1187, %abs3A_1190 : vector<16x2048xf32>
    %sub3A_1192 = vector.broadcast %abs3A : f32 to vector<16x2048xf32>
    %sub3A_1193 = arith.subf %sub3A_1192, %add3A_1191 : vector<16x2048xf32>
    %abs3A_1194 = math.absf %sub3A_1193 : vector<16x2048xf32>
    %sub3A_1195 = arith.subf %abs3A_1194, %add3A_1191 : vector<16x2048xf32>
    %add3A_1196 = arith.constant 1.000000e+00 : f32
    %add3A_1197 = vector.broadcast %add3A_1196 : f32 to vector<16x2048xf32>
    %add3A_1198 = arith.addf %add3A_1197, %add3A_1191 : vector<16x2048xf32>
    %add3A_1199 = arith.constant 1.000000e+00 : f32
    %add3A_1200 = vector.broadcast %add3A_1199 : f32 to vector<16x2048xf32>
    %add3A_1201 = arith.addf %add3A_1200, %abs3A_1194 : vector<16x2048xf32>
    %mul3A_1202 = arith.mulf %add3A_1198, %add3A_1201 : vector<16x2048xf32>
    %div3A_1203 = arith.divf %sub3A_1195, %mul3A_1202 : vector<16x2048xf32>
    %reduce_sum3A_1204 = arith.constant dense<0.000000e+00> : vector<16xf32>
    %reduce_sum3A_1205 = vector.multi_reduction <add>, %div3A_1203, %reduce_sum3A_1204 [1] : vector<16x2048xf32> to vector<16xf32>
    %sub3A_1206 = vector.broadcast %get3A_1181 : f32 to vector<16x1024xf32>
    %sub3A_1207 = arith.subf %get3A_10, %sub3A_1206 : vector<16x1024xf32>
    %abs3A_1208 = math.absf %sub3A_1207 : vector<16x1024xf32>
    %sub3A_1209 = arith.constant 1.000000e+00 : f32
    %sub3A_1210 = arith.subf %sub3A_1209, %get3A_1184 : f32
    %sub3A_1211 = vector.broadcast %sub3A_1210 : f32 to vector<16x1024xf32>
    %sub3A_1212 = arith.subf %get3A_10, %sub3A_1211 : vector<16x1024xf32>
    %abs3A_1213 = math.absf %sub3A_1212 : vector<16x1024xf32>
    %add3A_1214 = arith.addf %abs3A_1208, %abs3A_1213 : vector<16x1024xf32>
    %sub3A_1215 = vector.broadcast %abs3A : f32 to vector<16x1024xf32>
    %sub3A_1216 = arith.subf %sub3A_1215, %add3A_1214 : vector<16x1024xf32>
    %abs3A_1217 = math.absf %sub3A_1216 : vector<16x1024xf32>
    %sub3A_1218 = arith.subf %abs3A_1217, %add3A_1214 : vector<16x1024xf32>
    %add3A_1219 = arith.constant 1.000000e+00 : f32
    %add3A_1220 = vector.broadcast %add3A_1219 : f32 to vector<16x1024xf32>
    %add3A_1221 = arith.addf %add3A_1220, %add3A_1214 : vector<16x1024xf32>
    %add3A_1222 = arith.constant 1.000000e+00 : f32
    %add3A_1223 = vector.broadcast %add3A_1222 : f32 to vector<16x1024xf32>
    %add3A_1224 = arith.addf %add3A_1223, %abs3A_1217 : vector<16x1024xf32>
    %mul3A_1225 = arith.mulf %add3A_1221, %add3A_1224 : vector<16x1024xf32>
    %div3A_1226 = arith.divf %sub3A_1218, %mul3A_1225 : vector<16x1024xf32>
    %reduce_sum3A_1227 = arith.constant dense<0.000000e+00> : vector<16xf32>
    %reduce_sum3A_1228 = vector.multi_reduction <add>, %div3A_1226, %reduce_sum3A_1227 [1] : vector<16x1024xf32> to vector<16xf32>
    %add3A_1229 = arith.addf %reduce_sum3A_1205, %reduce_sum3A_1228 : vector<16xf32>
    %get3A_1230 = arith.constant 24 : index
    %get3A_1231 = arith.constant 0 : index
    %get3A_1232 = memref.load %arg6[%get3A_1230, %get3A_1231] : memref<32x2xf32, #tpu.memory_space<smem>>
    %get3A_1233 = arith.constant 24 : index
    %get3A_1234 = arith.constant 1 : index
    %get3A_1235 = memref.load %arg6[%get3A_1233, %get3A_1234] : memref<32x2xf32, #tpu.memory_space<smem>>
    %sub3A_1236 = vector.broadcast %get3A_1232 : f32 to vector<16x2048xf32>
    %sub3A_1237 = arith.subf %get3A_4, %sub3A_1236 : vector<16x2048xf32>
    %abs3A_1238 = math.absf %sub3A_1237 : vector<16x2048xf32>
    %sub3A_1239 = vector.broadcast %get3A_1235 : f32 to vector<16x2048xf32>
    %sub3A_1240 = arith.subf %get3A_7, %sub3A_1239 : vector<16x2048xf32>
    %abs3A_1241 = math.absf %sub3A_1240 : vector<16x2048xf32>
    %add3A_1242 = arith.addf %abs3A_1238, %abs3A_1241 : vector<16x2048xf32>
    %sub3A_1243 = vector.broadcast %abs3A : f32 to vector<16x2048xf32>
    %sub3A_1244 = arith.subf %sub3A_1243, %add3A_1242 : vector<16x2048xf32>
    %abs3A_1245 = math.absf %sub3A_1244 : vector<16x2048xf32>
    %sub3A_1246 = arith.subf %abs3A_1245, %add3A_1242 : vector<16x2048xf32>
    %add3A_1247 = arith.constant 1.000000e+00 : f32
    %add3A_1248 = vector.broadcast %add3A_1247 : f32 to vector<16x2048xf32>
    %add3A_1249 = arith.addf %add3A_1248, %add3A_1242 : vector<16x2048xf32>
    %add3A_1250 = arith.constant 1.000000e+00 : f32
    %add3A_1251 = vector.broadcast %add3A_1250 : f32 to vector<16x2048xf32>
    %add3A_1252 = arith.addf %add3A_1251, %abs3A_1245 : vector<16x2048xf32>
    %mul3A_1253 = arith.mulf %add3A_1249, %add3A_1252 : vector<16x2048xf32>
    %div3A_1254 = arith.divf %sub3A_1246, %mul3A_1253 : vector<16x2048xf32>
    %reduce_sum3A_1255 = arith.constant dense<0.000000e+00> : vector<16xf32>
    %reduce_sum3A_1256 = vector.multi_reduction <add>, %div3A_1254, %reduce_sum3A_1255 [1] : vector<16x2048xf32> to vector<16xf32>
    %sub3A_1257 = vector.broadcast %get3A_1232 : f32 to vector<16x1024xf32>
    %sub3A_1258 = arith.subf %get3A_10, %sub3A_1257 : vector<16x1024xf32>
    %abs3A_1259 = math.absf %sub3A_1258 : vector<16x1024xf32>
    %sub3A_1260 = arith.constant 1.000000e+00 : f32
    %sub3A_1261 = arith.subf %sub3A_1260, %get3A_1235 : f32
    %sub3A_1262 = vector.broadcast %sub3A_1261 : f32 to vector<16x1024xf32>
    %sub3A_1263 = arith.subf %get3A_10, %sub3A_1262 : vector<16x1024xf32>
    %abs3A_1264 = math.absf %sub3A_1263 : vector<16x1024xf32>
    %add3A_1265 = arith.addf %abs3A_1259, %abs3A_1264 : vector<16x1024xf32>
    %sub3A_1266 = vector.broadcast %abs3A : f32 to vector<16x1024xf32>
    %sub3A_1267 = arith.subf %sub3A_1266, %add3A_1265 : vector<16x1024xf32>
    %abs3A_1268 = math.absf %sub3A_1267 : vector<16x1024xf32>
    %sub3A_1269 = arith.subf %abs3A_1268, %add3A_1265 : vector<16x1024xf32>
    %add3A_1270 = arith.constant 1.000000e+00 : f32
    %add3A_1271 = vector.broadcast %add3A_1270 : f32 to vector<16x1024xf32>
    %add3A_1272 = arith.addf %add3A_1271, %add3A_1265 : vector<16x1024xf32>
    %add3A_1273 = arith.constant 1.000000e+00 : f32
    %add3A_1274 = vector.broadcast %add3A_1273 : f32 to vector<16x1024xf32>
    %add3A_1275 = arith.addf %add3A_1274, %abs3A_1268 : vector<16x1024xf32>
    %mul3A_1276 = arith.mulf %add3A_1272, %add3A_1275 : vector<16x1024xf32>
    %div3A_1277 = arith.divf %sub3A_1269, %mul3A_1276 : vector<16x1024xf32>
    %reduce_sum3A_1278 = arith.constant dense<0.000000e+00> : vector<16xf32>
    %reduce_sum3A_1279 = vector.multi_reduction <add>, %div3A_1277, %reduce_sum3A_1278 [1] : vector<16x1024xf32> to vector<16xf32>
    %add3A_1280 = arith.addf %reduce_sum3A_1256, %reduce_sum3A_1279 : vector<16xf32>
    %get3A_1281 = arith.constant 25 : index
    %get3A_1282 = arith.constant 0 : index
    %get3A_1283 = memref.load %arg6[%get3A_1281, %get3A_1282] : memref<32x2xf32, #tpu.memory_space<smem>>
    %get3A_1284 = arith.constant 25 : index
    %get3A_1285 = arith.constant 1 : index
    %get3A_1286 = memref.load %arg6[%get3A_1284, %get3A_1285] : memref<32x2xf32, #tpu.memory_space<smem>>
    %sub3A_1287 = vector.broadcast %get3A_1283 : f32 to vector<16x2048xf32>
    %sub3A_1288 = arith.subf %get3A_4, %sub3A_1287 : vector<16x2048xf32>
    %abs3A_1289 = math.absf %sub3A_1288 : vector<16x2048xf32>
    %sub3A_1290 = vector.broadcast %get3A_1286 : f32 to vector<16x2048xf32>
    %sub3A_1291 = arith.subf %get3A_7, %sub3A_1290 : vector<16x2048xf32>
    %abs3A_1292 = math.absf %sub3A_1291 : vector<16x2048xf32>
    %add3A_1293 = arith.addf %abs3A_1289, %abs3A_1292 : vector<16x2048xf32>
    %sub3A_1294 = vector.broadcast %abs3A : f32 to vector<16x2048xf32>
    %sub3A_1295 = arith.subf %sub3A_1294, %add3A_1293 : vector<16x2048xf32>
    %abs3A_1296 = math.absf %sub3A_1295 : vector<16x2048xf32>
    %sub3A_1297 = arith.subf %abs3A_1296, %add3A_1293 : vector<16x2048xf32>
    %add3A_1298 = arith.constant 1.000000e+00 : f32
    %add3A_1299 = vector.broadcast %add3A_1298 : f32 to vector<16x2048xf32>
    %add3A_1300 = arith.addf %add3A_1299, %add3A_1293 : vector<16x2048xf32>
    %add3A_1301 = arith.constant 1.000000e+00 : f32
    %add3A_1302 = vector.broadcast %add3A_1301 : f32 to vector<16x2048xf32>
    %add3A_1303 = arith.addf %add3A_1302, %abs3A_1296 : vector<16x2048xf32>
    %mul3A_1304 = arith.mulf %add3A_1300, %add3A_1303 : vector<16x2048xf32>
    %div3A_1305 = arith.divf %sub3A_1297, %mul3A_1304 : vector<16x2048xf32>
    %reduce_sum3A_1306 = arith.constant dense<0.000000e+00> : vector<16xf32>
    %reduce_sum3A_1307 = vector.multi_reduction <add>, %div3A_1305, %reduce_sum3A_1306 [1] : vector<16x2048xf32> to vector<16xf32>
    %sub3A_1308 = vector.broadcast %get3A_1283 : f32 to vector<16x1024xf32>
    %sub3A_1309 = arith.subf %get3A_10, %sub3A_1308 : vector<16x1024xf32>
    %abs3A_1310 = math.absf %sub3A_1309 : vector<16x1024xf32>
    %sub3A_1311 = arith.constant 1.000000e+00 : f32
    %sub3A_1312 = arith.subf %sub3A_1311, %get3A_1286 : f32
    %sub3A_1313 = vector.broadcast %sub3A_1312 : f32 to vector<16x1024xf32>
    %sub3A_1314 = arith.subf %get3A_10, %sub3A_1313 : vector<16x1024xf32>
    %abs3A_1315 = math.absf %sub3A_1314 : vector<16x1024xf32>
    %add3A_1316 = arith.addf %abs3A_1310, %abs3A_1315 : vector<16x1024xf32>
    %sub3A_1317 = vector.broadcast %abs3A : f32 to vector<16x1024xf32>
    %sub3A_1318 = arith.subf %sub3A_1317, %add3A_1316 : vector<16x1024xf32>
    %abs3A_1319 = math.absf %sub3A_1318 : vector<16x1024xf32>
    %sub3A_1320 = arith.subf %abs3A_1319, %add3A_1316 : vector<16x1024xf32>
    %add3A_1321 = arith.constant 1.000000e+00 : f32
    %add3A_1322 = vector.broadcast %add3A_1321 : f32 to vector<16x1024xf32>
    %add3A_1323 = arith.addf %add3A_1322, %add3A_1316 : vector<16x1024xf32>
    %add3A_1324 = arith.constant 1.000000e+00 : f32
    %add3A_1325 = vector.broadcast %add3A_1324 : f32 to vector<16x1024xf32>
    %add3A_1326 = arith.addf %add3A_1325, %abs3A_1319 : vector<16x1024xf32>
    %mul3A_1327 = arith.mulf %add3A_1323, %add3A_1326 : vector<16x1024xf32>
    %div3A_1328 = arith.divf %sub3A_1320, %mul3A_1327 : vector<16x1024xf32>
    %reduce_sum3A_1329 = arith.constant dense<0.000000e+00> : vector<16xf32>
    %reduce_sum3A_1330 = vector.multi_reduction <add>, %div3A_1328, %reduce_sum3A_1329 [1] : vector<16x1024xf32> to vector<16xf32>
    %add3A_1331 = arith.addf %reduce_sum3A_1307, %reduce_sum3A_1330 : vector<16xf32>
    %get3A_1332 = arith.constant 26 : index
    %get3A_1333 = arith.constant 0 : index
    %get3A_1334 = memref.load %arg6[%get3A_1332, %get3A_1333] : memref<32x2xf32, #tpu.memory_space<smem>>
    %get3A_1335 = arith.constant 26 : index
    %get3A_1336 = arith.constant 1 : index
    %get3A_1337 = memref.load %arg6[%get3A_1335, %get3A_1336] : memref<32x2xf32, #tpu.memory_space<smem>>
    %sub3A_1338 = vector.broadcast %get3A_1334 : f32 to vector<16x2048xf32>
    %sub3A_1339 = arith.subf %get3A_4, %sub3A_1338 : vector<16x2048xf32>
    %abs3A_1340 = math.absf %sub3A_1339 : vector<16x2048xf32>
    %sub3A_1341 = vector.broadcast %get3A_1337 : f32 to vector<16x2048xf32>
    %sub3A_1342 = arith.subf %get3A_7, %sub3A_1341 : vector<16x2048xf32>
    %abs3A_1343 = math.absf %sub3A_1342 : vector<16x2048xf32>
    %add3A_1344 = arith.addf %abs3A_1340, %abs3A_1343 : vector<16x2048xf32>
    %sub3A_1345 = vector.broadcast %abs3A : f32 to vector<16x2048xf32>
    %sub3A_1346 = arith.subf %sub3A_1345, %add3A_1344 : vector<16x2048xf32>
    %abs3A_1347 = math.absf %sub3A_1346 : vector<16x2048xf32>
    %sub3A_1348 = arith.subf %abs3A_1347, %add3A_1344 : vector<16x2048xf32>
    %add3A_1349 = arith.constant 1.000000e+00 : f32
    %add3A_1350 = vector.broadcast %add3A_1349 : f32 to vector<16x2048xf32>
    %add3A_1351 = arith.addf %add3A_1350, %add3A_1344 : vector<16x2048xf32>
    %add3A_1352 = arith.constant 1.000000e+00 : f32
    %add3A_1353 = vector.broadcast %add3A_1352 : f32 to vector<16x2048xf32>
    %add3A_1354 = arith.addf %add3A_1353, %abs3A_1347 : vector<16x2048xf32>
    %mul3A_1355 = arith.mulf %add3A_1351, %add3A_1354 : vector<16x2048xf32>
    %div3A_1356 = arith.divf %sub3A_1348, %mul3A_1355 : vector<16x2048xf32>
    %reduce_sum3A_1357 = arith.constant dense<0.000000e+00> : vector<16xf32>
    %reduce_sum3A_1358 = vector.multi_reduction <add>, %div3A_1356, %reduce_sum3A_1357 [1] : vector<16x2048xf32> to vector<16xf32>
    %sub3A_1359 = vector.broadcast %get3A_1334 : f32 to vector<16x1024xf32>
    %sub3A_1360 = arith.subf %get3A_10, %sub3A_1359 : vector<16x1024xf32>
    %abs3A_1361 = math.absf %sub3A_1360 : vector<16x1024xf32>
    %sub3A_1362 = arith.constant 1.000000e+00 : f32
    %sub3A_1363 = arith.subf %sub3A_1362, %get3A_1337 : f32
    %sub3A_1364 = vector.broadcast %sub3A_1363 : f32 to vector<16x1024xf32>
    %sub3A_1365 = arith.subf %get3A_10, %sub3A_1364 : vector<16x1024xf32>
    %abs3A_1366 = math.absf %sub3A_1365 : vector<16x1024xf32>
    %add3A_1367 = arith.addf %abs3A_1361, %abs3A_1366 : vector<16x1024xf32>
    %sub3A_1368 = vector.broadcast %abs3A : f32 to vector<16x1024xf32>
    %sub3A_1369 = arith.subf %sub3A_1368, %add3A_1367 : vector<16x1024xf32>
    %abs3A_1370 = math.absf %sub3A_1369 : vector<16x1024xf32>
    %sub3A_1371 = arith.subf %abs3A_1370, %add3A_1367 : vector<16x1024xf32>
    %add3A_1372 = arith.constant 1.000000e+00 : f32
    %add3A_1373 = vector.broadcast %add3A_1372 : f32 to vector<16x1024xf32>
    %add3A_1374 = arith.addf %add3A_1373, %add3A_1367 : vector<16x1024xf32>
    %add3A_1375 = arith.constant 1.000000e+00 : f32
    %add3A_1376 = vector.broadcast %add3A_1375 : f32 to vector<16x1024xf32>
    %add3A_1377 = arith.addf %add3A_1376, %abs3A_1370 : vector<16x1024xf32>
    %mul3A_1378 = arith.mulf %add3A_1374, %add3A_1377 : vector<16x1024xf32>
    %div3A_1379 = arith.divf %sub3A_1371, %mul3A_1378 : vector<16x1024xf32>
    %reduce_sum3A_1380 = arith.constant dense<0.000000e+00> : vector<16xf32>
    %reduce_sum3A_1381 = vector.multi_reduction <add>, %div3A_1379, %reduce_sum3A_1380 [1] : vector<16x1024xf32> to vector<16xf32>
    %add3A_1382 = arith.addf %reduce_sum3A_1358, %reduce_sum3A_1381 : vector<16xf32>
    %get3A_1383 = arith.constant 27 : index
    %get3A_1384 = arith.constant 0 : index
    %get3A_1385 = memref.load %arg6[%get3A_1383, %get3A_1384] : memref<32x2xf32, #tpu.memory_space<smem>>
    %get3A_1386 = arith.constant 27 : index
    %get3A_1387 = arith.constant 1 : index
    %get3A_1388 = memref.load %arg6[%get3A_1386, %get3A_1387] : memref<32x2xf32, #tpu.memory_space<smem>>
    %sub3A_1389 = vector.broadcast %get3A_1385 : f32 to vector<16x2048xf32>
    %sub3A_1390 = arith.subf %get3A_4, %sub3A_1389 : vector<16x2048xf32>
    %abs3A_1391 = math.absf %sub3A_1390 : vector<16x2048xf32>
    %sub3A_1392 = vector.broadcast %get3A_1388 : f32 to vector<16x2048xf32>
    %sub3A_1393 = arith.subf %get3A_7, %sub3A_1392 : vector<16x2048xf32>
    %abs3A_1394 = math.absf %sub3A_1393 : vector<16x2048xf32>
    %add3A_1395 = arith.addf %abs3A_1391, %abs3A_1394 : vector<16x2048xf32>
    %sub3A_1396 = vector.broadcast %abs3A : f32 to vector<16x2048xf32>
    %sub3A_1397 = arith.subf %sub3A_1396, %add3A_1395 : vector<16x2048xf32>
    %abs3A_1398 = math.absf %sub3A_1397 : vector<16x2048xf32>
    %sub3A_1399 = arith.subf %abs3A_1398, %add3A_1395 : vector<16x2048xf32>
    %add3A_1400 = arith.constant 1.000000e+00 : f32
    %add3A_1401 = vector.broadcast %add3A_1400 : f32 to vector<16x2048xf32>
    %add3A_1402 = arith.addf %add3A_1401, %add3A_1395 : vector<16x2048xf32>
    %add3A_1403 = arith.constant 1.000000e+00 : f32
    %add3A_1404 = vector.broadcast %add3A_1403 : f32 to vector<16x2048xf32>
    %add3A_1405 = arith.addf %add3A_1404, %abs3A_1398 : vector<16x2048xf32>
    %mul3A_1406 = arith.mulf %add3A_1402, %add3A_1405 : vector<16x2048xf32>
    %div3A_1407 = arith.divf %sub3A_1399, %mul3A_1406 : vector<16x2048xf32>
    %reduce_sum3A_1408 = arith.constant dense<0.000000e+00> : vector<16xf32>
    %reduce_sum3A_1409 = vector.multi_reduction <add>, %div3A_1407, %reduce_sum3A_1408 [1] : vector<16x2048xf32> to vector<16xf32>
    %sub3A_1410 = vector.broadcast %get3A_1385 : f32 to vector<16x1024xf32>
    %sub3A_1411 = arith.subf %get3A_10, %sub3A_1410 : vector<16x1024xf32>
    %abs3A_1412 = math.absf %sub3A_1411 : vector<16x1024xf32>
    %sub3A_1413 = arith.constant 1.000000e+00 : f32
    %sub3A_1414 = arith.subf %sub3A_1413, %get3A_1388 : f32
    %sub3A_1415 = vector.broadcast %sub3A_1414 : f32 to vector<16x1024xf32>
    %sub3A_1416 = arith.subf %get3A_10, %sub3A_1415 : vector<16x1024xf32>
    %abs3A_1417 = math.absf %sub3A_1416 : vector<16x1024xf32>
    %add3A_1418 = arith.addf %abs3A_1412, %abs3A_1417 : vector<16x1024xf32>
    %sub3A_1419 = vector.broadcast %abs3A : f32 to vector<16x1024xf32>
    %sub3A_1420 = arith.subf %sub3A_1419, %add3A_1418 : vector<16x1024xf32>
    %abs3A_1421 = math.absf %sub3A_1420 : vector<16x1024xf32>
    %sub3A_1422 = arith.subf %abs3A_1421, %add3A_1418 : vector<16x1024xf32>
    %add3A_1423 = arith.constant 1.000000e+00 : f32
    %add3A_1424 = vector.broadcast %add3A_1423 : f32 to vector<16x1024xf32>
    %add3A_1425 = arith.addf %add3A_1424, %add3A_1418 : vector<16x1024xf32>
    %add3A_1426 = arith.constant 1.000000e+00 : f32
    %add3A_1427 = vector.broadcast %add3A_1426 : f32 to vector<16x1024xf32>
    %add3A_1428 = arith.addf %add3A_1427, %abs3A_1421 : vector<16x1024xf32>
    %mul3A_1429 = arith.mulf %add3A_1425, %add3A_1428 : vector<16x1024xf32>
    %div3A_1430 = arith.divf %sub3A_1422, %mul3A_1429 : vector<16x1024xf32>
    %reduce_sum3A_1431 = arith.constant dense<0.000000e+00> : vector<16xf32>
    %reduce_sum3A_1432 = vector.multi_reduction <add>, %div3A_1430, %reduce_sum3A_1431 [1] : vector<16x1024xf32> to vector<16xf32>
    %add3A_1433 = arith.addf %reduce_sum3A_1409, %reduce_sum3A_1432 : vector<16xf32>
    %get3A_1434 = arith.constant 28 : index
    %get3A_1435 = arith.constant 0 : index
    %get3A_1436 = memref.load %arg6[%get3A_1434, %get3A_1435] : memref<32x2xf32, #tpu.memory_space<smem>>
    %get3A_1437 = arith.constant 28 : index
    %get3A_1438 = arith.constant 1 : index
    %get3A_1439 = memref.load %arg6[%get3A_1437, %get3A_1438] : memref<32x2xf32, #tpu.memory_space<smem>>
    %sub3A_1440 = vector.broadcast %get3A_1436 : f32 to vector<16x2048xf32>
    %sub3A_1441 = arith.subf %get3A_4, %sub3A_1440 : vector<16x2048xf32>
    %abs3A_1442 = math.absf %sub3A_1441 : vector<16x2048xf32>
    %sub3A_1443 = vector.broadcast %get3A_1439 : f32 to vector<16x2048xf32>
    %sub3A_1444 = arith.subf %get3A_7, %sub3A_1443 : vector<16x2048xf32>
    %abs3A_1445 = math.absf %sub3A_1444 : vector<16x2048xf32>
    %add3A_1446 = arith.addf %abs3A_1442, %abs3A_1445 : vector<16x2048xf32>
    %sub3A_1447 = vector.broadcast %abs3A : f32 to vector<16x2048xf32>
    %sub3A_1448 = arith.subf %sub3A_1447, %add3A_1446 : vector<16x2048xf32>
    %abs3A_1449 = math.absf %sub3A_1448 : vector<16x2048xf32>
    %sub3A_1450 = arith.subf %abs3A_1449, %add3A_1446 : vector<16x2048xf32>
    %add3A_1451 = arith.constant 1.000000e+00 : f32
    %add3A_1452 = vector.broadcast %add3A_1451 : f32 to vector<16x2048xf32>
    %add3A_1453 = arith.addf %add3A_1452, %add3A_1446 : vector<16x2048xf32>
    %add3A_1454 = arith.constant 1.000000e+00 : f32
    %add3A_1455 = vector.broadcast %add3A_1454 : f32 to vector<16x2048xf32>
    %add3A_1456 = arith.addf %add3A_1455, %abs3A_1449 : vector<16x2048xf32>
    %mul3A_1457 = arith.mulf %add3A_1453, %add3A_1456 : vector<16x2048xf32>
    %div3A_1458 = arith.divf %sub3A_1450, %mul3A_1457 : vector<16x2048xf32>
    %reduce_sum3A_1459 = arith.constant dense<0.000000e+00> : vector<16xf32>
    %reduce_sum3A_1460 = vector.multi_reduction <add>, %div3A_1458, %reduce_sum3A_1459 [1] : vector<16x2048xf32> to vector<16xf32>
    %sub3A_1461 = vector.broadcast %get3A_1436 : f32 to vector<16x1024xf32>
    %sub3A_1462 = arith.subf %get3A_10, %sub3A_1461 : vector<16x1024xf32>
    %abs3A_1463 = math.absf %sub3A_1462 : vector<16x1024xf32>
    %sub3A_1464 = arith.constant 1.000000e+00 : f32
    %sub3A_1465 = arith.subf %sub3A_1464, %get3A_1439 : f32
    %sub3A_1466 = vector.broadcast %sub3A_1465 : f32 to vector<16x1024xf32>
    %sub3A_1467 = arith.subf %get3A_10, %sub3A_1466 : vector<16x1024xf32>
    %abs3A_1468 = math.absf %sub3A_1467 : vector<16x1024xf32>
    %add3A_1469 = arith.addf %abs3A_1463, %abs3A_1468 : vector<16x1024xf32>
    %sub3A_1470 = vector.broadcast %abs3A : f32 to vector<16x1024xf32>
    %sub3A_1471 = arith.subf %sub3A_1470, %add3A_1469 : vector<16x1024xf32>
    %abs3A_1472 = math.absf %sub3A_1471 : vector<16x1024xf32>
    %sub3A_1473 = arith.subf %abs3A_1472, %add3A_1469 : vector<16x1024xf32>
    %add3A_1474 = arith.constant 1.000000e+00 : f32
    %add3A_1475 = vector.broadcast %add3A_1474 : f32 to vector<16x1024xf32>
    %add3A_1476 = arith.addf %add3A_1475, %add3A_1469 : vector<16x1024xf32>
    %add3A_1477 = arith.constant 1.000000e+00 : f32
    %add3A_1478 = vector.broadcast %add3A_1477 : f32 to vector<16x1024xf32>
    %add3A_1479 = arith.addf %add3A_1478, %abs3A_1472 : vector<16x1024xf32>
    %mul3A_1480 = arith.mulf %add3A_1476, %add3A_1479 : vector<16x1024xf32>
    %div3A_1481 = arith.divf %sub3A_1473, %mul3A_1480 : vector<16x1024xf32>
    %reduce_sum3A_1482 = arith.constant dense<0.000000e+00> : vector<16xf32>
    %reduce_sum3A_1483 = vector.multi_reduction <add>, %div3A_1481, %reduce_sum3A_1482 [1] : vector<16x1024xf32> to vector<16xf32>
    %add3A_1484 = arith.addf %reduce_sum3A_1460, %reduce_sum3A_1483 : vector<16xf32>
    %get3A_1485 = arith.constant 29 : index
    %get3A_1486 = arith.constant 0 : index
    %get3A_1487 = memref.load %arg6[%get3A_1485, %get3A_1486] : memref<32x2xf32, #tpu.memory_space<smem>>
    %get3A_1488 = arith.constant 29 : index
    %get3A_1489 = arith.constant 1 : index
    %get3A_1490 = memref.load %arg6[%get3A_1488, %get3A_1489] : memref<32x2xf32, #tpu.memory_space<smem>>
    %sub3A_1491 = vector.broadcast %get3A_1487 : f32 to vector<16x2048xf32>
    %sub3A_1492 = arith.subf %get3A_4, %sub3A_1491 : vector<16x2048xf32>
    %abs3A_1493 = math.absf %sub3A_1492 : vector<16x2048xf32>
    %sub3A_1494 = vector.broadcast %get3A_1490 : f32 to vector<16x2048xf32>
    %sub3A_1495 = arith.subf %get3A_7, %sub3A_1494 : vector<16x2048xf32>
    %abs3A_1496 = math.absf %sub3A_1495 : vector<16x2048xf32>
    %add3A_1497 = arith.addf %abs3A_1493, %abs3A_1496 : vector<16x2048xf32>
    %sub3A_1498 = vector.broadcast %abs3A : f32 to vector<16x2048xf32>
    %sub3A_1499 = arith.subf %sub3A_1498, %add3A_1497 : vector<16x2048xf32>
    %abs3A_1500 = math.absf %sub3A_1499 : vector<16x2048xf32>
    %sub3A_1501 = arith.subf %abs3A_1500, %add3A_1497 : vector<16x2048xf32>
    %add3A_1502 = arith.constant 1.000000e+00 : f32
    %add3A_1503 = vector.broadcast %add3A_1502 : f32 to vector<16x2048xf32>
    %add3A_1504 = arith.addf %add3A_1503, %add3A_1497 : vector<16x2048xf32>
    %add3A_1505 = arith.constant 1.000000e+00 : f32
    %add3A_1506 = vector.broadcast %add3A_1505 : f32 to vector<16x2048xf32>
    %add3A_1507 = arith.addf %add3A_1506, %abs3A_1500 : vector<16x2048xf32>
    %mul3A_1508 = arith.mulf %add3A_1504, %add3A_1507 : vector<16x2048xf32>
    %div3A_1509 = arith.divf %sub3A_1501, %mul3A_1508 : vector<16x2048xf32>
    %reduce_sum3A_1510 = arith.constant dense<0.000000e+00> : vector<16xf32>
    %reduce_sum3A_1511 = vector.multi_reduction <add>, %div3A_1509, %reduce_sum3A_1510 [1] : vector<16x2048xf32> to vector<16xf32>
    %sub3A_1512 = vector.broadcast %get3A_1487 : f32 to vector<16x1024xf32>
    %sub3A_1513 = arith.subf %get3A_10, %sub3A_1512 : vector<16x1024xf32>
    %abs3A_1514 = math.absf %sub3A_1513 : vector<16x1024xf32>
    %sub3A_1515 = arith.constant 1.000000e+00 : f32
    %sub3A_1516 = arith.subf %sub3A_1515, %get3A_1490 : f32
    %sub3A_1517 = vector.broadcast %sub3A_1516 : f32 to vector<16x1024xf32>
    %sub3A_1518 = arith.subf %get3A_10, %sub3A_1517 : vector<16x1024xf32>
    %abs3A_1519 = math.absf %sub3A_1518 : vector<16x1024xf32>
    %add3A_1520 = arith.addf %abs3A_1514, %abs3A_1519 : vector<16x1024xf32>
    %sub3A_1521 = vector.broadcast %abs3A : f32 to vector<16x1024xf32>
    %sub3A_1522 = arith.subf %sub3A_1521, %add3A_1520 : vector<16x1024xf32>
    %abs3A_1523 = math.absf %sub3A_1522 : vector<16x1024xf32>
    %sub3A_1524 = arith.subf %abs3A_1523, %add3A_1520 : vector<16x1024xf32>
    %add3A_1525 = arith.constant 1.000000e+00 : f32
    %add3A_1526 = vector.broadcast %add3A_1525 : f32 to vector<16x1024xf32>
    %add3A_1527 = arith.addf %add3A_1526, %add3A_1520 : vector<16x1024xf32>
    %add3A_1528 = arith.constant 1.000000e+00 : f32
    %add3A_1529 = vector.broadcast %add3A_1528 : f32 to vector<16x1024xf32>
    %add3A_1530 = arith.addf %add3A_1529, %abs3A_1523 : vector<16x1024xf32>
    %mul3A_1531 = arith.mulf %add3A_1527, %add3A_1530 : vector<16x1024xf32>
    %div3A_1532 = arith.divf %sub3A_1524, %mul3A_1531 : vector<16x1024xf32>
    %reduce_sum3A_1533 = arith.constant dense<0.000000e+00> : vector<16xf32>
    %reduce_sum3A_1534 = vector.multi_reduction <add>, %div3A_1532, %reduce_sum3A_1533 [1] : vector<16x1024xf32> to vector<16xf32>
    %add3A_1535 = arith.addf %reduce_sum3A_1511, %reduce_sum3A_1534 : vector<16xf32>
    %get3A_1536 = arith.constant 30 : index
    %get3A_1537 = arith.constant 0 : index
    %get3A_1538 = memref.load %arg6[%get3A_1536, %get3A_1537] : memref<32x2xf32, #tpu.memory_space<smem>>
    %get3A_1539 = arith.constant 30 : index
    %get3A_1540 = arith.constant 1 : index
    %get3A_1541 = memref.load %arg6[%get3A_1539, %get3A_1540] : memref<32x2xf32, #tpu.memory_space<smem>>
    %sub3A_1542 = vector.broadcast %get3A_1538 : f32 to vector<16x2048xf32>
    %sub3A_1543 = arith.subf %get3A_4, %sub3A_1542 : vector<16x2048xf32>
    %abs3A_1544 = math.absf %sub3A_1543 : vector<16x2048xf32>
    %sub3A_1545 = vector.broadcast %get3A_1541 : f32 to vector<16x2048xf32>
    %sub3A_1546 = arith.subf %get3A_7, %sub3A_1545 : vector<16x2048xf32>
    %abs3A_1547 = math.absf %sub3A_1546 : vector<16x2048xf32>
    %add3A_1548 = arith.addf %abs3A_1544, %abs3A_1547 : vector<16x2048xf32>
    %sub3A_1549 = vector.broadcast %abs3A : f32 to vector<16x2048xf32>
    %sub3A_1550 = arith.subf %sub3A_1549, %add3A_1548 : vector<16x2048xf32>
    %abs3A_1551 = math.absf %sub3A_1550 : vector<16x2048xf32>
    %sub3A_1552 = arith.subf %abs3A_1551, %add3A_1548 : vector<16x2048xf32>
    %add3A_1553 = arith.constant 1.000000e+00 : f32
    %add3A_1554 = vector.broadcast %add3A_1553 : f32 to vector<16x2048xf32>
    %add3A_1555 = arith.addf %add3A_1554, %add3A_1548 : vector<16x2048xf32>
    %add3A_1556 = arith.constant 1.000000e+00 : f32
    %add3A_1557 = vector.broadcast %add3A_1556 : f32 to vector<16x2048xf32>
    %add3A_1558 = arith.addf %add3A_1557, %abs3A_1551 : vector<16x2048xf32>
    %mul3A_1559 = arith.mulf %add3A_1555, %add3A_1558 : vector<16x2048xf32>
    %div3A_1560 = arith.divf %sub3A_1552, %mul3A_1559 : vector<16x2048xf32>
    %reduce_sum3A_1561 = arith.constant dense<0.000000e+00> : vector<16xf32>
    %reduce_sum3A_1562 = vector.multi_reduction <add>, %div3A_1560, %reduce_sum3A_1561 [1] : vector<16x2048xf32> to vector<16xf32>
    %sub3A_1563 = vector.broadcast %get3A_1538 : f32 to vector<16x1024xf32>
    %sub3A_1564 = arith.subf %get3A_10, %sub3A_1563 : vector<16x1024xf32>
    %abs3A_1565 = math.absf %sub3A_1564 : vector<16x1024xf32>
    %sub3A_1566 = arith.constant 1.000000e+00 : f32
    %sub3A_1567 = arith.subf %sub3A_1566, %get3A_1541 : f32
    %sub3A_1568 = vector.broadcast %sub3A_1567 : f32 to vector<16x1024xf32>
    %sub3A_1569 = arith.subf %get3A_10, %sub3A_1568 : vector<16x1024xf32>
    %abs3A_1570 = math.absf %sub3A_1569 : vector<16x1024xf32>
    %add3A_1571 = arith.addf %abs3A_1565, %abs3A_1570 : vector<16x1024xf32>
    %sub3A_1572 = vector.broadcast %abs3A : f32 to vector<16x1024xf32>
    %sub3A_1573 = arith.subf %sub3A_1572, %add3A_1571 : vector<16x1024xf32>
    %abs3A_1574 = math.absf %sub3A_1573 : vector<16x1024xf32>
    %sub3A_1575 = arith.subf %abs3A_1574, %add3A_1571 : vector<16x1024xf32>
    %add3A_1576 = arith.constant 1.000000e+00 : f32
    %add3A_1577 = vector.broadcast %add3A_1576 : f32 to vector<16x1024xf32>
    %add3A_1578 = arith.addf %add3A_1577, %add3A_1571 : vector<16x1024xf32>
    %add3A_1579 = arith.constant 1.000000e+00 : f32
    %add3A_1580 = vector.broadcast %add3A_1579 : f32 to vector<16x1024xf32>
    %add3A_1581 = arith.addf %add3A_1580, %abs3A_1574 : vector<16x1024xf32>
    %mul3A_1582 = arith.mulf %add3A_1578, %add3A_1581 : vector<16x1024xf32>
    %div3A_1583 = arith.divf %sub3A_1575, %mul3A_1582 : vector<16x1024xf32>
    %reduce_sum3A_1584 = arith.constant dense<0.000000e+00> : vector<16xf32>
    %reduce_sum3A_1585 = vector.multi_reduction <add>, %div3A_1583, %reduce_sum3A_1584 [1] : vector<16x1024xf32> to vector<16xf32>
    %add3A_1586 = arith.addf %reduce_sum3A_1562, %reduce_sum3A_1585 : vector<16xf32>
    %get3A_1587 = arith.constant 31 : index
    %get3A_1588 = arith.constant 0 : index
    %get3A_1589 = memref.load %arg6[%get3A_1587, %get3A_1588] : memref<32x2xf32, #tpu.memory_space<smem>>
    %get3A_1590 = arith.constant 31 : index
    %get3A_1591 = arith.constant 1 : index
    %get3A_1592 = memref.load %arg6[%get3A_1590, %get3A_1591] : memref<32x2xf32, #tpu.memory_space<smem>>
    %sub3A_1593 = vector.broadcast %get3A_1589 : f32 to vector<16x2048xf32>
    %sub3A_1594 = arith.subf %get3A_4, %sub3A_1593 : vector<16x2048xf32>
    %abs3A_1595 = math.absf %sub3A_1594 : vector<16x2048xf32>
    %sub3A_1596 = vector.broadcast %get3A_1592 : f32 to vector<16x2048xf32>
    %sub3A_1597 = arith.subf %get3A_7, %sub3A_1596 : vector<16x2048xf32>
    %abs3A_1598 = math.absf %sub3A_1597 : vector<16x2048xf32>
    %add3A_1599 = arith.addf %abs3A_1595, %abs3A_1598 : vector<16x2048xf32>
    %sub3A_1600 = vector.broadcast %abs3A : f32 to vector<16x2048xf32>
    %sub3A_1601 = arith.subf %sub3A_1600, %add3A_1599 : vector<16x2048xf32>
    %abs3A_1602 = math.absf %sub3A_1601 : vector<16x2048xf32>
    %sub3A_1603 = arith.subf %abs3A_1602, %add3A_1599 : vector<16x2048xf32>
    %add3A_1604 = arith.constant 1.000000e+00 : f32
    %add3A_1605 = vector.broadcast %add3A_1604 : f32 to vector<16x2048xf32>
    %add3A_1606 = arith.addf %add3A_1605, %add3A_1599 : vector<16x2048xf32>
    %add3A_1607 = arith.constant 1.000000e+00 : f32
    %add3A_1608 = vector.broadcast %add3A_1607 : f32 to vector<16x2048xf32>
    %add3A_1609 = arith.addf %add3A_1608, %abs3A_1602 : vector<16x2048xf32>
    %mul3A_1610 = arith.mulf %add3A_1606, %add3A_1609 : vector<16x2048xf32>
    %div3A_1611 = arith.divf %sub3A_1603, %mul3A_1610 : vector<16x2048xf32>
    %reduce_sum3A_1612 = arith.constant dense<0.000000e+00> : vector<16xf32>
    %reduce_sum3A_1613 = vector.multi_reduction <add>, %div3A_1611, %reduce_sum3A_1612 [1] : vector<16x2048xf32> to vector<16xf32>
    %sub3A_1614 = vector.broadcast %get3A_1589 : f32 to vector<16x1024xf32>
    %sub3A_1615 = arith.subf %get3A_10, %sub3A_1614 : vector<16x1024xf32>
    %abs3A_1616 = math.absf %sub3A_1615 : vector<16x1024xf32>
    %sub3A_1617 = arith.constant 1.000000e+00 : f32
    %sub3A_1618 = arith.subf %sub3A_1617, %get3A_1592 : f32
    %sub3A_1619 = vector.broadcast %sub3A_1618 : f32 to vector<16x1024xf32>
    %sub3A_1620 = arith.subf %get3A_10, %sub3A_1619 : vector<16x1024xf32>
    %abs3A_1621 = math.absf %sub3A_1620 : vector<16x1024xf32>
    %add3A_1622 = arith.addf %abs3A_1616, %abs3A_1621 : vector<16x1024xf32>
    %sub3A_1623 = vector.broadcast %abs3A : f32 to vector<16x1024xf32>
    %sub3A_1624 = arith.subf %sub3A_1623, %add3A_1622 : vector<16x1024xf32>
    %abs3A_1625 = math.absf %sub3A_1624 : vector<16x1024xf32>
    %sub3A_1626 = arith.subf %abs3A_1625, %add3A_1622 : vector<16x1024xf32>
    %add3A_1627 = arith.constant 1.000000e+00 : f32
    %add3A_1628 = vector.broadcast %add3A_1627 : f32 to vector<16x1024xf32>
    %add3A_1629 = arith.addf %add3A_1628, %add3A_1622 : vector<16x1024xf32>
    %add3A_1630 = arith.constant 1.000000e+00 : f32
    %add3A_1631 = vector.broadcast %add3A_1630 : f32 to vector<16x1024xf32>
    %add3A_1632 = arith.addf %add3A_1631, %abs3A_1625 : vector<16x1024xf32>
    %mul3A_1633 = arith.mulf %add3A_1629, %add3A_1632 : vector<16x1024xf32>
    %div3A_1634 = arith.divf %sub3A_1626, %mul3A_1633 : vector<16x1024xf32>
    %reduce_sum3A_1635 = arith.constant dense<0.000000e+00> : vector<16xf32>
    %reduce_sum3A_1636 = vector.multi_reduction <add>, %div3A_1634, %reduce_sum3A_1635 [1] : vector<16x1024xf32> to vector<16xf32>
    %add3A_1637 = arith.addf %reduce_sum3A_1613, %reduce_sum3A_1636 : vector<16xf32>
    %stack3A = vector.shape_cast %add3A_56 : vector<16xf32> to vector<16x1xf32>
    %stack3A_1638 = vector.shape_cast %add3A_107 : vector<16xf32> to vector<16x1xf32>
    %stack3A_1639 = vector.shape_cast %add3A_158 : vector<16xf32> to vector<16x1xf32>
    %stack3A_1640 = vector.shape_cast %add3A_209 : vector<16xf32> to vector<16x1xf32>
    %stack3A_1641 = vector.shape_cast %add3A_260 : vector<16xf32> to vector<16x1xf32>
    %stack3A_1642 = vector.shape_cast %add3A_311 : vector<16xf32> to vector<16x1xf32>
    %stack3A_1643 = vector.shape_cast %add3A_362 : vector<16xf32> to vector<16x1xf32>
    %stack3A_1644 = vector.shape_cast %add3A_413 : vector<16xf32> to vector<16x1xf32>
    %stack3A_1645 = vector.shape_cast %add3A_464 : vector<16xf32> to vector<16x1xf32>
    %stack3A_1646 = vector.shape_cast %add3A_515 : vector<16xf32> to vector<16x1xf32>
    %stack3A_1647 = vector.shape_cast %add3A_566 : vector<16xf32> to vector<16x1xf32>
    %stack3A_1648 = vector.shape_cast %add3A_617 : vector<16xf32> to vector<16x1xf32>
    %stack3A_1649 = vector.shape_cast %add3A_668 : vector<16xf32> to vector<16x1xf32>
    %stack3A_1650 = vector.shape_cast %add3A_719 : vector<16xf32> to vector<16x1xf32>
    %stack3A_1651 = vector.shape_cast %add3A_770 : vector<16xf32> to vector<16x1xf32>
    %stack3A_1652 = vector.shape_cast %add3A_821 : vector<16xf32> to vector<16x1xf32>
    %stack3A_1653 = vector.shape_cast %add3A_872 : vector<16xf32> to vector<16x1xf32>
    %stack3A_1654 = vector.shape_cast %add3A_923 : vector<16xf32> to vector<16x1xf32>
    %stack3A_1655 = vector.shape_cast %add3A_974 : vector<16xf32> to vector<16x1xf32>
    %stack3A_1656 = vector.shape_cast %add3A_1025 : vector<16xf32> to vector<16x1xf32>
    %stack3A_1657 = vector.shape_cast %add3A_1076 : vector<16xf32> to vector<16x1xf32>
    %stack3A_1658 = vector.shape_cast %add3A_1127 : vector<16xf32> to vector<16x1xf32>
    %stack3A_1659 = vector.shape_cast %add3A_1178 : vector<16xf32> to vector<16x1xf32>
    %stack3A_1660 = vector.shape_cast %add3A_1229 : vector<16xf32> to vector<16x1xf32>
    %stack3A_1661 = vector.shape_cast %add3A_1280 : vector<16xf32> to vector<16x1xf32>
    %stack3A_1662 = vector.shape_cast %add3A_1331 : vector<16xf32> to vector<16x1xf32>
    %stack3A_1663 = vector.shape_cast %add3A_1382 : vector<16xf32> to vector<16x1xf32>
    %stack3A_1664 = vector.shape_cast %add3A_1433 : vector<16xf32> to vector<16x1xf32>
    %stack3A_1665 = vector.shape_cast %add3A_1484 : vector<16xf32> to vector<16x1xf32>
    %stack3A_1666 = vector.shape_cast %add3A_1535 : vector<16xf32> to vector<16x1xf32>
    %stack3A_1667 = vector.shape_cast %add3A_1586 : vector<16xf32> to vector<16x1xf32>
    %stack3A_1668 = vector.shape_cast %add3A_1637 : vector<16xf32> to vector<16x1xf32>
    %stack3A_1669 = tpu.concatenate %stack3A, %stack3A_1638, %stack3A_1639, %stack3A_1640, %stack3A_1641, %stack3A_1642, %stack3A_1643, %stack3A_1644, %stack3A_1645, %stack3A_1646, %stack3A_1647, %stack3A_1648, %stack3A_1649, %stack3A_1650, %stack3A_1651, %stack3A_1652, %stack3A_1653, %stack3A_1654, %stack3A_1655, %stack3A_1656, %stack3A_1657, %stack3A_1658, %stack3A_1659, %stack3A_1660, %stack3A_1661, %stack3A_1662, %stack3A_1663, %stack3A_1664, %stack3A_1665, %stack3A_1666, %stack3A_1667, %stack3A_1668 in 1 : vector<16x1xf32>, vector<16x1xf32>, vector<16x1xf32>, vector<16x1xf32>, vector<16x1xf32>, vector<16x1xf32>, vector<16x1xf32>, vector<16x1xf32>, vector<16x1xf32>, vector<16x1xf32>, vector<16x1xf32>, vector<16x1xf32>, vector<16x1xf32>, vector<16x1xf32>, vector<16x1xf32>, vector<16x1xf32>, vector<16x1xf32>, vector<16x1xf32>, vector<16x1xf32>, vector<16x1xf32>, vector<16x1xf32>, vector<16x1xf32>, vector<16x1xf32>, vector<16x1xf32>, vector<16x1xf32>, vector<16x1xf32>, vector<16x1xf32>, vector<16x1xf32>, vector<16x1xf32>, vector<16x1xf32>, vector<16x1xf32>, vector<16x1xf32> -> vector<16x32xf32>
    %swap3A = arith.constant 0 : index
    %swap3A_1670 = arith.constant 0 : index
    %swap3A_1671 = vector.load %arg8[%swap3A, %swap3A_1670] : memref<16x32xf32, #tpu.memory_space<vmem>>, vector<16x32xf32>
    tpu.vector_store %arg8[%swap3A, %swap3A_1670], %stack3A_1669 {strides = array<i32>} : memref<16x32xf32, #tpu.memory_space<vmem>>, vector<16x32xf32>,
    %get3A_1672 = arith.constant 0 : index
    %get3A_1673 = arith.constant 0 : index
    %get3A_1674 = vector.load %arg2[%get3A_1672, %get3A_1673] : memref<16x2048xf32, #tpu.memory_space<vmem>>, vector<16x2048xf32>
    %get3A_1675 = arith.constant 0 : index
    %get3A_1676 = arith.constant 0 : index
    %get3A_1677 = vector.load %arg3[%get3A_1675, %get3A_1676] : memref<16x2048xf32, #tpu.memory_space<vmem>>, vector<16x2048xf32>
    %get3A_1678 = arith.constant 0 : index
    %get3A_1679 = arith.constant 1024 : index
    %get3A_1680 = vector.load %arg5[%get3A_1678, %get3A_1679] : memref<16x2048xf32, #tpu.memory_space<vmem>>, vector<16x1024xf32>
    %get3A_1681 = arith.constant 0 : index
    %get3A_1682 = arith.constant 0 : index
    %get3A_1683 = memref.load %arg6[%get3A_1681, %get3A_1682] : memref<32x2xf32, #tpu.memory_space<smem>>
    %get3A_1684 = arith.constant 0 : index
    %get3A_1685 = arith.constant 1 : index
    %get3A_1686 = memref.load %arg6[%get3A_1684, %get3A_1685] : memref<32x2xf32, #tpu.memory_space<smem>>
    %sub3A_1687 = vector.broadcast %get3A_1683 : f32 to vector<16x2048xf32>
    %sub3A_1688 = arith.subf %get3A_1674, %sub3A_1687 : vector<16x2048xf32>
    %abs3A_1689 = math.absf %sub3A_1688 : vector<16x2048xf32>
    %sub3A_1690 = vector.broadcast %get3A_1686 : f32 to vector<16x2048xf32>
    %sub3A_1691 = arith.subf %get3A_1677, %sub3A_1690 : vector<16x2048xf32>
    %abs3A_1692 = math.absf %sub3A_1691 : vector<16x2048xf32>
    %add3A_1693 = arith.addf %abs3A_1689, %abs3A_1692 : vector<16x2048xf32>
    %sub3A_1694 = vector.broadcast %abs3A : f32 to vector<16x2048xf32>
    %sub3A_1695 = arith.subf %sub3A_1694, %add3A_1693 : vector<16x2048xf32>
    %abs3A_1696 = math.absf %sub3A_1695 : vector<16x2048xf32>
    %sub3A_1697 = arith.subf %abs3A_1696, %add3A_1693 : vector<16x2048xf32>
    %add3A_1698 = arith.constant 1.000000e+00 : f32
    %add3A_1699 = vector.broadcast %add3A_1698 : f32 to vector<16x2048xf32>
    %add3A_1700 = arith.addf %add3A_1699, %add3A_1693 : vector<16x2048xf32>
    %add3A_1701 = arith.constant 1.000000e+00 : f32
    %add3A_1702 = vector.broadcast %add3A_1701 : f32 to vector<16x2048xf32>
    %add3A_1703 = arith.addf %add3A_1702, %abs3A_1696 : vector<16x2048xf32>
    %mul3A_1704 = arith.mulf %add3A_1700, %add3A_1703 : vector<16x2048xf32>
    %div3A_1705 = arith.divf %sub3A_1697, %mul3A_1704 : vector<16x2048xf32>
    %reduce_sum3A_1706 = arith.constant dense<0.000000e+00> : vector<16xf32>
    %reduce_sum3A_1707 = vector.multi_reduction <add>, %div3A_1705, %reduce_sum3A_1706 [1] : vector<16x2048xf32> to vector<16xf32>
    %sub3A_1708 = vector.broadcast %get3A_1683 : f32 to vector<16x1024xf32>
    %sub3A_1709 = arith.subf %get3A_1680, %sub3A_1708 : vector<16x1024xf32>
    %abs3A_1710 = math.absf %sub3A_1709 : vector<16x1024xf32>
    %sub3A_1711 = arith.constant 1.000000e+00 : f32
    %sub3A_1712 = arith.subf %sub3A_1711, %get3A_1686 : f32
    %sub3A_1713 = vector.broadcast %sub3A_1712 : f32 to vector<16x1024xf32>
    %sub3A_1714 = arith.subf %get3A_1680, %sub3A_1713 : vector<16x1024xf32>
    %abs3A_1715 = math.absf %sub3A_1714 : vector<16x1024xf32>
    %add3A_1716 = arith.addf %abs3A_1710, %abs3A_1715 : vector<16x1024xf32>
    %sub3A_1717 = vector.broadcast %abs3A : f32 to vector<16x1024xf32>
    %sub3A_1718 = arith.subf %sub3A_1717, %add3A_1716 : vector<16x1024xf32>
    %abs3A_1719 = math.absf %sub3A_1718 : vector<16x1024xf32>
    %sub3A_1720 = arith.subf %abs3A_1719, %add3A_1716 : vector<16x1024xf32>
    %add3A_1721 = arith.constant 1.000000e+00 : f32
    %add3A_1722 = vector.broadcast %add3A_1721 : f32 to vector<16x1024xf32>
    %add3A_1723 = arith.addf %add3A_1722, %add3A_1716 : vector<16x1024xf32>
    %add3A_1724 = arith.constant 1.000000e+00 : f32
    %add3A_1725 = vector.broadcast %add3A_1724 : f32 to vector<16x1024xf32>
    %add3A_1726 = arith.addf %add3A_1725, %abs3A_1719 : vector<16x1024xf32>
    %mul3A_1727 = arith.mulf %add3A_1723, %add3A_1726 : vector<16x1024xf32>
    %div3A_1728 = arith.divf %sub3A_1720, %mul3A_1727 : vector<16x1024xf32>
    %reduce_sum3A_1729 = arith.constant dense<0.000000e+00> : vector<16xf32>
    %reduce_sum3A_1730 = vector.multi_reduction <add>, %div3A_1728, %reduce_sum3A_1729 [1] : vector<16x1024xf32> to vector<16xf32>
    %add3A_1731 = arith.addf %reduce_sum3A_1707, %reduce_sum3A_1730 : vector<16xf32>
    %get3A_1732 = arith.constant 1 : index
    %get3A_1733 = arith.constant 0 : index
    %get3A_1734 = memref.load %arg6[%get3A_1732, %get3A_1733] : memref<32x2xf32, #tpu.memory_space<smem>>
    %get3A_1735 = arith.constant 1 : index
    %get3A_1736 = arith.constant 1 : index
    %get3A_1737 = memref.load %arg6[%get3A_1735, %get3A_1736] : memref<32x2xf32, #tpu.memory_space<smem>>
    %sub3A_1738 = vector.broadcast %get3A_1734 : f32 to vector<16x2048xf32>
    %sub3A_1739 = arith.subf %get3A_1674, %sub3A_1738 : vector<16x2048xf32>
    %abs3A_1740 = math.absf %sub3A_1739 : vector<16x2048xf32>
    %sub3A_1741 = vector.broadcast %get3A_1737 : f32 to vector<16x2048xf32>
    %sub3A_1742 = arith.subf %get3A_1677, %sub3A_1741 : vector<16x2048xf32>
    %abs3A_1743 = math.absf %sub3A_1742 : vector<16x2048xf32>
    %add3A_1744 = arith.addf %abs3A_1740, %abs3A_1743 : vector<16x2048xf32>
    %sub3A_1745 = vector.broadcast %abs3A : f32 to vector<16x2048xf32>
    %sub3A_1746 = arith.subf %sub3A_1745, %add3A_1744 : vector<16x2048xf32>
    %abs3A_1747 = math.absf %sub3A_1746 : vector<16x2048xf32>
    %sub3A_1748 = arith.subf %abs3A_1747, %add3A_1744 : vector<16x2048xf32>
    %add3A_1749 = arith.constant 1.000000e+00 : f32
    %add3A_1750 = vector.broadcast %add3A_1749 : f32 to vector<16x2048xf32>
    %add3A_1751 = arith.addf %add3A_1750, %add3A_1744 : vector<16x2048xf32>
    %add3A_1752 = arith.constant 1.000000e+00 : f32
    %add3A_1753 = vector.broadcast %add3A_1752 : f32 to vector<16x2048xf32>
    %add3A_1754 = arith.addf %add3A_1753, %abs3A_1747 : vector<16x2048xf32>
    %mul3A_1755 = arith.mulf %add3A_1751, %add3A_1754 : vector<16x2048xf32>
    %div3A_1756 = arith.divf %sub3A_1748, %mul3A_1755 : vector<16x2048xf32>
    %reduce_sum3A_1757 = arith.constant dense<0.000000e+00> : vector<16xf32>
    %reduce_sum3A_1758 = vector.multi_reduction <add>, %div3A_1756, %reduce_sum3A_1757 [1] : vector<16x2048xf32> to vector<16xf32>
    %sub3A_1759 = vector.broadcast %get3A_1734 : f32 to vector<16x1024xf32>
    %sub3A_1760 = arith.subf %get3A_1680, %sub3A_1759 : vector<16x1024xf32>
    %abs3A_1761 = math.absf %sub3A_1760 : vector<16x1024xf32>
    %sub3A_1762 = arith.constant 1.000000e+00 : f32
    %sub3A_1763 = arith.subf %sub3A_1762, %get3A_1737 : f32
    %sub3A_1764 = vector.broadcast %sub3A_1763 : f32 to vector<16x1024xf32>
    %sub3A_1765 = arith.subf %get3A_1680, %sub3A_1764 : vector<16x1024xf32>
    %abs3A_1766 = math.absf %sub3A_1765 : vector<16x1024xf32>
    %add3A_1767 = arith.addf %abs3A_1761, %abs3A_1766 : vector<16x1024xf32>
    %sub3A_1768 = vector.broadcast %abs3A : f32 to vector<16x1024xf32>
    %sub3A_1769 = arith.subf %sub3A_1768, %add3A_1767 : vector<16x1024xf32>
    %abs3A_1770 = math.absf %sub3A_1769 : vector<16x1024xf32>
    %sub3A_1771 = arith.subf %abs3A_1770, %add3A_1767 : vector<16x1024xf32>
    %add3A_1772 = arith.constant 1.000000e+00 : f32
    %add3A_1773 = vector.broadcast %add3A_1772 : f32 to vector<16x1024xf32>
    %add3A_1774 = arith.addf %add3A_1773, %add3A_1767 : vector<16x1024xf32>
    %add3A_1775 = arith.constant 1.000000e+00 : f32
    %add3A_1776 = vector.broadcast %add3A_1775 : f32 to vector<16x1024xf32>
    %add3A_1777 = arith.addf %add3A_1776, %abs3A_1770 : vector<16x1024xf32>
    %mul3A_1778 = arith.mulf %add3A_1774, %add3A_1777 : vector<16x1024xf32>
    %div3A_1779 = arith.divf %sub3A_1771, %mul3A_1778 : vector<16x1024xf32>
    %reduce_sum3A_1780 = arith.constant dense<0.000000e+00> : vector<16xf32>
    %reduce_sum3A_1781 = vector.multi_reduction <add>, %div3A_1779, %reduce_sum3A_1780 [1] : vector<16x1024xf32> to vector<16xf32>
    %add3A_1782 = arith.addf %reduce_sum3A_1758, %reduce_sum3A_1781 : vector<16xf32>
    %get3A_1783 = arith.constant 2 : index
    %get3A_1784 = arith.constant 0 : index
    %get3A_1785 = memref.load %arg6[%get3A_1783, %get3A_1784] : memref<32x2xf32, #tpu.memory_space<smem>>
    %get3A_1786 = arith.constant 2 : index
    %get3A_1787 = arith.constant 1 : index
    %get3A_1788 = memref.load %arg6[%get3A_1786, %get3A_1787] : memref<32x2xf32, #tpu.memory_space<smem>>
    %sub3A_1789 = vector.broadcast %get3A_1785 : f32 to vector<16x2048xf32>
    %sub3A_1790 = arith.subf %get3A_1674, %sub3A_1789 : vector<16x2048xf32>
    %abs3A_1791 = math.absf %sub3A_1790 : vector<16x2048xf32>
    %sub3A_1792 = vector.broadcast %get3A_1788 : f32 to vector<16x2048xf32>
    %sub3A_1793 = arith.subf %get3A_1677, %sub3A_1792 : vector<16x2048xf32>
    %abs3A_1794 = math.absf %sub3A_1793 : vector<16x2048xf32>
    %add3A_1795 = arith.addf %abs3A_1791, %abs3A_1794 : vector<16x2048xf32>
    %sub3A_1796 = vector.broadcast %abs3A : f32 to vector<16x2048xf32>
    %sub3A_1797 = arith.subf %sub3A_1796, %add3A_1795 : vector<16x2048xf32>
    %abs3A_1798 = math.absf %sub3A_1797 : vector<16x2048xf32>
    %sub3A_1799 = arith.subf %abs3A_1798, %add3A_1795 : vector<16x2048xf32>
    %add3A_1800 = arith.constant 1.000000e+00 : f32
    %add3A_1801 = vector.broadcast %add3A_1800 : f32 to vector<16x2048xf32>
    %add3A_1802 = arith.addf %add3A_1801, %add3A_1795 : vector<16x2048xf32>
    %add3A_1803 = arith.constant 1.000000e+00 : f32
    %add3A_1804 = vector.broadcast %add3A_1803 : f32 to vector<16x2048xf32>
    %add3A_1805 = arith.addf %add3A_1804, %abs3A_1798 : vector<16x2048xf32>
    %mul3A_1806 = arith.mulf %add3A_1802, %add3A_1805 : vector<16x2048xf32>
    %div3A_1807 = arith.divf %sub3A_1799, %mul3A_1806 : vector<16x2048xf32>
    %reduce_sum3A_1808 = arith.constant dense<0.000000e+00> : vector<16xf32>
    %reduce_sum3A_1809 = vector.multi_reduction <add>, %div3A_1807, %reduce_sum3A_1808 [1] : vector<16x2048xf32> to vector<16xf32>
    %sub3A_1810 = vector.broadcast %get3A_1785 : f32 to vector<16x1024xf32>
    %sub3A_1811 = arith.subf %get3A_1680, %sub3A_1810 : vector<16x1024xf32>
    %abs3A_1812 = math.absf %sub3A_1811 : vector<16x1024xf32>
    %sub3A_1813 = arith.constant 1.000000e+00 : f32
    %sub3A_1814 = arith.subf %sub3A_1813, %get3A_1788 : f32
    %sub3A_1815 = vector.broadcast %sub3A_1814 : f32 to vector<16x1024xf32>
    %sub3A_1816 = arith.subf %get3A_1680, %sub3A_1815 : vector<16x1024xf32>
    %abs3A_1817 = math.absf %sub3A_1816 : vector<16x1024xf32>
    %add3A_1818 = arith.addf %abs3A_1812, %abs3A_1817 : vector<16x1024xf32>
    %sub3A_1819 = vector.broadcast %abs3A : f32 to vector<16x1024xf32>
    %sub3A_1820 = arith.subf %sub3A_1819, %add3A_1818 : vector<16x1024xf32>
    %abs3A_1821 = math.absf %sub3A_1820 : vector<16x1024xf32>
    %sub3A_1822 = arith.subf %abs3A_1821, %add3A_1818 : vector<16x1024xf32>
    %add3A_1823 = arith.constant 1.000000e+00 : f32
    %add3A_1824 = vector.broadcast %add3A_1823 : f32 to vector<16x1024xf32>
    %add3A_1825 = arith.addf %add3A_1824, %add3A_1818 : vector<16x1024xf32>
    %add3A_1826 = arith.constant 1.000000e+00 : f32
    %add3A_1827 = vector.broadcast %add3A_1826 : f32 to vector<16x1024xf32>
    %add3A_1828 = arith.addf %add3A_1827, %abs3A_1821 : vector<16x1024xf32>
    %mul3A_1829 = arith.mulf %add3A_1825, %add3A_1828 : vector<16x1024xf32>
    %div3A_1830 = arith.divf %sub3A_1822, %mul3A_1829 : vector<16x1024xf32>
    %reduce_sum3A_1831 = arith.constant dense<0.000000e+00> : vector<16xf32>
    %reduce_sum3A_1832 = vector.multi_reduction <add>, %div3A_1830, %reduce_sum3A_1831 [1] : vector<16x1024xf32> to vector<16xf32>
    %add3A_1833 = arith.addf %reduce_sum3A_1809, %reduce_sum3A_1832 : vector<16xf32>
    %get3A_1834 = arith.constant 3 : index
    %get3A_1835 = arith.constant 0 : index
    %get3A_1836 = memref.load %arg6[%get3A_1834, %get3A_1835] : memref<32x2xf32, #tpu.memory_space<smem>>
    %get3A_1837 = arith.constant 3 : index
    %get3A_1838 = arith.constant 1 : index
    %get3A_1839 = memref.load %arg6[%get3A_1837, %get3A_1838] : memref<32x2xf32, #tpu.memory_space<smem>>
    %sub3A_1840 = vector.broadcast %get3A_1836 : f32 to vector<16x2048xf32>
    %sub3A_1841 = arith.subf %get3A_1674, %sub3A_1840 : vector<16x2048xf32>
    %abs3A_1842 = math.absf %sub3A_1841 : vector<16x2048xf32>
    %sub3A_1843 = vector.broadcast %get3A_1839 : f32 to vector<16x2048xf32>
    %sub3A_1844 = arith.subf %get3A_1677, %sub3A_1843 : vector<16x2048xf32>
    %abs3A_1845 = math.absf %sub3A_1844 : vector<16x2048xf32>
    %add3A_1846 = arith.addf %abs3A_1842, %abs3A_1845 : vector<16x2048xf32>
    %sub3A_1847 = vector.broadcast %abs3A : f32 to vector<16x2048xf32>
    %sub3A_1848 = arith.subf %sub3A_1847, %add3A_1846 : vector<16x2048xf32>
    %abs3A_1849 = math.absf %sub3A_1848 : vector<16x2048xf32>
    %sub3A_1850 = arith.subf %abs3A_1849, %add3A_1846 : vector<16x2048xf32>
    %add3A_1851 = arith.constant 1.000000e+00 : f32
    %add3A_1852 = vector.broadcast %add3A_1851 : f32 to vector<16x2048xf32>
    %add3A_1853 = arith.addf %add3A_1852, %add3A_1846 : vector<16x2048xf32>
    %add3A_1854 = arith.constant 1.000000e+00 : f32
    %add3A_1855 = vector.broadcast %add3A_1854 : f32 to vector<16x2048xf32>
    %add3A_1856 = arith.addf %add3A_1855, %abs3A_1849 : vector<16x2048xf32>
    %mul3A_1857 = arith.mulf %add3A_1853, %add3A_1856 : vector<16x2048xf32>
    %div3A_1858 = arith.divf %sub3A_1850, %mul3A_1857 : vector<16x2048xf32>
    %reduce_sum3A_1859 = arith.constant dense<0.000000e+00> : vector<16xf32>
    %reduce_sum3A_1860 = vector.multi_reduction <add>, %div3A_1858, %reduce_sum3A_1859 [1] : vector<16x2048xf32> to vector<16xf32>
    %sub3A_1861 = vector.broadcast %get3A_1836 : f32 to vector<16x1024xf32>
    %sub3A_1862 = arith.subf %get3A_1680, %sub3A_1861 : vector<16x1024xf32>
    %abs3A_1863 = math.absf %sub3A_1862 : vector<16x1024xf32>
    %sub3A_1864 = arith.constant 1.000000e+00 : f32
    %sub3A_1865 = arith.subf %sub3A_1864, %get3A_1839 : f32
    %sub3A_1866 = vector.broadcast %sub3A_1865 : f32 to vector<16x1024xf32>
    %sub3A_1867 = arith.subf %get3A_1680, %sub3A_1866 : vector<16x1024xf32>
    %abs3A_1868 = math.absf %sub3A_1867 : vector<16x1024xf32>
    %add3A_1869 = arith.addf %abs3A_1863, %abs3A_1868 : vector<16x1024xf32>
    %sub3A_1870 = vector.broadcast %abs3A : f32 to vector<16x1024xf32>
    %sub3A_1871 = arith.subf %sub3A_1870, %add3A_1869 : vector<16x1024xf32>
    %abs3A_1872 = math.absf %sub3A_1871 : vector<16x1024xf32>
    %sub3A_1873 = arith.subf %abs3A_1872, %add3A_1869 : vector<16x1024xf32>
    %add3A_1874 = arith.constant 1.000000e+00 : f32
    %add3A_1875 = vector.broadcast %add3A_1874 : f32 to vector<16x1024xf32>
    %add3A_1876 = arith.addf %add3A_1875, %add3A_1869 : vector<16x1024xf32>
    %add3A_1877 = arith.constant 1.000000e+00 : f32
    %add3A_1878 = vector.broadcast %add3A_1877 : f32 to vector<16x1024xf32>
    %add3A_1879 = arith.addf %add3A_1878, %abs3A_1872 : vector<16x1024xf32>
    %mul3A_1880 = arith.mulf %add3A_1876, %add3A_1879 : vector<16x1024xf32>
    %div3A_1881 = arith.divf %sub3A_1873, %mul3A_1880 : vector<16x1024xf32>
    %reduce_sum3A_1882 = arith.constant dense<0.000000e+00> : vector<16xf32>
    %reduce_sum3A_1883 = vector.multi_reduction <add>, %div3A_1881, %reduce_sum3A_1882 [1] : vector<16x1024xf32> to vector<16xf32>
    %add3A_1884 = arith.addf %reduce_sum3A_1860, %reduce_sum3A_1883 : vector<16xf32>
    %get3A_1885 = arith.constant 4 : index
    %get3A_1886 = arith.constant 0 : index
    %get3A_1887 = memref.load %arg6[%get3A_1885, %get3A_1886] : memref<32x2xf32, #tpu.memory_space<smem>>
    %get3A_1888 = arith.constant 4 : index
    %get3A_1889 = arith.constant 1 : index
    %get3A_1890 = memref.load %arg6[%get3A_1888, %get3A_1889] : memref<32x2xf32, #tpu.memory_space<smem>>
    %sub3A_1891 = vector.broadcast %get3A_1887 : f32 to vector<16x2048xf32>
    %sub3A_1892 = arith.subf %get3A_1674, %sub3A_1891 : vector<16x2048xf32>
    %abs3A_1893 = math.absf %sub3A_1892 : vector<16x2048xf32>
    %sub3A_1894 = vector.broadcast %get3A_1890 : f32 to vector<16x2048xf32>
    %sub3A_1895 = arith.subf %get3A_1677, %sub3A_1894 : vector<16x2048xf32>
    %abs3A_1896 = math.absf %sub3A_1895 : vector<16x2048xf32>
    %add3A_1897 = arith.addf %abs3A_1893, %abs3A_1896 : vector<16x2048xf32>
    %sub3A_1898 = vector.broadcast %abs3A : f32 to vector<16x2048xf32>
    %sub3A_1899 = arith.subf %sub3A_1898, %add3A_1897 : vector<16x2048xf32>
    %abs3A_1900 = math.absf %sub3A_1899 : vector<16x2048xf32>
    %sub3A_1901 = arith.subf %abs3A_1900, %add3A_1897 : vector<16x2048xf32>
    %add3A_1902 = arith.constant 1.000000e+00 : f32
    %add3A_1903 = vector.broadcast %add3A_1902 : f32 to vector<16x2048xf32>
    %add3A_1904 = arith.addf %add3A_1903, %add3A_1897 : vector<16x2048xf32>
    %add3A_1905 = arith.constant 1.000000e+00 : f32
    %add3A_1906 = vector.broadcast %add3A_1905 : f32 to vector<16x2048xf32>
    %add3A_1907 = arith.addf %add3A_1906, %abs3A_1900 : vector<16x2048xf32>
    %mul3A_1908 = arith.mulf %add3A_1904, %add3A_1907 : vector<16x2048xf32>
    %div3A_1909 = arith.divf %sub3A_1901, %mul3A_1908 : vector<16x2048xf32>
    %reduce_sum3A_1910 = arith.constant dense<0.000000e+00> : vector<16xf32>
    %reduce_sum3A_1911 = vector.multi_reduction <add>, %div3A_1909, %reduce_sum3A_1910 [1] : vector<16x2048xf32> to vector<16xf32>
    %sub3A_1912 = vector.broadcast %get3A_1887 : f32 to vector<16x1024xf32>
    %sub3A_1913 = arith.subf %get3A_1680, %sub3A_1912 : vector<16x1024xf32>
    %abs3A_1914 = math.absf %sub3A_1913 : vector<16x1024xf32>
    %sub3A_1915 = arith.constant 1.000000e+00 : f32
    %sub3A_1916 = arith.subf %sub3A_1915, %get3A_1890 : f32
    %sub3A_1917 = vector.broadcast %sub3A_1916 : f32 to vector<16x1024xf32>
    %sub3A_1918 = arith.subf %get3A_1680, %sub3A_1917 : vector<16x1024xf32>
    %abs3A_1919 = math.absf %sub3A_1918 : vector<16x1024xf32>
    %add3A_1920 = arith.addf %abs3A_1914, %abs3A_1919 : vector<16x1024xf32>
    %sub3A_1921 = vector.broadcast %abs3A : f32 to vector<16x1024xf32>
    %sub3A_1922 = arith.subf %sub3A_1921, %add3A_1920 : vector<16x1024xf32>
    %abs3A_1923 = math.absf %sub3A_1922 : vector<16x1024xf32>
    %sub3A_1924 = arith.subf %abs3A_1923, %add3A_1920 : vector<16x1024xf32>
    %add3A_1925 = arith.constant 1.000000e+00 : f32
    %add3A_1926 = vector.broadcast %add3A_1925 : f32 to vector<16x1024xf32>
    %add3A_1927 = arith.addf %add3A_1926, %add3A_1920 : vector<16x1024xf32>
    %add3A_1928 = arith.constant 1.000000e+00 : f32
    %add3A_1929 = vector.broadcast %add3A_1928 : f32 to vector<16x1024xf32>
    %add3A_1930 = arith.addf %add3A_1929, %abs3A_1923 : vector<16x1024xf32>
    %mul3A_1931 = arith.mulf %add3A_1927, %add3A_1930 : vector<16x1024xf32>
    %div3A_1932 = arith.divf %sub3A_1924, %mul3A_1931 : vector<16x1024xf32>
    %reduce_sum3A_1933 = arith.constant dense<0.000000e+00> : vector<16xf32>
    %reduce_sum3A_1934 = vector.multi_reduction <add>, %div3A_1932, %reduce_sum3A_1933 [1] : vector<16x1024xf32> to vector<16xf32>
    %add3A_1935 = arith.addf %reduce_sum3A_1911, %reduce_sum3A_1934 : vector<16xf32>
    %get3A_1936 = arith.constant 5 : index
    %get3A_1937 = arith.constant 0 : index
    %get3A_1938 = memref.load %arg6[%get3A_1936, %get3A_1937] : memref<32x2xf32, #tpu.memory_space<smem>>
    %get3A_1939 = arith.constant 5 : index
    %get3A_1940 = arith.constant 1 : index
    %get3A_1941 = memref.load %arg6[%get3A_1939, %get3A_1940] : memref<32x2xf32, #tpu.memory_space<smem>>
    %sub3A_1942 = vector.broadcast %get3A_1938 : f32 to vector<16x2048xf32>
    %sub3A_1943 = arith.subf %get3A_1674, %sub3A_1942 : vector<16x2048xf32>
    %abs3A_1944 = math.absf %sub3A_1943 : vector<16x2048xf32>
    %sub3A_1945 = vector.broadcast %get3A_1941 : f32 to vector<16x2048xf32>
    %sub3A_1946 = arith.subf %get3A_1677, %sub3A_1945 : vector<16x2048xf32>
    %abs3A_1947 = math.absf %sub3A_1946 : vector<16x2048xf32>
    %add3A_1948 = arith.addf %abs3A_1944, %abs3A_1947 : vector<16x2048xf32>
    %sub3A_1949 = vector.broadcast %abs3A : f32 to vector<16x2048xf32>
    %sub3A_1950 = arith.subf %sub3A_1949, %add3A_1948 : vector<16x2048xf32>
    %abs3A_1951 = math.absf %sub3A_1950 : vector<16x2048xf32>
    %sub3A_1952 = arith.subf %abs3A_1951, %add3A_1948 : vector<16x2048xf32>
    %add3A_1953 = arith.constant 1.000000e+00 : f32
    %add3A_1954 = vector.broadcast %add3A_1953 : f32 to vector<16x2048xf32>
    %add3A_1955 = arith.addf %add3A_1954, %add3A_1948 : vector<16x2048xf32>
    %add3A_1956 = arith.constant 1.000000e+00 : f32
    %add3A_1957 = vector.broadcast %add3A_1956 : f32 to vector<16x2048xf32>
    %add3A_1958 = arith.addf %add3A_1957, %abs3A_1951 : vector<16x2048xf32>
    %mul3A_1959 = arith.mulf %add3A_1955, %add3A_1958 : vector<16x2048xf32>
    %div3A_1960 = arith.divf %sub3A_1952, %mul3A_1959 : vector<16x2048xf32>
    %reduce_sum3A_1961 = arith.constant dense<0.000000e+00> : vector<16xf32>
    %reduce_sum3A_1962 = vector.multi_reduction <add>, %div3A_1960, %reduce_sum3A_1961 [1] : vector<16x2048xf32> to vector<16xf32>
    %sub3A_1963 = vector.broadcast %get3A_1938 : f32 to vector<16x1024xf32>
    %sub3A_1964 = arith.subf %get3A_1680, %sub3A_1963 : vector<16x1024xf32>
    %abs3A_1965 = math.absf %sub3A_1964 : vector<16x1024xf32>
    %sub3A_1966 = arith.constant 1.000000e+00 : f32
    %sub3A_1967 = arith.subf %sub3A_1966, %get3A_1941 : f32
    %sub3A_1968 = vector.broadcast %sub3A_1967 : f32 to vector<16x1024xf32>
    %sub3A_1969 = arith.subf %get3A_1680, %sub3A_1968 : vector<16x1024xf32>
    %abs3A_1970 = math.absf %sub3A_1969 : vector<16x1024xf32>
    %add3A_1971 = arith.addf %abs3A_1965, %abs3A_1970 : vector<16x1024xf32>
    %sub3A_1972 = vector.broadcast %abs3A : f32 to vector<16x1024xf32>
    %sub3A_1973 = arith.subf %sub3A_1972, %add3A_1971 : vector<16x1024xf32>
    %abs3A_1974 = math.absf %sub3A_1973 : vector<16x1024xf32>
    %sub3A_1975 = arith.subf %abs3A_1974, %add3A_1971 : vector<16x1024xf32>
    %add3A_1976 = arith.constant 1.000000e+00 : f32
    %add3A_1977 = vector.broadcast %add3A_1976 : f32 to vector<16x1024xf32>
    %add3A_1978 = arith.addf %add3A_1977, %add3A_1971 : vector<16x1024xf32>
    %add3A_1979 = arith.constant 1.000000e+00 : f32
    %add3A_1980 = vector.broadcast %add3A_1979 : f32 to vector<16x1024xf32>
    %add3A_1981 = arith.addf %add3A_1980, %abs3A_1974 : vector<16x1024xf32>
    %mul3A_1982 = arith.mulf %add3A_1978, %add3A_1981 : vector<16x1024xf32>
    %div3A_1983 = arith.divf %sub3A_1975, %mul3A_1982 : vector<16x1024xf32>
    %reduce_sum3A_1984 = arith.constant dense<0.000000e+00> : vector<16xf32>
    %reduce_sum3A_1985 = vector.multi_reduction <add>, %div3A_1983, %reduce_sum3A_1984 [1] : vector<16x1024xf32> to vector<16xf32>
    %add3A_1986 = arith.addf %reduce_sum3A_1962, %reduce_sum3A_1985 : vector<16xf32>
    %get3A_1987 = arith.constant 6 : index
    %get3A_1988 = arith.constant 0 : index
    %get3A_1989 = memref.load %arg6[%get3A_1987, %get3A_1988] : memref<32x2xf32, #tpu.memory_space<smem>>
    %get3A_1990 = arith.constant 6 : index
    %get3A_1991 = arith.constant 1 : index
    %get3A_1992 = memref.load %arg6[%get3A_1990, %get3A_1991] : memref<32x2xf32, #tpu.memory_space<smem>>
    %sub3A_1993 = vector.broadcast %get3A_1989 : f32 to vector<16x2048xf32>
    %sub3A_1994 = arith.subf %get3A_1674, %sub3A_1993 : vector<16x2048xf32>
    %abs3A_1995 = math.absf %sub3A_1994 : vector<16x2048xf32>
    %sub3A_1996 = vector.broadcast %get3A_1992 : f32 to vector<16x2048xf32>
    %sub3A_1997 = arith.subf %get3A_1677, %sub3A_1996 : vector<16x2048xf32>
    %abs3A_1998 = math.absf %sub3A_1997 : vector<16x2048xf32>
    %add3A_1999 = arith.addf %abs3A_1995, %abs3A_1998 : vector<16x2048xf32>
    %sub3A_2000 = vector.broadcast %abs3A : f32 to vector<16x2048xf32>
    %sub3A_2001 = arith.subf %sub3A_2000, %add3A_1999 : vector<16x2048xf32>
    %abs3A_2002 = math.absf %sub3A_2001 : vector<16x2048xf32>
    %sub3A_2003 = arith.subf %abs3A_2002, %add3A_1999 : vector<16x2048xf32>
    %add3A_2004 = arith.constant 1.000000e+00 : f32
    %add3A_2005 = vector.broadcast %add3A_2004 : f32 to vector<16x2048xf32>
    %add3A_2006 = arith.addf %add3A_2005, %add3A_1999 : vector<16x2048xf32>
    %add3A_2007 = arith.constant 1.000000e+00 : f32
    %add3A_2008 = vector.broadcast %add3A_2007 : f32 to vector<16x2048xf32>
    %add3A_2009 = arith.addf %add3A_2008, %abs3A_2002 : vector<16x2048xf32>
    %mul3A_2010 = arith.mulf %add3A_2006, %add3A_2009 : vector<16x2048xf32>
    %div3A_2011 = arith.divf %sub3A_2003, %mul3A_2010 : vector<16x2048xf32>
    %reduce_sum3A_2012 = arith.constant dense<0.000000e+00> : vector<16xf32>
    %reduce_sum3A_2013 = vector.multi_reduction <add>, %div3A_2011, %reduce_sum3A_2012 [1] : vector<16x2048xf32> to vector<16xf32>
    %sub3A_2014 = vector.broadcast %get3A_1989 : f32 to vector<16x1024xf32>
    %sub3A_2015 = arith.subf %get3A_1680, %sub3A_2014 : vector<16x1024xf32>
    %abs3A_2016 = math.absf %sub3A_2015 : vector<16x1024xf32>
    %sub3A_2017 = arith.constant 1.000000e+00 : f32
    %sub3A_2018 = arith.subf %sub3A_2017, %get3A_1992 : f32
    %sub3A_2019 = vector.broadcast %sub3A_2018 : f32 to vector<16x1024xf32>
    %sub3A_2020 = arith.subf %get3A_1680, %sub3A_2019 : vector<16x1024xf32>
    %abs3A_2021 = math.absf %sub3A_2020 : vector<16x1024xf32>
    %add3A_2022 = arith.addf %abs3A_2016, %abs3A_2021 : vector<16x1024xf32>
    %sub3A_2023 = vector.broadcast %abs3A : f32 to vector<16x1024xf32>
    %sub3A_2024 = arith.subf %sub3A_2023, %add3A_2022 : vector<16x1024xf32>
    %abs3A_2025 = math.absf %sub3A_2024 : vector<16x1024xf32>
    %sub3A_2026 = arith.subf %abs3A_2025, %add3A_2022 : vector<16x1024xf32>
    %add3A_2027 = arith.constant 1.000000e+00 : f32
    %add3A_2028 = vector.broadcast %add3A_2027 : f32 to vector<16x1024xf32>
    %add3A_2029 = arith.addf %add3A_2028, %add3A_2022 : vector<16x1024xf32>
    %add3A_2030 = arith.constant 1.000000e+00 : f32
    %add3A_2031 = vector.broadcast %add3A_2030 : f32 to vector<16x1024xf32>
    %add3A_2032 = arith.addf %add3A_2031, %abs3A_2025 : vector<16x1024xf32>
    %mul3A_2033 = arith.mulf %add3A_2029, %add3A_2032 : vector<16x1024xf32>
    %div3A_2034 = arith.divf %sub3A_2026, %mul3A_2033 : vector<16x1024xf32>
    %reduce_sum3A_2035 = arith.constant dense<0.000000e+00> : vector<16xf32>
    %reduce_sum3A_2036 = vector.multi_reduction <add>, %div3A_2034, %reduce_sum3A_2035 [1] : vector<16x1024xf32> to vector<16xf32>
    %add3A_2037 = arith.addf %reduce_sum3A_2013, %reduce_sum3A_2036 : vector<16xf32>
    %get3A_2038 = arith.constant 7 : index
    %get3A_2039 = arith.constant 0 : index
    %get3A_2040 = memref.load %arg6[%get3A_2038, %get3A_2039] : memref<32x2xf32, #tpu.memory_space<smem>>
    %get3A_2041 = arith.constant 7 : index
    %get3A_2042 = arith.constant 1 : index
    %get3A_2043 = memref.load %arg6[%get3A_2041, %get3A_2042] : memref<32x2xf32, #tpu.memory_space<smem>>
    %sub3A_2044 = vector.broadcast %get3A_2040 : f32 to vector<16x2048xf32>
    %sub3A_2045 = arith.subf %get3A_1674, %sub3A_2044 : vector<16x2048xf32>
    %abs3A_2046 = math.absf %sub3A_2045 : vector<16x2048xf32>
    %sub3A_2047 = vector.broadcast %get3A_2043 : f32 to vector<16x2048xf32>
    %sub3A_2048 = arith.subf %get3A_1677, %sub3A_2047 : vector<16x2048xf32>
    %abs3A_2049 = math.absf %sub3A_2048 : vector<16x2048xf32>
    %add3A_2050 = arith.addf %abs3A_2046, %abs3A_2049 : vector<16x2048xf32>
    %sub3A_2051 = vector.broadcast %abs3A : f32 to vector<16x2048xf32>
    %sub3A_2052 = arith.subf %sub3A_2051, %add3A_2050 : vector<16x2048xf32>
    %abs3A_2053 = math.absf %sub3A_2052 : vector<16x2048xf32>
    %sub3A_2054 = arith.subf %abs3A_2053, %add3A_2050 : vector<16x2048xf32>
    %add3A_2055 = arith.constant 1.000000e+00 : f32
    %add3A_2056 = vector.broadcast %add3A_2055 : f32 to vector<16x2048xf32>
    %add3A_2057 = arith.addf %add3A_2056, %add3A_2050 : vector<16x2048xf32>
    %add3A_2058 = arith.constant 1.000000e+00 : f32
    %add3A_2059 = vector.broadcast %add3A_2058 : f32 to vector<16x2048xf32>
    %add3A_2060 = arith.addf %add3A_2059, %abs3A_2053 : vector<16x2048xf32>
    %mul3A_2061 = arith.mulf %add3A_2057, %add3A_2060 : vector<16x2048xf32>
    %div3A_2062 = arith.divf %sub3A_2054, %mul3A_2061 : vector<16x2048xf32>
    %reduce_sum3A_2063 = arith.constant dense<0.000000e+00> : vector<16xf32>
    %reduce_sum3A_2064 = vector.multi_reduction <add>, %div3A_2062, %reduce_sum3A_2063 [1] : vector<16x2048xf32> to vector<16xf32>
    %sub3A_2065 = vector.broadcast %get3A_2040 : f32 to vector<16x1024xf32>
    %sub3A_2066 = arith.subf %get3A_1680, %sub3A_2065 : vector<16x1024xf32>
    %abs3A_2067 = math.absf %sub3A_2066 : vector<16x1024xf32>
    %sub3A_2068 = arith.constant 1.000000e+00 : f32
    %sub3A_2069 = arith.subf %sub3A_2068, %get3A_2043 : f32
    %sub3A_2070 = vector.broadcast %sub3A_2069 : f32 to vector<16x1024xf32>
    %sub3A_2071 = arith.subf %get3A_1680, %sub3A_2070 : vector<16x1024xf32>
    %abs3A_2072 = math.absf %sub3A_2071 : vector<16x1024xf32>
    %add3A_2073 = arith.addf %abs3A_2067, %abs3A_2072 : vector<16x1024xf32>
    %sub3A_2074 = vector.broadcast %abs3A : f32 to vector<16x1024xf32>
    %sub3A_2075 = arith.subf %sub3A_2074, %add3A_2073 : vector<16x1024xf32>
    %abs3A_2076 = math.absf %sub3A_2075 : vector<16x1024xf32>
    %sub3A_2077 = arith.subf %abs3A_2076, %add3A_2073 : vector<16x1024xf32>
    %add3A_2078 = arith.constant 1.000000e+00 : f32
    %add3A_2079 = vector.broadcast %add3A_2078 : f32 to vector<16x1024xf32>
    %add3A_2080 = arith.addf %add3A_2079, %add3A_2073 : vector<16x1024xf32>
    %add3A_2081 = arith.constant 1.000000e+00 : f32
    %add3A_2082 = vector.broadcast %add3A_2081 : f32 to vector<16x1024xf32>
    %add3A_2083 = arith.addf %add3A_2082, %abs3A_2076 : vector<16x1024xf32>
    %mul3A_2084 = arith.mulf %add3A_2080, %add3A_2083 : vector<16x1024xf32>
    %div3A_2085 = arith.divf %sub3A_2077, %mul3A_2084 : vector<16x1024xf32>
    %reduce_sum3A_2086 = arith.constant dense<0.000000e+00> : vector<16xf32>
    %reduce_sum3A_2087 = vector.multi_reduction <add>, %div3A_2085, %reduce_sum3A_2086 [1] : vector<16x1024xf32> to vector<16xf32>
    %add3A_2088 = arith.addf %reduce_sum3A_2064, %reduce_sum3A_2087 : vector<16xf32>
    %get3A_2089 = arith.constant 8 : index
    %get3A_2090 = arith.constant 0 : index
    %get3A_2091 = memref.load %arg6[%get3A_2089, %get3A_2090] : memref<32x2xf32, #tpu.memory_space<smem>>
    %get3A_2092 = arith.constant 8 : index
    %get3A_2093 = arith.constant 1 : index
    %get3A_2094 = memref.load %arg6[%get3A_2092, %get3A_2093] : memref<32x2xf32, #tpu.memory_space<smem>>
    %sub3A_2095 = vector.broadcast %get3A_2091 : f32 to vector<16x2048xf32>
    %sub3A_2096 = arith.subf %get3A_1674, %sub3A_2095 : vector<16x2048xf32>
    %abs3A_2097 = math.absf %sub3A_2096 : vector<16x2048xf32>
    %sub3A_2098 = vector.broadcast %get3A_2094 : f32 to vector<16x2048xf32>
    %sub3A_2099 = arith.subf %get3A_1677, %sub3A_2098 : vector<16x2048xf32>
    %abs3A_2100 = math.absf %sub3A_2099 : vector<16x2048xf32>
    %add3A_2101 = arith.addf %abs3A_2097, %abs3A_2100 : vector<16x2048xf32>
    %sub3A_2102 = vector.broadcast %abs3A : f32 to vector<16x2048xf32>
    %sub3A_2103 = arith.subf %sub3A_2102, %add3A_2101 : vector<16x2048xf32>
    %abs3A_2104 = math.absf %sub3A_2103 : vector<16x2048xf32>
    %sub3A_2105 = arith.subf %abs3A_2104, %add3A_2101 : vector<16x2048xf32>
    %add3A_2106 = arith.constant 1.000000e+00 : f32
    %add3A_2107 = vector.broadcast %add3A_2106 : f32 to vector<16x2048xf32>
    %add3A_2108 = arith.addf %add3A_2107, %add3A_2101 : vector<16x2048xf32>
    %add3A_2109 = arith.constant 1.000000e+00 : f32
    %add3A_2110 = vector.broadcast %add3A_2109 : f32 to vector<16x2048xf32>
    %add3A_2111 = arith.addf %add3A_2110, %abs3A_2104 : vector<16x2048xf32>
    %mul3A_2112 = arith.mulf %add3A_2108, %add3A_2111 : vector<16x2048xf32>
    %div3A_2113 = arith.divf %sub3A_2105, %mul3A_2112 : vector<16x2048xf32>
    %reduce_sum3A_2114 = arith.constant dense<0.000000e+00> : vector<16xf32>
    %reduce_sum3A_2115 = vector.multi_reduction <add>, %div3A_2113, %reduce_sum3A_2114 [1] : vector<16x2048xf32> to vector<16xf32>
    %sub3A_2116 = vector.broadcast %get3A_2091 : f32 to vector<16x1024xf32>
    %sub3A_2117 = arith.subf %get3A_1680, %sub3A_2116 : vector<16x1024xf32>
    %abs3A_2118 = math.absf %sub3A_2117 : vector<16x1024xf32>
    %sub3A_2119 = arith.constant 1.000000e+00 : f32
    %sub3A_2120 = arith.subf %sub3A_2119, %get3A_2094 : f32
    %sub3A_2121 = vector.broadcast %sub3A_2120 : f32 to vector<16x1024xf32>
    %sub3A_2122 = arith.subf %get3A_1680, %sub3A_2121 : vector<16x1024xf32>
    %abs3A_2123 = math.absf %sub3A_2122 : vector<16x1024xf32>
    %add3A_2124 = arith.addf %abs3A_2118, %abs3A_2123 : vector<16x1024xf32>
    %sub3A_2125 = vector.broadcast %abs3A : f32 to vector<16x1024xf32>
    %sub3A_2126 = arith.subf %sub3A_2125, %add3A_2124 : vector<16x1024xf32>
    %abs3A_2127 = math.absf %sub3A_2126 : vector<16x1024xf32>
    %sub3A_2128 = arith.subf %abs3A_2127, %add3A_2124 : vector<16x1024xf32>
    %add3A_2129 = arith.constant 1.000000e+00 : f32
    %add3A_2130 = vector.broadcast %add3A_2129 : f32 to vector<16x1024xf32>
    %add3A_2131 = arith.addf %add3A_2130, %add3A_2124 : vector<16x1024xf32>
    %add3A_2132 = arith.constant 1.000000e+00 : f32
    %add3A_2133 = vector.broadcast %add3A_2132 : f32 to vector<16x1024xf32>
    %add3A_2134 = arith.addf %add3A_2133, %abs3A_2127 : vector<16x1024xf32>
    %mul3A_2135 = arith.mulf %add3A_2131, %add3A_2134 : vector<16x1024xf32>
    %div3A_2136 = arith.divf %sub3A_2128, %mul3A_2135 : vector<16x1024xf32>
    %reduce_sum3A_2137 = arith.constant dense<0.000000e+00> : vector<16xf32>
    %reduce_sum3A_2138 = vector.multi_reduction <add>, %div3A_2136, %reduce_sum3A_2137 [1] : vector<16x1024xf32> to vector<16xf32>
    %add3A_2139 = arith.addf %reduce_sum3A_2115, %reduce_sum3A_2138 : vector<16xf32>
    %get3A_2140 = arith.constant 9 : index
    %get3A_2141 = arith.constant 0 : index
    %get3A_2142 = memref.load %arg6[%get3A_2140, %get3A_2141] : memref<32x2xf32, #tpu.memory_space<smem>>
    %get3A_2143 = arith.constant 9 : index
    %get3A_2144 = arith.constant 1 : index
    %get3A_2145 = memref.load %arg6[%get3A_2143, %get3A_2144] : memref<32x2xf32, #tpu.memory_space<smem>>
    %sub3A_2146 = vector.broadcast %get3A_2142 : f32 to vector<16x2048xf32>
    %sub3A_2147 = arith.subf %get3A_1674, %sub3A_2146 : vector<16x2048xf32>
    %abs3A_2148 = math.absf %sub3A_2147 : vector<16x2048xf32>
    %sub3A_2149 = vector.broadcast %get3A_2145 : f32 to vector<16x2048xf32>
    %sub3A_2150 = arith.subf %get3A_1677, %sub3A_2149 : vector<16x2048xf32>
    %abs3A_2151 = math.absf %sub3A_2150 : vector<16x2048xf32>
    %add3A_2152 = arith.addf %abs3A_2148, %abs3A_2151 : vector<16x2048xf32>
    %sub3A_2153 = vector.broadcast %abs3A : f32 to vector<16x2048xf32>
    %sub3A_2154 = arith.subf %sub3A_2153, %add3A_2152 : vector<16x2048xf32>
    %abs3A_2155 = math.absf %sub3A_2154 : vector<16x2048xf32>
    %sub3A_2156 = arith.subf %abs3A_2155, %add3A_2152 : vector<16x2048xf32>
    %add3A_2157 = arith.constant 1.000000e+00 : f32
    %add3A_2158 = vector.broadcast %add3A_2157 : f32 to vector<16x2048xf32>
    %add3A_2159 = arith.addf %add3A_2158, %add3A_2152 : vector<16x2048xf32>
    %add3A_2160 = arith.constant 1.000000e+00 : f32
    %add3A_2161 = vector.broadcast %add3A_2160 : f32 to vector<16x2048xf32>
    %add3A_2162 = arith.addf %add3A_2161, %abs3A_2155 : vector<16x2048xf32>
    %mul3A_2163 = arith.mulf %add3A_2159, %add3A_2162 : vector<16x2048xf32>
    %div3A_2164 = arith.divf %sub3A_2156, %mul3A_2163 : vector<16x2048xf32>
    %reduce_sum3A_2165 = arith.constant dense<0.000000e+00> : vector<16xf32>
    %reduce_sum3A_2166 = vector.multi_reduction <add>, %div3A_2164, %reduce_sum3A_2165 [1] : vector<16x2048xf32> to vector<16xf32>
    %sub3A_2167 = vector.broadcast %get3A_2142 : f32 to vector<16x1024xf32>
    %sub3A_2168 = arith.subf %get3A_1680, %sub3A_2167 : vector<16x1024xf32>
    %abs3A_2169 = math.absf %sub3A_2168 : vector<16x1024xf32>
    %sub3A_2170 = arith.constant 1.000000e+00 : f32
    %sub3A_2171 = arith.subf %sub3A_2170, %get3A_2145 : f32
    %sub3A_2172 = vector.broadcast %sub3A_2171 : f32 to vector<16x1024xf32>
    %sub3A_2173 = arith.subf %get3A_1680, %sub3A_2172 : vector<16x1024xf32>
    %abs3A_2174 = math.absf %sub3A_2173 : vector<16x1024xf32>
    %add3A_2175 = arith.addf %abs3A_2169, %abs3A_2174 : vector<16x1024xf32>
    %sub3A_2176 = vector.broadcast %abs3A : f32 to vector<16x1024xf32>
    %sub3A_2177 = arith.subf %sub3A_2176, %add3A_2175 : vector<16x1024xf32>
    %abs3A_2178 = math.absf %sub3A_2177 : vector<16x1024xf32>
    %sub3A_2179 = arith.subf %abs3A_2178, %add3A_2175 : vector<16x1024xf32>
    %add3A_2180 = arith.constant 1.000000e+00 : f32
    %add3A_2181 = vector.broadcast %add3A_2180 : f32 to vector<16x1024xf32>
    %add3A_2182 = arith.addf %add3A_2181, %add3A_2175 : vector<16x1024xf32>
    %add3A_2183 = arith.constant 1.000000e+00 : f32
    %add3A_2184 = vector.broadcast %add3A_2183 : f32 to vector<16x1024xf32>
    %add3A_2185 = arith.addf %add3A_2184, %abs3A_2178 : vector<16x1024xf32>
    %mul3A_2186 = arith.mulf %add3A_2182, %add3A_2185 : vector<16x1024xf32>
    %div3A_2187 = arith.divf %sub3A_2179, %mul3A_2186 : vector<16x1024xf32>
    %reduce_sum3A_2188 = arith.constant dense<0.000000e+00> : vector<16xf32>
    %reduce_sum3A_2189 = vector.multi_reduction <add>, %div3A_2187, %reduce_sum3A_2188 [1] : vector<16x1024xf32> to vector<16xf32>
    %add3A_2190 = arith.addf %reduce_sum3A_2166, %reduce_sum3A_2189 : vector<16xf32>
    %get3A_2191 = arith.constant 10 : index
    %get3A_2192 = arith.constant 0 : index
    %get3A_2193 = memref.load %arg6[%get3A_2191, %get3A_2192] : memref<32x2xf32, #tpu.memory_space<smem>>
    %get3A_2194 = arith.constant 10 : index
    %get3A_2195 = arith.constant 1 : index
    %get3A_2196 = memref.load %arg6[%get3A_2194, %get3A_2195] : memref<32x2xf32, #tpu.memory_space<smem>>
    %sub3A_2197 = vector.broadcast %get3A_2193 : f32 to vector<16x2048xf32>
    %sub3A_2198 = arith.subf %get3A_1674, %sub3A_2197 : vector<16x2048xf32>
    %abs3A_2199 = math.absf %sub3A_2198 : vector<16x2048xf32>
    %sub3A_2200 = vector.broadcast %get3A_2196 : f32 to vector<16x2048xf32>
    %sub3A_2201 = arith.subf %get3A_1677, %sub3A_2200 : vector<16x2048xf32>
    %abs3A_2202 = math.absf %sub3A_2201 : vector<16x2048xf32>
    %add3A_2203 = arith.addf %abs3A_2199, %abs3A_2202 : vector<16x2048xf32>
    %sub3A_2204 = vector.broadcast %abs3A : f32 to vector<16x2048xf32>
    %sub3A_2205 = arith.subf %sub3A_2204, %add3A_2203 : vector<16x2048xf32>
    %abs3A_2206 = math.absf %sub3A_2205 : vector<16x2048xf32>
    %sub3A_2207 = arith.subf %abs3A_2206, %add3A_2203 : vector<16x2048xf32>
    %add3A_2208 = arith.constant 1.000000e+00 : f32
    %add3A_2209 = vector.broadcast %add3A_2208 : f32 to vector<16x2048xf32>
    %add3A_2210 = arith.addf %add3A_2209, %add3A_2203 : vector<16x2048xf32>
    %add3A_2211 = arith.constant 1.000000e+00 : f32
    %add3A_2212 = vector.broadcast %add3A_2211 : f32 to vector<16x2048xf32>
    %add3A_2213 = arith.addf %add3A_2212, %abs3A_2206 : vector<16x2048xf32>
    %mul3A_2214 = arith.mulf %add3A_2210, %add3A_2213 : vector<16x2048xf32>
    %div3A_2215 = arith.divf %sub3A_2207, %mul3A_2214 : vector<16x2048xf32>
    %reduce_sum3A_2216 = arith.constant dense<0.000000e+00> : vector<16xf32>
    %reduce_sum3A_2217 = vector.multi_reduction <add>, %div3A_2215, %reduce_sum3A_2216 [1] : vector<16x2048xf32> to vector<16xf32>
    %sub3A_2218 = vector.broadcast %get3A_2193 : f32 to vector<16x1024xf32>
    %sub3A_2219 = arith.subf %get3A_1680, %sub3A_2218 : vector<16x1024xf32>
    %abs3A_2220 = math.absf %sub3A_2219 : vector<16x1024xf32>
    %sub3A_2221 = arith.constant 1.000000e+00 : f32
    %sub3A_2222 = arith.subf %sub3A_2221, %get3A_2196 : f32
    %sub3A_2223 = vector.broadcast %sub3A_2222 : f32 to vector<16x1024xf32>
    %sub3A_2224 = arith.subf %get3A_1680, %sub3A_2223 : vector<16x1024xf32>
    %abs3A_2225 = math.absf %sub3A_2224 : vector<16x1024xf32>
    %add3A_2226 = arith.addf %abs3A_2220, %abs3A_2225 : vector<16x1024xf32>
    %sub3A_2227 = vector.broadcast %abs3A : f32 to vector<16x1024xf32>
    %sub3A_2228 = arith.subf %sub3A_2227, %add3A_2226 : vector<16x1024xf32>
    %abs3A_2229 = math.absf %sub3A_2228 : vector<16x1024xf32>
    %sub3A_2230 = arith.subf %abs3A_2229, %add3A_2226 : vector<16x1024xf32>
    %add3A_2231 = arith.constant 1.000000e+00 : f32
    %add3A_2232 = vector.broadcast %add3A_2231 : f32 to vector<16x1024xf32>
    %add3A_2233 = arith.addf %add3A_2232, %add3A_2226 : vector<16x1024xf32>
    %add3A_2234 = arith.constant 1.000000e+00 : f32
    %add3A_2235 = vector.broadcast %add3A_2234 : f32 to vector<16x1024xf32>
    %add3A_2236 = arith.addf %add3A_2235, %abs3A_2229 : vector<16x1024xf32>
    %mul3A_2237 = arith.mulf %add3A_2233, %add3A_2236 : vector<16x1024xf32>
    %div3A_2238 = arith.divf %sub3A_2230, %mul3A_2237 : vector<16x1024xf32>
    %reduce_sum3A_2239 = arith.constant dense<0.000000e+00> : vector<16xf32>
    %reduce_sum3A_2240 = vector.multi_reduction <add>, %div3A_2238, %reduce_sum3A_2239 [1] : vector<16x1024xf32> to vector<16xf32>
    %add3A_2241 = arith.addf %reduce_sum3A_2217, %reduce_sum3A_2240 : vector<16xf32>
    %get3A_2242 = arith.constant 11 : index
    %get3A_2243 = arith.constant 0 : index
    %get3A_2244 = memref.load %arg6[%get3A_2242, %get3A_2243] : memref<32x2xf32, #tpu.memory_space<smem>>
    %get3A_2245 = arith.constant 11 : index
    %get3A_2246 = arith.constant 1 : index
    %get3A_2247 = memref.load %arg6[%get3A_2245, %get3A_2246] : memref<32x2xf32, #tpu.memory_space<smem>>
    %sub3A_2248 = vector.broadcast %get3A_2244 : f32 to vector<16x2048xf32>
    %sub3A_2249 = arith.subf %get3A_1674, %sub3A_2248 : vector<16x2048xf32>
    %abs3A_2250 = math.absf %sub3A_2249 : vector<16x2048xf32>
    %sub3A_2251 = vector.broadcast %get3A_2247 : f32 to vector<16x2048xf32>
    %sub3A_2252 = arith.subf %get3A_1677, %sub3A_2251 : vector<16x2048xf32>
    %abs3A_2253 = math.absf %sub3A_2252 : vector<16x2048xf32>
    %add3A_2254 = arith.addf %abs3A_2250, %abs3A_2253 : vector<16x2048xf32>
    %sub3A_2255 = vector.broadcast %abs3A : f32 to vector<16x2048xf32>
    %sub3A_2256 = arith.subf %sub3A_2255, %add3A_2254 : vector<16x2048xf32>
    %abs3A_2257 = math.absf %sub3A_2256 : vector<16x2048xf32>
    %sub3A_2258 = arith.subf %abs3A_2257, %add3A_2254 : vector<16x2048xf32>
    %add3A_2259 = arith.constant 1.000000e+00 : f32
    %add3A_2260 = vector.broadcast %add3A_2259 : f32 to vector<16x2048xf32>
    %add3A_2261 = arith.addf %add3A_2260, %add3A_2254 : vector<16x2048xf32>
    %add3A_2262 = arith.constant 1.000000e+00 : f32
    %add3A_2263 = vector.broadcast %add3A_2262 : f32 to vector<16x2048xf32>
    %add3A_2264 = arith.addf %add3A_2263, %abs3A_2257 : vector<16x2048xf32>
    %mul3A_2265 = arith.mulf %add3A_2261, %add3A_2264 : vector<16x2048xf32>
    %div3A_2266 = arith.divf %sub3A_2258, %mul3A_2265 : vector<16x2048xf32>
    %reduce_sum3A_2267 = arith.constant dense<0.000000e+00> : vector<16xf32>
    %reduce_sum3A_2268 = vector.multi_reduction <add>, %div3A_2266, %reduce_sum3A_2267 [1] : vector<16x2048xf32> to vector<16xf32>
    %sub3A_2269 = vector.broadcast %get3A_2244 : f32 to vector<16x1024xf32>
    %sub3A_2270 = arith.subf %get3A_1680, %sub3A_2269 : vector<16x1024xf32>
    %abs3A_2271 = math.absf %sub3A_2270 : vector<16x1024xf32>
    %sub3A_2272 = arith.constant 1.000000e+00 : f32
    %sub3A_2273 = arith.subf %sub3A_2272, %get3A_2247 : f32
    %sub3A_2274 = vector.broadcast %sub3A_2273 : f32 to vector<16x1024xf32>
    %sub3A_2275 = arith.subf %get3A_1680, %sub3A_2274 : vector<16x1024xf32>
    %abs3A_2276 = math.absf %sub3A_2275 : vector<16x1024xf32>
    %add3A_2277 = arith.addf %abs3A_2271, %abs3A_2276 : vector<16x1024xf32>
    %sub3A_2278 = vector.broadcast %abs3A : f32 to vector<16x1024xf32>
    %sub3A_2279 = arith.subf %sub3A_2278, %add3A_2277 : vector<16x1024xf32>
    %abs3A_2280 = math.absf %sub3A_2279 : vector<16x1024xf32>
    %sub3A_2281 = arith.subf %abs3A_2280, %add3A_2277 : vector<16x1024xf32>
    %add3A_2282 = arith.constant 1.000000e+00 : f32
    %add3A_2283 = vector.broadcast %add3A_2282 : f32 to vector<16x1024xf32>
    %add3A_2284 = arith.addf %add3A_2283, %add3A_2277 : vector<16x1024xf32>
    %add3A_2285 = arith.constant 1.000000e+00 : f32
    %add3A_2286 = vector.broadcast %add3A_2285 : f32 to vector<16x1024xf32>
    %add3A_2287 = arith.addf %add3A_2286, %abs3A_2280 : vector<16x1024xf32>
    %mul3A_2288 = arith.mulf %add3A_2284, %add3A_2287 : vector<16x1024xf32>
    %div3A_2289 = arith.divf %sub3A_2281, %mul3A_2288 : vector<16x1024xf32>
    %reduce_sum3A_2290 = arith.constant dense<0.000000e+00> : vector<16xf32>
    %reduce_sum3A_2291 = vector.multi_reduction <add>, %div3A_2289, %reduce_sum3A_2290 [1] : vector<16x1024xf32> to vector<16xf32>
    %add3A_2292 = arith.addf %reduce_sum3A_2268, %reduce_sum3A_2291 : vector<16xf32>
    %get3A_2293 = arith.constant 12 : index
    %get3A_2294 = arith.constant 0 : index
    %get3A_2295 = memref.load %arg6[%get3A_2293, %get3A_2294] : memref<32x2xf32, #tpu.memory_space<smem>>
    %get3A_2296 = arith.constant 12 : index
    %get3A_2297 = arith.constant 1 : index
    %get3A_2298 = memref.load %arg6[%get3A_2296, %get3A_2297] : memref<32x2xf32, #tpu.memory_space<smem>>
    %sub3A_2299 = vector.broadcast %get3A_2295 : f32 to vector<16x2048xf32>
    %sub3A_2300 = arith.subf %get3A_1674, %sub3A_2299 : vector<16x2048xf32>
    %abs3A_2301 = math.absf %sub3A_2300 : vector<16x2048xf32>
    %sub3A_2302 = vector.broadcast %get3A_2298 : f32 to vector<16x2048xf32>
    %sub3A_2303 = arith.subf %get3A_1677, %sub3A_2302 : vector<16x2048xf32>
    %abs3A_2304 = math.absf %sub3A_2303 : vector<16x2048xf32>
    %add3A_2305 = arith.addf %abs3A_2301, %abs3A_2304 : vector<16x2048xf32>
    %sub3A_2306 = vector.broadcast %abs3A : f32 to vector<16x2048xf32>
    %sub3A_2307 = arith.subf %sub3A_2306, %add3A_2305 : vector<16x2048xf32>
    %abs3A_2308 = math.absf %sub3A_2307 : vector<16x2048xf32>
    %sub3A_2309 = arith.subf %abs3A_2308, %add3A_2305 : vector<16x2048xf32>
    %add3A_2310 = arith.constant 1.000000e+00 : f32
    %add3A_2311 = vector.broadcast %add3A_2310 : f32 to vector<16x2048xf32>
    %add3A_2312 = arith.addf %add3A_2311, %add3A_2305 : vector<16x2048xf32>
    %add3A_2313 = arith.constant 1.000000e+00 : f32
    %add3A_2314 = vector.broadcast %add3A_2313 : f32 to vector<16x2048xf32>
    %add3A_2315 = arith.addf %add3A_2314, %abs3A_2308 : vector<16x2048xf32>
    %mul3A_2316 = arith.mulf %add3A_2312, %add3A_2315 : vector<16x2048xf32>
    %div3A_2317 = arith.divf %sub3A_2309, %mul3A_2316 : vector<16x2048xf32>
    %reduce_sum3A_2318 = arith.constant dense<0.000000e+00> : vector<16xf32>
    %reduce_sum3A_2319 = vector.multi_reduction <add>, %div3A_2317, %reduce_sum3A_2318 [1] : vector<16x2048xf32> to vector<16xf32>
    %sub3A_2320 = vector.broadcast %get3A_2295 : f32 to vector<16x1024xf32>
    %sub3A_2321 = arith.subf %get3A_1680, %sub3A_2320 : vector<16x1024xf32>
    %abs3A_2322 = math.absf %sub3A_2321 : vector<16x1024xf32>
    %sub3A_2323 = arith.constant 1.000000e+00 : f32
    %sub3A_2324 = arith.subf %sub3A_2323, %get3A_2298 : f32
    %sub3A_2325 = vector.broadcast %sub3A_2324 : f32 to vector<16x1024xf32>
    %sub3A_2326 = arith.subf %get3A_1680, %sub3A_2325 : vector<16x1024xf32>
    %abs3A_2327 = math.absf %sub3A_2326 : vector<16x1024xf32>
    %add3A_2328 = arith.addf %abs3A_2322, %abs3A_2327 : vector<16x1024xf32>
    %sub3A_2329 = vector.broadcast %abs3A : f32 to vector<16x1024xf32>
    %sub3A_2330 = arith.subf %sub3A_2329, %add3A_2328 : vector<16x1024xf32>
    %abs3A_2331 = math.absf %sub3A_2330 : vector<16x1024xf32>
    %sub3A_2332 = arith.subf %abs3A_2331, %add3A_2328 : vector<16x1024xf32>
    %add3A_2333 = arith.constant 1.000000e+00 : f32
    %add3A_2334 = vector.broadcast %add3A_2333 : f32 to vector<16x1024xf32>
    %add3A_2335 = arith.addf %add3A_2334, %add3A_2328 : vector<16x1024xf32>
    %add3A_2336 = arith.constant 1.000000e+00 : f32
    %add3A_2337 = vector.broadcast %add3A_2336 : f32 to vector<16x1024xf32>
    %add3A_2338 = arith.addf %add3A_2337, %abs3A_2331 : vector<16x1024xf32>
    %mul3A_2339 = arith.mulf %add3A_2335, %add3A_2338 : vector<16x1024xf32>
    %div3A_2340 = arith.divf %sub3A_2332, %mul3A_2339 : vector<16x1024xf32>
    %reduce_sum3A_2341 = arith.constant dense<0.000000e+00> : vector<16xf32>
    %reduce_sum3A_2342 = vector.multi_reduction <add>, %div3A_2340, %reduce_sum3A_2341 [1] : vector<16x1024xf32> to vector<16xf32>
    %add3A_2343 = arith.addf %reduce_sum3A_2319, %reduce_sum3A_2342 : vector<16xf32>
    %get3A_2344 = arith.constant 13 : index
    %get3A_2345 = arith.constant 0 : index
    %get3A_2346 = memref.load %arg6[%get3A_2344, %get3A_2345] : memref<32x2xf32, #tpu.memory_space<smem>>
    %get3A_2347 = arith.constant 13 : index
    %get3A_2348 = arith.constant 1 : index
    %get3A_2349 = memref.load %arg6[%get3A_2347, %get3A_2348] : memref<32x2xf32, #tpu.memory_space<smem>>
    %sub3A_2350 = vector.broadcast %get3A_2346 : f32 to vector<16x2048xf32>
    %sub3A_2351 = arith.subf %get3A_1674, %sub3A_2350 : vector<16x2048xf32>
    %abs3A_2352 = math.absf %sub3A_2351 : vector<16x2048xf32>
    %sub3A_2353 = vector.broadcast %get3A_2349 : f32 to vector<16x2048xf32>
    %sub3A_2354 = arith.subf %get3A_1677, %sub3A_2353 : vector<16x2048xf32>
    %abs3A_2355 = math.absf %sub3A_2354 : vector<16x2048xf32>
    %add3A_2356 = arith.addf %abs3A_2352, %abs3A_2355 : vector<16x2048xf32>
    %sub3A_2357 = vector.broadcast %abs3A : f32 to vector<16x2048xf32>
    %sub3A_2358 = arith.subf %sub3A_2357, %add3A_2356 : vector<16x2048xf32>
    %abs3A_2359 = math.absf %sub3A_2358 : vector<16x2048xf32>
    %sub3A_2360 = arith.subf %abs3A_2359, %add3A_2356 : vector<16x2048xf32>
    %add3A_2361 = arith.constant 1.000000e+00 : f32
    %add3A_2362 = vector.broadcast %add3A_2361 : f32 to vector<16x2048xf32>
    %add3A_2363 = arith.addf %add3A_2362, %add3A_2356 : vector<16x2048xf32>
    %add3A_2364 = arith.constant 1.000000e+00 : f32
    %add3A_2365 = vector.broadcast %add3A_2364 : f32 to vector<16x2048xf32>
    %add3A_2366 = arith.addf %add3A_2365, %abs3A_2359 : vector<16x2048xf32>
    %mul3A_2367 = arith.mulf %add3A_2363, %add3A_2366 : vector<16x2048xf32>
    %div3A_2368 = arith.divf %sub3A_2360, %mul3A_2367 : vector<16x2048xf32>
    %reduce_sum3A_2369 = arith.constant dense<0.000000e+00> : vector<16xf32>
    %reduce_sum3A_2370 = vector.multi_reduction <add>, %div3A_2368, %reduce_sum3A_2369 [1] : vector<16x2048xf32> to vector<16xf32>
    %sub3A_2371 = vector.broadcast %get3A_2346 : f32 to vector<16x1024xf32>
    %sub3A_2372 = arith.subf %get3A_1680, %sub3A_2371 : vector<16x1024xf32>
    %abs3A_2373 = math.absf %sub3A_2372 : vector<16x1024xf32>
    %sub3A_2374 = arith.constant 1.000000e+00 : f32
    %sub3A_2375 = arith.subf %sub3A_2374, %get3A_2349 : f32
    %sub3A_2376 = vector.broadcast %sub3A_2375 : f32 to vector<16x1024xf32>
    %sub3A_2377 = arith.subf %get3A_1680, %sub3A_2376 : vector<16x1024xf32>
    %abs3A_2378 = math.absf %sub3A_2377 : vector<16x1024xf32>
    %add3A_2379 = arith.addf %abs3A_2373, %abs3A_2378 : vector<16x1024xf32>
    %sub3A_2380 = vector.broadcast %abs3A : f32 to vector<16x1024xf32>
    %sub3A_2381 = arith.subf %sub3A_2380, %add3A_2379 : vector<16x1024xf32>
    %abs3A_2382 = math.absf %sub3A_2381 : vector<16x1024xf32>
    %sub3A_2383 = arith.subf %abs3A_2382, %add3A_2379 : vector<16x1024xf32>
    %add3A_2384 = arith.constant 1.000000e+00 : f32
    %add3A_2385 = vector.broadcast %add3A_2384 : f32 to vector<16x1024xf32>
    %add3A_2386 = arith.addf %add3A_2385, %add3A_2379 : vector<16x1024xf32>
    %add3A_2387 = arith.constant 1.000000e+00 : f32
    %add3A_2388 = vector.broadcast %add3A_2387 : f32 to vector<16x1024xf32>
    %add3A_2389 = arith.addf %add3A_2388, %abs3A_2382 : vector<16x1024xf32>
    %mul3A_2390 = arith.mulf %add3A_2386, %add3A_2389 : vector<16x1024xf32>
    %div3A_2391 = arith.divf %sub3A_2383, %mul3A_2390 : vector<16x1024xf32>
    %reduce_sum3A_2392 = arith.constant dense<0.000000e+00> : vector<16xf32>
    %reduce_sum3A_2393 = vector.multi_reduction <add>, %div3A_2391, %reduce_sum3A_2392 [1] : vector<16x1024xf32> to vector<16xf32>
    %add3A_2394 = arith.addf %reduce_sum3A_2370, %reduce_sum3A_2393 : vector<16xf32>
    %get3A_2395 = arith.constant 14 : index
    %get3A_2396 = arith.constant 0 : index
    %get3A_2397 = memref.load %arg6[%get3A_2395, %get3A_2396] : memref<32x2xf32, #tpu.memory_space<smem>>
    %get3A_2398 = arith.constant 14 : index
    %get3A_2399 = arith.constant 1 : index
    %get3A_2400 = memref.load %arg6[%get3A_2398, %get3A_2399] : memref<32x2xf32, #tpu.memory_space<smem>>
    %sub3A_2401 = vector.broadcast %get3A_2397 : f32 to vector<16x2048xf32>
    %sub3A_2402 = arith.subf %get3A_1674, %sub3A_2401 : vector<16x2048xf32>
    %abs3A_2403 = math.absf %sub3A_2402 : vector<16x2048xf32>
    %sub3A_2404 = vector.broadcast %get3A_2400 : f32 to vector<16x2048xf32>
    %sub3A_2405 = arith.subf %get3A_1677, %sub3A_2404 : vector<16x2048xf32>
    %abs3A_2406 = math.absf %sub3A_2405 : vector<16x2048xf32>
    %add3A_2407 = arith.addf %abs3A_2403, %abs3A_2406 : vector<16x2048xf32>
    %sub3A_2408 = vector.broadcast %abs3A : f32 to vector<16x2048xf32>
    %sub3A_2409 = arith.subf %sub3A_2408, %add3A_2407 : vector<16x2048xf32>
    %abs3A_2410 = math.absf %sub3A_2409 : vector<16x2048xf32>
    %sub3A_2411 = arith.subf %abs3A_2410, %add3A_2407 : vector<16x2048xf32>
    %add3A_2412 = arith.constant 1.000000e+00 : f32
    %add3A_2413 = vector.broadcast %add3A_2412 : f32 to vector<16x2048xf32>
    %add3A_2414 = arith.addf %add3A_2413, %add3A_2407 : vector<16x2048xf32>
    %add3A_2415 = arith.constant 1.000000e+00 : f32
    %add3A_2416 = vector.broadcast %add3A_2415 : f32 to vector<16x2048xf32>
    %add3A_2417 = arith.addf %add3A_2416, %abs3A_2410 : vector<16x2048xf32>
    %mul3A_2418 = arith.mulf %add3A_2414, %add3A_2417 : vector<16x2048xf32>
    %div3A_2419 = arith.divf %sub3A_2411, %mul3A_2418 : vector<16x2048xf32>
    %reduce_sum3A_2420 = arith.constant dense<0.000000e+00> : vector<16xf32>
    %reduce_sum3A_2421 = vector.multi_reduction <add>, %div3A_2419, %reduce_sum3A_2420 [1] : vector<16x2048xf32> to vector<16xf32>
    %sub3A_2422 = vector.broadcast %get3A_2397 : f32 to vector<16x1024xf32>
    %sub3A_2423 = arith.subf %get3A_1680, %sub3A_2422 : vector<16x1024xf32>
    %abs3A_2424 = math.absf %sub3A_2423 : vector<16x1024xf32>
    %sub3A_2425 = arith.constant 1.000000e+00 : f32
    %sub3A_2426 = arith.subf %sub3A_2425, %get3A_2400 : f32
    %sub3A_2427 = vector.broadcast %sub3A_2426 : f32 to vector<16x1024xf32>
    %sub3A_2428 = arith.subf %get3A_1680, %sub3A_2427 : vector<16x1024xf32>
    %abs3A_2429 = math.absf %sub3A_2428 : vector<16x1024xf32>
    %add3A_2430 = arith.addf %abs3A_2424, %abs3A_2429 : vector<16x1024xf32>
    %sub3A_2431 = vector.broadcast %abs3A : f32 to vector<16x1024xf32>
    %sub3A_2432 = arith.subf %sub3A_2431, %add3A_2430 : vector<16x1024xf32>
    %abs3A_2433 = math.absf %sub3A_2432 : vector<16x1024xf32>
    %sub3A_2434 = arith.subf %abs3A_2433, %add3A_2430 : vector<16x1024xf32>
    %add3A_2435 = arith.constant 1.000000e+00 : f32
    %add3A_2436 = vector.broadcast %add3A_2435 : f32 to vector<16x1024xf32>
    %add3A_2437 = arith.addf %add3A_2436, %add3A_2430 : vector<16x1024xf32>
    %add3A_2438 = arith.constant 1.000000e+00 : f32
    %add3A_2439 = vector.broadcast %add3A_2438 : f32 to vector<16x1024xf32>
    %add3A_2440 = arith.addf %add3A_2439, %abs3A_2433 : vector<16x1024xf32>
    %mul3A_2441 = arith.mulf %add3A_2437, %add3A_2440 : vector<16x1024xf32>
    %div3A_2442 = arith.divf %sub3A_2434, %mul3A_2441 : vector<16x1024xf32>
    %reduce_sum3A_2443 = arith.constant dense<0.000000e+00> : vector<16xf32>
    %reduce_sum3A_2444 = vector.multi_reduction <add>, %div3A_2442, %reduce_sum3A_2443 [1] : vector<16x1024xf32> to vector<16xf32>
    %add3A_2445 = arith.addf %reduce_sum3A_2421, %reduce_sum3A_2444 : vector<16xf32>
    %get3A_2446 = arith.constant 15 : index
    %get3A_2447 = arith.constant 0 : index
    %get3A_2448 = memref.load %arg6[%get3A_2446, %get3A_2447] : memref<32x2xf32, #tpu.memory_space<smem>>
    %get3A_2449 = arith.constant 15 : index
    %get3A_2450 = arith.constant 1 : index
    %get3A_2451 = memref.load %arg6[%get3A_2449, %get3A_2450] : memref<32x2xf32, #tpu.memory_space<smem>>
    %sub3A_2452 = vector.broadcast %get3A_2448 : f32 to vector<16x2048xf32>
    %sub3A_2453 = arith.subf %get3A_1674, %sub3A_2452 : vector<16x2048xf32>
    %abs3A_2454 = math.absf %sub3A_2453 : vector<16x2048xf32>
    %sub3A_2455 = vector.broadcast %get3A_2451 : f32 to vector<16x2048xf32>
    %sub3A_2456 = arith.subf %get3A_1677, %sub3A_2455 : vector<16x2048xf32>
    %abs3A_2457 = math.absf %sub3A_2456 : vector<16x2048xf32>
    %add3A_2458 = arith.addf %abs3A_2454, %abs3A_2457 : vector<16x2048xf32>
    %sub3A_2459 = vector.broadcast %abs3A : f32 to vector<16x2048xf32>
    %sub3A_2460 = arith.subf %sub3A_2459, %add3A_2458 : vector<16x2048xf32>
    %abs3A_2461 = math.absf %sub3A_2460 : vector<16x2048xf32>
    %sub3A_2462 = arith.subf %abs3A_2461, %add3A_2458 : vector<16x2048xf32>
    %add3A_2463 = arith.constant 1.000000e+00 : f32
    %add3A_2464 = vector.broadcast %add3A_2463 : f32 to vector<16x2048xf32>
    %add3A_2465 = arith.addf %add3A_2464, %add3A_2458 : vector<16x2048xf32>
    %add3A_2466 = arith.constant 1.000000e+00 : f32
    %add3A_2467 = vector.broadcast %add3A_2466 : f32 to vector<16x2048xf32>
    %add3A_2468 = arith.addf %add3A_2467, %abs3A_2461 : vector<16x2048xf32>
    %mul3A_2469 = arith.mulf %add3A_2465, %add3A_2468 : vector<16x2048xf32>
    %div3A_2470 = arith.divf %sub3A_2462, %mul3A_2469 : vector<16x2048xf32>
    %reduce_sum3A_2471 = arith.constant dense<0.000000e+00> : vector<16xf32>
    %reduce_sum3A_2472 = vector.multi_reduction <add>, %div3A_2470, %reduce_sum3A_2471 [1] : vector<16x2048xf32> to vector<16xf32>
    %sub3A_2473 = vector.broadcast %get3A_2448 : f32 to vector<16x1024xf32>
    %sub3A_2474 = arith.subf %get3A_1680, %sub3A_2473 : vector<16x1024xf32>
    %abs3A_2475 = math.absf %sub3A_2474 : vector<16x1024xf32>
    %sub3A_2476 = arith.constant 1.000000e+00 : f32
    %sub3A_2477 = arith.subf %sub3A_2476, %get3A_2451 : f32
    %sub3A_2478 = vector.broadcast %sub3A_2477 : f32 to vector<16x1024xf32>
    %sub3A_2479 = arith.subf %get3A_1680, %sub3A_2478 : vector<16x1024xf32>
    %abs3A_2480 = math.absf %sub3A_2479 : vector<16x1024xf32>
    %add3A_2481 = arith.addf %abs3A_2475, %abs3A_2480 : vector<16x1024xf32>
    %sub3A_2482 = vector.broadcast %abs3A : f32 to vector<16x1024xf32>
    %sub3A_2483 = arith.subf %sub3A_2482, %add3A_2481 : vector<16x1024xf32>
    %abs3A_2484 = math.absf %sub3A_2483 : vector<16x1024xf32>
    %sub3A_2485 = arith.subf %abs3A_2484, %add3A_2481 : vector<16x1024xf32>
    %add3A_2486 = arith.constant 1.000000e+00 : f32
    %add3A_2487 = vector.broadcast %add3A_2486 : f32 to vector<16x1024xf32>
    %add3A_2488 = arith.addf %add3A_2487, %add3A_2481 : vector<16x1024xf32>
    %add3A_2489 = arith.constant 1.000000e+00 : f32
    %add3A_2490 = vector.broadcast %add3A_2489 : f32 to vector<16x1024xf32>
    %add3A_2491 = arith.addf %add3A_2490, %abs3A_2484 : vector<16x1024xf32>
    %mul3A_2492 = arith.mulf %add3A_2488, %add3A_2491 : vector<16x1024xf32>
    %div3A_2493 = arith.divf %sub3A_2485, %mul3A_2492 : vector<16x1024xf32>
    %reduce_sum3A_2494 = arith.constant dense<0.000000e+00> : vector<16xf32>
    %reduce_sum3A_2495 = vector.multi_reduction <add>, %div3A_2493, %reduce_sum3A_2494 [1] : vector<16x1024xf32> to vector<16xf32>
    %add3A_2496 = arith.addf %reduce_sum3A_2472, %reduce_sum3A_2495 : vector<16xf32>
    %get3A_2497 = arith.constant 16 : index
    %get3A_2498 = arith.constant 0 : index
    %get3A_2499 = memref.load %arg6[%get3A_2497, %get3A_2498] : memref<32x2xf32, #tpu.memory_space<smem>>
    %get3A_2500 = arith.constant 16 : index
    %get3A_2501 = arith.constant 1 : index
    %get3A_2502 = memref.load %arg6[%get3A_2500, %get3A_2501] : memref<32x2xf32, #tpu.memory_space<smem>>
    %sub3A_2503 = vector.broadcast %get3A_2499 : f32 to vector<16x2048xf32>
    %sub3A_2504 = arith.subf %get3A_1674, %sub3A_2503 : vector<16x2048xf32>
    %abs3A_2505 = math.absf %sub3A_2504 : vector<16x2048xf32>
    %sub3A_2506 = vector.broadcast %get3A_2502 : f32 to vector<16x2048xf32>
    %sub3A_2507 = arith.subf %get3A_1677, %sub3A_2506 : vector<16x2048xf32>
    %abs3A_2508 = math.absf %sub3A_2507 : vector<16x2048xf32>
    %add3A_2509 = arith.addf %abs3A_2505, %abs3A_2508 : vector<16x2048xf32>
    %sub3A_2510 = vector.broadcast %abs3A : f32 to vector<16x2048xf32>
    %sub3A_2511 = arith.subf %sub3A_2510, %add3A_2509 : vector<16x2048xf32>
    %abs3A_2512 = math.absf %sub3A_2511 : vector<16x2048xf32>
    %sub3A_2513 = arith.subf %abs3A_2512, %add3A_2509 : vector<16x2048xf32>
    %add3A_2514 = arith.constant 1.000000e+00 : f32
    %add3A_2515 = vector.broadcast %add3A_2514 : f32 to vector<16x2048xf32>
    %add3A_2516 = arith.addf %add3A_2515, %add3A_2509 : vector<16x2048xf32>
    %add3A_2517 = arith.constant 1.000000e+00 : f32
    %add3A_2518 = vector.broadcast %add3A_2517 : f32 to vector<16x2048xf32>
    %add3A_2519 = arith.addf %add3A_2518, %abs3A_2512 : vector<16x2048xf32>
    %mul3A_2520 = arith.mulf %add3A_2516, %add3A_2519 : vector<16x2048xf32>
    %div3A_2521 = arith.divf %sub3A_2513, %mul3A_2520 : vector<16x2048xf32>
    %reduce_sum3A_2522 = arith.constant dense<0.000000e+00> : vector<16xf32>
    %reduce_sum3A_2523 = vector.multi_reduction <add>, %div3A_2521, %reduce_sum3A_2522 [1] : vector<16x2048xf32> to vector<16xf32>
    %sub3A_2524 = vector.broadcast %get3A_2499 : f32 to vector<16x1024xf32>
    %sub3A_2525 = arith.subf %get3A_1680, %sub3A_2524 : vector<16x1024xf32>
    %abs3A_2526 = math.absf %sub3A_2525 : vector<16x1024xf32>
    %sub3A_2527 = arith.constant 1.000000e+00 : f32
    %sub3A_2528 = arith.subf %sub3A_2527, %get3A_2502 : f32
    %sub3A_2529 = vector.broadcast %sub3A_2528 : f32 to vector<16x1024xf32>
    %sub3A_2530 = arith.subf %get3A_1680, %sub3A_2529 : vector<16x1024xf32>
    %abs3A_2531 = math.absf %sub3A_2530 : vector<16x1024xf32>
    %add3A_2532 = arith.addf %abs3A_2526, %abs3A_2531 : vector<16x1024xf32>
    %sub3A_2533 = vector.broadcast %abs3A : f32 to vector<16x1024xf32>
    %sub3A_2534 = arith.subf %sub3A_2533, %add3A_2532 : vector<16x1024xf32>
    %abs3A_2535 = math.absf %sub3A_2534 : vector<16x1024xf32>
    %sub3A_2536 = arith.subf %abs3A_2535, %add3A_2532 : vector<16x1024xf32>
    %add3A_2537 = arith.constant 1.000000e+00 : f32
    %add3A_2538 = vector.broadcast %add3A_2537 : f32 to vector<16x1024xf32>
    %add3A_2539 = arith.addf %add3A_2538, %add3A_2532 : vector<16x1024xf32>
    %add3A_2540 = arith.constant 1.000000e+00 : f32
    %add3A_2541 = vector.broadcast %add3A_2540 : f32 to vector<16x1024xf32>
    %add3A_2542 = arith.addf %add3A_2541, %abs3A_2535 : vector<16x1024xf32>
    %mul3A_2543 = arith.mulf %add3A_2539, %add3A_2542 : vector<16x1024xf32>
    %div3A_2544 = arith.divf %sub3A_2536, %mul3A_2543 : vector<16x1024xf32>
    %reduce_sum3A_2545 = arith.constant dense<0.000000e+00> : vector<16xf32>
    %reduce_sum3A_2546 = vector.multi_reduction <add>, %div3A_2544, %reduce_sum3A_2545 [1] : vector<16x1024xf32> to vector<16xf32>
    %add3A_2547 = arith.addf %reduce_sum3A_2523, %reduce_sum3A_2546 : vector<16xf32>
    %get3A_2548 = arith.constant 17 : index
    %get3A_2549 = arith.constant 0 : index
    %get3A_2550 = memref.load %arg6[%get3A_2548, %get3A_2549] : memref<32x2xf32, #tpu.memory_space<smem>>
    %get3A_2551 = arith.constant 17 : index
    %get3A_2552 = arith.constant 1 : index
    %get3A_2553 = memref.load %arg6[%get3A_2551, %get3A_2552] : memref<32x2xf32, #tpu.memory_space<smem>>
    %sub3A_2554 = vector.broadcast %get3A_2550 : f32 to vector<16x2048xf32>
    %sub3A_2555 = arith.subf %get3A_1674, %sub3A_2554 : vector<16x2048xf32>
    %abs3A_2556 = math.absf %sub3A_2555 : vector<16x2048xf32>
    %sub3A_2557 = vector.broadcast %get3A_2553 : f32 to vector<16x2048xf32>
    %sub3A_2558 = arith.subf %get3A_1677, %sub3A_2557 : vector<16x2048xf32>
    %abs3A_2559 = math.absf %sub3A_2558 : vector<16x2048xf32>
    %add3A_2560 = arith.addf %abs3A_2556, %abs3A_2559 : vector<16x2048xf32>
    %sub3A_2561 = vector.broadcast %abs3A : f32 to vector<16x2048xf32>
    %sub3A_2562 = arith.subf %sub3A_2561, %add3A_2560 : vector<16x2048xf32>
    %abs3A_2563 = math.absf %sub3A_2562 : vector<16x2048xf32>
    %sub3A_2564 = arith.subf %abs3A_2563, %add3A_2560 : vector<16x2048xf32>
    %add3A_2565 = arith.constant 1.000000e+00 : f32
    %add3A_2566 = vector.broadcast %add3A_2565 : f32 to vector<16x2048xf32>
    %add3A_2567 = arith.addf %add3A_2566, %add3A_2560 : vector<16x2048xf32>
    %add3A_2568 = arith.constant 1.000000e+00 : f32
    %add3A_2569 = vector.broadcast %add3A_2568 : f32 to vector<16x2048xf32>
    %add3A_2570 = arith.addf %add3A_2569, %abs3A_2563 : vector<16x2048xf32>
    %mul3A_2571 = arith.mulf %add3A_2567, %add3A_2570 : vector<16x2048xf32>
    %div3A_2572 = arith.divf %sub3A_2564, %mul3A_2571 : vector<16x2048xf32>
    %reduce_sum3A_2573 = arith.constant dense<0.000000e+00> : vector<16xf32>
    %reduce_sum3A_2574 = vector.multi_reduction <add>, %div3A_2572, %reduce_sum3A_2573 [1] : vector<16x2048xf32> to vector<16xf32>
    %sub3A_2575 = vector.broadcast %get3A_2550 : f32 to vector<16x1024xf32>
    %sub3A_2576 = arith.subf %get3A_1680, %sub3A_2575 : vector<16x1024xf32>
    %abs3A_2577 = math.absf %sub3A_2576 : vector<16x1024xf32>
    %sub3A_2578 = arith.constant 1.000000e+00 : f32
    %sub3A_2579 = arith.subf %sub3A_2578, %get3A_2553 : f32
    %sub3A_2580 = vector.broadcast %sub3A_2579 : f32 to vector<16x1024xf32>
    %sub3A_2581 = arith.subf %get3A_1680, %sub3A_2580 : vector<16x1024xf32>
    %abs3A_2582 = math.absf %sub3A_2581 : vector<16x1024xf32>
    %add3A_2583 = arith.addf %abs3A_2577, %abs3A_2582 : vector<16x1024xf32>
    %sub3A_2584 = vector.broadcast %abs3A : f32 to vector<16x1024xf32>
    %sub3A_2585 = arith.subf %sub3A_2584, %add3A_2583 : vector<16x1024xf32>
    %abs3A_2586 = math.absf %sub3A_2585 : vector<16x1024xf32>
    %sub3A_2587 = arith.subf %abs3A_2586, %add3A_2583 : vector<16x1024xf32>
    %add3A_2588 = arith.constant 1.000000e+00 : f32
    %add3A_2589 = vector.broadcast %add3A_2588 : f32 to vector<16x1024xf32>
    %add3A_2590 = arith.addf %add3A_2589, %add3A_2583 : vector<16x1024xf32>
    %add3A_2591 = arith.constant 1.000000e+00 : f32
    %add3A_2592 = vector.broadcast %add3A_2591 : f32 to vector<16x1024xf32>
    %add3A_2593 = arith.addf %add3A_2592, %abs3A_2586 : vector<16x1024xf32>
    %mul3A_2594 = arith.mulf %add3A_2590, %add3A_2593 : vector<16x1024xf32>
    %div3A_2595 = arith.divf %sub3A_2587, %mul3A_2594 : vector<16x1024xf32>
    %reduce_sum3A_2596 = arith.constant dense<0.000000e+00> : vector<16xf32>
    %reduce_sum3A_2597 = vector.multi_reduction <add>, %div3A_2595, %reduce_sum3A_2596 [1] : vector<16x1024xf32> to vector<16xf32>
    %add3A_2598 = arith.addf %reduce_sum3A_2574, %reduce_sum3A_2597 : vector<16xf32>
    %get3A_2599 = arith.constant 18 : index
    %get3A_2600 = arith.constant 0 : index
    %get3A_2601 = memref.load %arg6[%get3A_2599, %get3A_2600] : memref<32x2xf32, #tpu.memory_space<smem>>
    %get3A_2602 = arith.constant 18 : index
    %get3A_2603 = arith.constant 1 : index
    %get3A_2604 = memref.load %arg6[%get3A_2602, %get3A_2603] : memref<32x2xf32, #tpu.memory_space<smem>>
    %sub3A_2605 = vector.broadcast %get3A_2601 : f32 to vector<16x2048xf32>
    %sub3A_2606 = arith.subf %get3A_1674, %sub3A_2605 : vector<16x2048xf32>
    %abs3A_2607 = math.absf %sub3A_2606 : vector<16x2048xf32>
    %sub3A_2608 = vector.broadcast %get3A_2604 : f32 to vector<16x2048xf32>
    %sub3A_2609 = arith.subf %get3A_1677, %sub3A_2608 : vector<16x2048xf32>
    %abs3A_2610 = math.absf %sub3A_2609 : vector<16x2048xf32>
    %add3A_2611 = arith.addf %abs3A_2607, %abs3A_2610 : vector<16x2048xf32>
    %sub3A_2612 = vector.broadcast %abs3A : f32 to vector<16x2048xf32>
    %sub3A_2613 = arith.subf %sub3A_2612, %add3A_2611 : vector<16x2048xf32>
    %abs3A_2614 = math.absf %sub3A_2613 : vector<16x2048xf32>
    %sub3A_2615 = arith.subf %abs3A_2614, %add3A_2611 : vector<16x2048xf32>
    %add3A_2616 = arith.constant 1.000000e+00 : f32
    %add3A_2617 = vector.broadcast %add3A_2616 : f32 to vector<16x2048xf32>
    %add3A_2618 = arith.addf %add3A_2617, %add3A_2611 : vector<16x2048xf32>
    %add3A_2619 = arith.constant 1.000000e+00 : f32
    %add3A_2620 = vector.broadcast %add3A_2619 : f32 to vector<16x2048xf32>
    %add3A_2621 = arith.addf %add3A_2620, %abs3A_2614 : vector<16x2048xf32>
    %mul3A_2622 = arith.mulf %add3A_2618, %add3A_2621 : vector<16x2048xf32>
    %div3A_2623 = arith.divf %sub3A_2615, %mul3A_2622 : vector<16x2048xf32>
    %reduce_sum3A_2624 = arith.constant dense<0.000000e+00> : vector<16xf32>
    %reduce_sum3A_2625 = vector.multi_reduction <add>, %div3A_2623, %reduce_sum3A_2624 [1] : vector<16x2048xf32> to vector<16xf32>
    %sub3A_2626 = vector.broadcast %get3A_2601 : f32 to vector<16x1024xf32>
    %sub3A_2627 = arith.subf %get3A_1680, %sub3A_2626 : vector<16x1024xf32>
    %abs3A_2628 = math.absf %sub3A_2627 : vector<16x1024xf32>
    %sub3A_2629 = arith.constant 1.000000e+00 : f32
    %sub3A_2630 = arith.subf %sub3A_2629, %get3A_2604 : f32
    %sub3A_2631 = vector.broadcast %sub3A_2630 : f32 to vector<16x1024xf32>
    %sub3A_2632 = arith.subf %get3A_1680, %sub3A_2631 : vector<16x1024xf32>
    %abs3A_2633 = math.absf %sub3A_2632 : vector<16x1024xf32>
    %add3A_2634 = arith.addf %abs3A_2628, %abs3A_2633 : vector<16x1024xf32>
    %sub3A_2635 = vector.broadcast %abs3A : f32 to vector<16x1024xf32>
    %sub3A_2636 = arith.subf %sub3A_2635, %add3A_2634 : vector<16x1024xf32>
    %abs3A_2637 = math.absf %sub3A_2636 : vector<16x1024xf32>
    %sub3A_2638 = arith.subf %abs3A_2637, %add3A_2634 : vector<16x1024xf32>
    %add3A_2639 = arith.constant 1.000000e+00 : f32
    %add3A_2640 = vector.broadcast %add3A_2639 : f32 to vector<16x1024xf32>
    %add3A_2641 = arith.addf %add3A_2640, %add3A_2634 : vector<16x1024xf32>
    %add3A_2642 = arith.constant 1.000000e+00 : f32
    %add3A_2643 = vector.broadcast %add3A_2642 : f32 to vector<16x1024xf32>
    %add3A_2644 = arith.addf %add3A_2643, %abs3A_2637 : vector<16x1024xf32>
    %mul3A_2645 = arith.mulf %add3A_2641, %add3A_2644 : vector<16x1024xf32>
    %div3A_2646 = arith.divf %sub3A_2638, %mul3A_2645 : vector<16x1024xf32>
    %reduce_sum3A_2647 = arith.constant dense<0.000000e+00> : vector<16xf32>
    %reduce_sum3A_2648 = vector.multi_reduction <add>, %div3A_2646, %reduce_sum3A_2647 [1] : vector<16x1024xf32> to vector<16xf32>
    %add3A_2649 = arith.addf %reduce_sum3A_2625, %reduce_sum3A_2648 : vector<16xf32>
    %get3A_2650 = arith.constant 19 : index
    %get3A_2651 = arith.constant 0 : index
    %get3A_2652 = memref.load %arg6[%get3A_2650, %get3A_2651] : memref<32x2xf32, #tpu.memory_space<smem>>
    %get3A_2653 = arith.constant 19 : index
    %get3A_2654 = arith.constant 1 : index
    %get3A_2655 = memref.load %arg6[%get3A_2653, %get3A_2654] : memref<32x2xf32, #tpu.memory_space<smem>>
    %sub3A_2656 = vector.broadcast %get3A_2652 : f32 to vector<16x2048xf32>
    %sub3A_2657 = arith.subf %get3A_1674, %sub3A_2656 : vector<16x2048xf32>
    %abs3A_2658 = math.absf %sub3A_2657 : vector<16x2048xf32>
    %sub3A_2659 = vector.broadcast %get3A_2655 : f32 to vector<16x2048xf32>
    %sub3A_2660 = arith.subf %get3A_1677, %sub3A_2659 : vector<16x2048xf32>
    %abs3A_2661 = math.absf %sub3A_2660 : vector<16x2048xf32>
    %add3A_2662 = arith.addf %abs3A_2658, %abs3A_2661 : vector<16x2048xf32>
    %sub3A_2663 = vector.broadcast %abs3A : f32 to vector<16x2048xf32>
    %sub3A_2664 = arith.subf %sub3A_2663, %add3A_2662 : vector<16x2048xf32>
    %abs3A_2665 = math.absf %sub3A_2664 : vector<16x2048xf32>
    %sub3A_2666 = arith.subf %abs3A_2665, %add3A_2662 : vector<16x2048xf32>
    %add3A_2667 = arith.constant 1.000000e+00 : f32
    %add3A_2668 = vector.broadcast %add3A_2667 : f32 to vector<16x2048xf32>
    %add3A_2669 = arith.addf %add3A_2668, %add3A_2662 : vector<16x2048xf32>
    %add3A_2670 = arith.constant 1.000000e+00 : f32
    %add3A_2671 = vector.broadcast %add3A_2670 : f32 to vector<16x2048xf32>
    %add3A_2672 = arith.addf %add3A_2671, %abs3A_2665 : vector<16x2048xf32>
    %mul3A_2673 = arith.mulf %add3A_2669, %add3A_2672 : vector<16x2048xf32>
    %div3A_2674 = arith.divf %sub3A_2666, %mul3A_2673 : vector<16x2048xf32>
    %reduce_sum3A_2675 = arith.constant dense<0.000000e+00> : vector<16xf32>
    %reduce_sum3A_2676 = vector.multi_reduction <add>, %div3A_2674, %reduce_sum3A_2675 [1] : vector<16x2048xf32> to vector<16xf32>
    %sub3A_2677 = vector.broadcast %get3A_2652 : f32 to vector<16x1024xf32>
    %sub3A_2678 = arith.subf %get3A_1680, %sub3A_2677 : vector<16x1024xf32>
    %abs3A_2679 = math.absf %sub3A_2678 : vector<16x1024xf32>
    %sub3A_2680 = arith.constant 1.000000e+00 : f32
    %sub3A_2681 = arith.subf %sub3A_2680, %get3A_2655 : f32
    %sub3A_2682 = vector.broadcast %sub3A_2681 : f32 to vector<16x1024xf32>
    %sub3A_2683 = arith.subf %get3A_1680, %sub3A_2682 : vector<16x1024xf32>
    %abs3A_2684 = math.absf %sub3A_2683 : vector<16x1024xf32>
    %add3A_2685 = arith.addf %abs3A_2679, %abs3A_2684 : vector<16x1024xf32>
    %sub3A_2686 = vector.broadcast %abs3A : f32 to vector<16x1024xf32>
    %sub3A_2687 = arith.subf %sub3A_2686, %add3A_2685 : vector<16x1024xf32>
    %abs3A_2688 = math.absf %sub3A_2687 : vector<16x1024xf32>
    %sub3A_2689 = arith.subf %abs3A_2688, %add3A_2685 : vector<16x1024xf32>
    %add3A_2690 = arith.constant 1.000000e+00 : f32
    %add3A_2691 = vector.broadcast %add3A_2690 : f32 to vector<16x1024xf32>
    %add3A_2692 = arith.addf %add3A_2691, %add3A_2685 : vector<16x1024xf32>
    %add3A_2693 = arith.constant 1.000000e+00 : f32
    %add3A_2694 = vector.broadcast %add3A_2693 : f32 to vector<16x1024xf32>
    %add3A_2695 = arith.addf %add3A_2694, %abs3A_2688 : vector<16x1024xf32>
    %mul3A_2696 = arith.mulf %add3A_2692, %add3A_2695 : vector<16x1024xf32>
    %div3A_2697 = arith.divf %sub3A_2689, %mul3A_2696 : vector<16x1024xf32>
    %reduce_sum3A_2698 = arith.constant dense<0.000000e+00> : vector<16xf32>
    %reduce_sum3A_2699 = vector.multi_reduction <add>, %div3A_2697, %reduce_sum3A_2698 [1] : vector<16x1024xf32> to vector<16xf32>
    %add3A_2700 = arith.addf %reduce_sum3A_2676, %reduce_sum3A_2699 : vector<16xf32>
    %get3A_2701 = arith.constant 20 : index
    %get3A_2702 = arith.constant 0 : index
    %get3A_2703 = memref.load %arg6[%get3A_2701, %get3A_2702] : memref<32x2xf32, #tpu.memory_space<smem>>
    %get3A_2704 = arith.constant 20 : index
    %get3A_2705 = arith.constant 1 : index
    %get3A_2706 = memref.load %arg6[%get3A_2704, %get3A_2705] : memref<32x2xf32, #tpu.memory_space<smem>>
    %sub3A_2707 = vector.broadcast %get3A_2703 : f32 to vector<16x2048xf32>
    %sub3A_2708 = arith.subf %get3A_1674, %sub3A_2707 : vector<16x2048xf32>
    %abs3A_2709 = math.absf %sub3A_2708 : vector<16x2048xf32>
    %sub3A_2710 = vector.broadcast %get3A_2706 : f32 to vector<16x2048xf32>
    %sub3A_2711 = arith.subf %get3A_1677, %sub3A_2710 : vector<16x2048xf32>
    %abs3A_2712 = math.absf %sub3A_2711 : vector<16x2048xf32>
    %add3A_2713 = arith.addf %abs3A_2709, %abs3A_2712 : vector<16x2048xf32>
    %sub3A_2714 = vector.broadcast %abs3A : f32 to vector<16x2048xf32>
    %sub3A_2715 = arith.subf %sub3A_2714, %add3A_2713 : vector<16x2048xf32>
    %abs3A_2716 = math.absf %sub3A_2715 : vector<16x2048xf32>
    %sub3A_2717 = arith.subf %abs3A_2716, %add3A_2713 : vector<16x2048xf32>
    %add3A_2718 = arith.constant 1.000000e+00 : f32
    %add3A_2719 = vector.broadcast %add3A_2718 : f32 to vector<16x2048xf32>
    %add3A_2720 = arith.addf %add3A_2719, %add3A_2713 : vector<16x2048xf32>
    %add3A_2721 = arith.constant 1.000000e+00 : f32
    %add3A_2722 = vector.broadcast %add3A_2721 : f32 to vector<16x2048xf32>
    %add3A_2723 = arith.addf %add3A_2722, %abs3A_2716 : vector<16x2048xf32>
    %mul3A_2724 = arith.mulf %add3A_2720, %add3A_2723 : vector<16x2048xf32>
    %div3A_2725 = arith.divf %sub3A_2717, %mul3A_2724 : vector<16x2048xf32>
    %reduce_sum3A_2726 = arith.constant dense<0.000000e+00> : vector<16xf32>
    %reduce_sum3A_2727 = vector.multi_reduction <add>, %div3A_2725, %reduce_sum3A_2726 [1] : vector<16x2048xf32> to vector<16xf32>
    %sub3A_2728 = vector.broadcast %get3A_2703 : f32 to vector<16x1024xf32>
    %sub3A_2729 = arith.subf %get3A_1680, %sub3A_2728 : vector<16x1024xf32>
    %abs3A_2730 = math.absf %sub3A_2729 : vector<16x1024xf32>
    %sub3A_2731 = arith.constant 1.000000e+00 : f32
    %sub3A_2732 = arith.subf %sub3A_2731, %get3A_2706 : f32
    %sub3A_2733 = vector.broadcast %sub3A_2732 : f32 to vector<16x1024xf32>
    %sub3A_2734 = arith.subf %get3A_1680, %sub3A_2733 : vector<16x1024xf32>
    %abs3A_2735 = math.absf %sub3A_2734 : vector<16x1024xf32>
    %add3A_2736 = arith.addf %abs3A_2730, %abs3A_2735 : vector<16x1024xf32>
    %sub3A_2737 = vector.broadcast %abs3A : f32 to vector<16x1024xf32>
    %sub3A_2738 = arith.subf %sub3A_2737, %add3A_2736 : vector<16x1024xf32>
    %abs3A_2739 = math.absf %sub3A_2738 : vector<16x1024xf32>
    %sub3A_2740 = arith.subf %abs3A_2739, %add3A_2736 : vector<16x1024xf32>
    %add3A_2741 = arith.constant 1.000000e+00 : f32
    %add3A_2742 = vector.broadcast %add3A_2741 : f32 to vector<16x1024xf32>
    %add3A_2743 = arith.addf %add3A_2742, %add3A_2736 : vector<16x1024xf32>
    %add3A_2744 = arith.constant 1.000000e+00 : f32
    %add3A_2745 = vector.broadcast %add3A_2744 : f32 to vector<16x1024xf32>
    %add3A_2746 = arith.addf %add3A_2745, %abs3A_2739 : vector<16x1024xf32>
    %mul3A_2747 = arith.mulf %add3A_2743, %add3A_2746 : vector<16x1024xf32>
    %div3A_2748 = arith.divf %sub3A_2740, %mul3A_2747 : vector<16x1024xf32>
    %reduce_sum3A_2749 = arith.constant dense<0.000000e+00> : vector<16xf32>
    %reduce_sum3A_2750 = vector.multi_reduction <add>, %div3A_2748, %reduce_sum3A_2749 [1] : vector<16x1024xf32> to vector<16xf32>
    %add3A_2751 = arith.addf %reduce_sum3A_2727, %reduce_sum3A_2750 : vector<16xf32>
    %get3A_2752 = arith.constant 21 : index
    %get3A_2753 = arith.constant 0 : index
    %get3A_2754 = memref.load %arg6[%get3A_2752, %get3A_2753] : memref<32x2xf32, #tpu.memory_space<smem>>
    %get3A_2755 = arith.constant 21 : index
    %get3A_2756 = arith.constant 1 : index
    %get3A_2757 = memref.load %arg6[%get3A_2755, %get3A_2756] : memref<32x2xf32, #tpu.memory_space<smem>>
    %sub3A_2758 = vector.broadcast %get3A_2754 : f32 to vector<16x2048xf32>
    %sub3A_2759 = arith.subf %get3A_1674, %sub3A_2758 : vector<16x2048xf32>
    %abs3A_2760 = math.absf %sub3A_2759 : vector<16x2048xf32>
    %sub3A_2761 = vector.broadcast %get3A_2757 : f32 to vector<16x2048xf32>
    %sub3A_2762 = arith.subf %get3A_1677, %sub3A_2761 : vector<16x2048xf32>
    %abs3A_2763 = math.absf %sub3A_2762 : vector<16x2048xf32>
    %add3A_2764 = arith.addf %abs3A_2760, %abs3A_2763 : vector<16x2048xf32>
    %sub3A_2765 = vector.broadcast %abs3A : f32 to vector<16x2048xf32>
    %sub3A_2766 = arith.subf %sub3A_2765, %add3A_2764 : vector<16x2048xf32>
    %abs3A_2767 = math.absf %sub3A_2766 : vector<16x2048xf32>
    %sub3A_2768 = arith.subf %abs3A_2767, %add3A_2764 : vector<16x2048xf32>
    %add3A_2769 = arith.constant 1.000000e+00 : f32
    %add3A_2770 = vector.broadcast %add3A_2769 : f32 to vector<16x2048xf32>
    %add3A_2771 = arith.addf %add3A_2770, %add3A_2764 : vector<16x2048xf32>
    %add3A_2772 = arith.constant 1.000000e+00 : f32
    %add3A_2773 = vector.broadcast %add3A_2772 : f32 to vector<16x2048xf32>
    %add3A_2774 = arith.addf %add3A_2773, %abs3A_2767 : vector<16x2048xf32>
    %mul3A_2775 = arith.mulf %add3A_2771, %add3A_2774 : vector<16x2048xf32>
    %div3A_2776 = arith.divf %sub3A_2768, %mul3A_2775 : vector<16x2048xf32>
    %reduce_sum3A_2777 = arith.constant dense<0.000000e+00> : vector<16xf32>
    %reduce_sum3A_2778 = vector.multi_reduction <add>, %div3A_2776, %reduce_sum3A_2777 [1] : vector<16x2048xf32> to vector<16xf32>
    %sub3A_2779 = vector.broadcast %get3A_2754 : f32 to vector<16x1024xf32>
    %sub3A_2780 = arith.subf %get3A_1680, %sub3A_2779 : vector<16x1024xf32>
    %abs3A_2781 = math.absf %sub3A_2780 : vector<16x1024xf32>
    %sub3A_2782 = arith.constant 1.000000e+00 : f32
    %sub3A_2783 = arith.subf %sub3A_2782, %get3A_2757 : f32
    %sub3A_2784 = vector.broadcast %sub3A_2783 : f32 to vector<16x1024xf32>
    %sub3A_2785 = arith.subf %get3A_1680, %sub3A_2784 : vector<16x1024xf32>
    %abs3A_2786 = math.absf %sub3A_2785 : vector<16x1024xf32>
    %add3A_2787 = arith.addf %abs3A_2781, %abs3A_2786 : vector<16x1024xf32>
    %sub3A_2788 = vector.broadcast %abs3A : f32 to vector<16x1024xf32>
    %sub3A_2789 = arith.subf %sub3A_2788, %add3A_2787 : vector<16x1024xf32>
    %abs3A_2790 = math.absf %sub3A_2789 : vector<16x1024xf32>
    %sub3A_2791 = arith.subf %abs3A_2790, %add3A_2787 : vector<16x1024xf32>
    %add3A_2792 = arith.constant 1.000000e+00 : f32
    %add3A_2793 = vector.broadcast %add3A_2792 : f32 to vector<16x1024xf32>
    %add3A_2794 = arith.addf %add3A_2793, %add3A_2787 : vector<16x1024xf32>
    %add3A_2795 = arith.constant 1.000000e+00 : f32
    %add3A_2796 = vector.broadcast %add3A_2795 : f32 to vector<16x1024xf32>
    %add3A_2797 = arith.addf %add3A_2796, %abs3A_2790 : vector<16x1024xf32>
    %mul3A_2798 = arith.mulf %add3A_2794, %add3A_2797 : vector<16x1024xf32>
    %div3A_2799 = arith.divf %sub3A_2791, %mul3A_2798 : vector<16x1024xf32>
    %reduce_sum3A_2800 = arith.constant dense<0.000000e+00> : vector<16xf32>
    %reduce_sum3A_2801 = vector.multi_reduction <add>, %div3A_2799, %reduce_sum3A_2800 [1] : vector<16x1024xf32> to vector<16xf32>
    %add3A_2802 = arith.addf %reduce_sum3A_2778, %reduce_sum3A_2801 : vector<16xf32>
    %get3A_2803 = arith.constant 22 : index
    %get3A_2804 = arith.constant 0 : index
    %get3A_2805 = memref.load %arg6[%get3A_2803, %get3A_2804] : memref<32x2xf32, #tpu.memory_space<smem>>
    %get3A_2806 = arith.constant 22 : index
    %get3A_2807 = arith.constant 1 : index
    %get3A_2808 = memref.load %arg6[%get3A_2806, %get3A_2807] : memref<32x2xf32, #tpu.memory_space<smem>>
    %sub3A_2809 = vector.broadcast %get3A_2805 : f32 to vector<16x2048xf32>
    %sub3A_2810 = arith.subf %get3A_1674, %sub3A_2809 : vector<16x2048xf32>
    %abs3A_2811 = math.absf %sub3A_2810 : vector<16x2048xf32>
    %sub3A_2812 = vector.broadcast %get3A_2808 : f32 to vector<16x2048xf32>
    %sub3A_2813 = arith.subf %get3A_1677, %sub3A_2812 : vector<16x2048xf32>
    %abs3A_2814 = math.absf %sub3A_2813 : vector<16x2048xf32>
    %add3A_2815 = arith.addf %abs3A_2811, %abs3A_2814 : vector<16x2048xf32>
    %sub3A_2816 = vector.broadcast %abs3A : f32 to vector<16x2048xf32>
    %sub3A_2817 = arith.subf %sub3A_2816, %add3A_2815 : vector<16x2048xf32>
    %abs3A_2818 = math.absf %sub3A_2817 : vector<16x2048xf32>
    %sub3A_2819 = arith.subf %abs3A_2818, %add3A_2815 : vector<16x2048xf32>
    %add3A_2820 = arith.constant 1.000000e+00 : f32
    %add3A_2821 = vector.broadcast %add3A_2820 : f32 to vector<16x2048xf32>
    %add3A_2822 = arith.addf %add3A_2821, %add3A_2815 : vector<16x2048xf32>
    %add3A_2823 = arith.constant 1.000000e+00 : f32
    %add3A_2824 = vector.broadcast %add3A_2823 : f32 to vector<16x2048xf32>
    %add3A_2825 = arith.addf %add3A_2824, %abs3A_2818 : vector<16x2048xf32>
    %mul3A_2826 = arith.mulf %add3A_2822, %add3A_2825 : vector<16x2048xf32>
    %div3A_2827 = arith.divf %sub3A_2819, %mul3A_2826 : vector<16x2048xf32>
    %reduce_sum3A_2828 = arith.constant dense<0.000000e+00> : vector<16xf32>
    %reduce_sum3A_2829 = vector.multi_reduction <add>, %div3A_2827, %reduce_sum3A_2828 [1] : vector<16x2048xf32> to vector<16xf32>
    %sub3A_2830 = vector.broadcast %get3A_2805 : f32 to vector<16x1024xf32>
    %sub3A_2831 = arith.subf %get3A_1680, %sub3A_2830 : vector<16x1024xf32>
    %abs3A_2832 = math.absf %sub3A_2831 : vector<16x1024xf32>
    %sub3A_2833 = arith.constant 1.000000e+00 : f32
    %sub3A_2834 = arith.subf %sub3A_2833, %get3A_2808 : f32
    %sub3A_2835 = vector.broadcast %sub3A_2834 : f32 to vector<16x1024xf32>
    %sub3A_2836 = arith.subf %get3A_1680, %sub3A_2835 : vector<16x1024xf32>
    %abs3A_2837 = math.absf %sub3A_2836 : vector<16x1024xf32>
    %add3A_2838 = arith.addf %abs3A_2832, %abs3A_2837 : vector<16x1024xf32>
    %sub3A_2839 = vector.broadcast %abs3A : f32 to vector<16x1024xf32>
    %sub3A_2840 = arith.subf %sub3A_2839, %add3A_2838 : vector<16x1024xf32>
    %abs3A_2841 = math.absf %sub3A_2840 : vector<16x1024xf32>
    %sub3A_2842 = arith.subf %abs3A_2841, %add3A_2838 : vector<16x1024xf32>
    %add3A_2843 = arith.constant 1.000000e+00 : f32
    %add3A_2844 = vector.broadcast %add3A_2843 : f32 to vector<16x1024xf32>
    %add3A_2845 = arith.addf %add3A_2844, %add3A_2838 : vector<16x1024xf32>
    %add3A_2846 = arith.constant 1.000000e+00 : f32
    %add3A_2847 = vector.broadcast %add3A_2846 : f32 to vector<16x1024xf32>
    %add3A_2848 = arith.addf %add3A_2847, %abs3A_2841 : vector<16x1024xf32>
    %mul3A_2849 = arith.mulf %add3A_2845, %add3A_2848 : vector<16x1024xf32>
    %div3A_2850 = arith.divf %sub3A_2842, %mul3A_2849 : vector<16x1024xf32>
    %reduce_sum3A_2851 = arith.constant dense<0.000000e+00> : vector<16xf32>
    %reduce_sum3A_2852 = vector.multi_reduction <add>, %div3A_2850, %reduce_sum3A_2851 [1] : vector<16x1024xf32> to vector<16xf32>
    %add3A_2853 = arith.addf %reduce_sum3A_2829, %reduce_sum3A_2852 : vector<16xf32>
    %get3A_2854 = arith.constant 23 : index
    %get3A_2855 = arith.constant 0 : index
    %get3A_2856 = memref.load %arg6[%get3A_2854, %get3A_2855] : memref<32x2xf32, #tpu.memory_space<smem>>
    %get3A_2857 = arith.constant 23 : index
    %get3A_2858 = arith.constant 1 : index
    %get3A_2859 = memref.load %arg6[%get3A_2857, %get3A_2858] : memref<32x2xf32, #tpu.memory_space<smem>>
    %sub3A_2860 = vector.broadcast %get3A_2856 : f32 to vector<16x2048xf32>
    %sub3A_2861 = arith.subf %get3A_1674, %sub3A_2860 : vector<16x2048xf32>
    %abs3A_2862 = math.absf %sub3A_2861 : vector<16x2048xf32>
    %sub3A_2863 = vector.broadcast %get3A_2859 : f32 to vector<16x2048xf32>
    %sub3A_2864 = arith.subf %get3A_1677, %sub3A_2863 : vector<16x2048xf32>
    %abs3A_2865 = math.absf %sub3A_2864 : vector<16x2048xf32>
    %add3A_2866 = arith.addf %abs3A_2862, %abs3A_2865 : vector<16x2048xf32>
    %sub3A_2867 = vector.broadcast %abs3A : f32 to vector<16x2048xf32>
    %sub3A_2868 = arith.subf %sub3A_2867, %add3A_2866 : vector<16x2048xf32>
    %abs3A_2869 = math.absf %sub3A_2868 : vector<16x2048xf32>
    %sub3A_2870 = arith.subf %abs3A_2869, %add3A_2866 : vector<16x2048xf32>
    %add3A_2871 = arith.constant 1.000000e+00 : f32
    %add3A_2872 = vector.broadcast %add3A_2871 : f32 to vector<16x2048xf32>
    %add3A_2873 = arith.addf %add3A_2872, %add3A_2866 : vector<16x2048xf32>
    %add3A_2874 = arith.constant 1.000000e+00 : f32
    %add3A_2875 = vector.broadcast %add3A_2874 : f32 to vector<16x2048xf32>
    %add3A_2876 = arith.addf %add3A_2875, %abs3A_2869 : vector<16x2048xf32>
    %mul3A_2877 = arith.mulf %add3A_2873, %add3A_2876 : vector<16x2048xf32>
    %div3A_2878 = arith.divf %sub3A_2870, %mul3A_2877 : vector<16x2048xf32>
    %reduce_sum3A_2879 = arith.constant dense<0.000000e+00> : vector<16xf32>
    %reduce_sum3A_2880 = vector.multi_reduction <add>, %div3A_2878, %reduce_sum3A_2879 [1] : vector<16x2048xf32> to vector<16xf32>
    %sub3A_2881 = vector.broadcast %get3A_2856 : f32 to vector<16x1024xf32>
    %sub3A_2882 = arith.subf %get3A_1680, %sub3A_2881 : vector<16x1024xf32>
    %abs3A_2883 = math.absf %sub3A_2882 : vector<16x1024xf32>
    %sub3A_2884 = arith.constant 1.000000e+00 : f32
    %sub3A_2885 = arith.subf %sub3A_2884, %get3A_2859 : f32
    %sub3A_2886 = vector.broadcast %sub3A_2885 : f32 to vector<16x1024xf32>
    %sub3A_2887 = arith.subf %get3A_1680, %sub3A_2886 : vector<16x1024xf32>
    %abs3A_2888 = math.absf %sub3A_2887 : vector<16x1024xf32>
    %add3A_2889 = arith.addf %abs3A_2883, %abs3A_2888 : vector<16x1024xf32>
    %sub3A_2890 = vector.broadcast %abs3A : f32 to vector<16x1024xf32>
    %sub3A_2891 = arith.subf %sub3A_2890, %add3A_2889 : vector<16x1024xf32>
    %abs3A_2892 = math.absf %sub3A_2891 : vector<16x1024xf32>
    %sub3A_2893 = arith.subf %abs3A_2892, %add3A_2889 : vector<16x1024xf32>
    %add3A_2894 = arith.constant 1.000000e+00 : f32
    %add3A_2895 = vector.broadcast %add3A_2894 : f32 to vector<16x1024xf32>
    %add3A_2896 = arith.addf %add3A_2895, %add3A_2889 : vector<16x1024xf32>
    %add3A_2897 = arith.constant 1.000000e+00 : f32
    %add3A_2898 = vector.broadcast %add3A_2897 : f32 to vector<16x1024xf32>
    %add3A_2899 = arith.addf %add3A_2898, %abs3A_2892 : vector<16x1024xf32>
    %mul3A_2900 = arith.mulf %add3A_2896, %add3A_2899 : vector<16x1024xf32>
    %div3A_2901 = arith.divf %sub3A_2893, %mul3A_2900 : vector<16x1024xf32>
    %reduce_sum3A_2902 = arith.constant dense<0.000000e+00> : vector<16xf32>
    %reduce_sum3A_2903 = vector.multi_reduction <add>, %div3A_2901, %reduce_sum3A_2902 [1] : vector<16x1024xf32> to vector<16xf32>
    %add3A_2904 = arith.addf %reduce_sum3A_2880, %reduce_sum3A_2903 : vector<16xf32>
    %get3A_2905 = arith.constant 24 : index
    %get3A_2906 = arith.constant 0 : index
    %get3A_2907 = memref.load %arg6[%get3A_2905, %get3A_2906] : memref<32x2xf32, #tpu.memory_space<smem>>
    %get3A_2908 = arith.constant 24 : index
    %get3A_2909 = arith.constant 1 : index
    %get3A_2910 = memref.load %arg6[%get3A_2908, %get3A_2909] : memref<32x2xf32, #tpu.memory_space<smem>>
    %sub3A_2911 = vector.broadcast %get3A_2907 : f32 to vector<16x2048xf32>
    %sub3A_2912 = arith.subf %get3A_1674, %sub3A_2911 : vector<16x2048xf32>
    %abs3A_2913 = math.absf %sub3A_2912 : vector<16x2048xf32>
    %sub3A_2914 = vector.broadcast %get3A_2910 : f32 to vector<16x2048xf32>
    %sub3A_2915 = arith.subf %get3A_1677, %sub3A_2914 : vector<16x2048xf32>
    %abs3A_2916 = math.absf %sub3A_2915 : vector<16x2048xf32>
    %add3A_2917 = arith.addf %abs3A_2913, %abs3A_2916 : vector<16x2048xf32>
    %sub3A_2918 = vector.broadcast %abs3A : f32 to vector<16x2048xf32>
    %sub3A_2919 = arith.subf %sub3A_2918, %add3A_2917 : vector<16x2048xf32>
    %abs3A_2920 = math.absf %sub3A_2919 : vector<16x2048xf32>
    %sub3A_2921 = arith.subf %abs3A_2920, %add3A_2917 : vector<16x2048xf32>
    %add3A_2922 = arith.constant 1.000000e+00 : f32
    %add3A_2923 = vector.broadcast %add3A_2922 : f32 to vector<16x2048xf32>
    %add3A_2924 = arith.addf %add3A_2923, %add3A_2917 : vector<16x2048xf32>
    %add3A_2925 = arith.constant 1.000000e+00 : f32
    %add3A_2926 = vector.broadcast %add3A_2925 : f32 to vector<16x2048xf32>
    %add3A_2927 = arith.addf %add3A_2926, %abs3A_2920 : vector<16x2048xf32>
    %mul3A_2928 = arith.mulf %add3A_2924, %add3A_2927 : vector<16x2048xf32>
    %div3A_2929 = arith.divf %sub3A_2921, %mul3A_2928 : vector<16x2048xf32>
    %reduce_sum3A_2930 = arith.constant dense<0.000000e+00> : vector<16xf32>
    %reduce_sum3A_2931 = vector.multi_reduction <add>, %div3A_2929, %reduce_sum3A_2930 [1] : vector<16x2048xf32> to vector<16xf32>
    %sub3A_2932 = vector.broadcast %get3A_2907 : f32 to vector<16x1024xf32>
    %sub3A_2933 = arith.subf %get3A_1680, %sub3A_2932 : vector<16x1024xf32>
    %abs3A_2934 = math.absf %sub3A_2933 : vector<16x1024xf32>
    %sub3A_2935 = arith.constant 1.000000e+00 : f32
    %sub3A_2936 = arith.subf %sub3A_2935, %get3A_2910 : f32
    %sub3A_2937 = vector.broadcast %sub3A_2936 : f32 to vector<16x1024xf32>
    %sub3A_2938 = arith.subf %get3A_1680, %sub3A_2937 : vector<16x1024xf32>
    %abs3A_2939 = math.absf %sub3A_2938 : vector<16x1024xf32>
    %add3A_2940 = arith.addf %abs3A_2934, %abs3A_2939 : vector<16x1024xf32>
    %sub3A_2941 = vector.broadcast %abs3A : f32 to vector<16x1024xf32>
    %sub3A_2942 = arith.subf %sub3A_2941, %add3A_2940 : vector<16x1024xf32>
    %abs3A_2943 = math.absf %sub3A_2942 : vector<16x1024xf32>
    %sub3A_2944 = arith.subf %abs3A_2943, %add3A_2940 : vector<16x1024xf32>
    %add3A_2945 = arith.constant 1.000000e+00 : f32
    %add3A_2946 = vector.broadcast %add3A_2945 : f32 to vector<16x1024xf32>
    %add3A_2947 = arith.addf %add3A_2946, %add3A_2940 : vector<16x1024xf32>
    %add3A_2948 = arith.constant 1.000000e+00 : f32
    %add3A_2949 = vector.broadcast %add3A_2948 : f32 to vector<16x1024xf32>
    %add3A_2950 = arith.addf %add3A_2949, %abs3A_2943 : vector<16x1024xf32>
    %mul3A_2951 = arith.mulf %add3A_2947, %add3A_2950 : vector<16x1024xf32>
    %div3A_2952 = arith.divf %sub3A_2944, %mul3A_2951 : vector<16x1024xf32>
    %reduce_sum3A_2953 = arith.constant dense<0.000000e+00> : vector<16xf32>
    %reduce_sum3A_2954 = vector.multi_reduction <add>, %div3A_2952, %reduce_sum3A_2953 [1] : vector<16x1024xf32> to vector<16xf32>
    %add3A_2955 = arith.addf %reduce_sum3A_2931, %reduce_sum3A_2954 : vector<16xf32>
    %get3A_2956 = arith.constant 25 : index
    %get3A_2957 = arith.constant 0 : index
    %get3A_2958 = memref.load %arg6[%get3A_2956, %get3A_2957] : memref<32x2xf32, #tpu.memory_space<smem>>
    %get3A_2959 = arith.constant 25 : index
    %get3A_2960 = arith.constant 1 : index
    %get3A_2961 = memref.load %arg6[%get3A_2959, %get3A_2960] : memref<32x2xf32, #tpu.memory_space<smem>>
    %sub3A_2962 = vector.broadcast %get3A_2958 : f32 to vector<16x2048xf32>
    %sub3A_2963 = arith.subf %get3A_1674, %sub3A_2962 : vector<16x2048xf32>
    %abs3A_2964 = math.absf %sub3A_2963 : vector<16x2048xf32>
    %sub3A_2965 = vector.broadcast %get3A_2961 : f32 to vector<16x2048xf32>
    %sub3A_2966 = arith.subf %get3A_1677, %sub3A_2965 : vector<16x2048xf32>
    %abs3A_2967 = math.absf %sub3A_2966 : vector<16x2048xf32>
    %add3A_2968 = arith.addf %abs3A_2964, %abs3A_2967 : vector<16x2048xf32>
    %sub3A_2969 = vector.broadcast %abs3A : f32 to vector<16x2048xf32>
    %sub3A_2970 = arith.subf %sub3A_2969, %add3A_2968 : vector<16x2048xf32>
    %abs3A_2971 = math.absf %sub3A_2970 : vector<16x2048xf32>
    %sub3A_2972 = arith.subf %abs3A_2971, %add3A_2968 : vector<16x2048xf32>
    %add3A_2973 = arith.constant 1.000000e+00 : f32
    %add3A_2974 = vector.broadcast %add3A_2973 : f32 to vector<16x2048xf32>
    %add3A_2975 = arith.addf %add3A_2974, %add3A_2968 : vector<16x2048xf32>
    %add3A_2976 = arith.constant 1.000000e+00 : f32
    %add3A_2977 = vector.broadcast %add3A_2976 : f32 to vector<16x2048xf32>
    %add3A_2978 = arith.addf %add3A_2977, %abs3A_2971 : vector<16x2048xf32>
    %mul3A_2979 = arith.mulf %add3A_2975, %add3A_2978 : vector<16x2048xf32>
    %div3A_2980 = arith.divf %sub3A_2972, %mul3A_2979 : vector<16x2048xf32>
    %reduce_sum3A_2981 = arith.constant dense<0.000000e+00> : vector<16xf32>
    %reduce_sum3A_2982 = vector.multi_reduction <add>, %div3A_2980, %reduce_sum3A_2981 [1] : vector<16x2048xf32> to vector<16xf32>
    %sub3A_2983 = vector.broadcast %get3A_2958 : f32 to vector<16x1024xf32>
    %sub3A_2984 = arith.subf %get3A_1680, %sub3A_2983 : vector<16x1024xf32>
    %abs3A_2985 = math.absf %sub3A_2984 : vector<16x1024xf32>
    %sub3A_2986 = arith.constant 1.000000e+00 : f32
    %sub3A_2987 = arith.subf %sub3A_2986, %get3A_2961 : f32
    %sub3A_2988 = vector.broadcast %sub3A_2987 : f32 to vector<16x1024xf32>
    %sub3A_2989 = arith.subf %get3A_1680, %sub3A_2988 : vector<16x1024xf32>
    %abs3A_2990 = math.absf %sub3A_2989 : vector<16x1024xf32>
    %add3A_2991 = arith.addf %abs3A_2985, %abs3A_2990 : vector<16x1024xf32>
    %sub3A_2992 = vector.broadcast %abs3A : f32 to vector<16x1024xf32>
    %sub3A_2993 = arith.subf %sub3A_2992, %add3A_2991 : vector<16x1024xf32>
    %abs3A_2994 = math.absf %sub3A_2993 : vector<16x1024xf32>
    %sub3A_2995 = arith.subf %abs3A_2994, %add3A_2991 : vector<16x1024xf32>
    %add3A_2996 = arith.constant 1.000000e+00 : f32
    %add3A_2997 = vector.broadcast %add3A_2996 : f32 to vector<16x1024xf32>
    %add3A_2998 = arith.addf %add3A_2997, %add3A_2991 : vector<16x1024xf32>
    %add3A_2999 = arith.constant 1.000000e+00 : f32
    %add3A_3000 = vector.broadcast %add3A_2999 : f32 to vector<16x1024xf32>
    %add3A_3001 = arith.addf %add3A_3000, %abs3A_2994 : vector<16x1024xf32>
    %mul3A_3002 = arith.mulf %add3A_2998, %add3A_3001 : vector<16x1024xf32>
    %div3A_3003 = arith.divf %sub3A_2995, %mul3A_3002 : vector<16x1024xf32>
    %reduce_sum3A_3004 = arith.constant dense<0.000000e+00> : vector<16xf32>
    %reduce_sum3A_3005 = vector.multi_reduction <add>, %div3A_3003, %reduce_sum3A_3004 [1] : vector<16x1024xf32> to vector<16xf32>
    %add3A_3006 = arith.addf %reduce_sum3A_2982, %reduce_sum3A_3005 : vector<16xf32>
    %get3A_3007 = arith.constant 26 : index
    %get3A_3008 = arith.constant 0 : index
    %get3A_3009 = memref.load %arg6[%get3A_3007, %get3A_3008] : memref<32x2xf32, #tpu.memory_space<smem>>
    %get3A_3010 = arith.constant 26 : index
    %get3A_3011 = arith.constant 1 : index
    %get3A_3012 = memref.load %arg6[%get3A_3010, %get3A_3011] : memref<32x2xf32, #tpu.memory_space<smem>>
    %sub3A_3013 = vector.broadcast %get3A_3009 : f32 to vector<16x2048xf32>
    %sub3A_3014 = arith.subf %get3A_1674, %sub3A_3013 : vector<16x2048xf32>
    %abs3A_3015 = math.absf %sub3A_3014 : vector<16x2048xf32>
    %sub3A_3016 = vector.broadcast %get3A_3012 : f32 to vector<16x2048xf32>
    %sub3A_3017 = arith.subf %get3A_1677, %sub3A_3016 : vector<16x2048xf32>
    %abs3A_3018 = math.absf %sub3A_3017 : vector<16x2048xf32>
    %add3A_3019 = arith.addf %abs3A_3015, %abs3A_3018 : vector<16x2048xf32>
    %sub3A_3020 = vector.broadcast %abs3A : f32 to vector<16x2048xf32>
    %sub3A_3021 = arith.subf %sub3A_3020, %add3A_3019 : vector<16x2048xf32>
    %abs3A_3022 = math.absf %sub3A_3021 : vector<16x2048xf32>
    %sub3A_3023 = arith.subf %abs3A_3022, %add3A_3019 : vector<16x2048xf32>
    %add3A_3024 = arith.constant 1.000000e+00 : f32
    %add3A_3025 = vector.broadcast %add3A_3024 : f32 to vector<16x2048xf32>
    %add3A_3026 = arith.addf %add3A_3025, %add3A_3019 : vector<16x2048xf32>
    %add3A_3027 = arith.constant 1.000000e+00 : f32
    %add3A_3028 = vector.broadcast %add3A_3027 : f32 to vector<16x2048xf32>
    %add3A_3029 = arith.addf %add3A_3028, %abs3A_3022 : vector<16x2048xf32>
    %mul3A_3030 = arith.mulf %add3A_3026, %add3A_3029 : vector<16x2048xf32>
    %div3A_3031 = arith.divf %sub3A_3023, %mul3A_3030 : vector<16x2048xf32>
    %reduce_sum3A_3032 = arith.constant dense<0.000000e+00> : vector<16xf32>
    %reduce_sum3A_3033 = vector.multi_reduction <add>, %div3A_3031, %reduce_sum3A_3032 [1] : vector<16x2048xf32> to vector<16xf32>
    %sub3A_3034 = vector.broadcast %get3A_3009 : f32 to vector<16x1024xf32>
    %sub3A_3035 = arith.subf %get3A_1680, %sub3A_3034 : vector<16x1024xf32>
    %abs3A_3036 = math.absf %sub3A_3035 : vector<16x1024xf32>
    %sub3A_3037 = arith.constant 1.000000e+00 : f32
    %sub3A_3038 = arith.subf %sub3A_3037, %get3A_3012 : f32
    %sub3A_3039 = vector.broadcast %sub3A_3038 : f32 to vector<16x1024xf32>
    %sub3A_3040 = arith.subf %get3A_1680, %sub3A_3039 : vector<16x1024xf32>
    %abs3A_3041 = math.absf %sub3A_3040 : vector<16x1024xf32>
    %add3A_3042 = arith.addf %abs3A_3036, %abs3A_3041 : vector<16x1024xf32>
    %sub3A_3043 = vector.broadcast %abs3A : f32 to vector<16x1024xf32>
    %sub3A_3044 = arith.subf %sub3A_3043, %add3A_3042 : vector<16x1024xf32>
    %abs3A_3045 = math.absf %sub3A_3044 : vector<16x1024xf32>
    %sub3A_3046 = arith.subf %abs3A_3045, %add3A_3042 : vector<16x1024xf32>
    %add3A_3047 = arith.constant 1.000000e+00 : f32
    %add3A_3048 = vector.broadcast %add3A_3047 : f32 to vector<16x1024xf32>
    %add3A_3049 = arith.addf %add3A_3048, %add3A_3042 : vector<16x1024xf32>
    %add3A_3050 = arith.constant 1.000000e+00 : f32
    %add3A_3051 = vector.broadcast %add3A_3050 : f32 to vector<16x1024xf32>
    %add3A_3052 = arith.addf %add3A_3051, %abs3A_3045 : vector<16x1024xf32>
    %mul3A_3053 = arith.mulf %add3A_3049, %add3A_3052 : vector<16x1024xf32>
    %div3A_3054 = arith.divf %sub3A_3046, %mul3A_3053 : vector<16x1024xf32>
    %reduce_sum3A_3055 = arith.constant dense<0.000000e+00> : vector<16xf32>
    %reduce_sum3A_3056 = vector.multi_reduction <add>, %div3A_3054, %reduce_sum3A_3055 [1] : vector<16x1024xf32> to vector<16xf32>
    %add3A_3057 = arith.addf %reduce_sum3A_3033, %reduce_sum3A_3056 : vector<16xf32>
    %get3A_3058 = arith.constant 27 : index
    %get3A_3059 = arith.constant 0 : index
    %get3A_3060 = memref.load %arg6[%get3A_3058, %get3A_3059] : memref<32x2xf32, #tpu.memory_space<smem>>
    %get3A_3061 = arith.constant 27 : index
    %get3A_3062 = arith.constant 1 : index
    %get3A_3063 = memref.load %arg6[%get3A_3061, %get3A_3062] : memref<32x2xf32, #tpu.memory_space<smem>>
    %sub3A_3064 = vector.broadcast %get3A_3060 : f32 to vector<16x2048xf32>
    %sub3A_3065 = arith.subf %get3A_1674, %sub3A_3064 : vector<16x2048xf32>
    %abs3A_3066 = math.absf %sub3A_3065 : vector<16x2048xf32>
    %sub3A_3067 = vector.broadcast %get3A_3063 : f32 to vector<16x2048xf32>
    %sub3A_3068 = arith.subf %get3A_1677, %sub3A_3067 : vector<16x2048xf32>
    %abs3A_3069 = math.absf %sub3A_3068 : vector<16x2048xf32>
    %add3A_3070 = arith.addf %abs3A_3066, %abs3A_3069 : vector<16x2048xf32>
    %sub3A_3071 = vector.broadcast %abs3A : f32 to vector<16x2048xf32>
    %sub3A_3072 = arith.subf %sub3A_3071, %add3A_3070 : vector<16x2048xf32>
    %abs3A_3073 = math.absf %sub3A_3072 : vector<16x2048xf32>
    %sub3A_3074 = arith.subf %abs3A_3073, %add3A_3070 : vector<16x2048xf32>
    %add3A_3075 = arith.constant 1.000000e+00 : f32
    %add3A_3076 = vector.broadcast %add3A_3075 : f32 to vector<16x2048xf32>
    %add3A_3077 = arith.addf %add3A_3076, %add3A_3070 : vector<16x2048xf32>
    %add3A_3078 = arith.constant 1.000000e+00 : f32
    %add3A_3079 = vector.broadcast %add3A_3078 : f32 to vector<16x2048xf32>
    %add3A_3080 = arith.addf %add3A_3079, %abs3A_3073 : vector<16x2048xf32>
    %mul3A_3081 = arith.mulf %add3A_3077, %add3A_3080 : vector<16x2048xf32>
    %div3A_3082 = arith.divf %sub3A_3074, %mul3A_3081 : vector<16x2048xf32>
    %reduce_sum3A_3083 = arith.constant dense<0.000000e+00> : vector<16xf32>
    %reduce_sum3A_3084 = vector.multi_reduction <add>, %div3A_3082, %reduce_sum3A_3083 [1] : vector<16x2048xf32> to vector<16xf32>
    %sub3A_3085 = vector.broadcast %get3A_3060 : f32 to vector<16x1024xf32>
    %sub3A_3086 = arith.subf %get3A_1680, %sub3A_3085 : vector<16x1024xf32>
    %abs3A_3087 = math.absf %sub3A_3086 : vector<16x1024xf32>
    %sub3A_3088 = arith.constant 1.000000e+00 : f32
    %sub3A_3089 = arith.subf %sub3A_3088, %get3A_3063 : f32
    %sub3A_3090 = vector.broadcast %sub3A_3089 : f32 to vector<16x1024xf32>
    %sub3A_3091 = arith.subf %get3A_1680, %sub3A_3090 : vector<16x1024xf32>
    %abs3A_3092 = math.absf %sub3A_3091 : vector<16x1024xf32>
    %add3A_3093 = arith.addf %abs3A_3087, %abs3A_3092 : vector<16x1024xf32>
    %sub3A_3094 = vector.broadcast %abs3A : f32 to vector<16x1024xf32>
    %sub3A_3095 = arith.subf %sub3A_3094, %add3A_3093 : vector<16x1024xf32>
    %abs3A_3096 = math.absf %sub3A_3095 : vector<16x1024xf32>
    %sub3A_3097 = arith.subf %abs3A_3096, %add3A_3093 : vector<16x1024xf32>
    %add3A_3098 = arith.constant 1.000000e+00 : f32
    %add3A_3099 = vector.broadcast %add3A_3098 : f32 to vector<16x1024xf32>
    %add3A_3100 = arith.addf %add3A_3099, %add3A_3093 : vector<16x1024xf32>
    %add3A_3101 = arith.constant 1.000000e+00 : f32
    %add3A_3102 = vector.broadcast %add3A_3101 : f32 to vector<16x1024xf32>
    %add3A_3103 = arith.addf %add3A_3102, %abs3A_3096 : vector<16x1024xf32>
    %mul3A_3104 = arith.mulf %add3A_3100, %add3A_3103 : vector<16x1024xf32>
    %div3A_3105 = arith.divf %sub3A_3097, %mul3A_3104 : vector<16x1024xf32>
    %reduce_sum3A_3106 = arith.constant dense<0.000000e+00> : vector<16xf32>
    %reduce_sum3A_3107 = vector.multi_reduction <add>, %div3A_3105, %reduce_sum3A_3106 [1] : vector<16x1024xf32> to vector<16xf32>
    %add3A_3108 = arith.addf %reduce_sum3A_3084, %reduce_sum3A_3107 : vector<16xf32>
    %get3A_3109 = arith.constant 28 : index
    %get3A_3110 = arith.constant 0 : index
    %get3A_3111 = memref.load %arg6[%get3A_3109, %get3A_3110] : memref<32x2xf32, #tpu.memory_space<smem>>
    %get3A_3112 = arith.constant 28 : index
    %get3A_3113 = arith.constant 1 : index
    %get3A_3114 = memref.load %arg6[%get3A_3112, %get3A_3113] : memref<32x2xf32, #tpu.memory_space<smem>>
    %sub3A_3115 = vector.broadcast %get3A_3111 : f32 to vector<16x2048xf32>
    %sub3A_3116 = arith.subf %get3A_1674, %sub3A_3115 : vector<16x2048xf32>
    %abs3A_3117 = math.absf %sub3A_3116 : vector<16x2048xf32>
    %sub3A_3118 = vector.broadcast %get3A_3114 : f32 to vector<16x2048xf32>
    %sub3A_3119 = arith.subf %get3A_1677, %sub3A_3118 : vector<16x2048xf32>
    %abs3A_3120 = math.absf %sub3A_3119 : vector<16x2048xf32>
    %add3A_3121 = arith.addf %abs3A_3117, %abs3A_3120 : vector<16x2048xf32>
    %sub3A_3122 = vector.broadcast %abs3A : f32 to vector<16x2048xf32>
    %sub3A_3123 = arith.subf %sub3A_3122, %add3A_3121 : vector<16x2048xf32>
    %abs3A_3124 = math.absf %sub3A_3123 : vector<16x2048xf32>
    %sub3A_3125 = arith.subf %abs3A_3124, %add3A_3121 : vector<16x2048xf32>
    %add3A_3126 = arith.constant 1.000000e+00 : f32
    %add3A_3127 = vector.broadcast %add3A_3126 : f32 to vector<16x2048xf32>
    %add3A_3128 = arith.addf %add3A_3127, %add3A_3121 : vector<16x2048xf32>
    %add3A_3129 = arith.constant 1.000000e+00 : f32
    %add3A_3130 = vector.broadcast %add3A_3129 : f32 to vector<16x2048xf32>
    %add3A_3131 = arith.addf %add3A_3130, %abs3A_3124 : vector<16x2048xf32>
    %mul3A_3132 = arith.mulf %add3A_3128, %add3A_3131 : vector<16x2048xf32>
    %div3A_3133 = arith.divf %sub3A_3125, %mul3A_3132 : vector<16x2048xf32>
    %reduce_sum3A_3134 = arith.constant dense<0.000000e+00> : vector<16xf32>
    %reduce_sum3A_3135 = vector.multi_reduction <add>, %div3A_3133, %reduce_sum3A_3134 [1] : vector<16x2048xf32> to vector<16xf32>
    %sub3A_3136 = vector.broadcast %get3A_3111 : f32 to vector<16x1024xf32>
    %sub3A_3137 = arith.subf %get3A_1680, %sub3A_3136 : vector<16x1024xf32>
    %abs3A_3138 = math.absf %sub3A_3137 : vector<16x1024xf32>
    %sub3A_3139 = arith.constant 1.000000e+00 : f32
    %sub3A_3140 = arith.subf %sub3A_3139, %get3A_3114 : f32
    %sub3A_3141 = vector.broadcast %sub3A_3140 : f32 to vector<16x1024xf32>
    %sub3A_3142 = arith.subf %get3A_1680, %sub3A_3141 : vector<16x1024xf32>
    %abs3A_3143 = math.absf %sub3A_3142 : vector<16x1024xf32>
    %add3A_3144 = arith.addf %abs3A_3138, %abs3A_3143 : vector<16x1024xf32>
    %sub3A_3145 = vector.broadcast %abs3A : f32 to vector<16x1024xf32>
    %sub3A_3146 = arith.subf %sub3A_3145, %add3A_3144 : vector<16x1024xf32>
    %abs3A_3147 = math.absf %sub3A_3146 : vector<16x1024xf32>
    %sub3A_3148 = arith.subf %abs3A_3147, %add3A_3144 : vector<16x1024xf32>
    %add3A_3149 = arith.constant 1.000000e+00 : f32
    %add3A_3150 = vector.broadcast %add3A_3149 : f32 to vector<16x1024xf32>
    %add3A_3151 = arith.addf %add3A_3150, %add3A_3144 : vector<16x1024xf32>
    %add3A_3152 = arith.constant 1.000000e+00 : f32
    %add3A_3153 = vector.broadcast %add3A_3152 : f32 to vector<16x1024xf32>
    %add3A_3154 = arith.addf %add3A_3153, %abs3A_3147 : vector<16x1024xf32>
    %mul3A_3155 = arith.mulf %add3A_3151, %add3A_3154 : vector<16x1024xf32>
    %div3A_3156 = arith.divf %sub3A_3148, %mul3A_3155 : vector<16x1024xf32>
    %reduce_sum3A_3157 = arith.constant dense<0.000000e+00> : vector<16xf32>
    %reduce_sum3A_3158 = vector.multi_reduction <add>, %div3A_3156, %reduce_sum3A_3157 [1] : vector<16x1024xf32> to vector<16xf32>
    %add3A_3159 = arith.addf %reduce_sum3A_3135, %reduce_sum3A_3158 : vector<16xf32>
    %get3A_3160 = arith.constant 29 : index
    %get3A_3161 = arith.constant 0 : index
    %get3A_3162 = memref.load %arg6[%get3A_3160, %get3A_3161] : memref<32x2xf32, #tpu.memory_space<smem>>
    %get3A_3163 = arith.constant 29 : index
    %get3A_3164 = arith.constant 1 : index
    %get3A_3165 = memref.load %arg6[%get3A_3163, %get3A_3164] : memref<32x2xf32, #tpu.memory_space<smem>>
    %sub3A_3166 = vector.broadcast %get3A_3162 : f32 to vector<16x2048xf32>
    %sub3A_3167 = arith.subf %get3A_1674, %sub3A_3166 : vector<16x2048xf32>
    %abs3A_3168 = math.absf %sub3A_3167 : vector<16x2048xf32>
    %sub3A_3169 = vector.broadcast %get3A_3165 : f32 to vector<16x2048xf32>
    %sub3A_3170 = arith.subf %get3A_1677, %sub3A_3169 : vector<16x2048xf32>
    %abs3A_3171 = math.absf %sub3A_3170 : vector<16x2048xf32>
    %add3A_3172 = arith.addf %abs3A_3168, %abs3A_3171 : vector<16x2048xf32>
    %sub3A_3173 = vector.broadcast %abs3A : f32 to vector<16x2048xf32>
    %sub3A_3174 = arith.subf %sub3A_3173, %add3A_3172 : vector<16x2048xf32>
    %abs3A_3175 = math.absf %sub3A_3174 : vector<16x2048xf32>
    %sub3A_3176 = arith.subf %abs3A_3175, %add3A_3172 : vector<16x2048xf32>
    %add3A_3177 = arith.constant 1.000000e+00 : f32
    %add3A_3178 = vector.broadcast %add3A_3177 : f32 to vector<16x2048xf32>
    %add3A_3179 = arith.addf %add3A_3178, %add3A_3172 : vector<16x2048xf32>
    %add3A_3180 = arith.constant 1.000000e+00 : f32
    %add3A_3181 = vector.broadcast %add3A_3180 : f32 to vector<16x2048xf32>
    %add3A_3182 = arith.addf %add3A_3181, %abs3A_3175 : vector<16x2048xf32>
    %mul3A_3183 = arith.mulf %add3A_3179, %add3A_3182 : vector<16x2048xf32>
    %div3A_3184 = arith.divf %sub3A_3176, %mul3A_3183 : vector<16x2048xf32>
    %reduce_sum3A_3185 = arith.constant dense<0.000000e+00> : vector<16xf32>
    %reduce_sum3A_3186 = vector.multi_reduction <add>, %div3A_3184, %reduce_sum3A_3185 [1] : vector<16x2048xf32> to vector<16xf32>
    %sub3A_3187 = vector.broadcast %get3A_3162 : f32 to vector<16x1024xf32>
    %sub3A_3188 = arith.subf %get3A_1680, %sub3A_3187 : vector<16x1024xf32>
    %abs3A_3189 = math.absf %sub3A_3188 : vector<16x1024xf32>
    %sub3A_3190 = arith.constant 1.000000e+00 : f32
    %sub3A_3191 = arith.subf %sub3A_3190, %get3A_3165 : f32
    %sub3A_3192 = vector.broadcast %sub3A_3191 : f32 to vector<16x1024xf32>
    %sub3A_3193 = arith.subf %get3A_1680, %sub3A_3192 : vector<16x1024xf32>
    %abs3A_3194 = math.absf %sub3A_3193 : vector<16x1024xf32>
    %add3A_3195 = arith.addf %abs3A_3189, %abs3A_3194 : vector<16x1024xf32>
    %sub3A_3196 = vector.broadcast %abs3A : f32 to vector<16x1024xf32>
    %sub3A_3197 = arith.subf %sub3A_3196, %add3A_3195 : vector<16x1024xf32>
    %abs3A_3198 = math.absf %sub3A_3197 : vector<16x1024xf32>
    %sub3A_3199 = arith.subf %abs3A_3198, %add3A_3195 : vector<16x1024xf32>
    %add3A_3200 = arith.constant 1.000000e+00 : f32
    %add3A_3201 = vector.broadcast %add3A_3200 : f32 to vector<16x1024xf32>
    %add3A_3202 = arith.addf %add3A_3201, %add3A_3195 : vector<16x1024xf32>
    %add3A_3203 = arith.constant 1.000000e+00 : f32
    %add3A_3204 = vector.broadcast %add3A_3203 : f32 to vector<16x1024xf32>
    %add3A_3205 = arith.addf %add3A_3204, %abs3A_3198 : vector<16x1024xf32>
    %mul3A_3206 = arith.mulf %add3A_3202, %add3A_3205 : vector<16x1024xf32>
    %div3A_3207 = arith.divf %sub3A_3199, %mul3A_3206 : vector<16x1024xf32>
    %reduce_sum3A_3208 = arith.constant dense<0.000000e+00> : vector<16xf32>
    %reduce_sum3A_3209 = vector.multi_reduction <add>, %div3A_3207, %reduce_sum3A_3208 [1] : vector<16x1024xf32> to vector<16xf32>
    %add3A_3210 = arith.addf %reduce_sum3A_3186, %reduce_sum3A_3209 : vector<16xf32>
    %get3A_3211 = arith.constant 30 : index
    %get3A_3212 = arith.constant 0 : index
    %get3A_3213 = memref.load %arg6[%get3A_3211, %get3A_3212] : memref<32x2xf32, #tpu.memory_space<smem>>
    %get3A_3214 = arith.constant 30 : index
    %get3A_3215 = arith.constant 1 : index
    %get3A_3216 = memref.load %arg6[%get3A_3214, %get3A_3215] : memref<32x2xf32, #tpu.memory_space<smem>>
    %sub3A_3217 = vector.broadcast %get3A_3213 : f32 to vector<16x2048xf32>
    %sub3A_3218 = arith.subf %get3A_1674, %sub3A_3217 : vector<16x2048xf32>
    %abs3A_3219 = math.absf %sub3A_3218 : vector<16x2048xf32>
    %sub3A_3220 = vector.broadcast %get3A_3216 : f32 to vector<16x2048xf32>
    %sub3A_3221 = arith.subf %get3A_1677, %sub3A_3220 : vector<16x2048xf32>
    %abs3A_3222 = math.absf %sub3A_3221 : vector<16x2048xf32>
    %add3A_3223 = arith.addf %abs3A_3219, %abs3A_3222 : vector<16x2048xf32>
    %sub3A_3224 = vector.broadcast %abs3A : f32 to vector<16x2048xf32>
    %sub3A_3225 = arith.subf %sub3A_3224, %add3A_3223 : vector<16x2048xf32>
    %abs3A_3226 = math.absf %sub3A_3225 : vector<16x2048xf32>
    %sub3A_3227 = arith.subf %abs3A_3226, %add3A_3223 : vector<16x2048xf32>
    %add3A_3228 = arith.constant 1.000000e+00 : f32
    %add3A_3229 = vector.broadcast %add3A_3228 : f32 to vector<16x2048xf32>
    %add3A_3230 = arith.addf %add3A_3229, %add3A_3223 : vector<16x2048xf32>
    %add3A_3231 = arith.constant 1.000000e+00 : f32
    %add3A_3232 = vector.broadcast %add3A_3231 : f32 to vector<16x2048xf32>
    %add3A_3233 = arith.addf %add3A_3232, %abs3A_3226 : vector<16x2048xf32>
    %mul3A_3234 = arith.mulf %add3A_3230, %add3A_3233 : vector<16x2048xf32>
    %div3A_3235 = arith.divf %sub3A_3227, %mul3A_3234 : vector<16x2048xf32>
    %reduce_sum3A_3236 = arith.constant dense<0.000000e+00> : vector<16xf32>
    %reduce_sum3A_3237 = vector.multi_reduction <add>, %div3A_3235, %reduce_sum3A_3236 [1] : vector<16x2048xf32> to vector<16xf32>
    %sub3A_3238 = vector.broadcast %get3A_3213 : f32 to vector<16x1024xf32>
    %sub3A_3239 = arith.subf %get3A_1680, %sub3A_3238 : vector<16x1024xf32>
    %abs3A_3240 = math.absf %sub3A_3239 : vector<16x1024xf32>
    %sub3A_3241 = arith.constant 1.000000e+00 : f32
    %sub3A_3242 = arith.subf %sub3A_3241, %get3A_3216 : f32
    %sub3A_3243 = vector.broadcast %sub3A_3242 : f32 to vector<16x1024xf32>
    %sub3A_3244 = arith.subf %get3A_1680, %sub3A_3243 : vector<16x1024xf32>
    %abs3A_3245 = math.absf %sub3A_3244 : vector<16x1024xf32>
    %add3A_3246 = arith.addf %abs3A_3240, %abs3A_3245 : vector<16x1024xf32>
    %sub3A_3247 = vector.broadcast %abs3A : f32 to vector<16x1024xf32>
    %sub3A_3248 = arith.subf %sub3A_3247, %add3A_3246 : vector<16x1024xf32>
    %abs3A_3249 = math.absf %sub3A_3248 : vector<16x1024xf32>
    %sub3A_3250 = arith.subf %abs3A_3249, %add3A_3246 : vector<16x1024xf32>
    %add3A_3251 = arith.constant 1.000000e+00 : f32
    %add3A_3252 = vector.broadcast %add3A_3251 : f32 to vector<16x1024xf32>
    %add3A_3253 = arith.addf %add3A_3252, %add3A_3246 : vector<16x1024xf32>
    %add3A_3254 = arith.constant 1.000000e+00 : f32
    %add3A_3255 = vector.broadcast %add3A_3254 : f32 to vector<16x1024xf32>
    %add3A_3256 = arith.addf %add3A_3255, %abs3A_3249 : vector<16x1024xf32>
    %mul3A_3257 = arith.mulf %add3A_3253, %add3A_3256 : vector<16x1024xf32>
    %div3A_3258 = arith.divf %sub3A_3250, %mul3A_3257 : vector<16x1024xf32>
    %reduce_sum3A_3259 = arith.constant dense<0.000000e+00> : vector<16xf32>
    %reduce_sum3A_3260 = vector.multi_reduction <add>, %div3A_3258, %reduce_sum3A_3259 [1] : vector<16x1024xf32> to vector<16xf32>
    %add3A_3261 = arith.addf %reduce_sum3A_3237, %reduce_sum3A_3260 : vector<16xf32>
    %get3A_3262 = arith.constant 31 : index
    %get3A_3263 = arith.constant 0 : index
    %get3A_3264 = memref.load %arg6[%get3A_3262, %get3A_3263] : memref<32x2xf32, #tpu.memory_space<smem>>
    %get3A_3265 = arith.constant 31 : index
    %get3A_3266 = arith.constant 1 : index
    %get3A_3267 = memref.load %arg6[%get3A_3265, %get3A_3266] : memref<32x2xf32, #tpu.memory_space<smem>>
    %sub3A_3268 = vector.broadcast %get3A_3264 : f32 to vector<16x2048xf32>
    %sub3A_3269 = arith.subf %get3A_1674, %sub3A_3268 : vector<16x2048xf32>
    %abs3A_3270 = math.absf %sub3A_3269 : vector<16x2048xf32>
    %sub3A_3271 = vector.broadcast %get3A_3267 : f32 to vector<16x2048xf32>
    %sub3A_3272 = arith.subf %get3A_1677, %sub3A_3271 : vector<16x2048xf32>
    %abs3A_3273 = math.absf %sub3A_3272 : vector<16x2048xf32>
    %add3A_3274 = arith.addf %abs3A_3270, %abs3A_3273 : vector<16x2048xf32>
    %sub3A_3275 = vector.broadcast %abs3A : f32 to vector<16x2048xf32>
    %sub3A_3276 = arith.subf %sub3A_3275, %add3A_3274 : vector<16x2048xf32>
    %abs3A_3277 = math.absf %sub3A_3276 : vector<16x2048xf32>
    %sub3A_3278 = arith.subf %abs3A_3277, %add3A_3274 : vector<16x2048xf32>
    %add3A_3279 = arith.constant 1.000000e+00 : f32
    %add3A_3280 = vector.broadcast %add3A_3279 : f32 to vector<16x2048xf32>
    %add3A_3281 = arith.addf %add3A_3280, %add3A_3274 : vector<16x2048xf32>
    %add3A_3282 = arith.constant 1.000000e+00 : f32
    %add3A_3283 = vector.broadcast %add3A_3282 : f32 to vector<16x2048xf32>
    %add3A_3284 = arith.addf %add3A_3283, %abs3A_3277 : vector<16x2048xf32>
    %mul3A_3285 = arith.mulf %add3A_3281, %add3A_3284 : vector<16x2048xf32>
    %div3A_3286 = arith.divf %sub3A_3278, %mul3A_3285 : vector<16x2048xf32>
    %reduce_sum3A_3287 = arith.constant dense<0.000000e+00> : vector<16xf32>
    %reduce_sum3A_3288 = vector.multi_reduction <add>, %div3A_3286, %reduce_sum3A_3287 [1] : vector<16x2048xf32> to vector<16xf32>
    %sub3A_3289 = vector.broadcast %get3A_3264 : f32 to vector<16x1024xf32>
    %sub3A_3290 = arith.subf %get3A_1680, %sub3A_3289 : vector<16x1024xf32>
    %abs3A_3291 = math.absf %sub3A_3290 : vector<16x1024xf32>
    %sub3A_3292 = arith.constant 1.000000e+00 : f32
    %sub3A_3293 = arith.subf %sub3A_3292, %get3A_3267 : f32
    %sub3A_3294 = vector.broadcast %sub3A_3293 : f32 to vector<16x1024xf32>
    %sub3A_3295 = arith.subf %get3A_1680, %sub3A_3294 : vector<16x1024xf32>
    %abs3A_3296 = math.absf %sub3A_3295 : vector<16x1024xf32>
    %add3A_3297 = arith.addf %abs3A_3291, %abs3A_3296 : vector<16x1024xf32>
    %sub3A_3298 = vector.broadcast %abs3A : f32 to vector<16x1024xf32>
    %sub3A_3299 = arith.subf %sub3A_3298, %add3A_3297 : vector<16x1024xf32>
    %abs3A_3300 = math.absf %sub3A_3299 : vector<16x1024xf32>
    %sub3A_3301 = arith.subf %abs3A_3300, %add3A_3297 : vector<16x1024xf32>
    %add3A_3302 = arith.constant 1.000000e+00 : f32
    %add3A_3303 = vector.broadcast %add3A_3302 : f32 to vector<16x1024xf32>
    %add3A_3304 = arith.addf %add3A_3303, %add3A_3297 : vector<16x1024xf32>
    %add3A_3305 = arith.constant 1.000000e+00 : f32
    %add3A_3306 = vector.broadcast %add3A_3305 : f32 to vector<16x1024xf32>
    %add3A_3307 = arith.addf %add3A_3306, %abs3A_3300 : vector<16x1024xf32>
    %mul3A_3308 = arith.mulf %add3A_3304, %add3A_3307 : vector<16x1024xf32>
    %div3A_3309 = arith.divf %sub3A_3301, %mul3A_3308 : vector<16x1024xf32>
    %reduce_sum3A_3310 = arith.constant dense<0.000000e+00> : vector<16xf32>
    %reduce_sum3A_3311 = vector.multi_reduction <add>, %div3A_3309, %reduce_sum3A_3310 [1] : vector<16x1024xf32> to vector<16xf32>
    %add3A_3312 = arith.addf %reduce_sum3A_3288, %reduce_sum3A_3311 : vector<16xf32>
    %stack3A_3313 = vector.shape_cast %add3A_1731 : vector<16xf32> to vector<16x1xf32>
    %stack3A_3314 = vector.shape_cast %add3A_1782 : vector<16xf32> to vector<16x1xf32>
    %stack3A_3315 = vector.shape_cast %add3A_1833 : vector<16xf32> to vector<16x1xf32>
    %stack3A_3316 = vector.shape_cast %add3A_1884 : vector<16xf32> to vector<16x1xf32>
    %stack3A_3317 = vector.shape_cast %add3A_1935 : vector<16xf32> to vector<16x1xf32>
    %stack3A_3318 = vector.shape_cast %add3A_1986 : vector<16xf32> to vector<16x1xf32>
    %stack3A_3319 = vector.shape_cast %add3A_2037 : vector<16xf32> to vector<16x1xf32>
    %stack3A_3320 = vector.shape_cast %add3A_2088 : vector<16xf32> to vector<16x1xf32>
    %stack3A_3321 = vector.shape_cast %add3A_2139 : vector<16xf32> to vector<16x1xf32>
    %stack3A_3322 = vector.shape_cast %add3A_2190 : vector<16xf32> to vector<16x1xf32>
    %stack3A_3323 = vector.shape_cast %add3A_2241 : vector<16xf32> to vector<16x1xf32>
    %stack3A_3324 = vector.shape_cast %add3A_2292 : vector<16xf32> to vector<16x1xf32>
    %stack3A_3325 = vector.shape_cast %add3A_2343 : vector<16xf32> to vector<16x1xf32>
    %stack3A_3326 = vector.shape_cast %add3A_2394 : vector<16xf32> to vector<16x1xf32>
    %stack3A_3327 = vector.shape_cast %add3A_2445 : vector<16xf32> to vector<16x1xf32>
    %stack3A_3328 = vector.shape_cast %add3A_2496 : vector<16xf32> to vector<16x1xf32>
    %stack3A_3329 = vector.shape_cast %add3A_2547 : vector<16xf32> to vector<16x1xf32>
    %stack3A_3330 = vector.shape_cast %add3A_2598 : vector<16xf32> to vector<16x1xf32>
    %stack3A_3331 = vector.shape_cast %add3A_2649 : vector<16xf32> to vector<16x1xf32>
    %stack3A_3332 = vector.shape_cast %add3A_2700 : vector<16xf32> to vector<16x1xf32>
    %stack3A_3333 = vector.shape_cast %add3A_2751 : vector<16xf32> to vector<16x1xf32>
    %stack3A_3334 = vector.shape_cast %add3A_2802 : vector<16xf32> to vector<16x1xf32>
    %stack3A_3335 = vector.shape_cast %add3A_2853 : vector<16xf32> to vector<16x1xf32>
    %stack3A_3336 = vector.shape_cast %add3A_2904 : vector<16xf32> to vector<16x1xf32>
    %stack3A_3337 = vector.shape_cast %add3A_2955 : vector<16xf32> to vector<16x1xf32>
    %stack3A_3338 = vector.shape_cast %add3A_3006 : vector<16xf32> to vector<16x1xf32>
    %stack3A_3339 = vector.shape_cast %add3A_3057 : vector<16xf32> to vector<16x1xf32>
    %stack3A_3340 = vector.shape_cast %add3A_3108 : vector<16xf32> to vector<16x1xf32>
    %stack3A_3341 = vector.shape_cast %add3A_3159 : vector<16xf32> to vector<16x1xf32>
    %stack3A_3342 = vector.shape_cast %add3A_3210 : vector<16xf32> to vector<16x1xf32>
    %stack3A_3343 = vector.shape_cast %add3A_3261 : vector<16xf32> to vector<16x1xf32>
    %stack3A_3344 = vector.shape_cast %add3A_3312 : vector<16xf32> to vector<16x1xf32>
    %stack3A_3345 = tpu.concatenate %stack3A_3313, %stack3A_3314, %stack3A_3315, %stack3A_3316, %stack3A_3317, %stack3A_3318, %stack3A_3319, %stack3A_3320, %stack3A_3321, %stack3A_3322, %stack3A_3323, %stack3A_3324, %stack3A_3325, %stack3A_3326, %stack3A_3327, %stack3A_3328, %stack3A_3329, %stack3A_3330, %stack3A_3331, %stack3A_3332, %stack3A_3333, %stack3A_3334, %stack3A_3335, %stack3A_3336, %stack3A_3337, %stack3A_3338, %stack3A_3339, %stack3A_3340, %stack3A_3341, %stack3A_3342, %stack3A_3343, %stack3A_3344 in 1 : vector<16x1xf32>, vector<16x1xf32>, vector<16x1xf32>, vector<16x1xf32>, vector<16x1xf32>, vector<16x1xf32>, vector<16x1xf32>, vector<16x1xf32>, vector<16x1xf32>, vector<16x1xf32>, vector<16x1xf32>, vector<16x1xf32>, vector<16x1xf32>, vector<16x1xf32>, vector<16x1xf32>, vector<16x1xf32>, vector<16x1xf32>, vector<16x1xf32>, vector<16x1xf32>, vector<16x1xf32>, vector<16x1xf32>, vector<16x1xf32>, vector<16x1xf32>, vector<16x1xf32>, vector<16x1xf32>, vector<16x1xf32>, vector<16x1xf32>, vector<16x1xf32>, vector<16x1xf32>, vector<16x1xf32>, vector<16x1xf32>, vector<16x1xf32> -> vector<16x32xf32>
    %swap3A_3346 = arith.constant 0 : index
    %swap3A_3347 = arith.constant 0 : index
    %swap3A_3348 = vector.load %arg9[%swap3A_3346, %swap3A_3347] : memref<16x32xf32, #tpu.memory_space<vmem>>, vector<16x32xf32>
    tpu.vector_store %arg9[%swap3A_3346, %swap3A_3347], %stack3A_3345 {strides = array<i32>} : memref<16x32xf32, #tpu.memory_space<vmem>>, vector<16x32xf32>,
    return
  }
}

</mosaic_0001>

<sc_bundles>
// kernel: kernel.5.cloned.1.call-start
scs
__scs_entry_jumppad:
0x0: {  	(pc) =	sbr.rel $0x88, $3  }
0x1: {  	(tag) =	ssettag $0x0;
	lr =	simm.s32 $0x1  }
0x2: {  	[smem:$0x3F9B] =	sst lr;
	_ =	strace $0xD0000000  }
0x3: {  	_ = 	snop  }
0x4: {  	_ = 	snop  }
0x5: {  	_ = 	snop  }
0x6: {  	_ = 	snop  }
0x7: {  	_ = 	snop  }
__scs_overlays_trampoline_lowered:
0x8: {  	[smem:$0x3FAA] =	sst s0  }
0x9: {  	[smem:$0x3FAB] =	sst s1  }
0xa: {  	[smem:$0x3FAC] =	sst s2  }
0xb: {  	[smem:$0x3FAD] =	sst s3  }
0xc: {  	[smem:$0x3FAE] =	sst s4  }
0xd: {  	[smem:$0x3FAF] =	sst s5  }
0xe: {  	[smem:$0x3FB0] =	sst s6  }
0xf: {  	[smem:$0x3FB1] =	sst s7  }
0x10: {  	[smem:$0x3FB2] =	sst s8  }
0x11: {  	[smem:$0x3FB3] =	sst s9;
	s0 =	simm.s32 @!p0 $0x0  }
0x12: {  	s1 =	sld [smem:$0x3F99];
	s0 =	simm.s32 @p0 $0x1  }
0x13: {  	[smem:$0x3FB4] =	sst s0;
	s0 =	simm.s32 @!p1 $0x0  }
0x14: {  	s2 =	sld [smem:$0x3F98];
	s0 =	simm.s32 @p1 $0x1  }
0x15: {  	[smem:$0x3FB5] =	sst s0;
	s0 =	simm.s32 @!p2 $0x0  }
0x16: {  	s3 =	sld [smem:$0x3FDB];
	s0 =	simm.s32 @p2 $0x1  }
0x17: {  	s4 =	simm.s32 $0x1BF5;
	[smem:$0x3FB7] =	sst s0  }
0x18: {  	s0 =	sld [smem:$0x3F9A];
	_ =	swait.ge [sflag:s4], $0x0  }
0x19: {  	s7 =	sld [smem:$0x3F9B]  }
0x1a: {  	s8 =	sadd.s32 $0xFFFFE003, lr  }
0x1b: {  	s9 =	sadd.s32 $0xFFFFFEF7, lr;
	s5 =	simm.s32 $0xFFFFFFFF;
	p2 =	slt.u32 s8, $0xFFFFF086  }
0x1c: {  	p1 =	slt.u32 s9, $0xF7A;
	s5 =	simm.s32 @!p2 $0x0  }
0x1d: {  	s5 =	simm.s32 @p1 $0x1;
	p0 =	seq.s32 s7, s2  }
0x1e: {  	s7 =	smul.u32 @!p0 $0xF7A, s2;
	p2 =	seq.s32 @!p0 s5, $0x0  }
0x1f: {  	s9 =	smul.u32 $0xF7A, s1;
	s8 =	simm.s32 @!p0 $0x1BF5;
	p2 =	por !p2, p0  }
0x20: {  	[sflag:s8] =	ssyncset.s32 @!p0 $0xFFFFF086;
	s6 =	sadd.s32 @!p0 s3, s7;
	s7 =	simm.s32 @!p0 $0x108  }
0x21: {  	s3 =	sadd.s32 s3, s9;
	s6 =	sadd.s32 @!p0 $0x88, s6;
	s7 =	simm.s32 @p2 $0x1082  }
0x22: {  	[simem:s7], [sflag:s8] =	dma.local @!p0 [hbm:s6], $0xF7A  }
0x23: {  	s9 =	sor.u32 $0xD0000000, s2;
	s6 =	simm.s32 $0x108;
	_ =	swait.ge @!p0 [sflag:s8], $0x0  }
0x24: {  	s3 =	sadd.s32 $0x88, s3;
	s6 =	simm.s32 @!p1 $0x1082;
	[sflag:s4] =	ssyncset.s32 $0xFFFFF086  }
0x25: {  	[simem:s6], [sflag:s4] =	dma.local [hbm:s3], $0xF7A  }
0x26: {  	[smem:$0x3F9B] =	sst s1;
	(tag) =	ssettag s2;
	_ =	strace s9  }
0x27: {  	s1 =	sld [smem:$0x3FAB]  }
0x28: {  	s2 =	sld [smem:$0x3FAC]  }
0x29: {  	s4 =	sld [smem:$0x3FAE]  }
0x2a: {  	p0 =	seq.s32 s5, $0x0;
	s5 =	sld [smem:$0x3FAF]  }
0x2b: {  	s6 =	sld [smem:$0x3FB0]  }
0x2c: {  	s7 =	sld [smem:$0x3FB1]  }
0x2d: {  	s3 =	simm.s32 $0x108;
	s8 =	sld [smem:$0x3FB2]  }
0x2e: {  	s3 =	simm.s32 @!p0 $0x1082;
	s9 =	sld [smem:$0x3FB3]  }
0x2f: {  	lr =	sadd.s32 s0, s3;
	s0 =	sld [smem:$0x3FAA]  }
0x30: {  	s3 =	sld [smem:$0x3FAD]  }
0x31: {  	[smem:$0x3FB6] =	sst s10  }
0x32: {  	s10 =	sld [smem:$0x3FB4];
	_ =	sdelay $0x3  }
0x33: {  	p0 =	seq.s32 s10, $0x1;
	s10 =	sld [smem:$0x3FB6];
	_ =	sdelay $0x3  }
0x34: {  	[smem:$0x3FB6] =	sst s10  }
0x35: {  	s10 =	sld [smem:$0x3FB5];
	_ =	sdelay $0x3  }
0x36: {  	p1 =	seq.s32 s10, $0x1;
	s10 =	sld [smem:$0x3FB6];
	_ =	sdelay $0x3  }
0x37: {  	[smem:$0x3FB6] =	sst s10  }
0x38: {  	s10 =	sld [smem:$0x3FB7]  }
0x39: {  	_ = 	snop;
	(pc) =	sbr.ind lr, $3  }
0x3a: {  	_ = 	snop  }
0x3b: {  	_ = 	snop  }
0x3c: {  	p2 =	seq.s32 s10, $0x1;
	s10 =	sld [smem:$0x3FB6]  }
0x3d: {  	_ =	shalt  }
0x3e: {  	_ =	shalt  }
0x3f: {  	_ =	shalt  }
0x40: {  	_ =	shalt  }
0x41: {  	_ =	shalt  }
0x42: {  	_ =	shalt  }
0x43: {  	_ =	shalt  }
0x44: {  	_ =	shalt  }
0x45: {  	_ =	shalt  }
0x46: {  	_ =	shalt  }
0x47: {  	_ =	shalt  }
0x48: {  	_ =	shalt  }
0x49: {  	_ =	shalt  }
0x4a: {  	_ =	shalt  }
0x4b: {  	_ =	shalt  }
0x4c: {  	_ =	shalt  }
0x4d: {  	_ =	shalt  }
0x4e: {  	_ =	shalt  }
0x4f: {  	_ =	shalt  }
0x50: {  	_ =	shalt  }
0x51: {  	_ =	shalt  }
0x52: {  	_ =	shalt  }
0x53: {  	_ =	shalt  }
0x54: {  	_ =	shalt  }
0x55: {  	_ =	shalt  }
0x56: {  	_ =	shalt  }
0x57: {  	_ =	shalt  }
0x58: {  	_ =	shalt  }
0x59: {  	_ =	shalt  }
0x5a: {  	_ =	shalt  }
0x5b: {  	_ =	shalt  }
0x5c: {  	_ =	shalt  }
0x5d: {  	_ =	shalt  }
0x5e: {  	_ =	shalt  }
0x5f: {  	_ =	shalt  }
0x60: {  	_ =	shalt  }
0x61: {  	_ =	shalt  }
0x62: {  	_ =	shalt  }
0x63: {  	_ =	shalt  }
0x64: {  	_ =	shalt  }
0x65: {  	_ =	shalt  }
0x66: {  	_ =	shalt  }
0x67: {  	_ =	shalt  }
0x68: {  	_ =	shalt  }
0x69: {  	_ =	shalt  }
0x6a: {  	_ =	shalt  }
0x6b: {  	_ =	shalt  }
0x6c: {  	_ =	shalt  }
0x6d: {  	_ =	shalt  }
0x6e: {  	_ =	shalt  }
0x6f: {  	_ =	shalt  }
0x70: {  	_ =	shalt  }
0x71: {  	_ =	shalt  }
0x72: {  	_ =	shalt  }
0x73: {  	_ =	shalt  }
0x74: {  	_ =	shalt  }
0x75: {  	_ =	shalt  }
0x76: {  	_ =	shalt  }
0x77: {  	_ =	shalt  }
0x78: {  	_ =	shalt  }
0x79: {  	_ =	shalt  }
0x7a: {  	_ =	shalt  }
0x7b: {  	_ =	shalt  }
0x7c: {  	_ =	shalt  }
0x7d: {  	_ =	shalt  }
0x7e: {  	_ =	shalt  }
0x7f: {  	_ =	shalt  }
0x80: {  	_ =	shalt  }
0x81: {  	_ =	shalt  }
0x82: {  	_ =	shalt  }
0x83: {  	_ =	shalt  }
0x84: {  	_ =	shalt  }
0x85: {  	_ =	shalt  }
0x86: {  	_ =	shalt  }
0x87: {  	_ =	shalt  }
.Lfunc_end0:
.L_simem_size_0:
called_computation_lowered:
.L_overlay_start_0:
0x88: {  	s2 =	sld [smem:$0x3FD9]  }
0x89: {  	s3 =	sld [smem:$0x3FFE];
	_ =	sdelay $0x1  }
0x8a: {  	s1 =	srdreg.scid  }
0x8b: {  	s0 =	sand.u32 $0x1, s1  }
0x8c: {  	s14 =	sshll.u32 s0, $0xA;
	s2 =	sadd.s32 s3, s2  }
0x8d: {  	s2 =	sadd.s32 s2, s14  }
0x8e: {  	[smem:$0x3FC2] =	sst s2  }
0x8f: {  	_ = 	snop  }
0x90: {  	s2 =	sld [smem:$0x3FD0];
	_ =	sdelay $0x2  }
0x91: {  	s15 =	simm.s32 $0xA;
	s4 =	simm.s32 $0x10  }
0x92: {  	[smem:s4], [sflag:s15] =	dma.local [hbm:s2], $0x1  }
0x93: {  	_ =	swait.eq [sflag:s15], $0x1  }
0x94: {  	[sflag:s15] =	ssyncset.done $0x0  }
0x95: {  	[sflag:s15] =	ssyncadd.s32 $0xFFFFFFFF  }
0x96: {  	s16 =	sld [smem:$0x11];
	(tm) =	ssettm $0x1  }
0x97: {  	s17 =	sld [smem:$0x3FFB];
	_ =	sdelay $0x3  }
0x98: {  	_ =	strace s17  }
0x99: {  	s3 =	sld [smem:$0x3FFC];
	_ =	sdelay $0x3  }
0x9a: {  	_ =	strace s3  }
0x9b: {  	s3 =	sld [smem:$0x3FFD];
	_ =	sdelay $0x3  }
0x9c: {  	_ =	strace s3  }
0x9d: {  	_ =	strace $0x8FFFFFFF  }
0x9e: {  	s18 =	sld [smem:$0x3FDB];
	_ =	sdelay $0x1  }
0x9f: {  	s19 =	simm.s32 $_scs_section_size  }
0xa0: {  	s5 =	simm.s32 $_size__tile_overlayer_lowered;
	s6 =	simm.s32 $_tile_overlayer_lowered  }
0xa1: {  	s22 =	simm.s32 $0x1BFF;
	s21 =	sshll.u32 s6, $0x1;
	s3 =	sadd.s32 s19, s18  }
0xa2: {  	s7 =	simm.s32 $0x0;
	s20 =	sshll.u32 s5, $0x1;
	s5 =	sadd.s32 s21, s3  }
0xa3: {  	[timem:s7], [sflag:s22] =	dma.local [hbm:s5], s20  }
0xa4: {  	_ =	swait.ge [sflag:s22], s20  }
0xa5: {  	s4 =	ssub.s32 $0x0, s20;
	[sflag:s22] =	ssyncset.done $0x0  }
0xa6: {  	[sflag:s22] =	ssyncadd.s32 s4;
	_ =	sdelay $0x1  }
0xa7: {  	s23 =	simm.s32 $0x1B8B  }
0xa8: {  	_ =	swait.ge [sflag:s23], $0x1  }
0xa9: {  	[sflag:s23] =	ssyncset.done $0x0  }
0xaa: {  	s25 =	simm.s32 $0x1B8E;
	s24 =	sld [smem:$0x3FFE];
	[sflag:s23] =	ssyncadd.s32 $0xFFFFFFFF  }
0xab: {  	s26 =	simm.s32 $execute0_lowered;
	[smem:$0x3FD2] =	sst s25  }
0xac: {  	s5 =	sshll.u32 s26, $0x1;
	_ =	strace $0x80000046;
	[dreg:$0x1] =	wrdreg $0xFFFFFFFF  }
0xad: {  	s28 =	simm.s32 $_size_execute0_lowered;
	s3 =	sadd.s32 s3, s5;
	[dreg:$0x0] =	wrdreg $0x0  }
0xae: {  	s5 =	sshll.u32 s28, $0x1;
	[dreg:$0x2] =	wrdreg s3  }
0xaf: {  	[dreg:$0x3] =	wrdreg s5  }
0xb0: {  	[dreg:$0x4] =	wrdreg $0xC0  }
0xb1: {  	_ =	task [dreg:s7], $0x5FFFF  }
0xb2: {  	[dreg:$0x1] =	wrdreg $0xFFFFFFFF  }
0xb3: {  	[dreg:$0x0] =	wrdreg $0x60  }
0xb4: {  	[dreg:$0x2] =	wrdreg s24  }
0xb5: {  	[dreg:$0x3] =	wrdreg s16  }
0xb6: {  	[dreg:$0x4] =	wrdreg $0x9  }
0xb7: {  	_ =	task.clear_ibuf [dreg:s7], $0x5FFFF;
	_ =	strace $0x90000046  }
0xb8: {  	s29 =	simm.s32 $0x9;
	_ =	strace $0x80000048  }
0xb9: {  	_ =	swait.ge [sflag:s29], $0x1  }
0xba: {  	[sflag:s29] =	ssyncadd.s32 $0xFFFFFFFF  }
0xbb: {  	_ =	strace $0x90000048  }
0xbc: {  	_ =	sfence  }
0xbd: {  	s30 =	sld [smem:$0x0];
	_ =	sdelay $0x2  }
0xbe: {  	s31 =	sshll.u32 s1, $0xD;
	s1 =	sshrl.u32 s1, $0x2  }
0xbf: {  	s3 =	sand.u32 $0x4000, s31;
	s1 =	sadd.s32 s1, s30  }
0xc0: {  	s0 =	sor.u32 s3, s0;
	s1 =	sshll.u32 s1, $0x11  }
0xc1: {  	s0 =	sor.u32 s1, s0  }
0xc2: {  	s0 =	sadd.s32 $0x8F2B, s0  }
0xc3: {  	[sflag:s0] =	ssyncadd.remote.s32 $0x1  }
0xc4: {  	_ =	sfence.sel $0xFFFF  }
0xc5: {  	[dreg:$0x0] =	wrdreg $0xFFFFFFFF;
	(pc) =	sbr.abs _section_cstart, $3  }
0xc6: {  	[dreg:$0x1] =	wrdreg $0xFFFFFFFF  }
0xc7: {  	_ =	task.clear_ibuf [dreg:s7], $0x2FFFF;
	_ =	strace $0x9FFFFFFF  }
0xc8: {  	(tm) =	ssettm $0x7FFFFFFF  }
0xc9: {  	_ =	shalt  }
tec
execute0_lowered:
.L_overlay_start_1:
0x0: {  	(tag) =	ssettag $0x1  }
0x1: {  	v15 =	vimm.s32 $0x0;
	v62 =	vimm.s32 $0x1;
	v0 =	vimm.s32 $0xFEDCBA98  }
0x2: {  	s0 =	stileid.u32;
	v1 =	vimm.s32 $0x76543210;
	v2 =	vimm.s32 $0xBA98FEDC;
	v3 =	vimm.s32 $0x32107654  }
0x3: {  	s1 =	srdreg.scid;
	s6 =	rddreg [dreg:$0x0];
	s2 =	simm.s32 $0x0;
	v4 =	vimm.s32 $0xDCFE98BA;
	v5 =	vimm.s32 $0x54761032;
	v6 =	vimm.s32 $0xEFCDAB89  }
0x4: {  	v63 =	vimm.s32 $0x2;
	v7 =	vimm.s32 $0x67452301;
	s11 =	simm.s32 $0x800;
	s12 =	simm.s32 $0x880;
	s13 =	simm.s32 $0xB00;
	vm8 =	vmmov $0x1  }
0x5: {  	vm10 =	vmmov $0x3;
	vm11 =	vmmov $0x7;
	vm2 =	vmmov $0x1f;
	s5 =	sand.u32 $0x1, s1;
	s30 =	sshll.u32 s0, $0x1;
	s1 =	rddreg [dreg:$0x1]  }
0x6: {  	s14 =	simm.s32 $0x0;
	vm3 =	vmmov $0x3f;
	vm4 =	vmmov $0x7f;
	vm9 =	vmmov $0xff;
	[smem:$0x7FF] =	sst s2;
	s7 =	sor.u32 s5, s30  }
0x7: {  	vm12 =	vmmov $0x1ff;
	vm1 =	vmmov $0x3ff;
	vm5 =	vmmov $0x7ff;
	s8 =	sshll.u32 s0, $0x9;
	p0 =	slt.u32 s0, $0x8;
	s3 =	sadd.s32 $0xFFFFFFF0, s7  }
0x8: {  	v0 =	vunpack.c.l.s4.s8 v0;
	v1 =	vunpack.c.l.s4.s8 v1;
	v2 =	vunpack.c.l.s4.s8 v2;
	s8 =	sand.u32 $0x800, s8;
	s4 =	sshll.u32 s3, $0xB;
	s3 =	sshll.u32 s3, $0x7  }
0x9: {  	v3 =	vunpack.c.l.s4.s8 v3;
	v4 =	vunpack.c.l.s4.s8 v4;
	v5 =	vunpack.c.l.s4.s8 v5;
	s5 =	ssub.s32 $0x2, s5;
	s4 =	sand.u32 $0xFFFFC000, s4;
	s9 =	sand.u32 $0x380, s3  }
0xa: {  	v6 =	vunpack.c.l.s4.s8 v6;
	v7 =	vunpack.c.l.s4.s8 v7;
	v0 =	vunpack.c.0.s8.s32 v0;
	s8 =	sadd.s32 s8, s6;
	s10 =	sshrl.u32 s5, $0x1;
	s4 =	sor.u32 s9, s4  }
0xb: {  	s7 =	sshll.u32 s7, $0x4;
	v2 =	vunpack.c.0.s8.s32 v2;
	v3 =	vunpack.c.0.s8.s32 v3;
	v4 =	vunpack.c.0.s8.s32 v4;
	s10 =	ssub.s32 s5, s10;
	s4 =	sshrl.u32 s4, $0x3  }
0xc: {  	v5 =	vunpack.c.0.s8.s32 v5;
	v6 =	vunpack.c.0.s8.s32 v6;
	v7 =	vunpack.c.0.s8.s32 v7;
	s3 =	rddreg [dreg:$0x2];
	_ =	strace $0x80000047;
	s31 =	sadd.s32 s4, s6  }
0xd: {  	vm6 =	vmmov $0xfff;
	v1 =	vunpack.c.0.s8.s32 v1;
	v2 =	vcombine.low v3, v2;
	s4 =	sadd.s32 $0x4800, s6;
	s6 =	sadd.s32 s7, s6;
	s7 =	sand.u32 $0x70, s7  }
0xe: {  	v0 =	vand.u32 $0xF, v0;
	v60 =	vcombine.low v5, v4;
	v61 =	vcombine.low v7, v6;
	s9 =	simm.s32 $0x400;
	s7 =	sadd.s32 s7, s8;
	s5 =	sadd.s32 $0x2800, s31  }
0xf: {  	vm7 =	vmmov $0x1fff;
	vm13 =	vmmov $0x3fff;
	v16 =	vcombine.low v0, v1;
	s6 =	sadd.s32 $0x4A00, s6;
	s8 =	sadd.s32 $0x3800, s7;
	s7 =	smax.u32 s10, $0x1  }
0x10: {  	v17 =	vand.u32 $0xF, v2;
	v18 =	vand.u32 $0xF, v60;
	v19 =	vand.u32 $0xF, v61;
	s10 =	simm.s32 $0x1;
	s5 =	smov.u32 @p0 s8;
	s8 =	simm.s32 $0x80  }
.LBB2_1:
0x11: {  	[tilespmem:s2], [sflag:$0x1] =	stream.strided.gather [hbm4b:s5+s8], $0x800, s9, s8, $0x38;
	[tilespmem:$0xB80] =	vst v63  }
0x12: {  	_ =	swait.ge [sflag:s10], $0x800  }
0x13: {  	[sflag:s10] =	ssyncset.done $0x0  }
0x14: {  	[sflag:s10] =	ssyncadd.s32 $0xFFFFF800  }
0x15: {  	[tilespmem:s11], [sflag:$0x1] =	stream.linear.gather [hbm4b:s1+s2], $0x80, $0x38;
	[tilespmem:$0xB80] =	vst v63  }
0x16: {  	_ =	swait.ge [sflag:s10], $0x80  }
0x17: {  	[sflag:s10] =	ssyncset.done $0x0  }
0x18: {  	[sflag:s10] =	ssyncadd.s32 $0xFFFFFF80  }
0x19: {  	[tilespmem:s12], [sflag:$0x1] =	stream.linear.gather [hbm4b:s4+s2], $0x80, $0x38;
	[tilespmem:$0xB80] =	vst v63  }
0x1a: {  	_ =	swait.ge [sflag:s10], $0x80  }
0x1b: {  	[sflag:s10] =	ssyncset.done $0x0  }
0x1c: {  	[sflag:s10] =	ssyncadd.s32 $0xFFFFFF80  }
0x1d: {  	v0 =	vld [tilespmem:$0x800];
	_ =	sdelay $0x1  }
0x1e: {  	v1 =	vld [tilespmem:$0x820]  }
0x1f: {  	v2 =	vld [tilespmem:$0x880]  }
0x20: {  	v5 =	vimm.s32 $0x3  }
0x21: {  	v9 =	vimm.s32 $0x4;
	v10 =	vimm.s32 $0x5;
	v21 =	vperm.xlane v0, v15  }
0x22: {  	v11 =	vimm.s32 $0x6;
	v22 =	vperm.xlane v0, v62;
	v23 =	vperm.xlane v0, v63  }
0x23: {  	v44 =	vimm.f32 $0.0e+00;
	v24 =	vperm.xlane v0, v5;
	v3 =	vperm.xlane v1, v15  }
0x24: {  	v6 =	vld [tilespmem:s2+$0x0];
	v4 =	vperm.xlane v1, v62;
	v20 =	vand.u32 $0x7FFFFFFF, v2;
	v2 =	vperm.xlane v1, v63  }
0x25: {  	v45 =	vimm.f32 $0.0e+00;
	v5 =	vperm.xlane v1, v5;
	v7 =	vperm.xlane v1, v9  }
0x26: {  	v8 =	vperm.xlane v1, v10;
	v30 =	vperm.xlane v0, v9;
	v25 =	vsub.f32 $1.000000000e+00, v3  }
0x27: {  	v33 =	vperm.xlane v0, v10;
	v26 =	vsub.f32 $1.000000000e+00, v4;
	v27 =	vsub.f32 $1.000000000e+00, v2  }
0x28: {  	v35 =	vperm.xlane v0, v11;
	v28 =	vsub.f32 $1.000000000e+00, v5;
	v29 =	vsub.f32 $1.000000000e+00, v7  }
0x29: {  	v3 =	vperm.xlane v1, v11;
	v31 =	vsub.f32 $1.000000000e+00, v8;
	v2 =	vsub.f32 v6, v22  }
0x2a: {  	v4 =	vimm.s32 $0x7;
	v5 =	vsub.f32 v6, v24;
	v8 =	vsub.f32 v6, v30  }
0x2b: {  	v9 =	vsub.f32 v6, v33;
	v11 =	vsub.f32 v6, v35;
	v1 =	vperm.xlane v1, v4  }
0x2c: {  	v36 =	vperm.xlane v0, v4;
	v4 =	vsub.f32 v6, v23;
	v32 =	vsub.f32 $1.000000000e+00, v3  }
0x2d: {  	v3 =	vsub.f32 v6, v26;
	v0 =	vsub.f32 v6, v25;
	v2 =	vand.u32 $0x7FFFFFFF, v2  }
0x2e: {  	v7 =	vsub.f32 v6, v28;
	v5 =	vand.u32 $0x7FFFFFFF, v5;
	v10 =	vsub.f32 v6, v31  }
0x2f: {  	v11 =	vand.u32 $0x7FFFFFFF, v11;
	v34 =	vsub.f32 $1.000000000e+00, v1;
	v3 =	vand.u32 $0x7FFFFFFF, v3  }
0x30: {  	v8 =	vand.u32 $0x7FFFFFFF, v8;
	v1 =	vsub.f32 v6, v21;
	v40 =	vadd.f32 v3, v2  }
0x31: {  	v2 =	vand.u32 $0x7FFFFFFF, v9;
	v3 =	vsub.f32 v6, v36;
	v9 =	vand.u32 $0x7FFFFFFF, v10  }
0x32: {  	v4 =	vand.u32 $0x7FFFFFFF, v4;
	v10 =	vsub.f32 v6, v29;
	v9 =	vadd.f32 v9, v2  }
0x33: {  	v12 =	vsub.f32 v6, v32;
	v7 =	vand.u32 $0x7FFFFFFF, v7;
	v2 =	vsub.f32 v6, v27  }
0x34: {  	v10 =	vand.u32 $0x7FFFFFFF, v10;
	v3 =	vand.u32 $0x7FFFFFFF, v3;
	v13 =	vsub.f32 v20, v9  }
0x35: {  	v8 =	vadd.f32 v10, v8;
	v10 =	vand.u32 $0x7FFFFFFF, v1;
	v1 =	vsub.f32 v6, v34  }
0x36: {  	v48 =	vadd.f32 $1.000000000e+00, v40;
	v2 =	vand.u32 $0x7FFFFFFF, v2;
	v39 =	vadd.f32 $1.000000000e+00, v9  }
0x37: {  	v13 =	vand.u32 $0x7FFFFFFF, v13;
	v6 =	vsub.f32 v20, v8;
	v37 =	vand.u32 $0x7FFFFFFF, v1  }
0x38: {  	v38 =	vadd.f32 $1.000000000e+00, v8;
	v1 =	vadd.f32 v2, v4;
	v4 =	vand.u32 $0x7FFFFFFF, v12  }
0x39: {  	v12 =	vadd.f32 v7, v5;
	v14 =	vadd.f32 $1.000000000e+00, v13;
	v2 =	vand.u32 $0x7FFFFFFF, v6  }
0x3a: {  	v47 =	vadd.f32 v37, v3;
	v37 =	vimm.f32 $0.0e+00;
	v3 =	vadd.f32 $1.000000000e+00, v2  }
0x3b: {  	v46 =	vsub.f32 v13, v9;
	v6 =	vand.u32 $0x7FFFFFFF, v0;
	v0 =	vadd.f32 v4, v11  }
0x3c: {  	v4 =	vadd.f32 $1.000000000e+00, v1;
	v10 =	vadd.f32 v6, v10;
	v3 =	vmul.f32 v3, v38  }
0x3d: {  	v5 =	vsub.f32 v20, v1;
	v42 =	vadd.f32 $1.000000000e+00, v12;
	v9 =	vmul.f32 v14, v39  }
0x3e: {  	v6 =	vsub.f32 v20, v0;
	v11 =	vsub.f32 v20, v10;
	(erf) = vrcp.f32 v3  }
0x3f: {  	v7 =	vand.u32 $0x7FFFFFFF, v5;
	v5 =	vsub.f32 v2, v8;
	v8 =	vsub.f32 v20, v40  }
0x40: {  	v61 =	vadd.f32 $1.000000000e+00, v0;
	v3 =	vsub.f32 v20, v12;
	v2 =	vand.u32 $0x7FFFFFFF, v11  }
0x41: {  	v39 =	vimm.f32 $0.0e+00;
	v59 =	vadd.f32 $1.000000000e+00, v10;
	v11 =	vadd.f32 $1.000000000e+00, v2  }
0x42: {  	v6 =	vand.u32 $0x7FFFFFFF, v6;
	v41 =	vand.u32 $0x7FFFFFFF, v3;
	v3 =	vsub.f32 v2, v10  }
0x43: {  	v43 =	vadd.f32 $1.000000000e+00, v41;
	v10 =	vmul.f32 v11, v59;
	v11 =	vadd.f32 $1.000000000e+00, v6  }
0x44: {  	v38 =	vimm.f32 $0.0e+00;
	v8 =	vand.u32 $0x7FFFFFFF, v8;
	v2 =	vsub.f32 v41, v12  }
0x45: {  	v12 =	vadd.f32 $1.000000000e+00, v7;
	v60 =	vmul.f32 v43, v42;
	(erf) = vrcp.f32 v10  }
0x46: {  	v41 =	vimm.f32 $0.0e+00;
	v10 =	vsub.f32 v20, v47;
	v49 =	vmul.f32 v11, v61  }
0x47: {  	s15 =	simm.s32 $0x0;
	s16 =	simm.s32 $0x10;
	v42 =	vimm.f32 $0.0e+00;
	v43 =	vimm.f32 $0.0e+00;
	(erf) = vrcp.f32 v60;
	v11 =	vpop (erf)  }
.LBB2_2:
0x48: {  	v13 =	vld [tilespmem:s16+$0x0];
	s15 =	sadd.s32 $0x10, s15;
	v14 =	vadd.f32 $1.000000000e+00, v8;
	v1 =	vsub.f32 v7, v1;
	v5 =	vmul.f32 v11, v5  }
0x49: {  	v7 =	vsub.f32 v8, v40;
	p0 =	slt.u32 s15, $0x3F0;
	v4 =	vmul.f32 v12, v4;
	(erf) = vrcp.f32 v49  }
0x4a: {  	v0 =	vsub.f32 v6, v0;
	v8 =	vmul.f32 v14, v48;
	v37 =	vadd.f32 v5, v37  }
0x4b: {  	v11 =	vadd.f32 $1.000000000e+00, v47;
	v5 =	vand.u32 $0x7FFFFFFF, v10;
	(erf) = vrcp.f32 v4  }
0x4c: {  	v4 =	vadd.f32 $1.000000000e+00, v5;
	(erf) = vrcp.f32 v8  }
0x4d: {  	v5 =	vsub.f32 v5, v47;
	v8 =	vsub.f32 v13, v21;
	(erf) = vrcp.f32 v9  }
0x4e: {  	v9 =	vsub.f32 v13, v22;
	v10 =	vsub.f32 v13, v26;
	v4 =	vmul.f32 v4, v11;
	v6 =	vpop (erf)  }
0x4f: {  	v11 =	vsub.f32 v13, v25;
	v12 =	vsub.f32 v13, v23;
	v3 =	vmul.f32 v6, v3  }
0x50: {  	v6 =	vand.u32 $0x7FFFFFFF, v9;
	v9 =	vand.u32 $0x7FFFFFFF, v10;
	v10 =	vsub.f32 v13, v24;
	v14 =	vpop (erf)  }
0x51: {  	v47 =	vsub.f32 v13, v28;
	v48 =	vsub.f32 v13, v30;
	(erf) = vrcp.f32 v4  }
0x52: {  	v51 =	vsub.f32 v13, v33;
	v4 =	vand.u32 $0x7FFFFFFF, v12;
	v2 =	vmul.f32 v14, v2;
	v14 =	vpop (erf)  }
0x53: {  	v49 =	vsub.f32 v13, v31;
	v50 =	vsub.f32 v13, v35;
	v10 =	vand.u32 $0x7FFFFFFF, v10  }
0x54: {  	v40 =	vadd.f32 v9, v6;
	v6 =	vand.u32 $0x7FFFFFFF, v51;
	v9 =	vsub.f32 v13, v36;
	v12 =	vpop (erf)  }
0x55: {  	v49 =	vand.u32 $0x7FFFFFFF, v49;
	v50 =	vand.u32 $0x7FFFFFFF, v50;
	v51 =	vsub.f32 v13, v32;
	v52 =	vpop (erf)  }
0x56: {  	v53 =	vand.u32 $0x7FFFFFFF, v47;
	v9 =	vand.u32 $0x7FFFFFFF, v9;
	v1 =	vmul.f32 v12, v1;
	v12 =	vpop (erf)  }
0x57: {  	v49 =	vadd.f32 v49, v6;
	v42 =	vadd.f32 v2, v42;
	v0 =	vmul.f32 v14, v0  }
0x58: {  	v6 =	vsub.f32 v13, v27;
	v2 =	vand.u32 $0x7FFFFFFF, v8;
	v8 =	vsub.f32 v13, v29  }
0x59: {  	v14 =	vand.u32 $0x7FFFFFFF, v48;
	v47 =	vsub.f32 v20, v49;
	v43 =	vadd.f32 v1, v43  }
0x5a: {  	v1 =	vand.u32 $0x7FFFFFFF, v6;
	v6 =	vand.u32 $0x7FFFFFFF, v8;
	v8 =	vsub.f32 v13, v34;
	v13 =	vpop (erf)  }
0x5b: {  	v7 =	vmul.f32 v52, v7;
	v6 =	vadd.f32 v6, v14;
	v14 =	vand.u32 $0x7FFFFFFF, v47  }
0x5c: {  	v48 =	vadd.f32 $1.000000000e+00, v40;
	v52 =	vadd.f32 $1.000000000e+00, v14;
	v8 =	vand.u32 $0x7FFFFFFF, v8  }
0x5d: {  	v44 =	vadd.f32 v7, v44;
	v47 =	vsub.f32 v20, v6;
	v13 =	vmul.f32 v13, v5  }
0x5e: {  	v45 =	vadd.f32 v3, v45;
	v7 =	vand.u32 $0x7FFFFFFF, v51;
	v5 =	vadd.f32 $1.000000000e+00, v6  }
0x5f: {  	v1 =	vadd.f32 v1, v4;
	v3 =	vand.u32 $0x7FFFFFFF, v47;
	v47 =	vadd.f32 v8, v9  }
0x60: {  	v38 =	vadd.f32 v0, v38;
	v4 =	vand.u32 $0x7FFFFFFF, v11;
	v8 =	vadd.f32 $1.000000000e+00, v3  }
0x61: {  	v0 =	vadd.f32 v7, v50;
	v9 =	vadd.f32 v53, v10;
	v10 =	vmul.f32 v12, v46  }
0x62: {  	v2 =	vadd.f32 v4, v2;
	v4 =	vadd.f32 $1.000000000e+00, v1;
	v5 =	vmul.f32 v8, v5  }
0x63: {  	v7 =	vsub.f32 v20, v1;
	v8 =	vsub.f32 v20, v0  }
0x64: {  	v11 =	vsub.f32 v20, v2;
	v12 =	vadd.f32 $1.000000000e+00, v2;
	(erf) = vrcp.f32 v5  }
0x65: {  	v7 =	vand.u32 $0x7FFFFFFF, v7;
	v41 =	vadd.f32 v10, v41;
	v5 =	vsub.f32 v3, v6  }
0x66: {  	v10 =	vsub.f32 v20, v40;
	v3 =	vand.u32 $0x7FFFFFFF, v11;
	v11 =	vsub.f32 v20, v9  }
0x67: {  	v50 =	vadd.f32 $1.000000000e+00, v49;
	v6 =	vand.u32 $0x7FFFFFFF, v8;
	v46 =	vadd.f32 $1.000000000e+00, v3  }
0x68: {  	v39 =	vadd.f32 v13, v39;
	v3 =	vsub.f32 v3, v2;
	v2 =	vand.u32 $0x7FFFFFFF, v11  }
.Ltmp0:
0x69: {  	v11 =	vmul.f32 v46, v12;
	v12 =	vadd.f32 $1.000000000e+00, v9;
	v13 =	vadd.f32 $1.000000000e+00, v2;
	(pc) =	sbr.rel @p0 .LBB2_2-.Ltmp0, $4  }
0x6a: {  	v8 =	vand.u32 $0x7FFFFFFF, v10;
	v51 =	vadd.f32 $1.000000000e+00, v6;
	v2 =	vsub.f32 v2, v9  }
0x6b: {  	v53 =	vadd.f32 $1.000000000e+00, v0;
	v13 =	vmul.f32 v13, v12;
	(erf) = vrcp.f32 v11  }
0x6c: {  	v10 =	vsub.f32 v20, v47;
	v46 =	vsub.f32 v14, v49;
	v9 =	vmul.f32 v52, v50  }
0x6d: {  	s16 =	sadd.s32 $0x10, s16;
	v49 =	vmul.f32 v51, v53;
	v12 =	vadd.f32 $1.000000000e+00, v7;
	(erf) = vrcp.f32 v13;
	v11 =	vpop (erf)  }
0x6e: {  	v13 =	vadd.f32 $1.000000000e+00, v8  }
0x6f: {  	v4 =	vmul.f32 v12, v4  }
0x70: {  	(erf) = vrcp.f32 v49;
	v12 =	vmul.f32 v13, v48  }
0x71: {  	(erf) = vrcp.f32 v4  }
0x72: {  	v4 =	vand.u32 $0x7FFFFFFF, v10;
	(erf) = vrcp.f32 v12  }
0x73: {  	v10 =	vadd.f32 $1.000000000e+00, v47;
	v12 =	vadd.f32 $1.000000000e+00, v4  }
0x74: {  	(erf) = vrcp.f32 v9  }
0x75: {  	v9 =	vmul.f32 v12, v10;
	_ =	sdelay $0x1  }
0x76: {  	v10 =	vpop (erf)  }
0x77: {  	v12 =	vpop (erf);
	(erf) = vrcp.f32 v9;
	v3 =	vmul.f32 v10, v3  }
0x78: {  	v1 =	vsub.f32 v7, v1;
	v9 =	vpop (erf)  }
0x79: {  	v8 =	vsub.f32 v8, v40;
	v28 =	vadd.f32 v3, v45;
	v3 =	vmul.f32 v11, v5;
	v13 =	vpop (erf)  }
0x7a: {  	v0 =	vsub.f32 v6, v0;
	v7 =	vpop (erf);
	v1 =	vmul.f32 v13, v1  }
0x7b: {  	v2 =	vmul.f32 v12, v2;
	v6 =	vadd.f32 v3, v37;
	v7 =	vmul.f32 v7, v8  }
0x7c: {  	[tilespmem:$0x900] =	vst v28;
	v5 =	vpop (erf);
	v26 =	vadd.f32 v1, v43  }
0x7d: {  	[tilespmem:$0x1FFC0] =	vst v6;
	v27 =	vadd.f32 v7, v44;
	v7 =	vadd.f32 v2, v42;
	v2 =	vmul.f32 v5, v46  }
0x7e: {  	[tilespmem:$0x940] =	vst v6;
	v1 =	vld [tilespmem:$0x800]  }
0x7f: {  	v4 =	vsub.f32 v4, v47;
	v0 =	vmul.f32 v9, v0;
	[tilespmem:$0x920] =	vst v26;
	v2 =	vadd.f32 v2, v41  }
0x80: {  	v3 =	vpop (erf);
	[tilespmem:$0x910] =	vst v27  }
0x81: {  	v52 =	vimm.f32 $0.0e+00;
	v5 =	vld [tilespmem:$0x820];
	v3 =	vmul.f32 v3, v4;
	v4 =	vadd.f32 v0, v38;
	[tilespmem:$0x1FFD0] =	vst v2  }
0x82: {  	v53 =	vimm.f32 $0.0e+00;
	v10 =	vimm.s32 $0xD;
	v0 =	vimm.s32 $0x8;
	[tilespmem:$0x950] =	vst v2  }
0x83: {  	v6 =	vadd.f32 v3, v39;
	v29 =	vperm.xlane v1, v0;
	v2 =	vimm.s32 $0x9;
	[tilespmem:$0x1FFE0] =	vst v4  }
0x84: {  	[tilespmem:$0x960] =	vst v4;
	v3 =	vimm.s32 $0xA;
	v4 =	vimm.s32 $0xB;
	v30 =	vperm.xlane v1, v2  }
0x85: {  	v12 =	vimm.s32 $0xF;
	[tilespmem:$0x930] =	vst v7;
	v31 =	vperm.xlane v1, v3;
	v32 =	vperm.xlane v1, v4  }
0x86: {  	s15 =	simm.s32 $0x0;
	v11 =	vimm.s32 $0xE;
	v0 =	vperm.xlane v5, v0;
	v2 =	vperm.xlane v5, v2;
	[tilespmem:$0x970] =	vst v6  }
0x87: {  	v9 =	vimm.s32 $0xC;
	v3 =	vperm.xlane v5, v3;
	v4 =	vperm.xlane v5, v4;
	[tilespmem:$0x1FFF0] =	vst v6;
	v6 =	vld [tilespmem:s15+$0x0]  }
0x88: {  	[tilespmem:$0x1FFB0] =	vst v7;
	v7 =	vperm.xlane v5, v9;
	v8 =	vperm.xlane v5, v10;
	v33 =	vsub.f32 $1.000000000e+00, v0  }
0x89: {  	v0 =	vperm.xlane v5, v11;
	v34 =	vsub.f32 $1.000000000e+00, v2;
	v35 =	vsub.f32 $1.000000000e+00, v3  }
0x8a: {  	v2 =	vperm.xlane v5, v12;
	v36 =	vsub.f32 $1.000000000e+00, v4;
	v37 =	vsub.f32 $1.000000000e+00, v7  }
0x8b: {  	v38 =	vperm.xlane v1, v9;
	v39 =	vsub.f32 $1.000000000e+00, v8;
	v40 =	vsub.f32 $1.000000000e+00, v0  }
0x8c: {  	v41 =	vperm.xlane v1, v10;
	v42 =	vsub.f32 $1.000000000e+00, v2;
	v0 =	vsub.f32 v6, v29  }
0x8d: {  	v43 =	vperm.xlane v1, v11;
	v2 =	vsub.f32 v6, v30;
	v3 =	vsub.f32 v6, v34  }
0x8e: {  	v44 =	vperm.xlane v1, v12;
	v4 =	vsub.f32 v6, v33;
	v1 =	vsub.f32 v6, v31  }
0x8f: {  	v49 =	vimm.f32 $0.0e+00;
	v5 =	vsub.f32 v6, v32;
	v7 =	vsub.f32 v6, v36  }
0x90: {  	v47 =	vimm.f32 $0.0e+00;
	v8 =	vsub.f32 v6, v38;
	v9 =	vsub.f32 v6, v41  }
0x91: {  	v45 =	vimm.f32 $0.0e+00;
	v10 =	vsub.f32 v6, v39;
	v11 =	vsub.f32 v6, v43  }
0x92: {  	v12 =	vsub.f32 v6, v40;
	v2 =	vand.u32 $0x7FFFFFFF, v2;
	v3 =	vand.u32 $0x7FFFFFFF, v3  }
0x93: {  	v1 =	vand.u32 $0x7FFFFFFF, v1;
	v5 =	vand.u32 $0x7FFFFFFF, v5;
	v48 =	vadd.f32 v3, v2  }
0x94: {  	v2 =	vand.u32 $0x7FFFFFFF, v9;
	v9 =	vand.u32 $0x7FFFFFFF, v10;
	v10 =	vsub.f32 v6, v37  }
0x95: {  	v11 =	vand.u32 $0x7FFFFFFF, v11;
	v8 =	vand.u32 $0x7FFFFFFF, v8;
	v3 =	vsub.f32 v6, v44  }
0x96: {  	v9 =	vadd.f32 v9, v2;
	v2 =	vsub.f32 v6, v35;
	v10 =	vand.u32 $0x7FFFFFFF, v10  }
0x97: {  	v4 =	vand.u32 $0x7FFFFFFF, v4;
	v56 =	vadd.f32 $1.000000000e+00, v48;
	v8 =	vadd.f32 v10, v8  }
0x98: {  	v13 =	vsub.f32 v20, v9;
	v10 =	vand.u32 $0x7FFFFFFF, v0;
	v0 =	vsub.f32 v6, v42  }
0x99: {  	v2 =	vand.u32 $0x7FFFFFFF, v2;
	v58 =	vadd.f32 $1.000000000e+00, v9;
	v6 =	vsub.f32 v20, v8  }
0x9a: {  	v3 =	vand.u32 $0x7FFFFFFF, v3;
	v1 =	vadd.f32 v2, v1;
	v10 =	vadd.f32 v4, v10  }
0x9b: {  	v0 =	vand.u32 $0x7FFFFFFF, v0;
	v51 =	vadd.f32 $1.000000000e+00, v8;
	v2 =	vand.u32 $0x7FFFFFFF, v6  }
0x9c: {  	v13 =	vand.u32 $0x7FFFFFFF, v13;
	v55 =	vadd.f32 v0, v3;
	v3 =	vadd.f32 $1.000000000e+00, v2  }
0x9d: {  	v7 =	vand.u32 $0x7FFFFFFF, v7;
	v14 =	vadd.f32 $1.000000000e+00, v13;
	v4 =	vadd.f32 $1.000000000e+00, v1  }
0x9e: {  	v57 =	vadd.f32 $1.000000000e+00, v10;
	v54 =	vsub.f32 v13, v9;
	v3 =	vmul.f32 v3, v51  }
0x9f: {  	v6 =	vand.u32 $0x7FFFFFFF, v12;
	v12 =	vadd.f32 v7, v5;
	v5 =	vsub.f32 v20, v1  }
0xa0: {  	v0 =	vadd.f32 v6, v11;
	v11 =	vsub.f32 v20, v10;
	(erf) = vrcp.f32 v3  }
0xa1: {  	v7 =	vand.u32 $0x7FFFFFFF, v5;
	v5 =	vsub.f32 v2, v8;
	v8 =	vsub.f32 v20, v48  }
0xa2: {  	v6 =	vsub.f32 v20, v0;
	v2 =	vand.u32 $0x7FFFFFFF, v11;
	v3 =	vsub.f32 v20, v12  }
0xa3: {  	v46 =	vimm.f32 $0.0e+00;
	v50 =	vadd.f32 $1.000000000e+00, v12;
	v11 =	vadd.f32 $1.000000000e+00, v2  }
0xa4: {  	v6 =	vand.u32 $0x7FFFFFFF, v6;
	v59 =	vand.u32 $0x7FFFFFFF, v3;
	v3 =	vsub.f32 v2, v10  }
0xa5: {  	v10 =	vmul.f32 v11, v57;
	v11 =	vadd.f32 $1.000000000e+00, v6;
	v51 =	vadd.f32 $1.000000000e+00, v59  }
0xa6: {  	v9 =	vmul.f32 v14, v58;
	v61 =	vadd.f32 $1.000000000e+00, v0;
	v8 =	vand.u32 $0x7FFFFFFF, v8  }
0xa7: {  	v2 =	vsub.f32 v59, v12;
	(erf) = vrcp.f32 v10;
	v60 =	vmul.f32 v51, v50  }
0xa8: {  	v12 =	vadd.f32 $1.000000000e+00, v7;
	v10 =	vsub.f32 v20, v55;
	v57 =	vmul.f32 v11, v61  }
0xa9: {  	s16 =	simm.s32 $0x10;
	s15 =	simm.s32 $0x0;
	v50 =	vimm.f32 $0.0e+00;
	v51 =	vimm.f32 $0.0e+00;
	(erf) = vrcp.f32 v60;
	v11 =	vpop (erf)  }
.LBB2_4:
0xaa: {  	v13 =	vld [tilespmem:s16+$0x0];
	s15 =	sadd.s32 $0x10, s15;
	v14 =	vadd.f32 $1.000000000e+00, v8;
	v1 =	vsub.f32 v7, v1;
	v5 =	vmul.f32 v11, v5  }
0xab: {  	v7 =	vsub.f32 v8, v48;
	p0 =	slt.u32 s15, $0x3F0;
	v4 =	vmul.f32 v12, v4;
	(erf) = vrcp.f32 v57  }
0xac: {  	v0 =	vsub.f32 v6, v0;
	v8 =	vmul.f32 v14, v56;
	v45 =	vadd.f32 v5, v45  }
0xad: {  	v11 =	vadd.f32 $1.000000000e+00, v55;
	v5 =	vand.u32 $0x7FFFFFFF, v10;
	(erf) = vrcp.f32 v4  }
0xae: {  	v4 =	vadd.f32 $1.000000000e+00, v5;
	(erf) = vrcp.f32 v8  }
0xaf: {  	v5 =	vsub.f32 v5, v55;
	v8 =	vsub.f32 v13, v29;
	(erf) = vrcp.f32 v9  }
0xb0: {  	v9 =	vsub.f32 v13, v30;
	v10 =	vsub.f32 v13, v34;
	v4 =	vmul.f32 v4, v11;
	v6 =	vpop (erf)  }
0xb1: {  	v11 =	vsub.f32 v13, v33;
	v12 =	vsub.f32 v13, v31;
	v3 =	vmul.f32 v6, v3  }
0xb2: {  	v6 =	vand.u32 $0x7FFFFFFF, v9;
	v9 =	vand.u32 $0x7FFFFFFF, v10;
	v10 =	vsub.f32 v13, v32;
	v14 =	vpop (erf)  }
0xb3: {  	v55 =	vsub.f32 v13, v36;
	v56 =	vsub.f32 v13, v38;
	(erf) = vrcp.f32 v4  }
0xb4: {  	v21 =	vsub.f32 v13, v41;
	v4 =	vand.u32 $0x7FFFFFFF, v12;
	v2 =	vmul.f32 v14, v2;
	v14 =	vpop (erf)  }
0xb5: {  	v57 =	vsub.f32 v13, v39;
	v58 =	vsub.f32 v13, v43;
	v10 =	vand.u32 $0x7FFFFFFF, v10  }
0xb6: {  	v48 =	vadd.f32 v9, v6;
	v6 =	vand.u32 $0x7FFFFFFF, v21;
	v9 =	vsub.f32 v13, v44;
	v12 =	vpop (erf)  }
0xb7: {  	v59 =	vsub.f32 v13, v40;
	v57 =	vand.u32 $0x7FFFFFFF, v57;
	v58 =	vand.u32 $0x7FFFFFFF, v58;
	v60 =	vpop (erf)  }
0xb8: {  	v61 =	vand.u32 $0x7FFFFFFF, v55;
	v9 =	vand.u32 $0x7FFFFFFF, v9;
	v1 =	vmul.f32 v12, v1;
	v12 =	vpop (erf)  }
0xb9: {  	v57 =	vadd.f32 v57, v6;
	v50 =	vadd.f32 v2, v50;
	v0 =	vmul.f32 v14, v0  }
0xba: {  	v6 =	vsub.f32 v13, v35;
	v2 =	vand.u32 $0x7FFFFFFF, v8;
	v8 =	vsub.f32 v13, v37  }
0xbb: {  	v14 =	vand.u32 $0x7FFFFFFF, v56;
	v55 =	vsub.f32 v20, v57;
	v51 =	vadd.f32 v1, v51  }
0xbc: {  	v1 =	vand.u32 $0x7FFFFFFF, v6;
	v6 =	vand.u32 $0x7FFFFFFF, v8;
	v8 =	vsub.f32 v13, v42;
	v13 =	vpop (erf)  }
0xbd: {  	v7 =	vmul.f32 v60, v7;
	v6 =	vadd.f32 v6, v14;
	v14 =	vand.u32 $0x7FFFFFFF, v55  }
0xbe: {  	v56 =	vadd.f32 $1.000000000e+00, v48;
	v60 =	vadd.f32 $1.000000000e+00, v14;
	v8 =	vand.u32 $0x7FFFFFFF, v8  }
0xbf: {  	v52 =	vadd.f32 v7, v52;
	v55 =	vsub.f32 v20, v6;
	v13 =	vmul.f32 v13, v5  }
0xc0: {  	v53 =	vadd.f32 v3, v53;
	v7 =	vand.u32 $0x7FFFFFFF, v59;
	v5 =	vadd.f32 $1.000000000e+00, v6  }
0xc1: {  	v1 =	vadd.f32 v1, v4;
	v3 =	vand.u32 $0x7FFFFFFF, v55;
	v55 =	vadd.f32 v8, v9  }
0xc2: {  	v46 =	vadd.f32 v0, v46;
	v4 =	vand.u32 $0x7FFFFFFF, v11;
	v8 =	vadd.f32 $1.000000000e+00, v3  }
0xc3: {  	v0 =	vadd.f32 v7, v58;
	v9 =	vadd.f32 v61, v10;
	v10 =	vmul.f32 v12, v54  }
0xc4: {  	v2 =	vadd.f32 v4, v2;
	v4 =	vadd.f32 $1.000000000e+00, v1;
	v5 =	vmul.f32 v8, v5  }
0xc5: {  	v7 =	vsub.f32 v20, v1;
	v8 =	vsub.f32 v20, v0  }
0xc6: {  	v11 =	vsub.f32 v20, v2;
	v12 =	vadd.f32 $1.000000000e+00, v2;
	(erf) = vrcp.f32 v5  }
0xc7: {  	v7 =	vand.u32 $0x7FFFFFFF, v7;
	v49 =	vadd.f32 v10, v49;
	v5 =	vsub.f32 v3, v6  }
0xc8: {  	v10 =	vsub.f32 v20, v48;
	v3 =	vand.u32 $0x7FFFFFFF, v11;
	v11 =	vsub.f32 v20, v9  }
0xc9: {  	v58 =	vadd.f32 $1.000000000e+00, v57;
	v6 =	vand.u32 $0x7FFFFFFF, v8;
	v54 =	vadd.f32 $1.000000000e+00, v3  }
0xca: {  	v47 =	vadd.f32 v13, v47;
	v3 =	vsub.f32 v3, v2;
	v2 =	vand.u32 $0x7FFFFFFF, v11  }
.Ltmp1:
0xcb: {  	v11 =	vmul.f32 v54, v12;
	v12 =	vadd.f32 $1.000000000e+00, v9;
	v13 =	vadd.f32 $1.000000000e+00, v2;
	(pc) =	sbr.rel @p0 .LBB2_4-.Ltmp1, $4  }
0xcc: {  	v8 =	vand.u32 $0x7FFFFFFF, v10;
	v59 =	vadd.f32 $1.000000000e+00, v6;
	v2 =	vsub.f32 v2, v9  }
0xcd: {  	v61 =	vadd.f32 $1.000000000e+00, v0;
	v13 =	vmul.f32 v13, v12;
	(erf) = vrcp.f32 v11  }
0xce: {  	v10 =	vsub.f32 v20, v55;
	v54 =	vsub.f32 v14, v57;
	v9 =	vmul.f32 v60, v58  }
0xcf: {  	s16 =	sadd.s32 $0x10, s16;
	v57 =	vmul.f32 v59, v61;
	v12 =	vadd.f32 $1.000000000e+00, v7;
	(erf) = vrcp.f32 v13;
	v11 =	vpop (erf)  }
0xd0: {  	_ = 	snop  }
0xd1: {  	v13 =	vadd.f32 $1.000000000e+00, v8;
	v4 =	vmul.f32 v12, v4  }
0xd2: {  	(erf) = vrcp.f32 v57  }
0xd3: {  	v12 =	vmul.f32 v13, v56;
	(erf) = vrcp.f32 v4  }
0xd4: {  	v4 =	vand.u32 $0x7FFFFFFF, v10;
	v10 =	vadd.f32 $1.000000000e+00, v55  }
0xd5: {  	(erf) = vrcp.f32 v12;
	v12 =	vadd.f32 $1.000000000e+00, v4;
	_ =	sdelay $0x1  }
0xd6: {  	(erf) = vrcp.f32 v9;
	v9 =	vmul.f32 v12, v10  }
0xd7: {  	v10 =	vpop (erf)  }
0xd8: {  	v12 =	vpop (erf);
	(erf) = vrcp.f32 v9;
	_ =	sdelay $0x1  }
0xd9: {  	v1 =	vsub.f32 v7, v1;
	v9 =	vpop (erf)  }
0xda: {  	v3 =	vmul.f32 v10, v3;
	v13 =	vpop (erf)  }
0xdb: {  	v0 =	vsub.f32 v6, v0;
	v2 =	vmul.f32 v12, v2;
	v1 =	vmul.f32 v13, v1  }
0xdc: {  	v8 =	vsub.f32 v8, v48;
	v36 =	vadd.f32 v3, v53;
	v3 =	vmul.f32 v11, v5  }
0xdd: {  	v31 =	vadd.f32 v2, v50;
	v0 =	vmul.f32 v9, v0;
	v7 =	vpop (erf);
	v34 =	vadd.f32 v1, v51;
	v1 =	vld [tilespmem:$0x810]  }
0xde: {  	v4 =	vsub.f32 v4, v55;
	[tilespmem:$0x980] =	vst v36;
	v33 =	vadd.f32 v3, v45;
	v5 =	vpop (erf)  }
0xdf: {  	[tilespmem:$0x9B0] =	vst v31;
	v30 =	vadd.f32 v0, v46;
	v7 =	vmul.f32 v7, v8;
	v2 =	vmul.f32 v5, v54;
	v5 =	vld [tilespmem:$0x830]  }
0xe0: {  	v10 =	vimm.s32 $0x5;
	[tilespmem:$0x9C0] =	vst v33;
	v3 =	vpop (erf)  }
0xe1: {  	[tilespmem:$0x9E0] =	vst v30;
	v35 =	vadd.f32 v7, v52;
	v32 =	vadd.f32 v2, v49;
	v3 =	vmul.f32 v3, v4  }
0xe2: {  	[tilespmem:$0x9A0] =	vst v34;
	v4 =	vimm.s32 $0x3;
	v37 =	vperm.xlane v1, v15;
	v38 =	vperm.xlane v1, v62  }
0xe3: {  	[tilespmem:$0x990] =	vst v35;
	v29 =	vadd.f32 v3, v47;
	v39 =	vperm.xlane v1, v63;
	v40 =	vperm.xlane v1, v4  }
0xe4: {  	v12 =	vimm.s32 $0x7;
	[tilespmem:$0x9D0] =	vst v32;
	v0 =	vperm.xlane v5, v15;
	v2 =	vperm.xlane v5, v62  }
0xe5: {  	s15 =	simm.s32 $0x0;
	v9 =	vimm.s32 $0x4;
	v3 =	vperm.xlane v5, v63;
	v4 =	vperm.xlane v5, v4;
	[tilespmem:$0x9F0] =	vst v29  }
0xe6: {  	v11 =	vimm.s32 $0x6;
	v7 =	vperm.xlane v5, v9;
	v8 =	vperm.xlane v5, v10;
	v6 =	vld [tilespmem:s15+$0x0]  }
0xe7: {  	v41 =	vsub.f32 $1.000000000e+00, v0;
	v0 =	vperm.xlane v5, v11;
	v42 =	vsub.f32 $1.000000000e+00, v2  }
0xe8: {  	v43 =	vsub.f32 $1.000000000e+00, v3;
	v2 =	vperm.xlane v5, v12;
	v44 =	vsub.f32 $1.000000000e+00, v4  }
0xe9: {  	v46 =	vperm.xlane v1, v9;
	v45 =	vsub.f32 $1.000000000e+00, v7;
	v47 =	vsub.f32 $1.000000000e+00, v8  }
0xea: {  	v49 =	vperm.xlane v1, v10;
	v48 =	vsub.f32 $1.000000000e+00, v0;
	v50 =	vsub.f32 $1.000000000e+00, v2  }
0xeb: {  	v51 =	vperm.xlane v1, v11;
	v0 =	vsub.f32 v6, v37;
	v2 =	vsub.f32 v6, v38  }
0xec: {  	v52 =	vperm.xlane v1, v12;
	v3 =	vsub.f32 v6, v42;
	v1 =	vsub.f32 v6, v41  }
0xed: {  	v60 =	vimm.f32 $0.0e+00;
	v4 =	vsub.f32 v6, v39;
	v5 =	vsub.f32 v6, v40  }
0xee: {  	v61 =	vimm.f32 $0.0e+00;
	v7 =	vsub.f32 v6, v44;
	v8 =	vsub.f32 v6, v46  }
0xef: {  	v55 =	vimm.f32 $0.0e+00;
	v9 =	vsub.f32 v6, v49;
	v10 =	vsub.f32 v6, v47  }
0xf0: {  	v11 =	vsub.f32 v6, v51;
	v12 =	vsub.f32 v6, v48;
	v2 =	vand.u32 $0x7FFFFFFF, v2  }
0xf1: {  	v3 =	vand.u32 $0x7FFFFFFF, v3;
	v4 =	vand.u32 $0x7FFFFFFF, v4;
	v5 =	vand.u32 $0x7FFFFFFF, v5  }
0xf2: {  	v11 =	vand.u32 $0x7FFFFFFF, v11;
	v8 =	vand.u32 $0x7FFFFFFF, v8;
	v56 =	vadd.f32 v3, v2  }
0xf3: {  	v2 =	vand.u32 $0x7FFFFFFF, v9;
	v9 =	vand.u32 $0x7FFFFFFF, v10;
	v10 =	vsub.f32 v6, v45  }
0xf4: {  	v12 =	vand.u32 $0x7FFFFFFF, v12;
	v3 =	vsub.f32 v6, v52;
	v13 =	vadd.f32 v9, v2  }
0xf5: {  	v2 =	vsub.f32 v6, v43;
	v6 =	vsub.f32 v6, v50;
	v9 =	vand.u32 $0x7FFFFFFF, v10  }
0xf6: {  	v3 =	vand.u32 $0x7FFFFFFF, v3;
	v10 =	vsub.f32 v20, v13;
	v9 =	vadd.f32 v9, v8  }
0xf7: {  	v8 =	vand.u32 $0x7FFFFFFF, v0;
	v2 =	vand.u32 $0x7FFFFFFF, v2;
	v0 =	vadd.f32 $1.000000000e+00, v56  }
0xf8: {  	v6 =	vand.u32 $0x7FFFFFFF, v6;
	v57 =	vadd.f32 $1.000000000e+00, v13;
	v14 =	vsub.f32 v20, v9  }
0xf9: {  	v2 =	vadd.f32 v2, v4;
	v63 =	vadd.f32 v6, v3;
	v6 =	vand.u32 $0x7FFFFFFF, v1  }
0xfa: {  	v1 =	vadd.f32 v12, v11;
	v59 =	vadd.f32 $1.000000000e+00, v9;
	v4 =	vand.u32 $0x7FFFFFFF, v14  }
0xfb: {  	v10 =	vand.u32 $0x7FFFFFFF, v10;
	v11 =	vadd.f32 v6, v8;
	v3 =	vadd.f32 $1.000000000e+00, v4  }
0xfc: {  	v7 =	vand.u32 $0x7FFFFFFF, v7;
	v54 =	vadd.f32 $1.000000000e+00, v10;
	v6 =	vsub.f32 v20, v2  }
0xfd: {  	v14 =	vadd.f32 v7, v5;
	v12 =	vsub.f32 v20, v11;
	v3 =	vmul.f32 v3, v59  }
0xfe: {  	v5 =	vadd.f32 $1.000000000e+00, v2;
	v7 =	vsub.f32 v20, v1;
	v8 =	vand.u32 $0x7FFFFFFF, v6  }
0xff: {  	v6 =	vsub.f32 v4, v9;
	v4 =	vand.u32 $0x7FFFFFFF, v12;
	(erf) = vrcp.f32 v3  }
0x100: {  	v53 =	vimm.f32 $0.0e+00;
	v62 =	vadd.f32 $1.000000000e+00, v11;
	v12 =	vadd.f32 $1.000000000e+00, v4  }
0x101: {  	v9 =	vsub.f32 v20, v56;
	v7 =	vand.u32 $0x7FFFFFFF, v7;
	v3 =	vsub.f32 v20, v14  }
0x102: {  	v58 =	vadd.f32 $1.000000000e+00, v14;
	v4 =	vsub.f32 v4, v11;
	v11 =	vmul.f32 v12, v62  }
0x103: {  	v12 =	vadd.f32 $1.000000000e+00, v7;
	v62 =	vsub.f32 v10, v13;
	v3 =	vand.u32 $0x7FFFFFFF, v3  }
0x104: {  	v9 =	vand.u32 $0x7FFFFFFF, v9;
	v13 =	vadd.f32 $1.000000000e+00, v8;
	v59 =	vadd.f32 $1.000000000e+00, v3  }
0x105: {  	v10 =	vmul.f32 v54, v57;
	v3 =	vsub.f32 v3, v14;
	v14 =	vadd.f32 $1.000000000e+00, v1  }
0x106: {  	v54 =	vimm.f32 $0.0e+00;
	(erf) = vrcp.f32 v11;
	v59 =	vmul.f32 v59, v58  }
0x107: {  	v57 =	vimm.f32 $0.0e+00;
	v11 =	vsub.f32 v20, v63;
	v14 =	vmul.f32 v12, v14  }
0x108: {  	s16 =	simm.s32 $0x10;
	s15 =	simm.s32 $0x0;
	v58 =	vimm.f32 $0.0e+00;
	(erf) = vrcp.f32 v59;
	v59 =	vimm.f32 $0.0e+00;
	v12 =	vpop (erf)  }
.LBB2_6:
0x109: {  	v15 =	vld [tilespmem:s16+$0x0];
	s15 =	sadd.s32 $0x10, s15;
	v21 =	vadd.f32 $1.000000000e+00, v9;
	v2 =	vsub.f32 v8, v2;
	v6 =	vmul.f32 v12, v6  }
0x10a: {  	v8 =	vsub.f32 v9, v56;
	p0 =	slt.u32 s15, $0x3F0;
	v5 =	vmul.f32 v13, v5;
	(erf) = vrcp.f32 v14  }
0x10b: {  	v1 =	vsub.f32 v7, v1;
	v0 =	vmul.f32 v21, v0;
	v53 =	vadd.f32 v6, v53  }
0x10c: {  	v6 =	vand.u32 $0x7FFFFFFF, v11;
	v11 =	vadd.f32 $1.000000000e+00, v63;
	(erf) = vrcp.f32 v5  }
0x10d: {  	v5 =	vadd.f32 $1.000000000e+00, v6;
	(erf) = vrcp.f32 v0  }
0x10e: {  	v6 =	vsub.f32 v6, v63;
	v0 =	vsub.f32 v15, v37;
	(erf) = vrcp.f32 v10  }
0x10f: {  	v9 =	vsub.f32 v15, v38;
	v10 =	vsub.f32 v15, v42;
	v5 =	vmul.f32 v5, v11;
	v7 =	vpop (erf)  }
0x110: {  	v11 =	vsub.f32 v15, v41;
	v12 =	vsub.f32 v15, v39;
	v4 =	vmul.f32 v7, v4  }
0x111: {  	v7 =	vand.u32 $0x7FFFFFFF, v9;
	v9 =	vand.u32 $0x7FFFFFFF, v10;
	v10 =	vsub.f32 v15, v40;
	v13 =	vpop (erf)  }
0x112: {  	v14 =	vsub.f32 v15, v44;
	v21 =	vsub.f32 v15, v46;
	(erf) = vrcp.f32 v5  }
0x113: {  	v23 =	vsub.f32 v15, v49;
	v5 =	vand.u32 $0x7FFFFFFF, v12;
	v3 =	vmul.f32 v13, v3;
	v13 =	vpop (erf)  }
0x114: {  	v63 =	vsub.f32 v15, v47;
	v22 =	vsub.f32 v15, v51;
	v10 =	vand.u32 $0x7FFFFFFF, v10  }
0x115: {  	v56 =	vadd.f32 v9, v7;
	v7 =	vand.u32 $0x7FFFFFFF, v23;
	v9 =	vsub.f32 v15, v52;
	v12 =	vpop (erf)  }
0x116: {  	v63 =	vand.u32 $0x7FFFFFFF, v63;
	v22 =	vand.u32 $0x7FFFFFFF, v22;
	v23 =	vsub.f32 v15, v48;
	v24 =	vpop (erf)  }
0x117: {  	v14 =	vand.u32 $0x7FFFFFFF, v14;
	v9 =	vand.u32 $0x7FFFFFFF, v9;
	v2 =	vmul.f32 v12, v2;
	v12 =	vpop (erf)  }
0x118: {  	v25 =	vadd.f32 v63, v7;
	v58 =	vadd.f32 v3, v58;
	v1 =	vmul.f32 v13, v1  }
0x119: {  	v7 =	vsub.f32 v15, v45;
	v3 =	vand.u32 $0x7FFFFFFF, v0;
	v0 =	vsub.f32 v15, v43  }
0x11a: {  	v13 =	vand.u32 $0x7FFFFFFF, v21;
	v21 =	vsub.f32 v20, v25;
	v59 =	vadd.f32 v2, v59  }
0x11b: {  	v2 =	vand.u32 $0x7FFFFFFF, v0;
	v0 =	vand.u32 $0x7FFFFFFF, v7;
	v7 =	vsub.f32 v15, v50;
	v15 =	vpop (erf)  }
0x11c: {  	v21 =	vand.u32 $0x7FFFFFFF, v21;
	v8 =	vmul.f32 v24, v8;
	v13 =	vadd.f32 v0, v13  }
0x11d: {  	v24 =	vadd.f32 $1.000000000e+00, v21;
	v0 =	vadd.f32 $1.000000000e+00, v56;
	v7 =	vand.u32 $0x7FFFFFFF, v7  }
0x11e: {  	v60 =	vadd.f32 v8, v60;
	v63 =	vsub.f32 v20, v13;
	v15 =	vmul.f32 v15, v6  }
0x11f: {  	v61 =	vadd.f32 v4, v61;
	v8 =	vand.u32 $0x7FFFFFFF, v23;
	v6 =	vadd.f32 $1.000000000e+00, v13  }
0x120: {  	v2 =	vadd.f32 v2, v5;
	v4 =	vand.u32 $0x7FFFFFFF, v63;
	v63 =	vadd.f32 v7, v9  }
0x121: {  	v54 =	vadd.f32 v1, v54;
	v5 =	vand.u32 $0x7FFFFFFF, v11;
	v7 =	vadd.f32 $1.000000000e+00, v4  }
0x122: {  	v10 =	vadd.f32 v14, v10;
	v1 =	vadd.f32 v8, v22;
	v9 =	vmul.f32 v12, v62  }
0x123: {  	v3 =	vadd.f32 v5, v3;
	v5 =	vadd.f32 $1.000000000e+00, v2;
	v6 =	vmul.f32 v7, v6  }
0x124: {  	v11 =	vsub.f32 v20, v1;
	v7 =	vsub.f32 v20, v2  }
0x125: {  	v14 =	vadd.f32 $1.000000000e+00, v3;
	v12 =	vsub.f32 v20, v3;
	(erf) = vrcp.f32 v6  }
0x126: {  	v57 =	vadd.f32 v9, v57;
	v8 =	vand.u32 $0x7FFFFFFF, v7;
	v6 =	vsub.f32 v4, v13  }
0x127: {  	v9 =	vsub.f32 v20, v56;
	v4 =	vand.u32 $0x7FFFFFFF, v12;
	v12 =	vsub.f32 v20, v10  }
0x128: {  	v22 =	vadd.f32 $1.000000000e+00, v25;
	v7 =	vand.u32 $0x7FFFFFFF, v11;
	v13 =	vadd.f32 $1.000000000e+00, v4  }
0x129: {  	v55 =	vadd.f32 v15, v55;
	v4 =	vsub.f32 v4, v3;
	v3 =	vand.u32 $0x7FFFFFFF, v12  }
.Ltmp2:
0x12a: {  	v12 =	vadd.f32 $1.000000000e+00, v10;
	v11 =	vmul.f32 v13, v14;
	v13 =	vadd.f32 $1.000000000e+00, v3;
	(pc) =	sbr.rel @p0 .LBB2_6-.Ltmp2, $4  }
0x12b: {  	v9 =	vand.u32 $0x7FFFFFFF, v9;
	v3 =	vsub.f32 v3, v10;
	v14 =	vadd.f32 $1.000000000e+00, v7  }
0x12c: {  	v15 =	vadd.f32 $1.000000000e+00, v1;
	v23 =	vmul.f32 v13, v12;
	(erf) = vrcp.f32 v11  }
0x12d: {  	v62 =	vsub.f32 v21, v25;
	v10 =	vmul.f32 v24, v22;
	v11 =	vsub.f32 v20, v63  }
0x12e: {  	s16 =	sadd.s32 $0x10, s16;
	v13 =	vadd.f32 $1.000000000e+00, v8;
	v14 =	vmul.f32 v14, v15;
	(erf) = vrcp.f32 v23;
	v12 =	vpop (erf)  }
0x12f: {  	v15 =	vadd.f32 $1.000000000e+00, v9  }
0x130: {  	v5 =	vmul.f32 v13, v5  }
0x131: {  	(erf) = vrcp.f32 v14;
	v0 =	vmul.f32 v15, v0  }
0x132: {  	(erf) = vrcp.f32 v5  }
0x133: {  	(erf) = vrcp.f32 v0;
	v0 =	vand.u32 $0x7FFFFFFF, v11  }
0x134: {  	v5 =	vadd.f32 $1.000000000e+00, v63;
	v11 =	vadd.f32 $1.000000000e+00, v0;
	_ =	sdelay $0x1  }
0x135: {  	(erf) = vrcp.f32 v10;
	v5 =	vmul.f32 v11, v5  }
0x136: {  	v10 =	vpop (erf)  }
0x137: {  	v11 =	vpop (erf);
	(erf) = vrcp.f32 v5;
	_ =	sdelay $0x1  }
0x138: {  	v2 =	vsub.f32 v8, v2;
	v4 =	vmul.f32 v10, v4;
	v5 =	vpop (erf)  }
0x139: {  	v6 =	vmul.f32 v12, v6;
	v13 =	vpop (erf)  }
0x13a: {  	v4 =	vadd.f32 v4, v61;
	v2 =	vmul.f32 v13, v2  }
0x13b: {  	v1 =	vsub.f32 v7, v1;
	v6 =	vadd.f32 v6, v53;
	v3 =	vmul.f32 v11, v3  }
0x13c: {  	v9 =	vsub.f32 v9, v56;
	v56 =	vimm.f32 $0.0e+00;
	[tilespmem:$0xA00] =	vst v4;
	v4 =	vld [tilespmem:$0x810];
	v8 =	vpop (erf);
	v2 =	vadd.f32 v2, v59  }
0x13d: {  	v42 =	vimm.f32 $0.0e+00;
	[tilespmem:$0xA40] =	vst v6;
	v3 =	vadd.f32 v3, v58;
	v1 =	vmul.f32 v5, v1;
	v7 =	vpop (erf)  }
0x13e: {  	v0 =	vsub.f32 v0, v63;
	v8 =	vmul.f32 v8, v9;
	v7 =	vmul.f32 v7, v62;
	[tilespmem:$0xA20] =	vst v2;
	v2 =	vld [tilespmem:$0x830]  }
0x13f: {  	v6 =	vimm.s32 $0xA;
	[tilespmem:$0xA30] =	vst v3;
	v1 =	vadd.f32 v1, v54;
	v3 =	vimm.s32 $0x8;
	v5 =	vpop (erf)  }
0x140: {  	v8 =	vadd.f32 v8, v60;
	v0 =	vmul.f32 v5, v0;
	v5 =	vadd.f32 v7, v57  }
0x141: {  	v38 =	vperm.xlane v4, v3;
	[tilespmem:$0xA60] =	vst v1;
	v40 =	vperm.xlane v4, v6;
	v7 =	vimm.s32 $0xB  }
0x142: {  	v41 =	vperm.xlane v4, v7;
	v0 =	vadd.f32 v0, v55;
	[tilespmem:$0xA50] =	vst v5;
	v5 =	vimm.s32 $0x9  }
0x143: {  	v10 =	vimm.s32 $0xD;
	[tilespmem:$0xA10] =	vst v8;
	v39 =	vperm.xlane v4, v5;
	v1 =	vperm.xlane v2, v5  }
0x144: {  	s15 =	simm.s32 $0x0;
	v9 =	vimm.s32 $0xC;
	v5 =	vperm.xlane v2, v7;
	[tilespmem:$0xA70] =	vst v0;
	v0 =	vperm.xlane v2, v3  }
0x145: {  	v11 =	vimm.s32 $0xE;
	v7 =	vperm.xlane v2, v9;
	v3 =	vperm.xlane v2, v6;
	v6 =	vld [tilespmem:s15+$0x0]  }
0x146: {  	v8 =	vperm.xlane v2, v10;
	v44 =	vsub.f32 $1.000000000e+00, v1;
	v43 =	vsub.f32 $1.000000000e+00, v0  }
0x147: {  	v0 =	vperm.xlane v2, v11;
	v45 =	vsub.f32 $1.000000000e+00, v3;
	v3 =	vimm.s32 $0xF  }
0x148: {  	v46 =	vsub.f32 $1.000000000e+00, v5;
	v47 =	vsub.f32 $1.000000000e+00, v7;
	v1 =	vperm.xlane v2, v3  }
0x149: {  	v48 =	vperm.xlane v4, v9;
	v49 =	vsub.f32 $1.000000000e+00, v8;
	v50 =	vsub.f32 $1.000000000e+00, v0  }
0x14a: {  	v51 =	vperm.xlane v4, v10;
	v52 =	vsub.f32 $1.000000000e+00, v1;
	v0 =	vsub.f32 v6, v38  }
0x14b: {  	v53 =	vperm.xlane v4, v11;
	v1 =	vsub.f32 v6, v39;
	v2 =	vsub.f32 v6, v44  }
0x14c: {  	v54 =	vperm.xlane v4, v3;
	v3 =	vsub.f32 v6, v43;
	v4 =	vsub.f32 v6, v40  }
0x14d: {  	v37 =	vimm.f32 $0.0e+00;
	v5 =	vsub.f32 v6, v41;
	v7 =	vsub.f32 v6, v46  }
0x14e: {  	v61 =	vimm.f32 $0.0e+00;
	v8 =	vsub.f32 v6, v48;
	v9 =	vsub.f32 v6, v51  }
0x14f: {  	v58 =	vimm.f32 $0.0e+00;
	v10 =	vsub.f32 v6, v49;
	v11 =	vsub.f32 v6, v53  }
0x150: {  	v12 =	vsub.f32 v6, v50;
	v1 =	vand.u32 $0x7FFFFFFF, v1;
	v2 =	vand.u32 $0x7FFFFFFF, v2  }
0x151: {  	v4 =	vand.u32 $0x7FFFFFFF, v4;
	v5 =	vand.u32 $0x7FFFFFFF, v5;
	v60 =	vadd.f32 v2, v1  }
0x152: {  	v1 =	vand.u32 $0x7FFFFFFF, v9;
	v9 =	vand.u32 $0x7FFFFFFF, v10;
	v10 =	vsub.f32 v6, v47  }
0x153: {  	v8 =	vand.u32 $0x7FFFFFFF, v8;
	v14 =	vand.u32 $0x7FFFFFFF, v0;
	v3 =	vand.u32 $0x7FFFFFFF, v3  }
0x154: {  	v2 =	vsub.f32 v6, v54;
	v13 =	vadd.f32 v9, v1;
	v9 =	vand.u32 $0x7FFFFFFF, v10  }
0x155: {  	v11 =	vand.u32 $0x7FFFFFFF, v11;
	v3 =	vadd.f32 v3, v14;
	v8 =	vadd.f32 v9, v8  }
0x156: {  	v7 =	vand.u32 $0x7FFFFFFF, v7;
	v1 =	vsub.f32 v6, v45;
	v0 =	vadd.f32 $1.000000000e+00, v60  }
0x157: {  	v9 =	vand.u32 $0x7FFFFFFF, v2;
	v2 =	vsub.f32 v6, v52;
	v6 =	vsub.f32 v20, v8  }
0x158: {  	v14 =	vadd.f32 $1.000000000e+00, v3;
	v10 =	vsub.f32 v20, v13;
	v1 =	vand.u32 $0x7FFFFFFF, v1  }
0x159: {  	v21 =	vand.u32 $0x7FFFFFFF, v2;
	v2 =	vadd.f32 v1, v4;
	v4 =	vand.u32 $0x7FFFFFFF, v6  }
0x15a: {  	v10 =	vand.u32 $0x7FFFFFFF, v10;
	v22 =	vadd.f32 $1.000000000e+00, v8;
	v6 =	vadd.f32 $1.000000000e+00, v4  }
0x15b: {  	v1 =	vand.u32 $0x7FFFFFFF, v12;
	v12 =	vadd.f32 v7, v5;
	v15 =	vadd.f32 $1.000000000e+00, v10  }
0x15c: {  	v63 =	vadd.f32 v21, v9;
	v1 =	vadd.f32 v1, v11;
	v6 =	vmul.f32 v6, v22  }
0x15d: {  	v59 =	vimm.f32 $0.0e+00;
	v11 =	vsub.f32 v20, v3;
	v62 =	vsub.f32 v10, v13  }
0x15e: {  	v5 =	vadd.f32 $1.000000000e+00, v2;
	v7 =	vsub.f32 v20, v2;
	(erf) = vrcp.f32 v6  }
0x15f: {  	v24 =	vadd.f32 $1.000000000e+00, v12;
	v8 =	vsub.f32 v4, v8;
	v4 =	vand.u32 $0x7FFFFFFF, v11  }
0x160: {  	v57 =	vimm.f32 $0.0e+00;
	v21 =	vadd.f32 $1.000000000e+00, v4;
	v6 =	vsub.f32 v20, v12  }
0x161: {  	v55 =	vimm.f32 $0.0e+00;
	v9 =	vsub.f32 v20, v1;
	v11 =	vsub.f32 v20, v60  }
0x162: {  	v4 =	vsub.f32 v4, v3;
	v14 =	vmul.f32 v21, v14;
	v23 =	vand.u32 $0x7FFFFFFF, v6  }
0x163: {  	v7 =	vand.u32 $0x7FFFFFFF, v7;
	v22 =	vadd.f32 $1.000000000e+00, v13;
	v25 =	vadd.f32 $1.000000000e+00, v23  }
0x164: {  	(erf) = vrcp.f32 v14;
	v6 =	vand.u32 $0x7FFFFFFF, v9;
	v3 =	vsub.f32 v23, v12  }
0x165: {  	v21 =	vadd.f32 $1.000000000e+00, v6;
	v23 =	vmul.f32 v25, v24;
	v24 =	vadd.f32 $1.000000000e+00, v1  }
0x166: {  	v10 =	vmul.f32 v15, v22;
	v9 =	vand.u32 $0x7FFFFFFF, v11;
	v11 =	vsub.f32 v20, v63  }
0x167: {  	s16 =	simm.s32 $0x10;
	s15 =	simm.s32 $0x0;
	v12 =	vadd.f32 $1.000000000e+00, v7;
	v13 =	vmul.f32 v21, v24;
	(erf) = vrcp.f32 v23;
	v14 =	vpop (erf)  }
.LBB2_8:
0x168: {  	v15 =	vld [tilespmem:s16+$0x0];
	s15 =	sadd.s32 $0x10, s15;
	v21 =	vadd.f32 $1.000000000e+00, v9;
	v2 =	vsub.f32 v7, v2;
	v7 =	vmul.f32 v14, v8  }
0x169: {  	v8 =	vsub.f32 v9, v60;
	p0 =	slt.u32 s15, $0x3F0;
	v5 =	vmul.f32 v12, v5;
	(erf) = vrcp.f32 v13  }
0x16a: {  	v1 =	vsub.f32 v6, v1;
	v0 =	vmul.f32 v21, v0;
	v55 =	vadd.f32 v7, v55  }
0x16b: {  	v6 =	vand.u32 $0x7FFFFFFF, v11;
	v11 =	vadd.f32 $1.000000000e+00, v63;
	(erf) = vrcp.f32 v5  }
0x16c: {  	v5 =	vadd.f32 $1.000000000e+00, v6;
	(erf) = vrcp.f32 v0  }
0x16d: {  	v6 =	vsub.f32 v6, v63;
	v0 =	vsub.f32 v15, v38;
	(erf) = vrcp.f32 v10  }
0x16e: {  	v9 =	vsub.f32 v15, v39;
	v10 =	vsub.f32 v15, v44;
	v5 =	vmul.f32 v5, v11;
	v7 =	vpop (erf)  }
0x16f: {  	v11 =	vsub.f32 v15, v43;
	v12 =	vsub.f32 v15, v40;
	v4 =	vmul.f32 v7, v4  }
0x170: {  	v7 =	vand.u32 $0x7FFFFFFF, v9;
	v9 =	vand.u32 $0x7FFFFFFF, v10;
	v10 =	vsub.f32 v15, v41;
	v13 =	vpop (erf)  }
0x171: {  	v14 =	vsub.f32 v15, v46;
	v21 =	vsub.f32 v15, v48;
	(erf) = vrcp.f32 v5  }
0x172: {  	v24 =	vsub.f32 v15, v51;
	v5 =	vand.u32 $0x7FFFFFFF, v12;
	v3 =	vmul.f32 v13, v3;
	v13 =	vpop (erf)  }
0x173: {  	v22 =	vsub.f32 v15, v49;
	v23 =	vsub.f32 v15, v53;
	v10 =	vand.u32 $0x7FFFFFFF, v10  }
0x174: {  	v60 =	vadd.f32 v9, v7;
	v7 =	vand.u32 $0x7FFFFFFF, v24;
	v9 =	vsub.f32 v15, v54;
	v12 =	vpop (erf)  }
0x175: {  	v22 =	vand.u32 $0x7FFFFFFF, v22;
	v23 =	vand.u32 $0x7FFFFFFF, v23;
	v24 =	vsub.f32 v15, v50;
	v25 =	vpop (erf)  }
0x176: {  	v14 =	vand.u32 $0x7FFFFFFF, v14;
	v9 =	vand.u32 $0x7FFFFFFF, v9;
	v2 =	vmul.f32 v12, v2;
	v12 =	vpop (erf)  }
0x177: {  	v22 =	vadd.f32 v22, v7;
	v61 =	vadd.f32 v3, v61;
	v1 =	vmul.f32 v13, v1  }
0x178: {  	v7 =	vsub.f32 v15, v47;
	v3 =	vand.u32 $0x7FFFFFFF, v0;
	v0 =	vsub.f32 v15, v45  }
0x179: {  	v13 =	vand.u32 $0x7FFFFFFF, v21;
	v21 =	vsub.f32 v20, v22;
	v58 =	vadd.f32 v2, v58  }
0x17a: {  	v2 =	vand.u32 $0x7FFFFFFF, v0;
	v0 =	vand.u32 $0x7FFFFFFF, v7;
	v7 =	vsub.f32 v15, v52;
	v15 =	vpop (erf)  }
0x17b: {  	v21 =	vand.u32 $0x7FFFFFFF, v21;
	v8 =	vmul.f32 v25, v8;
	v13 =	vadd.f32 v0, v13  }
0x17c: {  	v25 =	vadd.f32 $1.000000000e+00, v21;
	v0 =	vadd.f32 $1.000000000e+00, v60;
	v7 =	vand.u32 $0x7FFFFFFF, v7  }
0x17d: {  	v59 =	vadd.f32 v8, v59;
	v63 =	vsub.f32 v20, v13;
	v15 =	vmul.f32 v15, v6  }
0x17e: {  	v57 =	vadd.f32 v4, v57;
	v8 =	vand.u32 $0x7FFFFFFF, v24;
	v6 =	vadd.f32 $1.000000000e+00, v13  }
0x17f: {  	v2 =	vadd.f32 v2, v5;
	v4 =	vand.u32 $0x7FFFFFFF, v63;
	v63 =	vadd.f32 v7, v9  }
0x180: {  	v56 =	vadd.f32 v1, v56;
	v5 =	vand.u32 $0x7FFFFFFF, v11;
	v7 =	vadd.f32 $1.000000000e+00, v4  }
0x181: {  	v10 =	vadd.f32 v14, v10;
	v1 =	vadd.f32 v8, v23;
	v9 =	vmul.f32 v12, v62  }
0x182: {  	v3 =	vadd.f32 v5, v3;
	v5 =	vadd.f32 $1.000000000e+00, v2;
	v6 =	vmul.f32 v7, v6  }
0x183: {  	v11 =	vsub.f32 v20, v1;
	v7 =	vsub.f32 v20, v2  }
0x184: {  	v14 =	vadd.f32 $1.000000000e+00, v3;
	v12 =	vsub.f32 v20, v3;
	(erf) = vrcp.f32 v6  }
0x185: {  	v8 =	vsub.f32 v4, v13;
	v42 =	vadd.f32 v9, v42;
	v7 =	vand.u32 $0x7FFFFFFF, v7  }
0x186: {  	v4 =	vand.u32 $0x7FFFFFFF, v12;
	v9 =	vsub.f32 v20, v60;
	v12 =	vsub.f32 v20, v10  }
0x187: {  	v23 =	vadd.f32 $1.000000000e+00, v22;
	v13 =	vadd.f32 $1.000000000e+00, v4;
	v6 =	vand.u32 $0x7FFFFFFF, v11  }
0x188: {  	v37 =	vadd.f32 v15, v37;
	v4 =	vsub.f32 v4, v3;
	v3 =	vand.u32 $0x7FFFFFFF, v12  }
.Ltmp3:
0x189: {  	v12 =	vadd.f32 $1.000000000e+00, v10;
	v11 =	vmul.f32 v13, v14;
	v13 =	vadd.f32 $1.000000000e+00, v3;
	(pc) =	sbr.rel @p0 .LBB2_8-.Ltmp3, $4  }
0x18a: {  	v9 =	vand.u32 $0x7FFFFFFF, v9;
	v3 =	vsub.f32 v3, v10;
	v24 =	vadd.f32 $1.000000000e+00, v6  }
0x18b: {  	v15 =	vmul.f32 v13, v12;
	v13 =	vadd.f32 $1.000000000e+00, v1;
	(erf) = vrcp.f32 v11  }
0x18c: {  	v62 =	vsub.f32 v21, v22;
	v10 =	vmul.f32 v25, v23;
	v11 =	vsub.f32 v20, v63  }
0x18d: {  	s16 =	sadd.s32 $0x10, s16;
	v12 =	vadd.f32 $1.000000000e+00, v7;
	v13 =	vmul.f32 v24, v13;
	(erf) = vrcp.f32 v15;
	v14 =	vpop (erf)  }
0x18e: {  	v15 =	vadd.f32 $1.000000000e+00, v9;
	v46 =	vand.u32 $0x7FFFFFFF, v11;
	v49 =	vperm.xlane v28, v16  }
0x18f: {  	v47 =	vadd.f32 $1.000000000e+00, v63;
	v50 =	vmul.f32 v14, v8;
	v54 =	vperm.xlane v27, v16  }
0x190: {  	v2 =	vsub.f32 v7, v2;
	v23 =	vperm.xlane v26, v16;
	v5 =	vmul.f32 v12, v5  }
0x191: {  	(erf) = vrcp.f32 v13;
	v12 =	vadd.f32 $1.000000000e+00, v46;
	v0 =	vmul.f32 v15, v0  }
0x192: {  	v52 =	vsub.f32 v9, v60;
	v44 =	vld [tilespmem:$0x1FFB0];
	v22 =	vadd.f32 v54, v27;
	(erf) = vrcp.f32 v5  }
0x193: {  	v41 =	vadd.f32 v23, v26;
	v48 =	vmul.f32 v12, v47;
	v12 =	vld [tilespmem:$0x1FFF0];
	(erf) = vrcp.f32 v0  }
0x194: {  	v40 =	vperm.xlane v22, v17;
	(erf) = vrcp.f32 v10;
	v10 =	vadd.f32 v49, v28  }
0x195: {  	v1 =	vsub.f32 v6, v1;
	vm0 =	vmmov $0xf;
	v20 =	vadd.f32 v50, v55  }
0x196: {  	v47 =	vperm.xlane v41, v17;
	v8 =	vadd.f32 v40, v22;
	v22 =	vld [tilespmem:$0x1FFE0];
	v21 =	vperm.xlane v10, v17  }
0x197: {  	v54 =	vld [tilespmem:$0x1FFC0];
	v5 =	vsub.f32 v46, v63;
	v45 =	vperm.xlane v44, v16;
	v51 =	vpop (erf);
	(erf) = vrcp.f32 v48  }
0x198: {  	v53 =	vpop (erf);
	v49 =	vperm.xlane v8, v18;
	v40 =	vperm.xlane v12, v16;
	v39 =	vadd.f32 v21, v10  }
0x199: {  	v4 =	vmul.f32 v51, v4;
	v9 =	vadd.f32 v45, v44;
	v3 =	vmul.f32 v53, v3  }
0x19a: {  	v55 =	vpop (erf);
	v51 =	vadd.f32 v49, v8;
	v44 =	vadd.f32 v40, v12;
	v43 =	vperm.xlane v39, v18  }
0x19b: {  	v27 =	vadd.f32 v3, v61;
	v1 =	vmul.f32 v55, v1;
	v23 =	vperm.xlane v22, v16;
	v60 =	vpop (erf)  }
0x19c: {  	v55 =	vperm.xlane v54, v16;
	v2 =	vmul.f32 v60, v2;
	v3 =	vadd.f32 v43, v39  }
0x19d: {  	v38 =	vpop (erf);
	v25 =	vadd.f32 v1, v56;
	v56 =	vperm.xlane v51, v19;
	v7 =	vadd.f32 v23, v22  }
0x19e: {  	v22 =	vperm.xlane v33, v16;
	v0 =	vmul.f32 v38, v52;
	v38 =	vadd.f32 v4, v57  }
0x19f: {  	v46 =	vpop (erf);
	v52 =	vperm.xlane v9, v17;
	v26 =	vadd.f32 v2, v58;
	v50 =	vperm.xlane v3, v19  }
0x1a0: {  	v60 =	vld [tilespmem:$0x1FFD0];
	v48 =	vpop (erf);
	v57 =	vmul.f32 v46, v62;
	v58 =	vadd.f32 v55, v54;
	v4 =	vadd.f32 v56, v51  }
0x1a1: {  	v43 =	vperm.xlane v7, v17;
	v28 =	vadd.f32 v0, v59;
	v2 =	vmul.f32 v48, v5  }
0x1a2: {  	v0 =	vadd.f32 v47, v41;
	v6 =	vadd.f32 v52, v9;
	v48 =	vperm.xlane v36, v16  }
0x1a3: {  	v46 =	vperm.xlane v44, v17;
	v3 =	vadd.f32 v50, v3;
	v63 =	vperm.xlane v58, v17  }
0x1a4: {  	v53 =	vperm.xlane v0, v18;
	v59 =	vperm.xlane v6, v18;
	v50 =	vadd.f32 v48, v36  }
0x1a5: {  	v61 =	vperm.xlane v60, v16;
	v2 =	vadd.f32 v2, v37;
	v1 =	vadd.f32 v63, v58  }
0x1a6: {  	v54 =	vperm.xlane v35, v16;
	v0 =	vadd.f32 v53, v0;
	v5 =	vadd.f32 v59, v6  }
0x1a7: {  	v21 =	vadd.f32 v61, v60;
	v53 =	vperm.xlane v50, v17;
	v59 =	vperm.xlane v34, v16  }
0x1a8: {  	v6 =	vadd.f32 v43, v7;
	v10 =	vperm.xlane v1, v18;
	v62 =	vperm.xlane v0, v19  }
0x1a9: {  	v24 =	vperm.xlane v5, v19;
	v39 =	vperm.xlane v21, v17;
	v56 =	vadd.f32 v53, v50  }
0x1aa: {  	v47 =	vperm.xlane v6, v18;
	v61 =	vadd.f32 v59, v34;
	v1 =	vadd.f32 v10, v1  }
0x1ab: {  	v3 =	vsel vm8, v3, v4;
	v0 =	vadd.f32 v62, v0;
	v4 =	vadd.f32 v24, v5  }
0x1ac: {  	v41 =	vadd.f32 v39, v21;
	v6 =	vadd.f32 v47, v6;
	v58 =	vperm.xlane v56, v18  }
0x1ad: {  	v21 =	vadd.f32 v57, v42;
	v62 =	vperm.xlane v31, v16;
	v45 =	vperm.xlane v1, v19  }
0x1ae: {  	v0 =	vsel vm10, v3, v0;
	v9 =	vperm.xlane v41, v18;
	v3 =	vadd.f32 v46, v44  }
0x1af: {  	v24 =	vperm.xlane v61, v17;
	v52 =	vperm.xlane v6, v19;
	v7 =	vadd.f32 v62, v31  }
0x1b0: {  	v1 =	vadd.f32 v45, v1;
	v5 =	vadd.f32 v9, v41;
	v51 =	vperm.xlane v3, v18  }
0x1b1: {  	v53 =	vld [tilespmem:$0xA10];
	v0 =	vsel vm11, v0, v4;
	v55 =	vadd.f32 v52, v6;
	v36 =	vperm.xlane v7, v17  }
0x1b2: {  	v0 =	vsel vm0, v0, v1;
	v49 =	vperm.xlane v5, v19;
	v1 =	vadd.f32 v51, v3  }
0x1b3: {  	v52 =	vperm.xlane v30, v16;
	v3 =	vadd.f32 v54, v35;
	v35 =	vperm.xlane v32, v16  }
0x1b4: {  	v50 =	vld [tilespmem:$0xA00];
	v6 =	vadd.f32 v36, v7;
	v4 =	vadd.f32 v49, v5;
	v57 =	vperm.xlane v1, v19  }
0x1b5: {  	v60 =	vperm.xlane v3, v17;
	v5 =	vadd.f32 v24, v61;
	v40 =	vadd.f32 v35, v32  }
0x1b6: {  	v45 =	vperm.xlane v6, v18;
	v61 =	vperm.xlane v53, v16;
	v1 =	vadd.f32 v57, v1  }
0x1b7: {  	v0 =	vsel vm2, v0, v4;
	v4 =	vadd.f32 v58, v56;
	v63 =	vadd.f32 v60, v3  }
0x1b8: {  	v41 =	vperm.xlane v5, v18;
	v43 =	vperm.xlane v40, v17;
	v0 =	vsel vm3, v0, v55  }
0x1b9: {  	v3 =	vadd.f32 v22, v33;
	v57 =	vld [tilespmem:$0xA30];
	v60 =	vperm.xlane v50, v16;
	v0 =	vsel vm4, v0, v1  }
0x1ba: {  	v34 =	vperm.xlane v63, v18;
	v44 =	vadd.f32 v41, v5;
	v8 =	vadd.f32 v43, v40  }
0x1bb: {  	v23 =	vperm.xlane v4, v19;
	v39 =	vperm.xlane v3, v17;
	v5 =	vadd.f32 v45, v6  }
0x1bc: {  	[tilespmem:$0xA90] =	vst v28;
	v55 =	vld [tilespmem:$0xA20];
	v1 =	vadd.f32 v34, v63;
	v47 =	vperm.xlane v44, v19;
	v49 =	vperm.xlane v8, v18  }
0x1bd: {  	v15 =	vld [tilespmem:$0xA90];
	v4 =	vadd.f32 v23, v4;
	v6 =	vperm.xlane v5, v19;
	v23 =	vperm.xlane v29, v16  }
0x1be: {  	v3 =	vadd.f32 v39, v3;
	v22 =	vperm.xlane v57, v16;
	v42 =	vperm.xlane v1, v19  }
0x1bf: {  	v43 =	vld [tilespmem:$0xA50];
	v0 =	vsel vm9, v0, v4;
	v4 =	vadd.f32 v47, v44;
	v54 =	vadd.f32 v6, v5  }
0x1c0: {  	v46 =	vperm.xlane v3, v18;
	v6 =	vadd.f32 v61, v53;
	v31 =	vadd.f32 v23, v29  }
0x1c1: {  	v63 =	vperm.xlane v55, v16;
	v7 =	vadd.f32 v22, v57;
	v1 =	vadd.f32 v42, v1  }
0x1c2: {  	v57 =	vperm.xlane v15, v16;
	v48 =	vadd.f32 v46, v3;
	v3 =	vadd.f32 v49, v8  }
0x1c3: {  	v8 =	vadd.f32 v52, v30;
	v30 =	vperm.xlane v6, v17;
	v36 =	vperm.xlane v31, v17  }
0x1c4: {  	v44 =	vld [tilespmem:$0xA60];
	v49 =	vperm.xlane v43, v16;
	v34 =	vperm.xlane v7, v17;
	v0 =	vsel vm12, v0, v1  }
0x1c5: {  	v51 =	vperm.xlane v48, v19;
	v56 =	vperm.xlane v3, v19;
	v33 =	vadd.f32 v30, v6  }
0x1c6: {  	v42 =	vld [tilespmem:$0xA40];
	v59 =	vperm.xlane v8, v17;
	v39 =	vadd.f32 v36, v31;
	v52 =	vadd.f32 v49, v43  }
0x1c7: {  	v46 =	vld [tilespmem:$0xA70];
	v0 =	vsel vm1, v0, v4;
	v4 =	vadd.f32 v60, v50;
	v6 =	vadd.f32 v34, v7  }
0x1c8: {  	v1 =	vadd.f32 v51, v48;
	v0 =	vsel vm5, v0, v54;
	v12 =	vperm.xlane v33, v18  }
0x1c9: {  	v58 =	vadd.f32 v56, v3;
	v11 =	vperm.xlane v39, v18;
	v51 =	vperm.xlane v44, v16  }
0x1ca: {  	[tilespmem:$0xAE0] =	vst v25;
	v3 =	vadd.f32 v63, v55;
	v56 =	vperm.xlane v52, v17;
	v24 =	vperm.xlane v4, v17  }
0x1cb: {  	v31 =	vld [tilespmem:$0xAE0];
	v62 =	vadd.f32 v59, v8;
	v41 =	vperm.xlane v6, v18;
	v47 =	vperm.xlane v42, v16  }
0x1cc: {  	[tilespmem:$0xAF0] =	vst v2;
	v53 =	vperm.xlane v46, v16;
	v0 =	vsel vm6, v0, v1;
	v32 =	vperm.xlane v3, v17  }
0x1cd: {  	[tilespmem:$0xAC0] =	vst v20;
	v34 =	vld [tilespmem:$0xAF0];
	v8 =	vperm.xlane v62, v18;
	v5 =	vadd.f32 v12, v33;
	v4 =	vadd.f32 v24, v4  }
0x1ce: {  	[tilespmem:$0xAB0] =	vst v27;
	v7 =	vadd.f32 v51, v44;
	v0 =	vsel vm7, v0, v58;
	v3 =	vadd.f32 v32, v3  }
0x1cf: {  	[tilespmem:$0xAD0] =	vst v21;
	v24 =	vld [tilespmem:$0xAC0];
	v1 =	vadd.f32 v8, v62;
	v13 =	vperm.xlane v5, v19;
	v37 =	vperm.xlane v4, v18  }
0x1d0: {  	[tilespmem:$0xA80] =	vst v38;
	v27 =	vld [tilespmem:$0xAD0];
	v50 =	vadd.f32 v47, v42;
	v42 =	vperm.xlane v31, v16;
	v40 =	vperm.xlane v3, v18  }
0x1d1: {  	v35 =	vperm.xlane v1, v19;
	v5 =	vadd.f32 v13, v5;
	v13 =	vld [tilespmem:$0xA80];
	v4 =	vadd.f32 v37, v4  }
0x1d2: {  	v58 =	vperm.xlane v7, v17;
	v43 =	vperm.xlane v34, v16;
	v3 =	vadd.f32 v40, v3  }
0x1d3: {  	v54 =	vperm.xlane v50, v17;
	v1 =	vadd.f32 v35, v1;
	v12 =	vperm.xlane v4, v19  }
0x1d4: {  	v6 =	vadd.f32 v41, v6;
	v38 =	vperm.xlane v24, v16;
	v45 =	vperm.xlane v3, v19  }
0x1d5: {  	v40 =	vperm.xlane v27, v16;
	v0 =	vsel vm13, v0, v1;
	v4 =	vadd.f32 v12, v4  }
0x1d6: {  	v1 =	vadd.f32 v11, v39;
	v55 =	vperm.xlane v13, v16;
	v3 =	vadd.f32 v45, v3  }
0x1d7: {  	v11 =	vadd.f32 v57, v15;
	v12 =	vperm.xlane v6, v19;
	v4 =	vsel vm8, v4, v5  }
0x1d8: {  	v9 =	vadd.f32 v55, v13;
	v3 =	vsel vm10, v4, v3;
	v4 =	vadd.f32 v54, v50  }
0x1d9: {  	[tilespmem:$0xAA0] =	vst v26;
	v61 =	vperm.xlane v11, v17;
	v48 =	vadd.f32 v12, v6;
	v6 =	vadd.f32 v53, v46  }
0x1da: {  	v7 =	vadd.f32 v58, v7;
	v15 =	vld [tilespmem:$0xAA0];
	v60 =	vperm.xlane v9, v17;
	v12 =	vperm.xlane v4, v18  }
0x1db: {  	v5 =	vadd.f32 v56, v52;
	v10 =	vadd.f32 v61, v11;
	v59 =	vperm.xlane v6, v17  }
0x1dc: {  	v8 =	vadd.f32 v60, v9;
	v4 =	vadd.f32 v12, v4;
	v12 =	vperm.xlane v7, v18  }
0x1dd: {  	v13 =	vperm.xlane v5, v18;
	v22 =	vperm.xlane v10, v18  }
0x1de: {  	v6 =	vadd.f32 v59, v6;
	v7 =	vadd.f32 v12, v7;
	v12 =	vperm.xlane v8, v18  }
0x1df: {  	v14 =	vperm.xlane v1, v19;
	v33 =	vperm.xlane v15, v16;
	v5 =	vadd.f32 v13, v5  }
0x1e0: {  	v9 =	vadd.f32 v22, v10;
	v62 =	vperm.xlane v6, v18;
	v8 =	vadd.f32 v12, v8;
	v12 =	vld [tilespmem:$0xAB0]  }
0x1e1: {  	v3 =	vsel vm11, v3, v48;
	v37 =	vadd.f32 v33, v15;
	v63 =	vperm.xlane v4, v19  }
0x1e2: {  	v13 =	vperm.xlane v5, v19;
	v30 =	vperm.xlane v9, v19;
	v6 =	vadd.f32 v62, v6  }
0x1e3: {  	v41 =	vperm.xlane v37, v17;
	v4 =	vadd.f32 v63, v4;
	v23 =	vperm.xlane v7, v19  }
0x1e4: {  	v5 =	vadd.f32 v13, v5;
	v35 =	vadd.f32 v30, v9;
	v13 =	vperm.xlane v6, v19  }
0x1e5: {  	v3 =	vsel vm0, v3, v4;
	v25 =	vadd.f32 v23, v7;
	v36 =	vperm.xlane v12, v16  }
0x1e6: {  	v26 =	vperm.xlane v8, v19;
	v7 =	vadd.f32 v38, v24;
	v4 =	vadd.f32 v41, v37  }
0x1e7: {  	v28 =	vsel vm2, v3, v5;
	v29 =	vadd.f32 v13, v6;
	v39 =	vadd.f32 v36, v12  }
0x1e8: {  	v5 =	vadd.f32 v40, v27;
	v6 =	vadd.f32 v42, v31;
	v2 =	vsel vm3, v28, v25  }
0x1e9: {  	v32 =	vadd.f32 v26, v8;
	v44 =	vperm.xlane v7, v17;
	v12 =	vperm.xlane v39, v17  }
0x1ea: {  	v8 =	vadd.f32 v43, v34;
	v46 =	vperm.xlane v4, v18;
	v2 =	vsel vm4, v2, v29  }
0x1eb: {  	v45 =	vperm.xlane v5, v17;
	v47 =	vperm.xlane v6, v17;
	v3 =	vadd.f32 v12, v39  }
0x1ec: {  	v2 =	vsel vm9, v2, v32;
	v7 =	vadd.f32 v44, v7;
	v48 =	vperm.xlane v8, v17  }
0x1ed: {  	v4 =	vadd.f32 v46, v4;
	v5 =	vadd.f32 v45, v5;
	v12 =	vperm.xlane v3, v18  }
0x1ee: {  	v2 =	vsel vm12, v2, v35;
	v6 =	vadd.f32 v47, v6;
	v49 =	vperm.xlane v7, v18  }
0x1ef: {  	v8 =	vadd.f32 v48, v8;
	v50 =	vperm.xlane v5, v18;
	v3 =	vadd.f32 v12, v3  }
0x1f0: {  	v51 =	vperm.xlane v4, v19;
	v52 =	vperm.xlane v6, v18;
	v7 =	vadd.f32 v49, v7  }
0x1f1: {  	v53 =	vperm.xlane v8, v18;
	v5 =	vadd.f32 v50, v5;
	v12 =	vperm.xlane v3, v19  }
0x1f2: {  	v4 =	vadd.f32 v51, v4;
	v6 =	vadd.f32 v52, v6;
	v54 =	vperm.xlane v7, v19  }
0x1f3: {  	v8 =	vadd.f32 v53, v8;
	v55 =	vperm.xlane v5, v19;
	v3 =	vadd.f32 v12, v3  }
0x1f4: {  	v2 =	vsel vm1, v2, v4;
	v57 =	vperm.xlane v6, v19;
	v56 =	vadd.f32 v54, v7  }
0x1f5: {  	v59 =	vperm.xlane v8, v19;
	v58 =	vadd.f32 v55, v5;
	v2 =	vsel vm5, v2, v3  }
0x1f6: {  	v1 =	vadd.f32 v14, v1;
	v60 =	vadd.f32 v57, v6;
	v2 =	vsel vm6, v2, v56  }
0x1f7: {  	vm0 =	vmmov $0x7fff;
	v61 =	vadd.f32 v59, v8;
	v2 =	vsel vm7, v2, v58  }
0x1f8: {  	s14 =	sadd.s32 $0x1, s14;
	v0 =	vsel vm0, v0, v1;
	v62 =	vsel vm13, v2, v60  }
0x1f9: {  	p0 =	sne.s32 s14, s7;
	[tilespmem:$0xB00] =	vst v0;
	v63 =	vsel vm0, v62, v61  }
.Ltmp4:
0x1fa: {  	[tilespmem:$0xB10] =	vst v63;
	(pc) =	sbr.rel @p0 .LBB2_1-.Ltmp4, $4  }
0x1fb: {  	[hbm4b:s6+s2] =	stream.linear.scatter [tilespmem:s13], [sflag:$0x1], $0x80, $0x38;
	[tilespmem:$0xB80] =	vst v63  }
0x1fc: {  	_ =	swait.ge [sflag:s10], $0x80  }
0x1fd: {  	[sflag:s10] =	ssyncset.done $0x0  }
0x1fe: {  	v15 =	vimm.s32 $0x0;
	v62 =	vimm.s32 $0x1;
	v63 =	vimm.s32 $0x2;
	[sflag:s10] =	ssyncadd.s32 $0xFFFFFF80  }
0x1ff: {  	_ =	sfence.sel $0x180000  }
0x200: {  	[bflag:$0x0] =	sbarrier.arrive $0xFFFF  }
0x201: {  	p0 =	sne.s32 s0, $0x0;
	_ =	strace $0x90000047  }
0x202: {  	s0 =	sadd.s32 @!p0 $0x100000, s3;
	[bflag:$0x2] =	sbarrier.arrive $0xFFFF  }
0x203: {  	[sflag:s0] =	ssyncadd.tile.s32 @!p0 $0x1;
	_ =	shalt  }
.Lfunc_end2:
_tile_overlayer_lowered:
.L_overlay_start_2:
0x204: {  	(tag) =	ssettag $0x2  }
0x205: {  	s0 =	rddreg [dreg:$0x0];
	s2 =	stileid.u32  }
0x206: {  	s1 =	rddreg [dreg:$0x1];
	p0 =	sne.s32 s2, $0x0  }
0x207: {  	s3 =	rddreg [dreg:$0x2];
	[bflag:$0x3] =	sbarrier.arrive $0xFFFF;
	s2 =	simm.s32 @!p0 $0x1C01  }
0x208: {  	[timem:s3], [sflag:s2] =	dma.local @!p0 [hbm:s0], s1  }
0x209: {  	s0 =	simm.s32 @!p0 $0x1  }
0x20a: {  	_ =	swait.ge @!p0 [sflag:s0], s1  }
0x20b: {  	s1 =	ssub.s32 @!p0 $0x0, s1;
	[sflag:s0] =	ssyncset.done @!p0 $0x0  }
0x20c: {  	[sflag:s0] =	ssyncadd.s32 @!p0 s1  }
0x20d: {  	[bflag:$0x3] =	sbarrier.arrive $0xFFFF  }
0x20e: {  	_ =	shalt  }

</sc_bundles>
